<compile_context>
chip_gen: v7x
topology: tpu7x:2x2x1
jax: 0.10.2.dev20260603
libtpu: 0.0.44.dev20260713+nightly
codegen_flags: <defaults>
</compile_context>

<pallas_src>
import functools

import jax
import jax.numpy as jnp
from jax import lax
from jax.experimental import pallas as pl
from jax.experimental.pallas import tpu as pltpu
from jax.experimental.pallas import tpu_sc as plsc

R = 100000
P = 14
ACD = 32
ATD = 16
RCD = 32
RID = 32
OUT = 256
A = R * P
AC_V = 38
AT_V = 6
CV = AC_V * AT_V
PV = CV * CV
NPL = P // 2

BLK = 2048
NBLK = 50
RPAD = BLK * NBLK
LW = 128
PROWS = RPAD // LW
AROWS = NPL * PROWS
NC, NS = 2, 16
NW = NC * NS
A_PER_W = AROWS // NW
R_PER_W = PROWS // NW
SUP = 5
A_BATCH = A_PER_W // SUP
R_BATCH = R_PER_W // SUP


PADA = RPAD * P
APB = LW * P


@functools.cache
def _build_sc_gather():
    mesh = plsc.VectorSubcoreMesh(core_axis_name="c", subcore_axis_name="s",
                                  num_cores=NC, num_subcores=NS)

    @functools.partial(
        pl.kernel,
        mesh=mesh,
        compiler_params=pltpu.CompilerParams(needs_layout_passes=False),
        out_type=(
            jax.ShapeDtypeStruct((AROWS, LW, 128), jnp.float32),
            jax.ShapeDtypeStruct((PROWS, LW, 128), jnp.float32),
            jax.ShapeDtypeStruct((PROWS, LW, 128), jnp.float32),
        ),
        scratch_types=(
            pltpu.VMEM((SUP * LW,), jnp.int32),
            pltpu.VMEM((SUP, LW, 128), jnp.float32),
            pltpu.VMEM((SUP * APB,), jnp.float32),
            pltpu.VMEM((SUP * APB,), jnp.float32),
            pltpu.VMEM((SUP * APB,), jnp.float32),
            pltpu.SemaphoreType.DMA,
            pltpu.SemaphoreType.DMA,
            pltpu.SemaphoreType.DMA,
        ),
    )
    def _sc_gather(pair_tab, rc_tab, ri_tab, pidx, irc, iri, cx, cy, cz,
                   pair_out, rc_out, ri_out, idx_v, rows_v,
                   rx_v, ry_v, rz_v, sem_g, sem_o, sem_s):
        wid = lax.axis_index("s") * NC + lax.axis_index("c")
        lane = lax.iota(jnp.int32, 16)

        def atom_body(i, carry):
            row0 = wid * A_PER_W + i * SUP
            s = row0 // PROWS
            rc0 = row0 % PROWS
            stages = [
                pltpu.async_copy(pidx.at[pl.ds(row0 * LW, SUP * LW)],
                                 idx_v, sem_s),
                pltpu.async_copy(cx.at[pl.ds(rc0 * APB, SUP * APB)],
                                 rx_v, sem_s),
                pltpu.async_copy(cy.at[pl.ds(rc0 * APB, SUP * APB)],
                                 ry_v, sem_s),
                pltpu.async_copy(cz.at[pl.ds(rc0 * APB, SUP * APB)],
                                 rz_v, sem_s),
            ]
            for d in stages:
                d.wait()
            descs = [
                pltpu.async_copy(pair_tab.at[idx_v.at[pl.ds(j * LW, LW)]],
                                 rows_v.at[j], sem_g)
                for j in range(SUP)
            ]
            outs = []
            for j in range(SUP):
                descs[j].wait()
                rowj = rows_v.at[j]
                for g in range(8):
                    res = lane + (g * 16)
                    off = res * P + (2 * s + j * APB)
                    for rv, cb in ((rx_v, 48), (ry_v, 49), (rz_v, 50)):
                        col_e = jnp.full((16,), cb, jnp.int32)
                        ve = plsc.load_gather(rv, [off])
                        plsc.store_scatter(rowj, [res, col_e], ve)
                        vo = plsc.load_gather(rv, [off + 1])
                        plsc.store_scatter(rowj, [res, col_e + 64], vo)
                outs.append(pltpu.async_copy(
                    rowj, pair_out.at[row0 + j], sem_o))
            for d in outs:
                d.wait()
            return carry

        lax.fori_loop(0, A_BATCH, atom_body, 0)

        def one_batch(tab, idx_hbm, out_hbm, row0):
            pltpu.sync_copy(idx_hbm.at[pl.ds(row0 * LW, SUP * LW)], idx_v)
            descs = [
                pltpu.async_copy(tab.at[idx_v.at[pl.ds(j * LW, LW)]],
                                 rows_v.at[j], sem_g)
                for j in range(SUP)
            ]
            for d in descs:
                d.wait()
            pltpu.sync_copy(rows_v, out_hbm.at[pl.ds(row0, SUP)])

        def res_body(i, carry):
            row0 = wid * R_PER_W + i * SUP
            one_batch(rc_tab, irc, rc_out, row0)
            one_batch(ri_tab, iri, ri_out, row0)
            return carry

        lax.fori_loop(0, R_BATCH, res_body, 0)

    return _sc_gather


RB = BLK // LW


def _mm_body(pair_ref, rc_ref, ri_ref, wp, w_rc, w_ri, b_ref, out_ref):
    s = pl.program_id(1)

    @pl.when(s == 0)
    def _():
        acc = jnp.dot(rc_ref[...].reshape(BLK, 128), w_rc[...],
                      preferred_element_type=jnp.float32)
        acc += jnp.dot(ri_ref[...].reshape(BLK, 128), w_ri[...],
                       preferred_element_type=jnp.float32)
        out_ref[...] = acc + b_ref[...]

    out_ref[...] += jnp.dot(pair_ref[...].reshape(BLK, 128), wp[0],
                            preferred_element_type=jnp.float32)


def _mm(pair_rows, rc_rows, ri_rows, wp, w_rc, w_ri, b):
    full = lambda s: pl.BlockSpec(s, lambda i, j: (0,) * len(s))
    return pl.pallas_call(
        _mm_body,
        grid=(NBLK, NPL),
        in_specs=[
            pl.BlockSpec((RB, LW, 128), lambda i, s: (s * NBLK + i, 0, 0)),
            pl.BlockSpec((RB, LW, 128), lambda i, s: (i, 0, 0)),
            pl.BlockSpec((RB, LW, 128), lambda i, s: (i, 0, 0)),
            pl.BlockSpec((1, 128, OUT), lambda i, s: (s, 0, 0)),
            full((128, OUT)),
            full((128, OUT)),
            pl.BlockSpec((1, OUT), lambda i, s: (0, 0)),
        ],
        out_specs=pl.BlockSpec((BLK, OUT), lambda i, s: (i, 0)),
        out_shape=jax.ShapeDtypeStruct((RPAD, OUT), jnp.float32),
    )(pair_rows, rc_rows, ri_rows, wp, w_rc, w_ri, b.reshape(1, OUT))


def kernel(residue_base_coords, residue_relative_coords, atom_code_index,
           atom_type_index, residue_code_index, residue_sequence_index,
           residue_index_atomwise, atom_code_table, atom_type_table,
           residue_code_table, residue_index_table, W, b):
    i32 = jnp.int32
    f32 = jnp.float32

    cidx = (atom_code_index.astype(i32) * AT_V
            + atom_type_index.astype(i32)).reshape(R, P)
    cidx = jnp.pad(cidx, ((0, RPAD - R), (0, 0)))
    pid = cidx[:, 0::2] * CV + cidx[:, 1::2]
    pidx = pid.T.reshape(NPL * RPAD)
    irc = jnp.pad(residue_code_index.astype(i32), (0, RPAD - R))
    iri = jnp.pad(residue_sequence_index.astype(i32), (0, RPAD - R))
    cx = jnp.pad(residue_relative_coords[:, 0], (0, PADA - A))
    cy = jnp.pad(residue_relative_coords[:, 1], (0, PADA - A))
    cz = jnp.pad(residue_relative_coords[:, 2], (0, PADA - A))

    c64 = jnp.concatenate(
        [jnp.repeat(atom_code_table, AT_V, axis=0),
         jnp.tile(atom_type_table, (AC_V, 1)),
         jnp.zeros((CV, 64 - ACD - ATD), f32)], axis=1)
    pair_tab = jnp.concatenate(
        [jnp.broadcast_to(c64[:, None, :], (CV, CV, 64)),
         jnp.broadcast_to(c64[None, :, :], (CV, CV, 64))],
        axis=2).reshape(PV, 128)
    rc_tab = jnp.pad(residue_code_table, ((0, 0), (0, 128 - RCD)))
    ri_tab = jnp.pad(residue_index_table, ((0, 0), (0, 128 - RID)))

    pair_rows, rc_rows, ri_rows = _build_sc_gather()(
        pair_tab, rc_tab, ri_tab, pidx, irc, iri, cx, cy, cz)

    w_rel3 = W[:P * 3].reshape(P, 3, OUT)
    w_ac = W[P * 3:P * 3 + P * ACD].reshape(P, ACD, OUT)
    w_at = W[P * 3 + P * ACD:P * 3 + P * (ACD + ATD)].reshape(P, ATD, OUT)
    z13 = jnp.zeros((NPL, 13, OUT), f32)
    wp = jnp.concatenate(
        [w_ac[0::2], w_at[0::2], w_rel3[0::2], z13,
         w_ac[1::2], w_at[1::2], w_rel3[1::2], z13],
        axis=1)
    k0 = P * (3 + ACD + ATD)
    w_rc = jnp.pad(W[k0:k0 + RCD], ((0, 128 - RCD), (0, 0)))
    w_ri = jnp.pad(W[k0 + RCD:], ((0, 128 - RID), (0, 0)))

    feats = _mm(pair_rows, rc_rows, ri_rows, wp, w_rc, w_ri, b)
    return (residue_base_coords, feats[:R])

# --- scband reference (transcript-rebuilt; emitter-appended) ---
"""Pipeline reference for scband-ophiuchus-71554155151998 (READ-ONLY COPY).

The authoritative reference and input builder live on the scoring server;
editing this copy changes nothing except your own understanding.
"""

import jax, jax.numpy as jnp
import numpy as np

R = 100000
P = 14
ACD = 32
ATD = 16
RCD = 32
RID = 32
OUT = 256
AC_V = 38
AT_V = 6
RC_V = 24
MSL = 8192
FEAT_IN = P * 3 + P * ACD + P * ATD + RCD + RID


def setup_inputs(seed: int = 0) -> dict:
    key = jax.random.key(seed)
    ks = jax.random.split(key, 12)
    A = R * P
    return {
        "residue_base_coords": jax.random.normal(ks[0], (R, 3), dtype=jnp.float32) * 10.0,
        "residue_relative_coords": jax.random.normal(ks[1], (A, 3), dtype=jnp.float32),
        "atom_code_index": jax.random.randint(ks[2], (A,), 0, AC_V),
        "atom_type_index": jax.random.randint(ks[3], (A,), 0, AT_V),
        "residue_code_index": jax.random.randint(ks[4], (R,), 0, RC_V),
        "residue_sequence_index": jax.random.randint(ks[5], (R,), 0, MSL),
        "residue_index_atomwise": jnp.repeat(jnp.arange(R), P),
        "atom_code_table": jax.random.normal(ks[6], (AC_V, ACD), dtype=jnp.float32),
        "atom_type_table": jax.random.normal(ks[7], (AT_V, ATD), dtype=jnp.float32),
        "residue_code_table": jax.random.normal(ks[8], (RC_V, RCD), dtype=jnp.float32),
        "residue_index_table": jax.random.normal(ks[9], (MSL, RID), dtype=jnp.float32),
        "W": jax.random.normal(ks[10], (FEAT_IN, OUT), dtype=jnp.float32) / np.sqrt(FEAT_IN),
        "b": jnp.zeros((OUT,), dtype=jnp.float32),
    }


def reference(residue_base_coords, residue_relative_coords, atom_code_index,
              atom_type_index, residue_code_index, residue_sequence_index,
              residue_index_atomwise, atom_code_table, atom_type_table,
              residue_code_table, residue_index_table, W, b):
    Rn = residue_base_coords.shape[0]
    # Per-residue padded gather of relative coords (each residue has exactly P atoms,
    # laid out contiguously per residue_index_atomwise, so mask is all-ones and the
    # pad/stack loop collapses to a reshape).
    rel = residue_relative_coords.reshape(Rn, P * 3)
    # Embedding lookups (the memory-bound core): 1.4M-row gathers into small tables.
    ac = jnp.take(atom_code_table, atom_code_index, axis=0).reshape(Rn, P * ACD)
    at = jnp.take(atom_type_table, atom_type_index, axis=0).reshape(Rn, P * ATD)
    rc = jnp.take(residue_code_table, residue_code_index, axis=0)
    ri = jnp.take(residue_index_table, residue_sequence_index, axis=0)
    feats = jnp.concatenate([rel, ac, at, rc, ri], axis=-1)
    # post_linear (e3nn.o3.Linear on concatenated irreps) modeled as dense linear.
    feats = feats @ W + b
    return (residue_base_coords, feats)

if __name__ == "__main__":
    import jax
    _d = setup_inputs()
    print(jax.jit(kernel)(*tuple(_d.values())))

</pallas_src>

<mosaic_0001>
#map = affine_map<(d0, d1) -> (0, 0)>
#map1 = affine_map<(d0, d1) -> (0)>
#map2 = affine_map<(d0, d1) -> (0, 0, 0)>
module attributes {stable_mosaic.version = 14 : i64} {
  func.func @_sc_gather(%arg0: i32, %arg1: i32, %arg2: memref<51984x128xf32, #tpu.memory_space<hbm>>, %arg3: memref<24x128xf32, #tpu.memory_space<hbm>>, %arg4: memref<8192x128xf32, #tpu.memory_space<hbm>>, %arg5: memref<716800xi32, #tpu.memory_space<hbm>>, %arg6: memref<102400xi32, #tpu.memory_space<hbm>>, %arg7: memref<102400xi32, #tpu.memory_space<hbm>>, %arg8: memref<1433600xf32, #tpu.memory_space<hbm>>, %arg9: memref<1433600xf32, #tpu.memory_space<hbm>>, %arg10: memref<1433600xf32, #tpu.memory_space<hbm>>, %arg11: memref<5600x128x128xf32, #tpu.memory_space<hbm>>, %arg12: memref<800x128x128xf32, #tpu.memory_space<hbm>>, %arg13: memref<800x128x128xf32, #tpu.memory_space<hbm>>, %arg14: memref<640xi32, #tpu.memory_space<vmem>>, %arg15: memref<5x128x128xf32, #tpu.memory_space<vmem>>, %arg16: memref<8960xf32, #tpu.memory_space<vmem>>, %arg17: memref<8960xf32, #tpu.memory_space<vmem>>, %arg18: memref<8960xf32, #tpu.memory_space<vmem>>, %arg19: memref<!tpu.dma_semaphore, #tpu.memory_space<semaphore_mem>>, %arg20: memref<!tpu.dma_semaphore, #tpu.memory_space<semaphore_mem>>, %arg21: memref<!tpu.dma_semaphore, #tpu.memory_space<semaphore_mem>>) attributes {dimension_semantics = [#tpu.dimension_semantics<core_parallel>, #tpu.dimension_semantics<subcore_parallel>], iteration_bounds = array<i64: 2, 16>, scalar_prefetch = 0 : i64, scratch_operands = 8 : i64, tpu.core_type = #tpu.core_type<sc_vector_subcore>, window_params = [{transform_indices = #map}, {transform_indices = #map}, {transform_indices = #map}, {transform_indices = #map1}, {transform_indices = #map1}, {transform_indices = #map1}, {transform_indices = #map1}, {transform_indices = #map1}, {transform_indices = #map1}, {transform_indices = #map2}, {transform_indices = #map2}, {transform_indices = #map2}]} {
    %mul3A = arith.constant 2 : i32
    %mul3A_0 = arith.muli %arg1, %mul3A : i32
    %add3A = arith.addi %mul3A_0, %arg0 : i32
    %iota3A = tpu.iota {dimensions = array<i32: 0>} : vector<16xi32>
    %scan3A = arith.constant 0 : i32
    %scan3A_1 = arith.constant 0 : i32
    %scan3A_2 = arith.constant 35 : i32
    %scan3A_3 = arith.addi %scan3A_1, %scan3A_2 : i32
    %scan3A_4 = arith.constant 1 : i32
    scf.for %scan3A_12 = %scan3A_1 to %scan3A_3 step %scan3A_4  : i32 {
      %mul3A_13 = arith.constant 175 : i32
      %mul3A_14 = arith.muli %add3A, %mul3A_13 : i32
      %mul3A_15 = arith.constant 5 : i32
      %mul3A_16 = arith.muli %scan3A_12, %mul3A_15 : i32
      %add3A_17 = arith.addi %mul3A_14, %mul3A_16 : i32
      %jit3A = arith.constant 800 : i32
      %div3A = arith.divsi %add3A_17, %jit3A : i32
      %sign3A = arith.constant 0 : i32
      %sign3A_18 = arith.cmpi sgt, %add3A_17, %sign3A : i32
      %sign3A_19 = arith.extui %sign3A_18 : i1 to i32
      %sign3A_20 = arith.constant 0 : i32
      %sign3A_21 = arith.cmpi slt, %add3A_17, %sign3A_20 : i32
      %sign3A_22 = arith.extui %sign3A_21 : i1 to i32
      %sign3A_23 = arith.subi %sign3A_19, %sign3A_22 : i32
      %sign3A_24 = arith.constant 0 : i32
      %sign3A_25 = arith.cmpi sgt, %jit3A, %sign3A_24 : i32
      %sign3A_26 = arith.extui %sign3A_25 : i1 to i32
      %sign3A_27 = arith.constant 0 : i32
      %sign3A_28 = arith.cmpi slt, %jit3A, %sign3A_27 : i32
      %sign3A_29 = arith.extui %sign3A_28 : i1 to i32
      %sign3A_30 = arith.subi %sign3A_26, %sign3A_29 : i32
      %ne3A = arith.cmpi ne, %sign3A_23, %sign3A_30 : i32
      %rem3A = arith.remsi %add3A_17, %jit3A : i32
      %ne3A_31 = arith.constant 0 : i32
      %ne3A_32 = arith.cmpi ne, %rem3A, %ne3A_31 : i32
      %and3A = arith.andi %ne3A, %ne3A_32 : i1
      %sub3A = arith.constant 1 : i32
      %sub3A_33 = arith.subi %div3A, %sub3A : i32
      %select_n3A = arith.select %and3A, %sub3A_33, %div3A : i32
      %jit3A_34 = arith.constant 800 : i32
      %eq3A = arith.constant 0 : i32
      %eq3A_35 = arith.cmpi eq, %jit3A_34, %eq3A : i32
      %jit3A_36 = arith.constant 1 : i32
      %select_n3A_37 = arith.select %eq3A_35, %jit3A_36, %jit3A_34 : i32
      %rem3A_38 = arith.remsi %add3A_17, %select_n3A_37 : i32
      %ne3A_39 = arith.constant 0 : i32
      %ne3A_40 = arith.cmpi ne, %rem3A_38, %ne3A_39 : i32
      %lt3A = arith.constant 0 : i32
      %lt3A_41 = arith.cmpi slt, %rem3A_38, %lt3A : i32
      %lt3A_42 = arith.constant 0 : i32
      %lt3A_43 = arith.cmpi slt, %select_n3A_37, %lt3A_42 : i32
      %ne3A_44 = arith.xori %lt3A_41, %lt3A_43 : i1
      %and3A_45 = arith.andi %ne3A_44, %ne3A_40 : i1
      %add3A_46 = arith.addi %rem3A_38, %select_n3A_37 : i32
      %select_n3A_47 = arith.select %and3A_45, %add3A_46, %rem3A_38 : i32
      %mul3A_48 = arith.constant 128 : i32
      %mul3A_49 = arith.muli %add3A_17, %mul3A_48 : i32
      %dma_start3A = tpu.memref_slice %arg5[%mul3A_49] : memref<716800xi32, #tpu.memory_space<hbm>> -> memref<640xi32, #tpu.memory_space<hbm>>
      %dma_start3A_50 = tpu.memref_slice %arg5[%mul3A_49] : memref<716800xi32, #tpu.memory_space<hbm>> -> memref<640xi32, #tpu.memory_space<hbm>>
      tpu.enqueue_dma source(%dma_start3A_50 : memref<640xi32, #tpu.memory_space<hbm>>) target(%arg14 : memref<640xi32, #tpu.memory_space<vmem>>) target_semaphore(%arg21 : memref<!tpu.dma_semaphore, #tpu.memory_space<semaphore_mem>>)
      %mul3A_51 = arith.constant 1792 : i32
      %mul3A_52 = arith.muli %select_n3A_47, %mul3A_51 : i32
      %dma_start3A_53 = tpu.memref_slice %arg8[%mul3A_52] : memref<1433600xf32, #tpu.memory_space<hbm>> -> memref<8960xf32, #tpu.memory_space<hbm>>
      %dma_start3A_54 = tpu.memref_slice %arg8[%mul3A_52] : memref<1433600xf32, #tpu.memory_space<hbm>> -> memref<8960xf32, #tpu.memory_space<hbm>>
      tpu.enqueue_dma source(%dma_start3A_54 : memref<8960xf32, #tpu.memory_space<hbm>>) target(%arg16 : memref<8960xf32, #tpu.memory_space<vmem>>) target_semaphore(%arg21 : memref<!tpu.dma_semaphore, #tpu.memory_space<semaphore_mem>>)
      %mul3A_55 = arith.constant 1792 : i32
      %mul3A_56 = arith.muli %select_n3A_47, %mul3A_55 : i32
      %dma_start3A_57 = tpu.memref_slice %arg9[%mul3A_56] : memref<1433600xf32, #tpu.memory_space<hbm>> -> memref<8960xf32, #tpu.memory_space<hbm>>
      %dma_start3A_58 = tpu.memref_slice %arg9[%mul3A_56] : memref<1433600xf32, #tpu.memory_space<hbm>> -> memref<8960xf32, #tpu.memory_space<hbm>>
      tpu.enqueue_dma source(%dma_start3A_58 : memref<8960xf32, #tpu.memory_space<hbm>>) target(%arg17 : memref<8960xf32, #tpu.memory_space<vmem>>) target_semaphore(%arg21 : memref<!tpu.dma_semaphore, #tpu.memory_space<semaphore_mem>>)
      %mul3A_59 = arith.constant 1792 : i32
      %mul3A_60 = arith.muli %select_n3A_47, %mul3A_59 : i32
      %dma_start3A_61 = tpu.memref_slice %arg10[%mul3A_60] : memref<1433600xf32, #tpu.memory_space<hbm>> -> memref<8960xf32, #tpu.memory_space<hbm>>
      %dma_start3A_62 = tpu.memref_slice %arg10[%mul3A_60] : memref<1433600xf32, #tpu.memory_space<hbm>> -> memref<8960xf32, #tpu.memory_space<hbm>>
      tpu.enqueue_dma source(%dma_start3A_62 : memref<8960xf32, #tpu.memory_space<hbm>>) target(%arg18 : memref<8960xf32, #tpu.memory_space<vmem>>) target_semaphore(%arg21 : memref<!tpu.dma_semaphore, #tpu.memory_space<semaphore_mem>>)
      %dma_wait3A = tpu.memref_slice %arg5[%mul3A_49] : memref<716800xi32, #tpu.memory_space<hbm>> -> memref<640xi32, #tpu.memory_space<hbm>>
      %dma_wait3A_63 = tpu.memref_slice %arg5[%mul3A_49] : memref<716800xi32, #tpu.memory_space<hbm>> -> memref<640xi32, #tpu.memory_space<hbm>>
      tpu.wait_dma2 semaphore(%arg21 : memref<!tpu.dma_semaphore, #tpu.memory_space<semaphore_mem>>) src(%dma_wait3A_63 : memref<640xi32, #tpu.memory_space<hbm>>) dst(%arg14 : memref<640xi32, #tpu.memory_space<vmem>>)
      %dma_wait3A_64 = tpu.memref_slice %arg8[%mul3A_52] : memref<1433600xf32, #tpu.memory_space<hbm>> -> memref<8960xf32, #tpu.memory_space<hbm>>
      %dma_wait3A_65 = tpu.memref_slice %arg8[%mul3A_52] : memref<1433600xf32, #tpu.memory_space<hbm>> -> memref<8960xf32, #tpu.memory_space<hbm>>
      tpu.wait_dma2 semaphore(%arg21 : memref<!tpu.dma_semaphore, #tpu.memory_space<semaphore_mem>>) src(%dma_wait3A_65 : memref<8960xf32, #tpu.memory_space<hbm>>) dst(%arg16 : memref<8960xf32, #tpu.memory_space<vmem>>)
      %dma_wait3A_66 = tpu.memref_slice %arg9[%mul3A_56] : memref<1433600xf32, #tpu.memory_space<hbm>> -> memref<8960xf32, #tpu.memory_space<hbm>>
      %dma_wait3A_67 = tpu.memref_slice %arg9[%mul3A_56] : memref<1433600xf32, #tpu.memory_space<hbm>> -> memref<8960xf32, #tpu.memory_space<hbm>>
      tpu.wait_dma2 semaphore(%arg21 : memref<!tpu.dma_semaphore, #tpu.memory_space<semaphore_mem>>) src(%dma_wait3A_67 : memref<8960xf32, #tpu.memory_space<hbm>>) dst(%arg17 : memref<8960xf32, #tpu.memory_space<vmem>>)
      %dma_wait3A_68 = tpu.memref_slice %arg10[%mul3A_60] : memref<1433600xf32, #tpu.memory_space<hbm>> -> memref<8960xf32, #tpu.memory_space<hbm>>
      %dma_wait3A_69 = tpu.memref_slice %arg10[%mul3A_60] : memref<1433600xf32, #tpu.memory_space<hbm>> -> memref<8960xf32, #tpu.memory_space<hbm>>
      tpu.wait_dma2 semaphore(%arg21 : memref<!tpu.dma_semaphore, #tpu.memory_space<semaphore_mem>>) src(%dma_wait3A_69 : memref<8960xf32, #tpu.memory_space<hbm>>) dst(%arg18 : memref<8960xf32, #tpu.memory_space<vmem>>)
      %dma_start3A_70 = arith.constant 0 : i32
      %dma_start3A_71 = arith.constant 0 : i32
      %dma_start3A_72 = arith.constant 0 : i32
      %dma_start3A_73 = tpu.memref_slice %arg15[%dma_start3A_70, %dma_start3A_71, %dma_start3A_72] : memref<5x128x128xf32, #tpu.memory_space<vmem>> -> memref<1x128x128xf32, #tpu.memory_space<vmem>>
      %dma_start3A_74 = tpu.memref_squeeze %dma_start3A_73 : memref<1x128x128xf32, #tpu.memory_space<vmem>> -> memref<128x128xf32, #tpu.memory_space<vmem>>
      %dma_start3A_75 = arith.constant 0 : i32
      %dma_start3A_76 = tpu.memref_slice %arg14[%dma_start3A_75] : memref<640xi32, #tpu.memory_space<vmem>> -> memref<128xi32, #tpu.memory_space<vmem>>
      %dma_start3A_77 = arith.constant 0 : i32
      %dma_start3A_78 = arith.constant 0 : i32
      %dma_start3A_79 = tpu.memref_slice %arg2[%dma_start3A_77, %dma_start3A_78] : memref<51984x128xf32, #tpu.memory_space<hbm>> -> memref<51984x128xf32, #tpu.memory_space<hbm>>
      tpu.enqueue_indirect_dma source(%dma_start3A_79 : memref<51984x128xf32, #tpu.memory_space<hbm>>) target(%dma_start3A_74 : memref<128x128xf32, #tpu.memory_space<vmem>>) offsets(%dma_start3A_76 : memref<128xi32, #tpu.memory_space<vmem>>) semaphore(%arg19 : memref<!tpu.dma_semaphore, #tpu.memory_space<semaphore_mem>>)
      %dma_start3A_80 = arith.constant 1 : i32
      %dma_start3A_81 = arith.constant 0 : i32
      %dma_start3A_82 = arith.constant 0 : i32
      %dma_start3A_83 = tpu.memref_slice %arg15[%dma_start3A_80, %dma_start3A_81, %dma_start3A_82] : memref<5x128x128xf32, #tpu.memory_space<vmem>> -> memref<1x128x128xf32, #tpu.memory_space<vmem>>
      %dma_start3A_84 = tpu.memref_squeeze %dma_start3A_83 : memref<1x128x128xf32, #tpu.memory_space<vmem>> -> memref<128x128xf32, #tpu.memory_space<vmem>>
      %dma_start3A_85 = arith.constant 128 : i32
      %dma_start3A_86 = tpu.memref_slice %arg14[%dma_start3A_85] : memref<640xi32, #tpu.memory_space<vmem>> -> memref<128xi32, #tpu.memory_space<vmem>>
      %dma_start3A_87 = arith.constant 0 : i32
      %dma_start3A_88 = arith.constant 0 : i32
      %dma_start3A_89 = tpu.memref_slice %arg2[%dma_start3A_87, %dma_start3A_88] : memref<51984x128xf32, #tpu.memory_space<hbm>> -> memref<51984x128xf32, #tpu.memory_space<hbm>>
      tpu.enqueue_indirect_dma source(%dma_start3A_89 : memref<51984x128xf32, #tpu.memory_space<hbm>>) target(%dma_start3A_84 : memref<128x128xf32, #tpu.memory_space<vmem>>) offsets(%dma_start3A_86 : memref<128xi32, #tpu.memory_space<vmem>>) semaphore(%arg19 : memref<!tpu.dma_semaphore, #tpu.memory_space<semaphore_mem>>)
      %dma_start3A_90 = arith.constant 2 : i32
      %dma_start3A_91 = arith.constant 0 : i32
      %dma_start3A_92 = arith.constant 0 : i32
      %dma_start3A_93 = tpu.memref_slice %arg15[%dma_start3A_90, %dma_start3A_91, %dma_start3A_92] : memref<5x128x128xf32, #tpu.memory_space<vmem>> -> memref<1x128x128xf32, #tpu.memory_space<vmem>>
      %dma_start3A_94 = tpu.memref_squeeze %dma_start3A_93 : memref<1x128x128xf32, #tpu.memory_space<vmem>> -> memref<128x128xf32, #tpu.memory_space<vmem>>
      %dma_start3A_95 = arith.constant 256 : i32
      %dma_start3A_96 = tpu.memref_slice %arg14[%dma_start3A_95] : memref<640xi32, #tpu.memory_space<vmem>> -> memref<128xi32, #tpu.memory_space<vmem>>
      %dma_start3A_97 = arith.constant 0 : i32
      %dma_start3A_98 = arith.constant 0 : i32
      %dma_start3A_99 = tpu.memref_slice %arg2[%dma_start3A_97, %dma_start3A_98] : memref<51984x128xf32, #tpu.memory_space<hbm>> -> memref<51984x128xf32, #tpu.memory_space<hbm>>
      tpu.enqueue_indirect_dma source(%dma_start3A_99 : memref<51984x128xf32, #tpu.memory_space<hbm>>) target(%dma_start3A_94 : memref<128x128xf32, #tpu.memory_space<vmem>>) offsets(%dma_start3A_96 : memref<128xi32, #tpu.memory_space<vmem>>) semaphore(%arg19 : memref<!tpu.dma_semaphore, #tpu.memory_space<semaphore_mem>>)
      %dma_start3A_100 = arith.constant 3 : i32
      %dma_start3A_101 = arith.constant 0 : i32
      %dma_start3A_102 = arith.constant 0 : i32
      %dma_start3A_103 = tpu.memref_slice %arg15[%dma_start3A_100, %dma_start3A_101, %dma_start3A_102] : memref<5x128x128xf32, #tpu.memory_space<vmem>> -> memref<1x128x128xf32, #tpu.memory_space<vmem>>
      %dma_start3A_104 = tpu.memref_squeeze %dma_start3A_103 : memref<1x128x128xf32, #tpu.memory_space<vmem>> -> memref<128x128xf32, #tpu.memory_space<vmem>>
      %dma_start3A_105 = arith.constant 384 : i32
      %dma_start3A_106 = tpu.memref_slice %arg14[%dma_start3A_105] : memref<640xi32, #tpu.memory_space<vmem>> -> memref<128xi32, #tpu.memory_space<vmem>>
      %dma_start3A_107 = arith.constant 0 : i32
      %dma_start3A_108 = arith.constant 0 : i32
      %dma_start3A_109 = tpu.memref_slice %arg2[%dma_start3A_107, %dma_start3A_108] : memref<51984x128xf32, #tpu.memory_space<hbm>> -> memref<51984x128xf32, #tpu.memory_space<hbm>>
      tpu.enqueue_indirect_dma source(%dma_start3A_109 : memref<51984x128xf32, #tpu.memory_space<hbm>>) target(%dma_start3A_104 : memref<128x128xf32, #tpu.memory_space<vmem>>) offsets(%dma_start3A_106 : memref<128xi32, #tpu.memory_space<vmem>>) semaphore(%arg19 : memref<!tpu.dma_semaphore, #tpu.memory_space<semaphore_mem>>)
      %dma_start3A_110 = arith.constant 4 : i32
      %dma_start3A_111 = arith.constant 0 : i32
      %dma_start3A_112 = arith.constant 0 : i32
      %dma_start3A_113 = tpu.memref_slice %arg15[%dma_start3A_110, %dma_start3A_111, %dma_start3A_112] : memref<5x128x128xf32, #tpu.memory_space<vmem>> -> memref<1x128x128xf32, #tpu.memory_space<vmem>>
      %dma_start3A_114 = tpu.memref_squeeze %dma_start3A_113 : memref<1x128x128xf32, #tpu.memory_space<vmem>> -> memref<128x128xf32, #tpu.memory_space<vmem>>
      %dma_start3A_115 = arith.constant 512 : i32
      %dma_start3A_116 = tpu.memref_slice %arg14[%dma_start3A_115] : memref<640xi32, #tpu.memory_space<vmem>> -> memref<128xi32, #tpu.memory_space<vmem>>
      %dma_start3A_117 = arith.constant 0 : i32
      %dma_start3A_118 = arith.constant 0 : i32
      %dma_start3A_119 = tpu.memref_slice %arg2[%dma_start3A_117, %dma_start3A_118] : memref<51984x128xf32, #tpu.memory_space<hbm>> -> memref<51984x128xf32, #tpu.memory_space<hbm>>
      tpu.enqueue_indirect_dma source(%dma_start3A_119 : memref<51984x128xf32, #tpu.memory_space<hbm>>) target(%dma_start3A_114 : memref<128x128xf32, #tpu.memory_space<vmem>>) offsets(%dma_start3A_116 : memref<128xi32, #tpu.memory_space<vmem>>) semaphore(%arg19 : memref<!tpu.dma_semaphore, #tpu.memory_space<semaphore_mem>>)
      %dma_wait3A_120 = arith.constant 0 : i32
      %dma_wait3A_121 = arith.constant 0 : i32
      %dma_wait3A_122 = arith.constant 0 : i32
      %dma_wait3A_123 = tpu.memref_slice %arg15[%dma_wait3A_120, %dma_wait3A_121, %dma_wait3A_122] : memref<5x128x128xf32, #tpu.memory_space<vmem>> -> memref<1x128x128xf32, #tpu.memory_space<vmem>>
      %dma_wait3A_124 = tpu.memref_squeeze %dma_wait3A_123 : memref<1x128x128xf32, #tpu.memory_space<vmem>> -> memref<128x128xf32, #tpu.memory_space<vmem>>
      %dma_wait3A_125 = arith.constant 0 : i32
      %dma_wait3A_126 = tpu.memref_slice %arg14[%dma_wait3A_125] : memref<640xi32, #tpu.memory_space<vmem>> -> memref<128xi32, #tpu.memory_space<vmem>>
      %dma_wait3A_127 = arith.constant 0 : i32
      %dma_wait3A_128 = arith.constant 0 : i32
      %dma_wait3A_129 = tpu.memref_slice %arg2[%dma_wait3A_127, %dma_wait3A_128] : memref<51984x128xf32, #tpu.memory_space<hbm>> -> memref<51984x128xf32, #tpu.memory_space<hbm>>
      tpu.wait_indirect_dma semaphore(%arg19 : memref<!tpu.dma_semaphore, #tpu.memory_space<semaphore_mem>>) src(%dma_wait3A_129 : memref<51984x128xf32, #tpu.memory_space<hbm>>) dst(%dma_wait3A_124 : memref<128x128xf32, #tpu.memory_space<vmem>>)
      %add3A_130 = arith.constant 0 : i32
      %add3A_131 = vector.broadcast %add3A_130 : i32 to vector<16xi32>
      %add3A_132 = arith.addi %iota3A, %add3A_131 : vector<16xi32>
      %mul3A_133 = arith.constant 14 : i32
      %mul3A_134 = vector.broadcast %mul3A_133 : i32 to vector<16xi32>
      %mul3A_135 = arith.muli %add3A_132, %mul3A_134 : vector<16xi32>
      %mul3A_136 = arith.constant 2 : i32
      %mul3A_137 = arith.muli %mul3A_136, %select_n3A : i32
      %add3A_138 = arith.constant 0 : i32
      %add3A_139 = arith.addi %mul3A_137, %add3A_138 : i32
      %add3A_140 = vector.broadcast %add3A_139 : i32 to vector<16xi32>
      %add3A_141 = arith.addi %mul3A_135, %add3A_140 : vector<16xi32>
      %broadcast_in_dim3A = arith.constant 48 : i32
      %broadcast_in_dim3A_142 = vector.broadcast %broadcast_in_dim3A : i32 to vector<16xi32>
      %gather3A = tpu.vector_load_idx %arg16[%add3A_141] : memref<8960xf32, #tpu.memory_space<vmem>>[vector<16xi32>], vector<16xf32>,
      %scatter3A = arith.constant 0 : i32
      %scatter3A_143 = arith.constant 0 : i32
      %scatter3A_144 = arith.constant 0 : i32
      %scatter3A_145 = tpu.memref_slice %arg15[%scatter3A, %scatter3A_143, %scatter3A_144] : memref<5x128x128xf32, #tpu.memory_space<vmem>> -> memref<1x128x128xf32, #tpu.memory_space<vmem>>
      %scatter3A_146 = tpu.memref_squeeze %scatter3A_145 : memref<1x128x128xf32, #tpu.memory_space<vmem>> -> memref<128x128xf32, #tpu.memory_space<vmem>>
      tpu.vector_store_idx %scatter3A_146[%add3A_132, %broadcast_in_dim3A_142], %gather3A : memref<128x128xf32, #tpu.memory_space<vmem>>[vector<16xi32>, vector<16xi32>], vector<16xf32>,
      %add3A_147 = arith.constant 1 : i32
      %add3A_148 = vector.broadcast %add3A_147 : i32 to vector<16xi32>
      %add3A_149 = arith.addi %add3A_141, %add3A_148 : vector<16xi32>
      %gather3A_150 = tpu.vector_load_idx %arg16[%add3A_149] : memref<8960xf32, #tpu.memory_space<vmem>>[vector<16xi32>], vector<16xf32>,
      %add3A_151 = arith.constant 64 : i32
      %add3A_152 = vector.broadcast %add3A_151 : i32 to vector<16xi32>
      %add3A_153 = arith.addi %broadcast_in_dim3A_142, %add3A_152 : vector<16xi32>
      %scatter3A_154 = arith.constant 0 : i32
      %scatter3A_155 = arith.constant 0 : i32
      %scatter3A_156 = arith.constant 0 : i32
      %scatter3A_157 = tpu.memref_slice %arg15[%scatter3A_154, %scatter3A_155, %scatter3A_156] : memref<5x128x128xf32, #tpu.memory_space<vmem>> -> memref<1x128x128xf32, #tpu.memory_space<vmem>>
      %scatter3A_158 = tpu.memref_squeeze %scatter3A_157 : memref<1x128x128xf32, #tpu.memory_space<vmem>> -> memref<128x128xf32, #tpu.memory_space<vmem>>
      tpu.vector_store_idx %scatter3A_158[%add3A_132, %add3A_153], %gather3A_150 : memref<128x128xf32, #tpu.memory_space<vmem>>[vector<16xi32>, vector<16xi32>], vector<16xf32>,
      %broadcast_in_dim3A_159 = arith.constant 49 : i32
      %broadcast_in_dim3A_160 = vector.broadcast %broadcast_in_dim3A_159 : i32 to vector<16xi32>
      %gather3A_161 = tpu.vector_load_idx %arg17[%add3A_141] : memref<8960xf32, #tpu.memory_space<vmem>>[vector<16xi32>], vector<16xf32>,
      %scatter3A_162 = arith.constant 0 : i32
      %scatter3A_163 = arith.constant 0 : i32
      %scatter3A_164 = arith.constant 0 : i32
      %scatter3A_165 = tpu.memref_slice %arg15[%scatter3A_162, %scatter3A_163, %scatter3A_164] : memref<5x128x128xf32, #tpu.memory_space<vmem>> -> memref<1x128x128xf32, #tpu.memory_space<vmem>>
      %scatter3A_166 = tpu.memref_squeeze %scatter3A_165 : memref<1x128x128xf32, #tpu.memory_space<vmem>> -> memref<128x128xf32, #tpu.memory_space<vmem>>
      tpu.vector_store_idx %scatter3A_166[%add3A_132, %broadcast_in_dim3A_160], %gather3A_161 : memref<128x128xf32, #tpu.memory_space<vmem>>[vector<16xi32>, vector<16xi32>], vector<16xf32>,
      %add3A_167 = arith.constant 1 : i32
      %add3A_168 = vector.broadcast %add3A_167 : i32 to vector<16xi32>
      %add3A_169 = arith.addi %add3A_141, %add3A_168 : vector<16xi32>
      %gather3A_170 = tpu.vector_load_idx %arg17[%add3A_169] : memref<8960xf32, #tpu.memory_space<vmem>>[vector<16xi32>], vector<16xf32>,
      %add3A_171 = arith.constant 64 : i32
      %add3A_172 = vector.broadcast %add3A_171 : i32 to vector<16xi32>
      %add3A_173 = arith.addi %broadcast_in_dim3A_160, %add3A_172 : vector<16xi32>
      %scatter3A_174 = arith.constant 0 : i32
      %scatter3A_175 = arith.constant 0 : i32
      %scatter3A_176 = arith.constant 0 : i32
      %scatter3A_177 = tpu.memref_slice %arg15[%scatter3A_174, %scatter3A_175, %scatter3A_176] : memref<5x128x128xf32, #tpu.memory_space<vmem>> -> memref<1x128x128xf32, #tpu.memory_space<vmem>>
      %scatter3A_178 = tpu.memref_squeeze %scatter3A_177 : memref<1x128x128xf32, #tpu.memory_space<vmem>> -> memref<128x128xf32, #tpu.memory_space<vmem>>
      tpu.vector_store_idx %scatter3A_178[%add3A_132, %add3A_173], %gather3A_170 : memref<128x128xf32, #tpu.memory_space<vmem>>[vector<16xi32>, vector<16xi32>], vector<16xf32>,
      %broadcast_in_dim3A_179 = arith.constant 50 : i32
      %broadcast_in_dim3A_180 = vector.broadcast %broadcast_in_dim3A_179 : i32 to vector<16xi32>
      %gather3A_181 = tpu.vector_load_idx %arg18[%add3A_141] : memref<8960xf32, #tpu.memory_space<vmem>>[vector<16xi32>], vector<16xf32>,
      %scatter3A_182 = arith.constant 0 : i32
      %scatter3A_183 = arith.constant 0 : i32
      %scatter3A_184 = arith.constant 0 : i32
      %scatter3A_185 = tpu.memref_slice %arg15[%scatter3A_182, %scatter3A_183, %scatter3A_184] : memref<5x128x128xf32, #tpu.memory_space<vmem>> -> memref<1x128x128xf32, #tpu.memory_space<vmem>>
      %scatter3A_186 = tpu.memref_squeeze %scatter3A_185 : memref<1x128x128xf32, #tpu.memory_space<vmem>> -> memref<128x128xf32, #tpu.memory_space<vmem>>
      tpu.vector_store_idx %scatter3A_186[%add3A_132, %broadcast_in_dim3A_180], %gather3A_181 : memref<128x128xf32, #tpu.memory_space<vmem>>[vector<16xi32>, vector<16xi32>], vector<16xf32>,
      %add3A_187 = arith.constant 1 : i32
      %add3A_188 = vector.broadcast %add3A_187 : i32 to vector<16xi32>
      %add3A_189 = arith.addi %add3A_141, %add3A_188 : vector<16xi32>
      %gather3A_190 = tpu.vector_load_idx %arg18[%add3A_189] : memref<8960xf32, #tpu.memory_space<vmem>>[vector<16xi32>], vector<16xf32>,
      %add3A_191 = arith.constant 64 : i32
      %add3A_192 = vector.broadcast %add3A_191 : i32 to vector<16xi32>
      %add3A_193 = arith.addi %broadcast_in_dim3A_180, %add3A_192 : vector<16xi32>
      %scatter3A_194 = arith.constant 0 : i32
      %scatter3A_195 = arith.constant 0 : i32
      %scatter3A_196 = arith.constant 0 : i32
      %scatter3A_197 = tpu.memref_slice %arg15[%scatter3A_194, %scatter3A_195, %scatter3A_196] : memref<5x128x128xf32, #tpu.memory_space<vmem>> -> memref<1x128x128xf32, #tpu.memory_space<vmem>>
      %scatter3A_198 = tpu.memref_squeeze %scatter3A_197 : memref<1x128x128xf32, #tpu.memory_space<vmem>> -> memref<128x128xf32, #tpu.memory_space<vmem>>
      tpu.vector_store_idx %scatter3A_198[%add3A_132, %add3A_193], %gather3A_190 : memref<128x128xf32, #tpu.memory_space<vmem>>[vector<16xi32>, vector<16xi32>], vector<16xf32>,
      %add3A_199 = arith.constant 16 : i32
      %add3A_200 = vector.broadcast %add3A_199 : i32 to vector<16xi32>
      %add3A_201 = arith.addi %iota3A, %add3A_200 : vector<16xi32>
      %mul3A_202 = arith.constant 14 : i32
      %mul3A_203 = vector.broadcast %mul3A_202 : i32 to vector<16xi32>
      %mul3A_204 = arith.muli %add3A_201, %mul3A_203 : vector<16xi32>
      %mul3A_205 = arith.constant 2 : i32
      %mul3A_206 = arith.muli %mul3A_205, %select_n3A : i32
      %add3A_207 = arith.constant 0 : i32
      %add3A_208 = arith.addi %mul3A_206, %add3A_207 : i32
      %add3A_209 = vector.broadcast %add3A_208 : i32 to vector<16xi32>
      %add3A_210 = arith.addi %mul3A_204, %add3A_209 : vector<16xi32>
      %broadcast_in_dim3A_211 = arith.constant 48 : i32
      %broadcast_in_dim3A_212 = vector.broadcast %broadcast_in_dim3A_211 : i32 to vector<16xi32>
      %gather3A_213 = tpu.vector_load_idx %arg16[%add3A_210] : memref<8960xf32, #tpu.memory_space<vmem>>[vector<16xi32>], vector<16xf32>,
      %scatter3A_214 = arith.constant 0 : i32
      %scatter3A_215 = arith.constant 0 : i32
      %scatter3A_216 = arith.constant 0 : i32
      %scatter3A_217 = tpu.memref_slice %arg15[%scatter3A_214, %scatter3A_215, %scatter3A_216] : memref<5x128x128xf32, #tpu.memory_space<vmem>> -> memref<1x128x128xf32, #tpu.memory_space<vmem>>
      %scatter3A_218 = tpu.memref_squeeze %scatter3A_217 : memref<1x128x128xf32, #tpu.memory_space<vmem>> -> memref<128x128xf32, #tpu.memory_space<vmem>>
      tpu.vector_store_idx %scatter3A_218[%add3A_201, %broadcast_in_dim3A_212], %gather3A_213 : memref<128x128xf32, #tpu.memory_space<vmem>>[vector<16xi32>, vector<16xi32>], vector<16xf32>,
      %add3A_219 = arith.constant 1 : i32
      %add3A_220 = vector.broadcast %add3A_219 : i32 to vector<16xi32>
      %add3A_221 = arith.addi %add3A_210, %add3A_220 : vector<16xi32>
      %gather3A_222 = tpu.vector_load_idx %arg16[%add3A_221] : memref<8960xf32, #tpu.memory_space<vmem>>[vector<16xi32>], vector<16xf32>,
      %add3A_223 = arith.constant 64 : i32
      %add3A_224 = vector.broadcast %add3A_223 : i32 to vector<16xi32>
      %add3A_225 = arith.addi %broadcast_in_dim3A_212, %add3A_224 : vector<16xi32>
      %scatter3A_226 = arith.constant 0 : i32
      %scatter3A_227 = arith.constant 0 : i32
      %scatter3A_228 = arith.constant 0 : i32
      %scatter3A_229 = tpu.memref_slice %arg15[%scatter3A_226, %scatter3A_227, %scatter3A_228] : memref<5x128x128xf32, #tpu.memory_space<vmem>> -> memref<1x128x128xf32, #tpu.memory_space<vmem>>
      %scatter3A_230 = tpu.memref_squeeze %scatter3A_229 : memref<1x128x128xf32, #tpu.memory_space<vmem>> -> memref<128x128xf32, #tpu.memory_space<vmem>>
      tpu.vector_store_idx %scatter3A_230[%add3A_201, %add3A_225], %gather3A_222 : memref<128x128xf32, #tpu.memory_space<vmem>>[vector<16xi32>, vector<16xi32>], vector<16xf32>,
      %broadcast_in_dim3A_231 = arith.constant 49 : i32
      %broadcast_in_dim3A_232 = vector.broadcast %broadcast_in_dim3A_231 : i32 to vector<16xi32>
      %gather3A_233 = tpu.vector_load_idx %arg17[%add3A_210] : memref<8960xf32, #tpu.memory_space<vmem>>[vector<16xi32>], vector<16xf32>,
      %scatter3A_234 = arith.constant 0 : i32
      %scatter3A_235 = arith.constant 0 : i32
      %scatter3A_236 = arith.constant 0 : i32
      %scatter3A_237 = tpu.memref_slice %arg15[%scatter3A_234, %scatter3A_235, %scatter3A_236] : memref<5x128x128xf32, #tpu.memory_space<vmem>> -> memref<1x128x128xf32, #tpu.memory_space<vmem>>
      %scatter3A_238 = tpu.memref_squeeze %scatter3A_237 : memref<1x128x128xf32, #tpu.memory_space<vmem>> -> memref<128x128xf32, #tpu.memory_space<vmem>>
      tpu.vector_store_idx %scatter3A_238[%add3A_201, %broadcast_in_dim3A_232], %gather3A_233 : memref<128x128xf32, #tpu.memory_space<vmem>>[vector<16xi32>, vector<16xi32>], vector<16xf32>,
      %add3A_239 = arith.constant 1 : i32
      %add3A_240 = vector.broadcast %add3A_239 : i32 to vector<16xi32>
      %add3A_241 = arith.addi %add3A_210, %add3A_240 : vector<16xi32>
      %gather3A_242 = tpu.vector_load_idx %arg17[%add3A_241] : memref<8960xf32, #tpu.memory_space<vmem>>[vector<16xi32>], vector<16xf32>,
      %add3A_243 = arith.constant 64 : i32
      %add3A_244 = vector.broadcast %add3A_243 : i32 to vector<16xi32>
      %add3A_245 = arith.addi %broadcast_in_dim3A_232, %add3A_244 : vector<16xi32>
      %scatter3A_246 = arith.constant 0 : i32
      %scatter3A_247 = arith.constant 0 : i32
      %scatter3A_248 = arith.constant 0 : i32
      %scatter3A_249 = tpu.memref_slice %arg15[%scatter3A_246, %scatter3A_247, %scatter3A_248] : memref<5x128x128xf32, #tpu.memory_space<vmem>> -> memref<1x128x128xf32, #tpu.memory_space<vmem>>
      %scatter3A_250 = tpu.memref_squeeze %scatter3A_249 : memref<1x128x128xf32, #tpu.memory_space<vmem>> -> memref<128x128xf32, #tpu.memory_space<vmem>>
      tpu.vector_store_idx %scatter3A_250[%add3A_201, %add3A_245], %gather3A_242 : memref<128x128xf32, #tpu.memory_space<vmem>>[vector<16xi32>, vector<16xi32>], vector<16xf32>,
      %broadcast_in_dim3A_251 = arith.constant 50 : i32
      %broadcast_in_dim3A_252 = vector.broadcast %broadcast_in_dim3A_251 : i32 to vector<16xi32>
      %gather3A_253 = tpu.vector_load_idx %arg18[%add3A_210] : memref<8960xf32, #tpu.memory_space<vmem>>[vector<16xi32>], vector<16xf32>,
      %scatter3A_254 = arith.constant 0 : i32
      %scatter3A_255 = arith.constant 0 : i32
      %scatter3A_256 = arith.constant 0 : i32
      %scatter3A_257 = tpu.memref_slice %arg15[%scatter3A_254, %scatter3A_255, %scatter3A_256] : memref<5x128x128xf32, #tpu.memory_space<vmem>> -> memref<1x128x128xf32, #tpu.memory_space<vmem>>
      %scatter3A_258 = tpu.memref_squeeze %scatter3A_257 : memref<1x128x128xf32, #tpu.memory_space<vmem>> -> memref<128x128xf32, #tpu.memory_space<vmem>>
      tpu.vector_store_idx %scatter3A_258[%add3A_201, %broadcast_in_dim3A_252], %gather3A_253 : memref<128x128xf32, #tpu.memory_space<vmem>>[vector<16xi32>, vector<16xi32>], vector<16xf32>,
      %add3A_259 = arith.constant 1 : i32
      %add3A_260 = vector.broadcast %add3A_259 : i32 to vector<16xi32>
      %add3A_261 = arith.addi %add3A_210, %add3A_260 : vector<16xi32>
      %gather3A_262 = tpu.vector_load_idx %arg18[%add3A_261] : memref<8960xf32, #tpu.memory_space<vmem>>[vector<16xi32>], vector<16xf32>,
      %add3A_263 = arith.constant 64 : i32
      %add3A_264 = vector.broadcast %add3A_263 : i32 to vector<16xi32>
      %add3A_265 = arith.addi %broadcast_in_dim3A_252, %add3A_264 : vector<16xi32>
      %scatter3A_266 = arith.constant 0 : i32
      %scatter3A_267 = arith.constant 0 : i32
      %scatter3A_268 = arith.constant 0 : i32
      %scatter3A_269 = tpu.memref_slice %arg15[%scatter3A_266, %scatter3A_267, %scatter3A_268] : memref<5x128x128xf32, #tpu.memory_space<vmem>> -> memref<1x128x128xf32, #tpu.memory_space<vmem>>
      %scatter3A_270 = tpu.memref_squeeze %scatter3A_269 : memref<1x128x128xf32, #tpu.memory_space<vmem>> -> memref<128x128xf32, #tpu.memory_space<vmem>>
      tpu.vector_store_idx %scatter3A_270[%add3A_201, %add3A_265], %gather3A_262 : memref<128x128xf32, #tpu.memory_space<vmem>>[vector<16xi32>, vector<16xi32>], vector<16xf32>,
      %add3A_271 = arith.constant 32 : i32
      %add3A_272 = vector.broadcast %add3A_271 : i32 to vector<16xi32>
      %add3A_273 = arith.addi %iota3A, %add3A_272 : vector<16xi32>
      %mul3A_274 = arith.constant 14 : i32
      %mul3A_275 = vector.broadcast %mul3A_274 : i32 to vector<16xi32>
      %mul3A_276 = arith.muli %add3A_273, %mul3A_275 : vector<16xi32>
      %mul3A_277 = arith.constant 2 : i32
      %mul3A_278 = arith.muli %mul3A_277, %select_n3A : i32
      %add3A_279 = arith.constant 0 : i32
      %add3A_280 = arith.addi %mul3A_278, %add3A_279 : i32
      %add3A_281 = vector.broadcast %add3A_280 : i32 to vector<16xi32>
      %add3A_282 = arith.addi %mul3A_276, %add3A_281 : vector<16xi32>
      %broadcast_in_dim3A_283 = arith.constant 48 : i32
      %broadcast_in_dim3A_284 = vector.broadcast %broadcast_in_dim3A_283 : i32 to vector<16xi32>
      %gather3A_285 = tpu.vector_load_idx %arg16[%add3A_282] : memref<8960xf32, #tpu.memory_space<vmem>>[vector<16xi32>], vector<16xf32>,
      %scatter3A_286 = arith.constant 0 : i32
      %scatter3A_287 = arith.constant 0 : i32
      %scatter3A_288 = arith.constant 0 : i32
      %scatter3A_289 = tpu.memref_slice %arg15[%scatter3A_286, %scatter3A_287, %scatter3A_288] : memref<5x128x128xf32, #tpu.memory_space<vmem>> -> memref<1x128x128xf32, #tpu.memory_space<vmem>>
      %scatter3A_290 = tpu.memref_squeeze %scatter3A_289 : memref<1x128x128xf32, #tpu.memory_space<vmem>> -> memref<128x128xf32, #tpu.memory_space<vmem>>
      tpu.vector_store_idx %scatter3A_290[%add3A_273, %broadcast_in_dim3A_284], %gather3A_285 : memref<128x128xf32, #tpu.memory_space<vmem>>[vector<16xi32>, vector<16xi32>], vector<16xf32>,
      %add3A_291 = arith.constant 1 : i32
      %add3A_292 = vector.broadcast %add3A_291 : i32 to vector<16xi32>
      %add3A_293 = arith.addi %add3A_282, %add3A_292 : vector<16xi32>
      %gather3A_294 = tpu.vector_load_idx %arg16[%add3A_293] : memref<8960xf32, #tpu.memory_space<vmem>>[vector<16xi32>], vector<16xf32>,
      %add3A_295 = arith.constant 64 : i32
      %add3A_296 = vector.broadcast %add3A_295 : i32 to vector<16xi32>
      %add3A_297 = arith.addi %broadcast_in_dim3A_284, %add3A_296 : vector<16xi32>
      %scatter3A_298 = arith.constant 0 : i32
      %scatter3A_299 = arith.constant 0 : i32
      %scatter3A_300 = arith.constant 0 : i32
      %scatter3A_301 = tpu.memref_slice %arg15[%scatter3A_298, %scatter3A_299, %scatter3A_300] : memref<5x128x128xf32, #tpu.memory_space<vmem>> -> memref<1x128x128xf32, #tpu.memory_space<vmem>>
      %scatter3A_302 = tpu.memref_squeeze %scatter3A_301 : memref<1x128x128xf32, #tpu.memory_space<vmem>> -> memref<128x128xf32, #tpu.memory_space<vmem>>
      tpu.vector_store_idx %scatter3A_302[%add3A_273, %add3A_297], %gather3A_294 : memref<128x128xf32, #tpu.memory_space<vmem>>[vector<16xi32>, vector<16xi32>], vector<16xf32>,
      %broadcast_in_dim3A_303 = arith.constant 49 : i32
      %broadcast_in_dim3A_304 = vector.broadcast %broadcast_in_dim3A_303 : i32 to vector<16xi32>
      %gather3A_305 = tpu.vector_load_idx %arg17[%add3A_282] : memref<8960xf32, #tpu.memory_space<vmem>>[vector<16xi32>], vector<16xf32>,
      %scatter3A_306 = arith.constant 0 : i32
      %scatter3A_307 = arith.constant 0 : i32
      %scatter3A_308 = arith.constant 0 : i32
      %scatter3A_309 = tpu.memref_slice %arg15[%scatter3A_306, %scatter3A_307, %scatter3A_308] : memref<5x128x128xf32, #tpu.memory_space<vmem>> -> memref<1x128x128xf32, #tpu.memory_space<vmem>>
      %scatter3A_310 = tpu.memref_squeeze %scatter3A_309 : memref<1x128x128xf32, #tpu.memory_space<vmem>> -> memref<128x128xf32, #tpu.memory_space<vmem>>
      tpu.vector_store_idx %scatter3A_310[%add3A_273, %broadcast_in_dim3A_304], %gather3A_305 : memref<128x128xf32, #tpu.memory_space<vmem>>[vector<16xi32>, vector<16xi32>], vector<16xf32>,
      %add3A_311 = arith.constant 1 : i32
      %add3A_312 = vector.broadcast %add3A_311 : i32 to vector<16xi32>
      %add3A_313 = arith.addi %add3A_282, %add3A_312 : vector<16xi32>
      %gather3A_314 = tpu.vector_load_idx %arg17[%add3A_313] : memref<8960xf32, #tpu.memory_space<vmem>>[vector<16xi32>], vector<16xf32>,
      %add3A_315 = arith.constant 64 : i32
      %add3A_316 = vector.broadcast %add3A_315 : i32 to vector<16xi32>
      %add3A_317 = arith.addi %broadcast_in_dim3A_304, %add3A_316 : vector<16xi32>
      %scatter3A_318 = arith.constant 0 : i32
      %scatter3A_319 = arith.constant 0 : i32
      %scatter3A_320 = arith.constant 0 : i32
      %scatter3A_321 = tpu.memref_slice %arg15[%scatter3A_318, %scatter3A_319, %scatter3A_320] : memref<5x128x128xf32, #tpu.memory_space<vmem>> -> memref<1x128x128xf32, #tpu.memory_space<vmem>>
      %scatter3A_322 = tpu.memref_squeeze %scatter3A_321 : memref<1x128x128xf32, #tpu.memory_space<vmem>> -> memref<128x128xf32, #tpu.memory_space<vmem>>
      tpu.vector_store_idx %scatter3A_322[%add3A_273, %add3A_317], %gather3A_314 : memref<128x128xf32, #tpu.memory_space<vmem>>[vector<16xi32>, vector<16xi32>], vector<16xf32>,
      %broadcast_in_dim3A_323 = arith.constant 50 : i32
      %broadcast_in_dim3A_324 = vector.broadcast %broadcast_in_dim3A_323 : i32 to vector<16xi32>
      %gather3A_325 = tpu.vector_load_idx %arg18[%add3A_282] : memref<8960xf32, #tpu.memory_space<vmem>>[vector<16xi32>], vector<16xf32>,
      %scatter3A_326 = arith.constant 0 : i32
      %scatter3A_327 = arith.constant 0 : i32
      %scatter3A_328 = arith.constant 0 : i32
      %scatter3A_329 = tpu.memref_slice %arg15[%scatter3A_326, %scatter3A_327, %scatter3A_328] : memref<5x128x128xf32, #tpu.memory_space<vmem>> -> memref<1x128x128xf32, #tpu.memory_space<vmem>>
      %scatter3A_330 = tpu.memref_squeeze %scatter3A_329 : memref<1x128x128xf32, #tpu.memory_space<vmem>> -> memref<128x128xf32, #tpu.memory_space<vmem>>
      tpu.vector_store_idx %scatter3A_330[%add3A_273, %broadcast_in_dim3A_324], %gather3A_325 : memref<128x128xf32, #tpu.memory_space<vmem>>[vector<16xi32>, vector<16xi32>], vector<16xf32>,
      %add3A_331 = arith.constant 1 : i32
      %add3A_332 = vector.broadcast %add3A_331 : i32 to vector<16xi32>
      %add3A_333 = arith.addi %add3A_282, %add3A_332 : vector<16xi32>
      %gather3A_334 = tpu.vector_load_idx %arg18[%add3A_333] : memref<8960xf32, #tpu.memory_space<vmem>>[vector<16xi32>], vector<16xf32>,
      %add3A_335 = arith.constant 64 : i32
      %add3A_336 = vector.broadcast %add3A_335 : i32 to vector<16xi32>
      %add3A_337 = arith.addi %broadcast_in_dim3A_324, %add3A_336 : vector<16xi32>
      %scatter3A_338 = arith.constant 0 : i32
      %scatter3A_339 = arith.constant 0 : i32
      %scatter3A_340 = arith.constant 0 : i32
      %scatter3A_341 = tpu.memref_slice %arg15[%scatter3A_338, %scatter3A_339, %scatter3A_340] : memref<5x128x128xf32, #tpu.memory_space<vmem>> -> memref<1x128x128xf32, #tpu.memory_space<vmem>>
      %scatter3A_342 = tpu.memref_squeeze %scatter3A_341 : memref<1x128x128xf32, #tpu.memory_space<vmem>> -> memref<128x128xf32, #tpu.memory_space<vmem>>
      tpu.vector_store_idx %scatter3A_342[%add3A_273, %add3A_337], %gather3A_334 : memref<128x128xf32, #tpu.memory_space<vmem>>[vector<16xi32>, vector<16xi32>], vector<16xf32>,
      %add3A_343 = arith.constant 48 : i32
      %add3A_344 = vector.broadcast %add3A_343 : i32 to vector<16xi32>
      %add3A_345 = arith.addi %iota3A, %add3A_344 : vector<16xi32>
      %mul3A_346 = arith.constant 14 : i32
      %mul3A_347 = vector.broadcast %mul3A_346 : i32 to vector<16xi32>
      %mul3A_348 = arith.muli %add3A_345, %mul3A_347 : vector<16xi32>
      %mul3A_349 = arith.constant 2 : i32
      %mul3A_350 = arith.muli %mul3A_349, %select_n3A : i32
      %add3A_351 = arith.constant 0 : i32
      %add3A_352 = arith.addi %mul3A_350, %add3A_351 : i32
      %add3A_353 = vector.broadcast %add3A_352 : i32 to vector<16xi32>
      %add3A_354 = arith.addi %mul3A_348, %add3A_353 : vector<16xi32>
      %broadcast_in_dim3A_355 = arith.constant 48 : i32
      %broadcast_in_dim3A_356 = vector.broadcast %broadcast_in_dim3A_355 : i32 to vector<16xi32>
      %gather3A_357 = tpu.vector_load_idx %arg16[%add3A_354] : memref<8960xf32, #tpu.memory_space<vmem>>[vector<16xi32>], vector<16xf32>,
      %scatter3A_358 = arith.constant 0 : i32
      %scatter3A_359 = arith.constant 0 : i32
      %scatter3A_360 = arith.constant 0 : i32
      %scatter3A_361 = tpu.memref_slice %arg15[%scatter3A_358, %scatter3A_359, %scatter3A_360] : memref<5x128x128xf32, #tpu.memory_space<vmem>> -> memref<1x128x128xf32, #tpu.memory_space<vmem>>
      %scatter3A_362 = tpu.memref_squeeze %scatter3A_361 : memref<1x128x128xf32, #tpu.memory_space<vmem>> -> memref<128x128xf32, #tpu.memory_space<vmem>>
      tpu.vector_store_idx %scatter3A_362[%add3A_345, %broadcast_in_dim3A_356], %gather3A_357 : memref<128x128xf32, #tpu.memory_space<vmem>>[vector<16xi32>, vector<16xi32>], vector<16xf32>,
      %add3A_363 = arith.constant 1 : i32
      %add3A_364 = vector.broadcast %add3A_363 : i32 to vector<16xi32>
      %add3A_365 = arith.addi %add3A_354, %add3A_364 : vector<16xi32>
      %gather3A_366 = tpu.vector_load_idx %arg16[%add3A_365] : memref<8960xf32, #tpu.memory_space<vmem>>[vector<16xi32>], vector<16xf32>,
      %add3A_367 = arith.constant 64 : i32
      %add3A_368 = vector.broadcast %add3A_367 : i32 to vector<16xi32>
      %add3A_369 = arith.addi %broadcast_in_dim3A_356, %add3A_368 : vector<16xi32>
      %scatter3A_370 = arith.constant 0 : i32
      %scatter3A_371 = arith.constant 0 : i32
      %scatter3A_372 = arith.constant 0 : i32
      %scatter3A_373 = tpu.memref_slice %arg15[%scatter3A_370, %scatter3A_371, %scatter3A_372] : memref<5x128x128xf32, #tpu.memory_space<vmem>> -> memref<1x128x128xf32, #tpu.memory_space<vmem>>
      %scatter3A_374 = tpu.memref_squeeze %scatter3A_373 : memref<1x128x128xf32, #tpu.memory_space<vmem>> -> memref<128x128xf32, #tpu.memory_space<vmem>>
      tpu.vector_store_idx %scatter3A_374[%add3A_345, %add3A_369], %gather3A_366 : memref<128x128xf32, #tpu.memory_space<vmem>>[vector<16xi32>, vector<16xi32>], vector<16xf32>,
      %broadcast_in_dim3A_375 = arith.constant 49 : i32
      %broadcast_in_dim3A_376 = vector.broadcast %broadcast_in_dim3A_375 : i32 to vector<16xi32>
      %gather3A_377 = tpu.vector_load_idx %arg17[%add3A_354] : memref<8960xf32, #tpu.memory_space<vmem>>[vector<16xi32>], vector<16xf32>,
      %scatter3A_378 = arith.constant 0 : i32
      %scatter3A_379 = arith.constant 0 : i32
      %scatter3A_380 = arith.constant 0 : i32
      %scatter3A_381 = tpu.memref_slice %arg15[%scatter3A_378, %scatter3A_379, %scatter3A_380] : memref<5x128x128xf32, #tpu.memory_space<vmem>> -> memref<1x128x128xf32, #tpu.memory_space<vmem>>
      %scatter3A_382 = tpu.memref_squeeze %scatter3A_381 : memref<1x128x128xf32, #tpu.memory_space<vmem>> -> memref<128x128xf32, #tpu.memory_space<vmem>>
      tpu.vector_store_idx %scatter3A_382[%add3A_345, %broadcast_in_dim3A_376], %gather3A_377 : memref<128x128xf32, #tpu.memory_space<vmem>>[vector<16xi32>, vector<16xi32>], vector<16xf32>,
      %add3A_383 = arith.constant 1 : i32
      %add3A_384 = vector.broadcast %add3A_383 : i32 to vector<16xi32>
      %add3A_385 = arith.addi %add3A_354, %add3A_384 : vector<16xi32>
      %gather3A_386 = tpu.vector_load_idx %arg17[%add3A_385] : memref<8960xf32, #tpu.memory_space<vmem>>[vector<16xi32>], vector<16xf32>,
      %add3A_387 = arith.constant 64 : i32
      %add3A_388 = vector.broadcast %add3A_387 : i32 to vector<16xi32>
      %add3A_389 = arith.addi %broadcast_in_dim3A_376, %add3A_388 : vector<16xi32>
      %scatter3A_390 = arith.constant 0 : i32
      %scatter3A_391 = arith.constant 0 : i32
      %scatter3A_392 = arith.constant 0 : i32
      %scatter3A_393 = tpu.memref_slice %arg15[%scatter3A_390, %scatter3A_391, %scatter3A_392] : memref<5x128x128xf32, #tpu.memory_space<vmem>> -> memref<1x128x128xf32, #tpu.memory_space<vmem>>
      %scatter3A_394 = tpu.memref_squeeze %scatter3A_393 : memref<1x128x128xf32, #tpu.memory_space<vmem>> -> memref<128x128xf32, #tpu.memory_space<vmem>>
      tpu.vector_store_idx %scatter3A_394[%add3A_345, %add3A_389], %gather3A_386 : memref<128x128xf32, #tpu.memory_space<vmem>>[vector<16xi32>, vector<16xi32>], vector<16xf32>,
      %broadcast_in_dim3A_395 = arith.constant 50 : i32
      %broadcast_in_dim3A_396 = vector.broadcast %broadcast_in_dim3A_395 : i32 to vector<16xi32>
      %gather3A_397 = tpu.vector_load_idx %arg18[%add3A_354] : memref<8960xf32, #tpu.memory_space<vmem>>[vector<16xi32>], vector<16xf32>,
      %scatter3A_398 = arith.constant 0 : i32
      %scatter3A_399 = arith.constant 0 : i32
      %scatter3A_400 = arith.constant 0 : i32
      %scatter3A_401 = tpu.memref_slice %arg15[%scatter3A_398, %scatter3A_399, %scatter3A_400] : memref<5x128x128xf32, #tpu.memory_space<vmem>> -> memref<1x128x128xf32, #tpu.memory_space<vmem>>
      %scatter3A_402 = tpu.memref_squeeze %scatter3A_401 : memref<1x128x128xf32, #tpu.memory_space<vmem>> -> memref<128x128xf32, #tpu.memory_space<vmem>>
      tpu.vector_store_idx %scatter3A_402[%add3A_345, %broadcast_in_dim3A_396], %gather3A_397 : memref<128x128xf32, #tpu.memory_space<vmem>>[vector<16xi32>, vector<16xi32>], vector<16xf32>,
      %add3A_403 = arith.constant 1 : i32
      %add3A_404 = vector.broadcast %add3A_403 : i32 to vector<16xi32>
      %add3A_405 = arith.addi %add3A_354, %add3A_404 : vector<16xi32>
      %gather3A_406 = tpu.vector_load_idx %arg18[%add3A_405] : memref<8960xf32, #tpu.memory_space<vmem>>[vector<16xi32>], vector<16xf32>,
      %add3A_407 = arith.constant 64 : i32
      %add3A_408 = vector.broadcast %add3A_407 : i32 to vector<16xi32>
      %add3A_409 = arith.addi %broadcast_in_dim3A_396, %add3A_408 : vector<16xi32>
      %scatter3A_410 = arith.constant 0 : i32
      %scatter3A_411 = arith.constant 0 : i32
      %scatter3A_412 = arith.constant 0 : i32
      %scatter3A_413 = tpu.memref_slice %arg15[%scatter3A_410, %scatter3A_411, %scatter3A_412] : memref<5x128x128xf32, #tpu.memory_space<vmem>> -> memref<1x128x128xf32, #tpu.memory_space<vmem>>
      %scatter3A_414 = tpu.memref_squeeze %scatter3A_413 : memref<1x128x128xf32, #tpu.memory_space<vmem>> -> memref<128x128xf32, #tpu.memory_space<vmem>>
      tpu.vector_store_idx %scatter3A_414[%add3A_345, %add3A_409], %gather3A_406 : memref<128x128xf32, #tpu.memory_space<vmem>>[vector<16xi32>, vector<16xi32>], vector<16xf32>,
      %add3A_415 = arith.constant 64 : i32
      %add3A_416 = vector.broadcast %add3A_415 : i32 to vector<16xi32>
      %add3A_417 = arith.addi %iota3A, %add3A_416 : vector<16xi32>
      %mul3A_418 = arith.constant 14 : i32
      %mul3A_419 = vector.broadcast %mul3A_418 : i32 to vector<16xi32>
      %mul3A_420 = arith.muli %add3A_417, %mul3A_419 : vector<16xi32>
      %mul3A_421 = arith.constant 2 : i32
      %mul3A_422 = arith.muli %mul3A_421, %select_n3A : i32
      %add3A_423 = arith.constant 0 : i32
      %add3A_424 = arith.addi %mul3A_422, %add3A_423 : i32
      %add3A_425 = vector.broadcast %add3A_424 : i32 to vector<16xi32>
      %add3A_426 = arith.addi %mul3A_420, %add3A_425 : vector<16xi32>
      %broadcast_in_dim3A_427 = arith.constant 48 : i32
      %broadcast_in_dim3A_428 = vector.broadcast %broadcast_in_dim3A_427 : i32 to vector<16xi32>
      %gather3A_429 = tpu.vector_load_idx %arg16[%add3A_426] : memref<8960xf32, #tpu.memory_space<vmem>>[vector<16xi32>], vector<16xf32>,
      %scatter3A_430 = arith.constant 0 : i32
      %scatter3A_431 = arith.constant 0 : i32
      %scatter3A_432 = arith.constant 0 : i32
      %scatter3A_433 = tpu.memref_slice %arg15[%scatter3A_430, %scatter3A_431, %scatter3A_432] : memref<5x128x128xf32, #tpu.memory_space<vmem>> -> memref<1x128x128xf32, #tpu.memory_space<vmem>>
      %scatter3A_434 = tpu.memref_squeeze %scatter3A_433 : memref<1x128x128xf32, #tpu.memory_space<vmem>> -> memref<128x128xf32, #tpu.memory_space<vmem>>
      tpu.vector_store_idx %scatter3A_434[%add3A_417, %broadcast_in_dim3A_428], %gather3A_429 : memref<128x128xf32, #tpu.memory_space<vmem>>[vector<16xi32>, vector<16xi32>], vector<16xf32>,
      %add3A_435 = arith.constant 1 : i32
      %add3A_436 = vector.broadcast %add3A_435 : i32 to vector<16xi32>
      %add3A_437 = arith.addi %add3A_426, %add3A_436 : vector<16xi32>
      %gather3A_438 = tpu.vector_load_idx %arg16[%add3A_437] : memref<8960xf32, #tpu.memory_space<vmem>>[vector<16xi32>], vector<16xf32>,
      %add3A_439 = arith.constant 64 : i32
      %add3A_440 = vector.broadcast %add3A_439 : i32 to vector<16xi32>
      %add3A_441 = arith.addi %broadcast_in_dim3A_428, %add3A_440 : vector<16xi32>
      %scatter3A_442 = arith.constant 0 : i32
      %scatter3A_443 = arith.constant 0 : i32
      %scatter3A_444 = arith.constant 0 : i32
      %scatter3A_445 = tpu.memref_slice %arg15[%scatter3A_442, %scatter3A_443, %scatter3A_444] : memref<5x128x128xf32, #tpu.memory_space<vmem>> -> memref<1x128x128xf32, #tpu.memory_space<vmem>>
      %scatter3A_446 = tpu.memref_squeeze %scatter3A_445 : memref<1x128x128xf32, #tpu.memory_space<vmem>> -> memref<128x128xf32, #tpu.memory_space<vmem>>
      tpu.vector_store_idx %scatter3A_446[%add3A_417, %add3A_441], %gather3A_438 : memref<128x128xf32, #tpu.memory_space<vmem>>[vector<16xi32>, vector<16xi32>], vector<16xf32>,
      %broadcast_in_dim3A_447 = arith.constant 49 : i32
      %broadcast_in_dim3A_448 = vector.broadcast %broadcast_in_dim3A_447 : i32 to vector<16xi32>
      %gather3A_449 = tpu.vector_load_idx %arg17[%add3A_426] : memref<8960xf32, #tpu.memory_space<vmem>>[vector<16xi32>], vector<16xf32>,
      %scatter3A_450 = arith.constant 0 : i32
      %scatter3A_451 = arith.constant 0 : i32
      %scatter3A_452 = arith.constant 0 : i32
      %scatter3A_453 = tpu.memref_slice %arg15[%scatter3A_450, %scatter3A_451, %scatter3A_452] : memref<5x128x128xf32, #tpu.memory_space<vmem>> -> memref<1x128x128xf32, #tpu.memory_space<vmem>>
      %scatter3A_454 = tpu.memref_squeeze %scatter3A_453 : memref<1x128x128xf32, #tpu.memory_space<vmem>> -> memref<128x128xf32, #tpu.memory_space<vmem>>
      tpu.vector_store_idx %scatter3A_454[%add3A_417, %broadcast_in_dim3A_448], %gather3A_449 : memref<128x128xf32, #tpu.memory_space<vmem>>[vector<16xi32>, vector<16xi32>], vector<16xf32>,
      %add3A_455 = arith.constant 1 : i32
      %add3A_456 = vector.broadcast %add3A_455 : i32 to vector<16xi32>
      %add3A_457 = arith.addi %add3A_426, %add3A_456 : vector<16xi32>
      %gather3A_458 = tpu.vector_load_idx %arg17[%add3A_457] : memref<8960xf32, #tpu.memory_space<vmem>>[vector<16xi32>], vector<16xf32>,
      %add3A_459 = arith.constant 64 : i32
      %add3A_460 = vector.broadcast %add3A_459 : i32 to vector<16xi32>
      %add3A_461 = arith.addi %broadcast_in_dim3A_448, %add3A_460 : vector<16xi32>
      %scatter3A_462 = arith.constant 0 : i32
      %scatter3A_463 = arith.constant 0 : i32
      %scatter3A_464 = arith.constant 0 : i32
      %scatter3A_465 = tpu.memref_slice %arg15[%scatter3A_462, %scatter3A_463, %scatter3A_464] : memref<5x128x128xf32, #tpu.memory_space<vmem>> -> memref<1x128x128xf32, #tpu.memory_space<vmem>>
      %scatter3A_466 = tpu.memref_squeeze %scatter3A_465 : memref<1x128x128xf32, #tpu.memory_space<vmem>> -> memref<128x128xf32, #tpu.memory_space<vmem>>
      tpu.vector_store_idx %scatter3A_466[%add3A_417, %add3A_461], %gather3A_458 : memref<128x128xf32, #tpu.memory_space<vmem>>[vector<16xi32>, vector<16xi32>], vector<16xf32>,
      %broadcast_in_dim3A_467 = arith.constant 50 : i32
      %broadcast_in_dim3A_468 = vector.broadcast %broadcast_in_dim3A_467 : i32 to vector<16xi32>
      %gather3A_469 = tpu.vector_load_idx %arg18[%add3A_426] : memref<8960xf32, #tpu.memory_space<vmem>>[vector<16xi32>], vector<16xf32>,
      %scatter3A_470 = arith.constant 0 : i32
      %scatter3A_471 = arith.constant 0 : i32
      %scatter3A_472 = arith.constant 0 : i32
      %scatter3A_473 = tpu.memref_slice %arg15[%scatter3A_470, %scatter3A_471, %scatter3A_472] : memref<5x128x128xf32, #tpu.memory_space<vmem>> -> memref<1x128x128xf32, #tpu.memory_space<vmem>>
      %scatter3A_474 = tpu.memref_squeeze %scatter3A_473 : memref<1x128x128xf32, #tpu.memory_space<vmem>> -> memref<128x128xf32, #tpu.memory_space<vmem>>
      tpu.vector_store_idx %scatter3A_474[%add3A_417, %broadcast_in_dim3A_468], %gather3A_469 : memref<128x128xf32, #tpu.memory_space<vmem>>[vector<16xi32>, vector<16xi32>], vector<16xf32>,
      %add3A_475 = arith.constant 1 : i32
      %add3A_476 = vector.broadcast %add3A_475 : i32 to vector<16xi32>
      %add3A_477 = arith.addi %add3A_426, %add3A_476 : vector<16xi32>
      %gather3A_478 = tpu.vector_load_idx %arg18[%add3A_477] : memref<8960xf32, #tpu.memory_space<vmem>>[vector<16xi32>], vector<16xf32>,
      %add3A_479 = arith.constant 64 : i32
      %add3A_480 = vector.broadcast %add3A_479 : i32 to vector<16xi32>
      %add3A_481 = arith.addi %broadcast_in_dim3A_468, %add3A_480 : vector<16xi32>
      %scatter3A_482 = arith.constant 0 : i32
      %scatter3A_483 = arith.constant 0 : i32
      %scatter3A_484 = arith.constant 0 : i32
      %scatter3A_485 = tpu.memref_slice %arg15[%scatter3A_482, %scatter3A_483, %scatter3A_484] : memref<5x128x128xf32, #tpu.memory_space<vmem>> -> memref<1x128x128xf32, #tpu.memory_space<vmem>>
      %scatter3A_486 = tpu.memref_squeeze %scatter3A_485 : memref<1x128x128xf32, #tpu.memory_space<vmem>> -> memref<128x128xf32, #tpu.memory_space<vmem>>
      tpu.vector_store_idx %scatter3A_486[%add3A_417, %add3A_481], %gather3A_478 : memref<128x128xf32, #tpu.memory_space<vmem>>[vector<16xi32>, vector<16xi32>], vector<16xf32>,
      %add3A_487 = arith.constant 80 : i32
      %add3A_488 = vector.broadcast %add3A_487 : i32 to vector<16xi32>
      %add3A_489 = arith.addi %iota3A, %add3A_488 : vector<16xi32>
      %mul3A_490 = arith.constant 14 : i32
      %mul3A_491 = vector.broadcast %mul3A_490 : i32 to vector<16xi32>
      %mul3A_492 = arith.muli %add3A_489, %mul3A_491 : vector<16xi32>
      %mul3A_493 = arith.constant 2 : i32
      %mul3A_494 = arith.muli %mul3A_493, %select_n3A : i32
      %add3A_495 = arith.constant 0 : i32
      %add3A_496 = arith.addi %mul3A_494, %add3A_495 : i32
      %add3A_497 = vector.broadcast %add3A_496 : i32 to vector<16xi32>
      %add3A_498 = arith.addi %mul3A_492, %add3A_497 : vector<16xi32>
      %broadcast_in_dim3A_499 = arith.constant 48 : i32
      %broadcast_in_dim3A_500 = vector.broadcast %broadcast_in_dim3A_499 : i32 to vector<16xi32>
      %gather3A_501 = tpu.vector_load_idx %arg16[%add3A_498] : memref<8960xf32, #tpu.memory_space<vmem>>[vector<16xi32>], vector<16xf32>,
      %scatter3A_502 = arith.constant 0 : i32
      %scatter3A_503 = arith.constant 0 : i32
      %scatter3A_504 = arith.constant 0 : i32
      %scatter3A_505 = tpu.memref_slice %arg15[%scatter3A_502, %scatter3A_503, %scatter3A_504] : memref<5x128x128xf32, #tpu.memory_space<vmem>> -> memref<1x128x128xf32, #tpu.memory_space<vmem>>
      %scatter3A_506 = tpu.memref_squeeze %scatter3A_505 : memref<1x128x128xf32, #tpu.memory_space<vmem>> -> memref<128x128xf32, #tpu.memory_space<vmem>>
      tpu.vector_store_idx %scatter3A_506[%add3A_489, %broadcast_in_dim3A_500], %gather3A_501 : memref<128x128xf32, #tpu.memory_space<vmem>>[vector<16xi32>, vector<16xi32>], vector<16xf32>,
      %add3A_507 = arith.constant 1 : i32
      %add3A_508 = vector.broadcast %add3A_507 : i32 to vector<16xi32>
      %add3A_509 = arith.addi %add3A_498, %add3A_508 : vector<16xi32>
      %gather3A_510 = tpu.vector_load_idx %arg16[%add3A_509] : memref<8960xf32, #tpu.memory_space<vmem>>[vector<16xi32>], vector<16xf32>,
      %add3A_511 = arith.constant 64 : i32
      %add3A_512 = vector.broadcast %add3A_511 : i32 to vector<16xi32>
      %add3A_513 = arith.addi %broadcast_in_dim3A_500, %add3A_512 : vector<16xi32>
      %scatter3A_514 = arith.constant 0 : i32
      %scatter3A_515 = arith.constant 0 : i32
      %scatter3A_516 = arith.constant 0 : i32
      %scatter3A_517 = tpu.memref_slice %arg15[%scatter3A_514, %scatter3A_515, %scatter3A_516] : memref<5x128x128xf32, #tpu.memory_space<vmem>> -> memref<1x128x128xf32, #tpu.memory_space<vmem>>
      %scatter3A_518 = tpu.memref_squeeze %scatter3A_517 : memref<1x128x128xf32, #tpu.memory_space<vmem>> -> memref<128x128xf32, #tpu.memory_space<vmem>>
      tpu.vector_store_idx %scatter3A_518[%add3A_489, %add3A_513], %gather3A_510 : memref<128x128xf32, #tpu.memory_space<vmem>>[vector<16xi32>, vector<16xi32>], vector<16xf32>,
      %broadcast_in_dim3A_519 = arith.constant 49 : i32
      %broadcast_in_dim3A_520 = vector.broadcast %broadcast_in_dim3A_519 : i32 to vector<16xi32>
      %gather3A_521 = tpu.vector_load_idx %arg17[%add3A_498] : memref<8960xf32, #tpu.memory_space<vmem>>[vector<16xi32>], vector<16xf32>,
      %scatter3A_522 = arith.constant 0 : i32
      %scatter3A_523 = arith.constant 0 : i32
      %scatter3A_524 = arith.constant 0 : i32
      %scatter3A_525 = tpu.memref_slice %arg15[%scatter3A_522, %scatter3A_523, %scatter3A_524] : memref<5x128x128xf32, #tpu.memory_space<vmem>> -> memref<1x128x128xf32, #tpu.memory_space<vmem>>
      %scatter3A_526 = tpu.memref_squeeze %scatter3A_525 : memref<1x128x128xf32, #tpu.memory_space<vmem>> -> memref<128x128xf32, #tpu.memory_space<vmem>>
      tpu.vector_store_idx %scatter3A_526[%add3A_489, %broadcast_in_dim3A_520], %gather3A_521 : memref<128x128xf32, #tpu.memory_space<vmem>>[vector<16xi32>, vector<16xi32>], vector<16xf32>,
      %add3A_527 = arith.constant 1 : i32
      %add3A_528 = vector.broadcast %add3A_527 : i32 to vector<16xi32>
      %add3A_529 = arith.addi %add3A_498, %add3A_528 : vector<16xi32>
      %gather3A_530 = tpu.vector_load_idx %arg17[%add3A_529] : memref<8960xf32, #tpu.memory_space<vmem>>[vector<16xi32>], vector<16xf32>,
      %add3A_531 = arith.constant 64 : i32
      %add3A_532 = vector.broadcast %add3A_531 : i32 to vector<16xi32>
      %add3A_533 = arith.addi %broadcast_in_dim3A_520, %add3A_532 : vector<16xi32>
      %scatter3A_534 = arith.constant 0 : i32
      %scatter3A_535 = arith.constant 0 : i32
      %scatter3A_536 = arith.constant 0 : i32
      %scatter3A_537 = tpu.memref_slice %arg15[%scatter3A_534, %scatter3A_535, %scatter3A_536] : memref<5x128x128xf32, #tpu.memory_space<vmem>> -> memref<1x128x128xf32, #tpu.memory_space<vmem>>
      %scatter3A_538 = tpu.memref_squeeze %scatter3A_537 : memref<1x128x128xf32, #tpu.memory_space<vmem>> -> memref<128x128xf32, #tpu.memory_space<vmem>>
      tpu.vector_store_idx %scatter3A_538[%add3A_489, %add3A_533], %gather3A_530 : memref<128x128xf32, #tpu.memory_space<vmem>>[vector<16xi32>, vector<16xi32>], vector<16xf32>,
      %broadcast_in_dim3A_539 = arith.constant 50 : i32
      %broadcast_in_dim3A_540 = vector.broadcast %broadcast_in_dim3A_539 : i32 to vector<16xi32>
      %gather3A_541 = tpu.vector_load_idx %arg18[%add3A_498] : memref<8960xf32, #tpu.memory_space<vmem>>[vector<16xi32>], vector<16xf32>,
      %scatter3A_542 = arith.constant 0 : i32
      %scatter3A_543 = arith.constant 0 : i32
      %scatter3A_544 = arith.constant 0 : i32
      %scatter3A_545 = tpu.memref_slice %arg15[%scatter3A_542, %scatter3A_543, %scatter3A_544] : memref<5x128x128xf32, #tpu.memory_space<vmem>> -> memref<1x128x128xf32, #tpu.memory_space<vmem>>
      %scatter3A_546 = tpu.memref_squeeze %scatter3A_545 : memref<1x128x128xf32, #tpu.memory_space<vmem>> -> memref<128x128xf32, #tpu.memory_space<vmem>>
      tpu.vector_store_idx %scatter3A_546[%add3A_489, %broadcast_in_dim3A_540], %gather3A_541 : memref<128x128xf32, #tpu.memory_space<vmem>>[vector<16xi32>, vector<16xi32>], vector<16xf32>,
      %add3A_547 = arith.constant 1 : i32
      %add3A_548 = vector.broadcast %add3A_547 : i32 to vector<16xi32>
      %add3A_549 = arith.addi %add3A_498, %add3A_548 : vector<16xi32>
      %gather3A_550 = tpu.vector_load_idx %arg18[%add3A_549] : memref<8960xf32, #tpu.memory_space<vmem>>[vector<16xi32>], vector<16xf32>,
      %add3A_551 = arith.constant 64 : i32
      %add3A_552 = vector.broadcast %add3A_551 : i32 to vector<16xi32>
      %add3A_553 = arith.addi %broadcast_in_dim3A_540, %add3A_552 : vector<16xi32>
      %scatter3A_554 = arith.constant 0 : i32
      %scatter3A_555 = arith.constant 0 : i32
      %scatter3A_556 = arith.constant 0 : i32
      %scatter3A_557 = tpu.memref_slice %arg15[%scatter3A_554, %scatter3A_555, %scatter3A_556] : memref<5x128x128xf32, #tpu.memory_space<vmem>> -> memref<1x128x128xf32, #tpu.memory_space<vmem>>
      %scatter3A_558 = tpu.memref_squeeze %scatter3A_557 : memref<1x128x128xf32, #tpu.memory_space<vmem>> -> memref<128x128xf32, #tpu.memory_space<vmem>>
      tpu.vector_store_idx %scatter3A_558[%add3A_489, %add3A_553], %gather3A_550 : memref<128x128xf32, #tpu.memory_space<vmem>>[vector<16xi32>, vector<16xi32>], vector<16xf32>,
      %add3A_559 = arith.constant 96 : i32
      %add3A_560 = vector.broadcast %add3A_559 : i32 to vector<16xi32>
      %add3A_561 = arith.addi %iota3A, %add3A_560 : vector<16xi32>
      %mul3A_562 = arith.constant 14 : i32
      %mul3A_563 = vector.broadcast %mul3A_562 : i32 to vector<16xi32>
      %mul3A_564 = arith.muli %add3A_561, %mul3A_563 : vector<16xi32>
      %mul3A_565 = arith.constant 2 : i32
      %mul3A_566 = arith.muli %mul3A_565, %select_n3A : i32
      %add3A_567 = arith.constant 0 : i32
      %add3A_568 = arith.addi %mul3A_566, %add3A_567 : i32
      %add3A_569 = vector.broadcast %add3A_568 : i32 to vector<16xi32>
      %add3A_570 = arith.addi %mul3A_564, %add3A_569 : vector<16xi32>
      %broadcast_in_dim3A_571 = arith.constant 48 : i32
      %broadcast_in_dim3A_572 = vector.broadcast %broadcast_in_dim3A_571 : i32 to vector<16xi32>
      %gather3A_573 = tpu.vector_load_idx %arg16[%add3A_570] : memref<8960xf32, #tpu.memory_space<vmem>>[vector<16xi32>], vector<16xf32>,
      %scatter3A_574 = arith.constant 0 : i32
      %scatter3A_575 = arith.constant 0 : i32
      %scatter3A_576 = arith.constant 0 : i32
      %scatter3A_577 = tpu.memref_slice %arg15[%scatter3A_574, %scatter3A_575, %scatter3A_576] : memref<5x128x128xf32, #tpu.memory_space<vmem>> -> memref<1x128x128xf32, #tpu.memory_space<vmem>>
      %scatter3A_578 = tpu.memref_squeeze %scatter3A_577 : memref<1x128x128xf32, #tpu.memory_space<vmem>> -> memref<128x128xf32, #tpu.memory_space<vmem>>
      tpu.vector_store_idx %scatter3A_578[%add3A_561, %broadcast_in_dim3A_572], %gather3A_573 : memref<128x128xf32, #tpu.memory_space<vmem>>[vector<16xi32>, vector<16xi32>], vector<16xf32>,
      %add3A_579 = arith.constant 1 : i32
      %add3A_580 = vector.broadcast %add3A_579 : i32 to vector<16xi32>
      %add3A_581 = arith.addi %add3A_570, %add3A_580 : vector<16xi32>
      %gather3A_582 = tpu.vector_load_idx %arg16[%add3A_581] : memref<8960xf32, #tpu.memory_space<vmem>>[vector<16xi32>], vector<16xf32>,
      %add3A_583 = arith.constant 64 : i32
      %add3A_584 = vector.broadcast %add3A_583 : i32 to vector<16xi32>
      %add3A_585 = arith.addi %broadcast_in_dim3A_572, %add3A_584 : vector<16xi32>
      %scatter3A_586 = arith.constant 0 : i32
      %scatter3A_587 = arith.constant 0 : i32
      %scatter3A_588 = arith.constant 0 : i32
      %scatter3A_589 = tpu.memref_slice %arg15[%scatter3A_586, %scatter3A_587, %scatter3A_588] : memref<5x128x128xf32, #tpu.memory_space<vmem>> -> memref<1x128x128xf32, #tpu.memory_space<vmem>>
      %scatter3A_590 = tpu.memref_squeeze %scatter3A_589 : memref<1x128x128xf32, #tpu.memory_space<vmem>> -> memref<128x128xf32, #tpu.memory_space<vmem>>
      tpu.vector_store_idx %scatter3A_590[%add3A_561, %add3A_585], %gather3A_582 : memref<128x128xf32, #tpu.memory_space<vmem>>[vector<16xi32>, vector<16xi32>], vector<16xf32>,
      %broadcast_in_dim3A_591 = arith.constant 49 : i32
      %broadcast_in_dim3A_592 = vector.broadcast %broadcast_in_dim3A_591 : i32 to vector<16xi32>
      %gather3A_593 = tpu.vector_load_idx %arg17[%add3A_570] : memref<8960xf32, #tpu.memory_space<vmem>>[vector<16xi32>], vector<16xf32>,
      %scatter3A_594 = arith.constant 0 : i32
      %scatter3A_595 = arith.constant 0 : i32
      %scatter3A_596 = arith.constant 0 : i32
      %scatter3A_597 = tpu.memref_slice %arg15[%scatter3A_594, %scatter3A_595, %scatter3A_596] : memref<5x128x128xf32, #tpu.memory_space<vmem>> -> memref<1x128x128xf32, #tpu.memory_space<vmem>>
      %scatter3A_598 = tpu.memref_squeeze %scatter3A_597 : memref<1x128x128xf32, #tpu.memory_space<vmem>> -> memref<128x128xf32, #tpu.memory_space<vmem>>
      tpu.vector_store_idx %scatter3A_598[%add3A_561, %broadcast_in_dim3A_592], %gather3A_593 : memref<128x128xf32, #tpu.memory_space<vmem>>[vector<16xi32>, vector<16xi32>], vector<16xf32>,
      %add3A_599 = arith.constant 1 : i32
      %add3A_600 = vector.broadcast %add3A_599 : i32 to vector<16xi32>
      %add3A_601 = arith.addi %add3A_570, %add3A_600 : vector<16xi32>
      %gather3A_602 = tpu.vector_load_idx %arg17[%add3A_601] : memref<8960xf32, #tpu.memory_space<vmem>>[vector<16xi32>], vector<16xf32>,
      %add3A_603 = arith.constant 64 : i32
      %add3A_604 = vector.broadcast %add3A_603 : i32 to vector<16xi32>
      %add3A_605 = arith.addi %broadcast_in_dim3A_592, %add3A_604 : vector<16xi32>
      %scatter3A_606 = arith.constant 0 : i32
      %scatter3A_607 = arith.constant 0 : i32
      %scatter3A_608 = arith.constant 0 : i32
      %scatter3A_609 = tpu.memref_slice %arg15[%scatter3A_606, %scatter3A_607, %scatter3A_608] : memref<5x128x128xf32, #tpu.memory_space<vmem>> -> memref<1x128x128xf32, #tpu.memory_space<vmem>>
      %scatter3A_610 = tpu.memref_squeeze %scatter3A_609 : memref<1x128x128xf32, #tpu.memory_space<vmem>> -> memref<128x128xf32, #tpu.memory_space<vmem>>
      tpu.vector_store_idx %scatter3A_610[%add3A_561, %add3A_605], %gather3A_602 : memref<128x128xf32, #tpu.memory_space<vmem>>[vector<16xi32>, vector<16xi32>], vector<16xf32>,
      %broadcast_in_dim3A_611 = arith.constant 50 : i32
      %broadcast_in_dim3A_612 = vector.broadcast %broadcast_in_dim3A_611 : i32 to vector<16xi32>
      %gather3A_613 = tpu.vector_load_idx %arg18[%add3A_570] : memref<8960xf32, #tpu.memory_space<vmem>>[vector<16xi32>], vector<16xf32>,
      %scatter3A_614 = arith.constant 0 : i32
      %scatter3A_615 = arith.constant 0 : i32
      %scatter3A_616 = arith.constant 0 : i32
      %scatter3A_617 = tpu.memref_slice %arg15[%scatter3A_614, %scatter3A_615, %scatter3A_616] : memref<5x128x128xf32, #tpu.memory_space<vmem>> -> memref<1x128x128xf32, #tpu.memory_space<vmem>>
      %scatter3A_618 = tpu.memref_squeeze %scatter3A_617 : memref<1x128x128xf32, #tpu.memory_space<vmem>> -> memref<128x128xf32, #tpu.memory_space<vmem>>
      tpu.vector_store_idx %scatter3A_618[%add3A_561, %broadcast_in_dim3A_612], %gather3A_613 : memref<128x128xf32, #tpu.memory_space<vmem>>[vector<16xi32>, vector<16xi32>], vector<16xf32>,
      %add3A_619 = arith.constant 1 : i32
      %add3A_620 = vector.broadcast %add3A_619 : i32 to vector<16xi32>
      %add3A_621 = arith.addi %add3A_570, %add3A_620 : vector<16xi32>
      %gather3A_622 = tpu.vector_load_idx %arg18[%add3A_621] : memref<8960xf32, #tpu.memory_space<vmem>>[vector<16xi32>], vector<16xf32>,
      %add3A_623 = arith.constant 64 : i32
      %add3A_624 = vector.broadcast %add3A_623 : i32 to vector<16xi32>
      %add3A_625 = arith.addi %broadcast_in_dim3A_612, %add3A_624 : vector<16xi32>
      %scatter3A_626 = arith.constant 0 : i32
      %scatter3A_627 = arith.constant 0 : i32
      %scatter3A_628 = arith.constant 0 : i32
      %scatter3A_629 = tpu.memref_slice %arg15[%scatter3A_626, %scatter3A_627, %scatter3A_628] : memref<5x128x128xf32, #tpu.memory_space<vmem>> -> memref<1x128x128xf32, #tpu.memory_space<vmem>>
      %scatter3A_630 = tpu.memref_squeeze %scatter3A_629 : memref<1x128x128xf32, #tpu.memory_space<vmem>> -> memref<128x128xf32, #tpu.memory_space<vmem>>
      tpu.vector_store_idx %scatter3A_630[%add3A_561, %add3A_625], %gather3A_622 : memref<128x128xf32, #tpu.memory_space<vmem>>[vector<16xi32>, vector<16xi32>], vector<16xf32>,
      %add3A_631 = arith.constant 112 : i32
      %add3A_632 = vector.broadcast %add3A_631 : i32 to vector<16xi32>
      %add3A_633 = arith.addi %iota3A, %add3A_632 : vector<16xi32>
      %mul3A_634 = arith.constant 14 : i32
      %mul3A_635 = vector.broadcast %mul3A_634 : i32 to vector<16xi32>
      %mul3A_636 = arith.muli %add3A_633, %mul3A_635 : vector<16xi32>
      %mul3A_637 = arith.constant 2 : i32
      %mul3A_638 = arith.muli %mul3A_637, %select_n3A : i32
      %add3A_639 = arith.constant 0 : i32
      %add3A_640 = arith.addi %mul3A_638, %add3A_639 : i32
      %add3A_641 = vector.broadcast %add3A_640 : i32 to vector<16xi32>
      %add3A_642 = arith.addi %mul3A_636, %add3A_641 : vector<16xi32>
      %broadcast_in_dim3A_643 = arith.constant 48 : i32
      %broadcast_in_dim3A_644 = vector.broadcast %broadcast_in_dim3A_643 : i32 to vector<16xi32>
      %gather3A_645 = tpu.vector_load_idx %arg16[%add3A_642] : memref<8960xf32, #tpu.memory_space<vmem>>[vector<16xi32>], vector<16xf32>,
      %scatter3A_646 = arith.constant 0 : i32
      %scatter3A_647 = arith.constant 0 : i32
      %scatter3A_648 = arith.constant 0 : i32
      %scatter3A_649 = tpu.memref_slice %arg15[%scatter3A_646, %scatter3A_647, %scatter3A_648] : memref<5x128x128xf32, #tpu.memory_space<vmem>> -> memref<1x128x128xf32, #tpu.memory_space<vmem>>
      %scatter3A_650 = tpu.memref_squeeze %scatter3A_649 : memref<1x128x128xf32, #tpu.memory_space<vmem>> -> memref<128x128xf32, #tpu.memory_space<vmem>>
      tpu.vector_store_idx %scatter3A_650[%add3A_633, %broadcast_in_dim3A_644], %gather3A_645 : memref<128x128xf32, #tpu.memory_space<vmem>>[vector<16xi32>, vector<16xi32>], vector<16xf32>,
      %add3A_651 = arith.constant 1 : i32
      %add3A_652 = vector.broadcast %add3A_651 : i32 to vector<16xi32>
      %add3A_653 = arith.addi %add3A_642, %add3A_652 : vector<16xi32>
      %gather3A_654 = tpu.vector_load_idx %arg16[%add3A_653] : memref<8960xf32, #tpu.memory_space<vmem>>[vector<16xi32>], vector<16xf32>,
      %add3A_655 = arith.constant 64 : i32
      %add3A_656 = vector.broadcast %add3A_655 : i32 to vector<16xi32>
      %add3A_657 = arith.addi %broadcast_in_dim3A_644, %add3A_656 : vector<16xi32>
      %scatter3A_658 = arith.constant 0 : i32
      %scatter3A_659 = arith.constant 0 : i32
      %scatter3A_660 = arith.constant 0 : i32
      %scatter3A_661 = tpu.memref_slice %arg15[%scatter3A_658, %scatter3A_659, %scatter3A_660] : memref<5x128x128xf32, #tpu.memory_space<vmem>> -> memref<1x128x128xf32, #tpu.memory_space<vmem>>
      %scatter3A_662 = tpu.memref_squeeze %scatter3A_661 : memref<1x128x128xf32, #tpu.memory_space<vmem>> -> memref<128x128xf32, #tpu.memory_space<vmem>>
      tpu.vector_store_idx %scatter3A_662[%add3A_633, %add3A_657], %gather3A_654 : memref<128x128xf32, #tpu.memory_space<vmem>>[vector<16xi32>, vector<16xi32>], vector<16xf32>,
      %broadcast_in_dim3A_663 = arith.constant 49 : i32
      %broadcast_in_dim3A_664 = vector.broadcast %broadcast_in_dim3A_663 : i32 to vector<16xi32>
      %gather3A_665 = tpu.vector_load_idx %arg17[%add3A_642] : memref<8960xf32, #tpu.memory_space<vmem>>[vector<16xi32>], vector<16xf32>,
      %scatter3A_666 = arith.constant 0 : i32
      %scatter3A_667 = arith.constant 0 : i32
      %scatter3A_668 = arith.constant 0 : i32
      %scatter3A_669 = tpu.memref_slice %arg15[%scatter3A_666, %scatter3A_667, %scatter3A_668] : memref<5x128x128xf32, #tpu.memory_space<vmem>> -> memref<1x128x128xf32, #tpu.memory_space<vmem>>
      %scatter3A_670 = tpu.memref_squeeze %scatter3A_669 : memref<1x128x128xf32, #tpu.memory_space<vmem>> -> memref<128x128xf32, #tpu.memory_space<vmem>>
      tpu.vector_store_idx %scatter3A_670[%add3A_633, %broadcast_in_dim3A_664], %gather3A_665 : memref<128x128xf32, #tpu.memory_space<vmem>>[vector<16xi32>, vector<16xi32>], vector<16xf32>,
      %add3A_671 = arith.constant 1 : i32
      %add3A_672 = vector.broadcast %add3A_671 : i32 to vector<16xi32>
      %add3A_673 = arith.addi %add3A_642, %add3A_672 : vector<16xi32>
      %gather3A_674 = tpu.vector_load_idx %arg17[%add3A_673] : memref<8960xf32, #tpu.memory_space<vmem>>[vector<16xi32>], vector<16xf32>,
      %add3A_675 = arith.constant 64 : i32
      %add3A_676 = vector.broadcast %add3A_675 : i32 to vector<16xi32>
      %add3A_677 = arith.addi %broadcast_in_dim3A_664, %add3A_676 : vector<16xi32>
      %scatter3A_678 = arith.constant 0 : i32
      %scatter3A_679 = arith.constant 0 : i32
      %scatter3A_680 = arith.constant 0 : i32
      %scatter3A_681 = tpu.memref_slice %arg15[%scatter3A_678, %scatter3A_679, %scatter3A_680] : memref<5x128x128xf32, #tpu.memory_space<vmem>> -> memref<1x128x128xf32, #tpu.memory_space<vmem>>
      %scatter3A_682 = tpu.memref_squeeze %scatter3A_681 : memref<1x128x128xf32, #tpu.memory_space<vmem>> -> memref<128x128xf32, #tpu.memory_space<vmem>>
      tpu.vector_store_idx %scatter3A_682[%add3A_633, %add3A_677], %gather3A_674 : memref<128x128xf32, #tpu.memory_space<vmem>>[vector<16xi32>, vector<16xi32>], vector<16xf32>,
      %broadcast_in_dim3A_683 = arith.constant 50 : i32
      %broadcast_in_dim3A_684 = vector.broadcast %broadcast_in_dim3A_683 : i32 to vector<16xi32>
      %gather3A_685 = tpu.vector_load_idx %arg18[%add3A_642] : memref<8960xf32, #tpu.memory_space<vmem>>[vector<16xi32>], vector<16xf32>,
      %scatter3A_686 = arith.constant 0 : i32
      %scatter3A_687 = arith.constant 0 : i32
      %scatter3A_688 = arith.constant 0 : i32
      %scatter3A_689 = tpu.memref_slice %arg15[%scatter3A_686, %scatter3A_687, %scatter3A_688] : memref<5x128x128xf32, #tpu.memory_space<vmem>> -> memref<1x128x128xf32, #tpu.memory_space<vmem>>
      %scatter3A_690 = tpu.memref_squeeze %scatter3A_689 : memref<1x128x128xf32, #tpu.memory_space<vmem>> -> memref<128x128xf32, #tpu.memory_space<vmem>>
      tpu.vector_store_idx %scatter3A_690[%add3A_633, %broadcast_in_dim3A_684], %gather3A_685 : memref<128x128xf32, #tpu.memory_space<vmem>>[vector<16xi32>, vector<16xi32>], vector<16xf32>,
      %add3A_691 = arith.constant 1 : i32
      %add3A_692 = vector.broadcast %add3A_691 : i32 to vector<16xi32>
      %add3A_693 = arith.addi %add3A_642, %add3A_692 : vector<16xi32>
      %gather3A_694 = tpu.vector_load_idx %arg18[%add3A_693] : memref<8960xf32, #tpu.memory_space<vmem>>[vector<16xi32>], vector<16xf32>,
      %add3A_695 = arith.constant 64 : i32
      %add3A_696 = vector.broadcast %add3A_695 : i32 to vector<16xi32>
      %add3A_697 = arith.addi %broadcast_in_dim3A_684, %add3A_696 : vector<16xi32>
      %scatter3A_698 = arith.constant 0 : i32
      %scatter3A_699 = arith.constant 0 : i32
      %scatter3A_700 = arith.constant 0 : i32
      %scatter3A_701 = tpu.memref_slice %arg15[%scatter3A_698, %scatter3A_699, %scatter3A_700] : memref<5x128x128xf32, #tpu.memory_space<vmem>> -> memref<1x128x128xf32, #tpu.memory_space<vmem>>
      %scatter3A_702 = tpu.memref_squeeze %scatter3A_701 : memref<1x128x128xf32, #tpu.memory_space<vmem>> -> memref<128x128xf32, #tpu.memory_space<vmem>>
      tpu.vector_store_idx %scatter3A_702[%add3A_633, %add3A_697], %gather3A_694 : memref<128x128xf32, #tpu.memory_space<vmem>>[vector<16xi32>, vector<16xi32>], vector<16xf32>,
      %add3A_703 = arith.constant 0 : i32
      %add3A_704 = arith.addi %add3A_17, %add3A_703 : i32
      %dma_start3A_705 = arith.constant 0 : i32
      %dma_start3A_706 = arith.constant 0 : i32
      %dma_start3A_707 = arith.constant 0 : i32
      %dma_start3A_708 = tpu.memref_slice %arg15[%dma_start3A_705, %dma_start3A_706, %dma_start3A_707] : memref<5x128x128xf32, #tpu.memory_space<vmem>> -> memref<1x128x128xf32, #tpu.memory_space<vmem>>
      %dma_start3A_709 = tpu.memref_squeeze %dma_start3A_708 : memref<1x128x128xf32, #tpu.memory_space<vmem>> -> memref<128x128xf32, #tpu.memory_space<vmem>>
      %dma_start3A_710 = arith.constant 0 : i32
      %dma_start3A_711 = arith.constant 0 : i32
      %dma_start3A_712 = tpu.memref_slice %arg11[%add3A_704, %dma_start3A_710, %dma_start3A_711] : memref<5600x128x128xf32, #tpu.memory_space<hbm>> -> memref<1x128x128xf32, #tpu.memory_space<hbm>>
      %dma_start3A_713 = tpu.memref_squeeze %dma_start3A_712 : memref<1x128x128xf32, #tpu.memory_space<hbm>> -> memref<128x128xf32, #tpu.memory_space<hbm>>
      %dma_start3A_714 = arith.constant 0 : i32
      %dma_start3A_715 = arith.constant 0 : i32
      %dma_start3A_716 = tpu.memref_slice %arg11[%add3A_704, %dma_start3A_714, %dma_start3A_715] : memref<5600x128x128xf32, #tpu.memory_space<hbm>> -> memref<1x128x128xf32, #tpu.memory_space<hbm>>
      %dma_start3A_717 = tpu.memref_squeeze %dma_start3A_716 : memref<1x128x128xf32, #tpu.memory_space<hbm>> -> memref<128x128xf32, #tpu.memory_space<hbm>>
      %dma_start3A_718 = arith.constant 0 : i32
      %dma_start3A_719 = arith.constant 0 : i32
      %dma_start3A_720 = tpu.memref_slice %arg15[%dma_start3A_705, %dma_start3A_718, %dma_start3A_719] : memref<5x128x128xf32, #tpu.memory_space<vmem>> -> memref<1x128x128xf32, #tpu.memory_space<vmem>>
      %dma_start3A_721 = tpu.memref_squeeze %dma_start3A_720 : memref<1x128x128xf32, #tpu.memory_space<vmem>> -> memref<128x128xf32, #tpu.memory_space<vmem>>
      tpu.enqueue_dma source(%dma_start3A_721 : memref<128x128xf32, #tpu.memory_space<vmem>>) target(%dma_start3A_717 : memref<128x128xf32, #tpu.memory_space<hbm>>) target_semaphore(%arg20 : memref<!tpu.dma_semaphore, #tpu.memory_space<semaphore_mem>>)
      %dma_wait3A_722 = arith.constant 1 : i32
      %dma_wait3A_723 = arith.constant 0 : i32
      %dma_wait3A_724 = arith.constant 0 : i32
      %dma_wait3A_725 = tpu.memref_slice %arg15[%dma_wait3A_722, %dma_wait3A_723, %dma_wait3A_724] : memref<5x128x128xf32, #tpu.memory_space<vmem>> -> memref<1x128x128xf32, #tpu.memory_space<vmem>>
      %dma_wait3A_726 = tpu.memref_squeeze %dma_wait3A_725 : memref<1x128x128xf32, #tpu.memory_space<vmem>> -> memref<128x128xf32, #tpu.memory_space<vmem>>
      %dma_wait3A_727 = arith.constant 128 : i32
      %dma_wait3A_728 = tpu.memref_slice %arg14[%dma_wait3A_727] : memref<640xi32, #tpu.memory_space<vmem>> -> memref<128xi32, #tpu.memory_space<vmem>>
      %dma_wait3A_729 = arith.constant 0 : i32
      %dma_wait3A_730 = arith.constant 0 : i32
      %dma_wait3A_731 = tpu.memref_slice %arg2[%dma_wait3A_729, %dma_wait3A_730] : memref<51984x128xf32, #tpu.memory_space<hbm>> -> memref<51984x128xf32, #tpu.memory_space<hbm>>
      tpu.wait_indirect_dma semaphore(%arg19 : memref<!tpu.dma_semaphore, #tpu.memory_space<semaphore_mem>>) src(%dma_wait3A_731 : memref<51984x128xf32, #tpu.memory_space<hbm>>) dst(%dma_wait3A_726 : memref<128x128xf32, #tpu.memory_space<vmem>>)
      %add3A_732 = arith.constant 0 : i32
      %add3A_733 = vector.broadcast %add3A_732 : i32 to vector<16xi32>
      %add3A_734 = arith.addi %iota3A, %add3A_733 : vector<16xi32>
      %mul3A_735 = arith.constant 14 : i32
      %mul3A_736 = vector.broadcast %mul3A_735 : i32 to vector<16xi32>
      %mul3A_737 = arith.muli %add3A_734, %mul3A_736 : vector<16xi32>
      %mul3A_738 = arith.constant 2 : i32
      %mul3A_739 = arith.muli %mul3A_738, %select_n3A : i32
      %add3A_740 = arith.constant 1792 : i32
      %add3A_741 = arith.addi %mul3A_739, %add3A_740 : i32
      %add3A_742 = vector.broadcast %add3A_741 : i32 to vector<16xi32>
      %add3A_743 = arith.addi %mul3A_737, %add3A_742 : vector<16xi32>
      %broadcast_in_dim3A_744 = arith.constant 48 : i32
      %broadcast_in_dim3A_745 = vector.broadcast %broadcast_in_dim3A_744 : i32 to vector<16xi32>
      %gather3A_746 = tpu.vector_load_idx %arg16[%add3A_743] : memref<8960xf32, #tpu.memory_space<vmem>>[vector<16xi32>], vector<16xf32>,
      %scatter3A_747 = arith.constant 1 : i32
      %scatter3A_748 = arith.constant 0 : i32
      %scatter3A_749 = arith.constant 0 : i32
      %scatter3A_750 = tpu.memref_slice %arg15[%scatter3A_747, %scatter3A_748, %scatter3A_749] : memref<5x128x128xf32, #tpu.memory_space<vmem>> -> memref<1x128x128xf32, #tpu.memory_space<vmem>>
      %scatter3A_751 = tpu.memref_squeeze %scatter3A_750 : memref<1x128x128xf32, #tpu.memory_space<vmem>> -> memref<128x128xf32, #tpu.memory_space<vmem>>
      tpu.vector_store_idx %scatter3A_751[%add3A_734, %broadcast_in_dim3A_745], %gather3A_746 : memref<128x128xf32, #tpu.memory_space<vmem>>[vector<16xi32>, vector<16xi32>], vector<16xf32>,
      %add3A_752 = arith.constant 1 : i32
      %add3A_753 = vector.broadcast %add3A_752 : i32 to vector<16xi32>
      %add3A_754 = arith.addi %add3A_743, %add3A_753 : vector<16xi32>
      %gather3A_755 = tpu.vector_load_idx %arg16[%add3A_754] : memref<8960xf32, #tpu.memory_space<vmem>>[vector<16xi32>], vector<16xf32>,
      %add3A_756 = arith.constant 64 : i32
      %add3A_757 = vector.broadcast %add3A_756 : i32 to vector<16xi32>
      %add3A_758 = arith.addi %broadcast_in_dim3A_745, %add3A_757 : vector<16xi32>
      %scatter3A_759 = arith.constant 1 : i32
      %scatter3A_760 = arith.constant 0 : i32
      %scatter3A_761 = arith.constant 0 : i32
      %scatter3A_762 = tpu.memref_slice %arg15[%scatter3A_759, %scatter3A_760, %scatter3A_761] : memref<5x128x128xf32, #tpu.memory_space<vmem>> -> memref<1x128x128xf32, #tpu.memory_space<vmem>>
      %scatter3A_763 = tpu.memref_squeeze %scatter3A_762 : memref<1x128x128xf32, #tpu.memory_space<vmem>> -> memref<128x128xf32, #tpu.memory_space<vmem>>
      tpu.vector_store_idx %scatter3A_763[%add3A_734, %add3A_758], %gather3A_755 : memref<128x128xf32, #tpu.memory_space<vmem>>[vector<16xi32>, vector<16xi32>], vector<16xf32>,
      %broadcast_in_dim3A_764 = arith.constant 49 : i32
      %broadcast_in_dim3A_765 = vector.broadcast %broadcast_in_dim3A_764 : i32 to vector<16xi32>
      %gather3A_766 = tpu.vector_load_idx %arg17[%add3A_743] : memref<8960xf32, #tpu.memory_space<vmem>>[vector<16xi32>], vector<16xf32>,
      %scatter3A_767 = arith.constant 1 : i32
      %scatter3A_768 = arith.constant 0 : i32
      %scatter3A_769 = arith.constant 0 : i32
      %scatter3A_770 = tpu.memref_slice %arg15[%scatter3A_767, %scatter3A_768, %scatter3A_769] : memref<5x128x128xf32, #tpu.memory_space<vmem>> -> memref<1x128x128xf32, #tpu.memory_space<vmem>>
      %scatter3A_771 = tpu.memref_squeeze %scatter3A_770 : memref<1x128x128xf32, #tpu.memory_space<vmem>> -> memref<128x128xf32, #tpu.memory_space<vmem>>
      tpu.vector_store_idx %scatter3A_771[%add3A_734, %broadcast_in_dim3A_765], %gather3A_766 : memref<128x128xf32, #tpu.memory_space<vmem>>[vector<16xi32>, vector<16xi32>], vector<16xf32>,
      %add3A_772 = arith.constant 1 : i32
      %add3A_773 = vector.broadcast %add3A_772 : i32 to vector<16xi32>
      %add3A_774 = arith.addi %add3A_743, %add3A_773 : vector<16xi32>
      %gather3A_775 = tpu.vector_load_idx %arg17[%add3A_774] : memref<8960xf32, #tpu.memory_space<vmem>>[vector<16xi32>], vector<16xf32>,
      %add3A_776 = arith.constant 64 : i32
      %add3A_777 = vector.broadcast %add3A_776 : i32 to vector<16xi32>
      %add3A_778 = arith.addi %broadcast_in_dim3A_765, %add3A_777 : vector<16xi32>
      %scatter3A_779 = arith.constant 1 : i32
      %scatter3A_780 = arith.constant 0 : i32
      %scatter3A_781 = arith.constant 0 : i32
      %scatter3A_782 = tpu.memref_slice %arg15[%scatter3A_779, %scatter3A_780, %scatter3A_781] : memref<5x128x128xf32, #tpu.memory_space<vmem>> -> memref<1x128x128xf32, #tpu.memory_space<vmem>>
      %scatter3A_783 = tpu.memref_squeeze %scatter3A_782 : memref<1x128x128xf32, #tpu.memory_space<vmem>> -> memref<128x128xf32, #tpu.memory_space<vmem>>
      tpu.vector_store_idx %scatter3A_783[%add3A_734, %add3A_778], %gather3A_775 : memref<128x128xf32, #tpu.memory_space<vmem>>[vector<16xi32>, vector<16xi32>], vector<16xf32>,
      %broadcast_in_dim3A_784 = arith.constant 50 : i32
      %broadcast_in_dim3A_785 = vector.broadcast %broadcast_in_dim3A_784 : i32 to vector<16xi32>
      %gather3A_786 = tpu.vector_load_idx %arg18[%add3A_743] : memref<8960xf32, #tpu.memory_space<vmem>>[vector<16xi32>], vector<16xf32>,
      %scatter3A_787 = arith.constant 1 : i32
      %scatter3A_788 = arith.constant 0 : i32
      %scatter3A_789 = arith.constant 0 : i32
      %scatter3A_790 = tpu.memref_slice %arg15[%scatter3A_787, %scatter3A_788, %scatter3A_789] : memref<5x128x128xf32, #tpu.memory_space<vmem>> -> memref<1x128x128xf32, #tpu.memory_space<vmem>>
      %scatter3A_791 = tpu.memref_squeeze %scatter3A_790 : memref<1x128x128xf32, #tpu.memory_space<vmem>> -> memref<128x128xf32, #tpu.memory_space<vmem>>
      tpu.vector_store_idx %scatter3A_791[%add3A_734, %broadcast_in_dim3A_785], %gather3A_786 : memref<128x128xf32, #tpu.memory_space<vmem>>[vector<16xi32>, vector<16xi32>], vector<16xf32>,
      %add3A_792 = arith.constant 1 : i32
      %add3A_793 = vector.broadcast %add3A_792 : i32 to vector<16xi32>
      %add3A_794 = arith.addi %add3A_743, %add3A_793 : vector<16xi32>
      %gather3A_795 = tpu.vector_load_idx %arg18[%add3A_794] : memref<8960xf32, #tpu.memory_space<vmem>>[vector<16xi32>], vector<16xf32>,
      %add3A_796 = arith.constant 64 : i32
      %add3A_797 = vector.broadcast %add3A_796 : i32 to vector<16xi32>
      %add3A_798 = arith.addi %broadcast_in_dim3A_785, %add3A_797 : vector<16xi32>
      %scatter3A_799 = arith.constant 1 : i32
      %scatter3A_800 = arith.constant 0 : i32
      %scatter3A_801 = arith.constant 0 : i32
      %scatter3A_802 = tpu.memref_slice %arg15[%scatter3A_799, %scatter3A_800, %scatter3A_801] : memref<5x128x128xf32, #tpu.memory_space<vmem>> -> memref<1x128x128xf32, #tpu.memory_space<vmem>>
      %scatter3A_803 = tpu.memref_squeeze %scatter3A_802 : memref<1x128x128xf32, #tpu.memory_space<vmem>> -> memref<128x128xf32, #tpu.memory_space<vmem>>
      tpu.vector_store_idx %scatter3A_803[%add3A_734, %add3A_798], %gather3A_795 : memref<128x128xf32, #tpu.memory_space<vmem>>[vector<16xi32>, vector<16xi32>], vector<16xf32>,
      %add3A_804 = arith.constant 16 : i32
      %add3A_805 = vector.broadcast %add3A_804 : i32 to vector<16xi32>
      %add3A_806 = arith.addi %iota3A, %add3A_805 : vector<16xi32>
      %mul3A_807 = arith.constant 14 : i32
      %mul3A_808 = vector.broadcast %mul3A_807 : i32 to vector<16xi32>
      %mul3A_809 = arith.muli %add3A_806, %mul3A_808 : vector<16xi32>
      %mul3A_810 = arith.constant 2 : i32
      %mul3A_811 = arith.muli %mul3A_810, %select_n3A : i32
      %add3A_812 = arith.constant 1792 : i32
      %add3A_813 = arith.addi %mul3A_811, %add3A_812 : i32
      %add3A_814 = vector.broadcast %add3A_813 : i32 to vector<16xi32>
      %add3A_815 = arith.addi %mul3A_809, %add3A_814 : vector<16xi32>
      %broadcast_in_dim3A_816 = arith.constant 48 : i32
      %broadcast_in_dim3A_817 = vector.broadcast %broadcast_in_dim3A_816 : i32 to vector<16xi32>
      %gather3A_818 = tpu.vector_load_idx %arg16[%add3A_815] : memref<8960xf32, #tpu.memory_space<vmem>>[vector<16xi32>], vector<16xf32>,
      %scatter3A_819 = arith.constant 1 : i32
      %scatter3A_820 = arith.constant 0 : i32
      %scatter3A_821 = arith.constant 0 : i32
      %scatter3A_822 = tpu.memref_slice %arg15[%scatter3A_819, %scatter3A_820, %scatter3A_821] : memref<5x128x128xf32, #tpu.memory_space<vmem>> -> memref<1x128x128xf32, #tpu.memory_space<vmem>>
      %scatter3A_823 = tpu.memref_squeeze %scatter3A_822 : memref<1x128x128xf32, #tpu.memory_space<vmem>> -> memref<128x128xf32, #tpu.memory_space<vmem>>
      tpu.vector_store_idx %scatter3A_823[%add3A_806, %broadcast_in_dim3A_817], %gather3A_818 : memref<128x128xf32, #tpu.memory_space<vmem>>[vector<16xi32>, vector<16xi32>], vector<16xf32>,
      %add3A_824 = arith.constant 1 : i32
      %add3A_825 = vector.broadcast %add3A_824 : i32 to vector<16xi32>
      %add3A_826 = arith.addi %add3A_815, %add3A_825 : vector<16xi32>
      %gather3A_827 = tpu.vector_load_idx %arg16[%add3A_826] : memref<8960xf32, #tpu.memory_space<vmem>>[vector<16xi32>], vector<16xf32>,
      %add3A_828 = arith.constant 64 : i32
      %add3A_829 = vector.broadcast %add3A_828 : i32 to vector<16xi32>
      %add3A_830 = arith.addi %broadcast_in_dim3A_817, %add3A_829 : vector<16xi32>
      %scatter3A_831 = arith.constant 1 : i32
      %scatter3A_832 = arith.constant 0 : i32
      %scatter3A_833 = arith.constant 0 : i32
      %scatter3A_834 = tpu.memref_slice %arg15[%scatter3A_831, %scatter3A_832, %scatter3A_833] : memref<5x128x128xf32, #tpu.memory_space<vmem>> -> memref<1x128x128xf32, #tpu.memory_space<vmem>>
      %scatter3A_835 = tpu.memref_squeeze %scatter3A_834 : memref<1x128x128xf32, #tpu.memory_space<vmem>> -> memref<128x128xf32, #tpu.memory_space<vmem>>
      tpu.vector_store_idx %scatter3A_835[%add3A_806, %add3A_830], %gather3A_827 : memref<128x128xf32, #tpu.memory_space<vmem>>[vector<16xi32>, vector<16xi32>], vector<16xf32>,
      %broadcast_in_dim3A_836 = arith.constant 49 : i32
      %broadcast_in_dim3A_837 = vector.broadcast %broadcast_in_dim3A_836 : i32 to vector<16xi32>
      %gather3A_838 = tpu.vector_load_idx %arg17[%add3A_815] : memref<8960xf32, #tpu.memory_space<vmem>>[vector<16xi32>], vector<16xf32>,
      %scatter3A_839 = arith.constant 1 : i32
      %scatter3A_840 = arith.constant 0 : i32
      %scatter3A_841 = arith.constant 0 : i32
      %scatter3A_842 = tpu.memref_slice %arg15[%scatter3A_839, %scatter3A_840, %scatter3A_841] : memref<5x128x128xf32, #tpu.memory_space<vmem>> -> memref<1x128x128xf32, #tpu.memory_space<vmem>>
      %scatter3A_843 = tpu.memref_squeeze %scatter3A_842 : memref<1x128x128xf32, #tpu.memory_space<vmem>> -> memref<128x128xf32, #tpu.memory_space<vmem>>
      tpu.vector_store_idx %scatter3A_843[%add3A_806, %broadcast_in_dim3A_837], %gather3A_838 : memref<128x128xf32, #tpu.memory_space<vmem>>[vector<16xi32>, vector<16xi32>], vector<16xf32>,
      %add3A_844 = arith.constant 1 : i32
      %add3A_845 = vector.broadcast %add3A_844 : i32 to vector<16xi32>
      %add3A_846 = arith.addi %add3A_815, %add3A_845 : vector<16xi32>
      %gather3A_847 = tpu.vector_load_idx %arg17[%add3A_846] : memref<8960xf32, #tpu.memory_space<vmem>>[vector<16xi32>], vector<16xf32>,
      %add3A_848 = arith.constant 64 : i32
      %add3A_849 = vector.broadcast %add3A_848 : i32 to vector<16xi32>
      %add3A_850 = arith.addi %broadcast_in_dim3A_837, %add3A_849 : vector<16xi32>
      %scatter3A_851 = arith.constant 1 : i32
      %scatter3A_852 = arith.constant 0 : i32
      %scatter3A_853 = arith.constant 0 : i32
      %scatter3A_854 = tpu.memref_slice %arg15[%scatter3A_851, %scatter3A_852, %scatter3A_853] : memref<5x128x128xf32, #tpu.memory_space<vmem>> -> memref<1x128x128xf32, #tpu.memory_space<vmem>>
      %scatter3A_855 = tpu.memref_squeeze %scatter3A_854 : memref<1x128x128xf32, #tpu.memory_space<vmem>> -> memref<128x128xf32, #tpu.memory_space<vmem>>
      tpu.vector_store_idx %scatter3A_855[%add3A_806, %add3A_850], %gather3A_847 : memref<128x128xf32, #tpu.memory_space<vmem>>[vector<16xi32>, vector<16xi32>], vector<16xf32>,
      %broadcast_in_dim3A_856 = arith.constant 50 : i32
      %broadcast_in_dim3A_857 = vector.broadcast %broadcast_in_dim3A_856 : i32 to vector<16xi32>
      %gather3A_858 = tpu.vector_load_idx %arg18[%add3A_815] : memref<8960xf32, #tpu.memory_space<vmem>>[vector<16xi32>], vector<16xf32>,
      %scatter3A_859 = arith.constant 1 : i32
      %scatter3A_860 = arith.constant 0 : i32
      %scatter3A_861 = arith.constant 0 : i32
      %scatter3A_862 = tpu.memref_slice %arg15[%scatter3A_859, %scatter3A_860, %scatter3A_861] : memref<5x128x128xf32, #tpu.memory_space<vmem>> -> memref<1x128x128xf32, #tpu.memory_space<vmem>>
      %scatter3A_863 = tpu.memref_squeeze %scatter3A_862 : memref<1x128x128xf32, #tpu.memory_space<vmem>> -> memref<128x128xf32, #tpu.memory_space<vmem>>
      tpu.vector_store_idx %scatter3A_863[%add3A_806, %broadcast_in_dim3A_857], %gather3A_858 : memref<128x128xf32, #tpu.memory_space<vmem>>[vector<16xi32>, vector<16xi32>], vector<16xf32>,
      %add3A_864 = arith.constant 1 : i32
      %add3A_865 = vector.broadcast %add3A_864 : i32 to vector<16xi32>
      %add3A_866 = arith.addi %add3A_815, %add3A_865 : vector<16xi32>
      %gather3A_867 = tpu.vector_load_idx %arg18[%add3A_866] : memref<8960xf32, #tpu.memory_space<vmem>>[vector<16xi32>], vector<16xf32>,
      %add3A_868 = arith.constant 64 : i32
      %add3A_869 = vector.broadcast %add3A_868 : i32 to vector<16xi32>
      %add3A_870 = arith.addi %broadcast_in_dim3A_857, %add3A_869 : vector<16xi32>
      %scatter3A_871 = arith.constant 1 : i32
      %scatter3A_872 = arith.constant 0 : i32
      %scatter3A_873 = arith.constant 0 : i32
      %scatter3A_874 = tpu.memref_slice %arg15[%scatter3A_871, %scatter3A_872, %scatter3A_873] : memref<5x128x128xf32, #tpu.memory_space<vmem>> -> memref<1x128x128xf32, #tpu.memory_space<vmem>>
      %scatter3A_875 = tpu.memref_squeeze %scatter3A_874 : memref<1x128x128xf32, #tpu.memory_space<vmem>> -> memref<128x128xf32, #tpu.memory_space<vmem>>
      tpu.vector_store_idx %scatter3A_875[%add3A_806, %add3A_870], %gather3A_867 : memref<128x128xf32, #tpu.memory_space<vmem>>[vector<16xi32>, vector<16xi32>], vector<16xf32>,
      %add3A_876 = arith.constant 32 : i32
      %add3A_877 = vector.broadcast %add3A_876 : i32 to vector<16xi32>
      %add3A_878 = arith.addi %iota3A, %add3A_877 : vector<16xi32>
      %mul3A_879 = arith.constant 14 : i32
      %mul3A_880 = vector.broadcast %mul3A_879 : i32 to vector<16xi32>
      %mul3A_881 = arith.muli %add3A_878, %mul3A_880 : vector<16xi32>
      %mul3A_882 = arith.constant 2 : i32
      %mul3A_883 = arith.muli %mul3A_882, %select_n3A : i32
      %add3A_884 = arith.constant 1792 : i32
      %add3A_885 = arith.addi %mul3A_883, %add3A_884 : i32
      %add3A_886 = vector.broadcast %add3A_885 : i32 to vector<16xi32>
      %add3A_887 = arith.addi %mul3A_881, %add3A_886 : vector<16xi32>
      %broadcast_in_dim3A_888 = arith.constant 48 : i32
      %broadcast_in_dim3A_889 = vector.broadcast %broadcast_in_dim3A_888 : i32 to vector<16xi32>
      %gather3A_890 = tpu.vector_load_idx %arg16[%add3A_887] : memref<8960xf32, #tpu.memory_space<vmem>>[vector<16xi32>], vector<16xf32>,
      %scatter3A_891 = arith.constant 1 : i32
      %scatter3A_892 = arith.constant 0 : i32
      %scatter3A_893 = arith.constant 0 : i32
      %scatter3A_894 = tpu.memref_slice %arg15[%scatter3A_891, %scatter3A_892, %scatter3A_893] : memref<5x128x128xf32, #tpu.memory_space<vmem>> -> memref<1x128x128xf32, #tpu.memory_space<vmem>>
      %scatter3A_895 = tpu.memref_squeeze %scatter3A_894 : memref<1x128x128xf32, #tpu.memory_space<vmem>> -> memref<128x128xf32, #tpu.memory_space<vmem>>
      tpu.vector_store_idx %scatter3A_895[%add3A_878, %broadcast_in_dim3A_889], %gather3A_890 : memref<128x128xf32, #tpu.memory_space<vmem>>[vector<16xi32>, vector<16xi32>], vector<16xf32>,
      %add3A_896 = arith.constant 1 : i32
      %add3A_897 = vector.broadcast %add3A_896 : i32 to vector<16xi32>
      %add3A_898 = arith.addi %add3A_887, %add3A_897 : vector<16xi32>
      %gather3A_899 = tpu.vector_load_idx %arg16[%add3A_898] : memref<8960xf32, #tpu.memory_space<vmem>>[vector<16xi32>], vector<16xf32>,
      %add3A_900 = arith.constant 64 : i32
      %add3A_901 = vector.broadcast %add3A_900 : i32 to vector<16xi32>
      %add3A_902 = arith.addi %broadcast_in_dim3A_889, %add3A_901 : vector<16xi32>
      %scatter3A_903 = arith.constant 1 : i32
      %scatter3A_904 = arith.constant 0 : i32
      %scatter3A_905 = arith.constant 0 : i32
      %scatter3A_906 = tpu.memref_slice %arg15[%scatter3A_903, %scatter3A_904, %scatter3A_905] : memref<5x128x128xf32, #tpu.memory_space<vmem>> -> memref<1x128x128xf32, #tpu.memory_space<vmem>>
      %scatter3A_907 = tpu.memref_squeeze %scatter3A_906 : memref<1x128x128xf32, #tpu.memory_space<vmem>> -> memref<128x128xf32, #tpu.memory_space<vmem>>
      tpu.vector_store_idx %scatter3A_907[%add3A_878, %add3A_902], %gather3A_899 : memref<128x128xf32, #tpu.memory_space<vmem>>[vector<16xi32>, vector<16xi32>], vector<16xf32>,
      %broadcast_in_dim3A_908 = arith.constant 49 : i32
      %broadcast_in_dim3A_909 = vector.broadcast %broadcast_in_dim3A_908 : i32 to vector<16xi32>
      %gather3A_910 = tpu.vector_load_idx %arg17[%add3A_887] : memref<8960xf32, #tpu.memory_space<vmem>>[vector<16xi32>], vector<16xf32>,
      %scatter3A_911 = arith.constant 1 : i32
      %scatter3A_912 = arith.constant 0 : i32
      %scatter3A_913 = arith.constant 0 : i32
      %scatter3A_914 = tpu.memref_slice %arg15[%scatter3A_911, %scatter3A_912, %scatter3A_913] : memref<5x128x128xf32, #tpu.memory_space<vmem>> -> memref<1x128x128xf32, #tpu.memory_space<vmem>>
      %scatter3A_915 = tpu.memref_squeeze %scatter3A_914 : memref<1x128x128xf32, #tpu.memory_space<vmem>> -> memref<128x128xf32, #tpu.memory_space<vmem>>
      tpu.vector_store_idx %scatter3A_915[%add3A_878, %broadcast_in_dim3A_909], %gather3A_910 : memref<128x128xf32, #tpu.memory_space<vmem>>[vector<16xi32>, vector<16xi32>], vector<16xf32>,
      %add3A_916 = arith.constant 1 : i32
      %add3A_917 = vector.broadcast %add3A_916 : i32 to vector<16xi32>
      %add3A_918 = arith.addi %add3A_887, %add3A_917 : vector<16xi32>
      %gather3A_919 = tpu.vector_load_idx %arg17[%add3A_918] : memref<8960xf32, #tpu.memory_space<vmem>>[vector<16xi32>], vector<16xf32>,
      %add3A_920 = arith.constant 64 : i32
      %add3A_921 = vector.broadcast %add3A_920 : i32 to vector<16xi32>
      %add3A_922 = arith.addi %broadcast_in_dim3A_909, %add3A_921 : vector<16xi32>
      %scatter3A_923 = arith.constant 1 : i32
      %scatter3A_924 = arith.constant 0 : i32
      %scatter3A_925 = arith.constant 0 : i32
      %scatter3A_926 = tpu.memref_slice %arg15[%scatter3A_923, %scatter3A_924, %scatter3A_925] : memref<5x128x128xf32, #tpu.memory_space<vmem>> -> memref<1x128x128xf32, #tpu.memory_space<vmem>>
      %scatter3A_927 = tpu.memref_squeeze %scatter3A_926 : memref<1x128x128xf32, #tpu.memory_space<vmem>> -> memref<128x128xf32, #tpu.memory_space<vmem>>
      tpu.vector_store_idx %scatter3A_927[%add3A_878, %add3A_922], %gather3A_919 : memref<128x128xf32, #tpu.memory_space<vmem>>[vector<16xi32>, vector<16xi32>], vector<16xf32>,
      %broadcast_in_dim3A_928 = arith.constant 50 : i32
      %broadcast_in_dim3A_929 = vector.broadcast %broadcast_in_dim3A_928 : i32 to vector<16xi32>
      %gather3A_930 = tpu.vector_load_idx %arg18[%add3A_887] : memref<8960xf32, #tpu.memory_space<vmem>>[vector<16xi32>], vector<16xf32>,
      %scatter3A_931 = arith.constant 1 : i32
      %scatter3A_932 = arith.constant 0 : i32
      %scatter3A_933 = arith.constant 0 : i32
      %scatter3A_934 = tpu.memref_slice %arg15[%scatter3A_931, %scatter3A_932, %scatter3A_933] : memref<5x128x128xf32, #tpu.memory_space<vmem>> -> memref<1x128x128xf32, #tpu.memory_space<vmem>>
      %scatter3A_935 = tpu.memref_squeeze %scatter3A_934 : memref<1x128x128xf32, #tpu.memory_space<vmem>> -> memref<128x128xf32, #tpu.memory_space<vmem>>
      tpu.vector_store_idx %scatter3A_935[%add3A_878, %broadcast_in_dim3A_929], %gather3A_930 : memref<128x128xf32, #tpu.memory_space<vmem>>[vector<16xi32>, vector<16xi32>], vector<16xf32>,
      %add3A_936 = arith.constant 1 : i32
      %add3A_937 = vector.broadcast %add3A_936 : i32 to vector<16xi32>
      %add3A_938 = arith.addi %add3A_887, %add3A_937 : vector<16xi32>
      %gather3A_939 = tpu.vector_load_idx %arg18[%add3A_938] : memref<8960xf32, #tpu.memory_space<vmem>>[vector<16xi32>], vector<16xf32>,
      %add3A_940 = arith.constant 64 : i32
      %add3A_941 = vector.broadcast %add3A_940 : i32 to vector<16xi32>
      %add3A_942 = arith.addi %broadcast_in_dim3A_929, %add3A_941 : vector<16xi32>
      %scatter3A_943 = arith.constant 1 : i32
      %scatter3A_944 = arith.constant 0 : i32
      %scatter3A_945 = arith.constant 0 : i32
      %scatter3A_946 = tpu.memref_slice %arg15[%scatter3A_943, %scatter3A_944, %scatter3A_945] : memref<5x128x128xf32, #tpu.memory_space<vmem>> -> memref<1x128x128xf32, #tpu.memory_space<vmem>>
      %scatter3A_947 = tpu.memref_squeeze %scatter3A_946 : memref<1x128x128xf32, #tpu.memory_space<vmem>> -> memref<128x128xf32, #tpu.memory_space<vmem>>
      tpu.vector_store_idx %scatter3A_947[%add3A_878, %add3A_942], %gather3A_939 : memref<128x128xf32, #tpu.memory_space<vmem>>[vector<16xi32>, vector<16xi32>], vector<16xf32>,
      %add3A_948 = arith.constant 48 : i32
      %add3A_949 = vector.broadcast %add3A_948 : i32 to vector<16xi32>
      %add3A_950 = arith.addi %iota3A, %add3A_949 : vector<16xi32>
      %mul3A_951 = arith.constant 14 : i32
      %mul3A_952 = vector.broadcast %mul3A_951 : i32 to vector<16xi32>
      %mul3A_953 = arith.muli %add3A_950, %mul3A_952 : vector<16xi32>
      %mul3A_954 = arith.constant 2 : i32
      %mul3A_955 = arith.muli %mul3A_954, %select_n3A : i32
      %add3A_956 = arith.constant 1792 : i32
      %add3A_957 = arith.addi %mul3A_955, %add3A_956 : i32
      %add3A_958 = vector.broadcast %add3A_957 : i32 to vector<16xi32>
      %add3A_959 = arith.addi %mul3A_953, %add3A_958 : vector<16xi32>
      %broadcast_in_dim3A_960 = arith.constant 48 : i32
      %broadcast_in_dim3A_961 = vector.broadcast %broadcast_in_dim3A_960 : i32 to vector<16xi32>
      %gather3A_962 = tpu.vector_load_idx %arg16[%add3A_959] : memref<8960xf32, #tpu.memory_space<vmem>>[vector<16xi32>], vector<16xf32>,
      %scatter3A_963 = arith.constant 1 : i32
      %scatter3A_964 = arith.constant 0 : i32
      %scatter3A_965 = arith.constant 0 : i32
      %scatter3A_966 = tpu.memref_slice %arg15[%scatter3A_963, %scatter3A_964, %scatter3A_965] : memref<5x128x128xf32, #tpu.memory_space<vmem>> -> memref<1x128x128xf32, #tpu.memory_space<vmem>>
      %scatter3A_967 = tpu.memref_squeeze %scatter3A_966 : memref<1x128x128xf32, #tpu.memory_space<vmem>> -> memref<128x128xf32, #tpu.memory_space<vmem>>
      tpu.vector_store_idx %scatter3A_967[%add3A_950, %broadcast_in_dim3A_961], %gather3A_962 : memref<128x128xf32, #tpu.memory_space<vmem>>[vector<16xi32>, vector<16xi32>], vector<16xf32>,
      %add3A_968 = arith.constant 1 : i32
      %add3A_969 = vector.broadcast %add3A_968 : i32 to vector<16xi32>
      %add3A_970 = arith.addi %add3A_959, %add3A_969 : vector<16xi32>
      %gather3A_971 = tpu.vector_load_idx %arg16[%add3A_970] : memref<8960xf32, #tpu.memory_space<vmem>>[vector<16xi32>], vector<16xf32>,
      %add3A_972 = arith.constant 64 : i32
      %add3A_973 = vector.broadcast %add3A_972 : i32 to vector<16xi32>
      %add3A_974 = arith.addi %broadcast_in_dim3A_961, %add3A_973 : vector<16xi32>
      %scatter3A_975 = arith.constant 1 : i32
      %scatter3A_976 = arith.constant 0 : i32
      %scatter3A_977 = arith.constant 0 : i32
      %scatter3A_978 = tpu.memref_slice %arg15[%scatter3A_975, %scatter3A_976, %scatter3A_977] : memref<5x128x128xf32, #tpu.memory_space<vmem>> -> memref<1x128x128xf32, #tpu.memory_space<vmem>>
      %scatter3A_979 = tpu.memref_squeeze %scatter3A_978 : memref<1x128x128xf32, #tpu.memory_space<vmem>> -> memref<128x128xf32, #tpu.memory_space<vmem>>
      tpu.vector_store_idx %scatter3A_979[%add3A_950, %add3A_974], %gather3A_971 : memref<128x128xf32, #tpu.memory_space<vmem>>[vector<16xi32>, vector<16xi32>], vector<16xf32>,
      %broadcast_in_dim3A_980 = arith.constant 49 : i32
      %broadcast_in_dim3A_981 = vector.broadcast %broadcast_in_dim3A_980 : i32 to vector<16xi32>
      %gather3A_982 = tpu.vector_load_idx %arg17[%add3A_959] : memref<8960xf32, #tpu.memory_space<vmem>>[vector<16xi32>], vector<16xf32>,
      %scatter3A_983 = arith.constant 1 : i32
      %scatter3A_984 = arith.constant 0 : i32
      %scatter3A_985 = arith.constant 0 : i32
      %scatter3A_986 = tpu.memref_slice %arg15[%scatter3A_983, %scatter3A_984, %scatter3A_985] : memref<5x128x128xf32, #tpu.memory_space<vmem>> -> memref<1x128x128xf32, #tpu.memory_space<vmem>>
      %scatter3A_987 = tpu.memref_squeeze %scatter3A_986 : memref<1x128x128xf32, #tpu.memory_space<vmem>> -> memref<128x128xf32, #tpu.memory_space<vmem>>
      tpu.vector_store_idx %scatter3A_987[%add3A_950, %broadcast_in_dim3A_981], %gather3A_982 : memref<128x128xf32, #tpu.memory_space<vmem>>[vector<16xi32>, vector<16xi32>], vector<16xf32>,
      %add3A_988 = arith.constant 1 : i32
      %add3A_989 = vector.broadcast %add3A_988 : i32 to vector<16xi32>
      %add3A_990 = arith.addi %add3A_959, %add3A_989 : vector<16xi32>
      %gather3A_991 = tpu.vector_load_idx %arg17[%add3A_990] : memref<8960xf32, #tpu.memory_space<vmem>>[vector<16xi32>], vector<16xf32>,
      %add3A_992 = arith.constant 64 : i32
      %add3A_993 = vector.broadcast %add3A_992 : i32 to vector<16xi32>
      %add3A_994 = arith.addi %broadcast_in_dim3A_981, %add3A_993 : vector<16xi32>
      %scatter3A_995 = arith.constant 1 : i32
      %scatter3A_996 = arith.constant 0 : i32
      %scatter3A_997 = arith.constant 0 : i32
      %scatter3A_998 = tpu.memref_slice %arg15[%scatter3A_995, %scatter3A_996, %scatter3A_997] : memref<5x128x128xf32, #tpu.memory_space<vmem>> -> memref<1x128x128xf32, #tpu.memory_space<vmem>>
      %scatter3A_999 = tpu.memref_squeeze %scatter3A_998 : memref<1x128x128xf32, #tpu.memory_space<vmem>> -> memref<128x128xf32, #tpu.memory_space<vmem>>
      tpu.vector_store_idx %scatter3A_999[%add3A_950, %add3A_994], %gather3A_991 : memref<128x128xf32, #tpu.memory_space<vmem>>[vector<16xi32>, vector<16xi32>], vector<16xf32>,
      %broadcast_in_dim3A_1000 = arith.constant 50 : i32
      %broadcast_in_dim3A_1001 = vector.broadcast %broadcast_in_dim3A_1000 : i32 to vector<16xi32>
      %gather3A_1002 = tpu.vector_load_idx %arg18[%add3A_959] : memref<8960xf32, #tpu.memory_space<vmem>>[vector<16xi32>], vector<16xf32>,
      %scatter3A_1003 = arith.constant 1 : i32
      %scatter3A_1004 = arith.constant 0 : i32
      %scatter3A_1005 = arith.constant 0 : i32
      %scatter3A_1006 = tpu.memref_slice %arg15[%scatter3A_1003, %scatter3A_1004, %scatter3A_1005] : memref<5x128x128xf32, #tpu.memory_space<vmem>> -> memref<1x128x128xf32, #tpu.memory_space<vmem>>
      %scatter3A_1007 = tpu.memref_squeeze %scatter3A_1006 : memref<1x128x128xf32, #tpu.memory_space<vmem>> -> memref<128x128xf32, #tpu.memory_space<vmem>>
      tpu.vector_store_idx %scatter3A_1007[%add3A_950, %broadcast_in_dim3A_1001], %gather3A_1002 : memref<128x128xf32, #tpu.memory_space<vmem>>[vector<16xi32>, vector<16xi32>], vector<16xf32>,
      %add3A_1008 = arith.constant 1 : i32
      %add3A_1009 = vector.broadcast %add3A_1008 : i32 to vector<16xi32>
      %add3A_1010 = arith.addi %add3A_959, %add3A_1009 : vector<16xi32>
      %gather3A_1011 = tpu.vector_load_idx %arg18[%add3A_1010] : memref<8960xf32, #tpu.memory_space<vmem>>[vector<16xi32>], vector<16xf32>,
      %add3A_1012 = arith.constant 64 : i32
      %add3A_1013 = vector.broadcast %add3A_1012 : i32 to vector<16xi32>
      %add3A_1014 = arith.addi %broadcast_in_dim3A_1001, %add3A_1013 : vector<16xi32>
      %scatter3A_1015 = arith.constant 1 : i32
      %scatter3A_1016 = arith.constant 0 : i32
      %scatter3A_1017 = arith.constant 0 : i32
      %scatter3A_1018 = tpu.memref_slice %arg15[%scatter3A_1015, %scatter3A_1016, %scatter3A_1017] : memref<5x128x128xf32, #tpu.memory_space<vmem>> -> memref<1x128x128xf32, #tpu.memory_space<vmem>>
      %scatter3A_1019 = tpu.memref_squeeze %scatter3A_1018 : memref<1x128x128xf32, #tpu.memory_space<vmem>> -> memref<128x128xf32, #tpu.memory_space<vmem>>
      tpu.vector_store_idx %scatter3A_1019[%add3A_950, %add3A_1014], %gather3A_1011 : memref<128x128xf32, #tpu.memory_space<vmem>>[vector<16xi32>, vector<16xi32>], vector<16xf32>,
      %add3A_1020 = arith.constant 64 : i32
      %add3A_1021 = vector.broadcast %add3A_1020 : i32 to vector<16xi32>
      %add3A_1022 = arith.addi %iota3A, %add3A_1021 : vector<16xi32>
      %mul3A_1023 = arith.constant 14 : i32
      %mul3A_1024 = vector.broadcast %mul3A_1023 : i32 to vector<16xi32>
      %mul3A_1025 = arith.muli %add3A_1022, %mul3A_1024 : vector<16xi32>
      %mul3A_1026 = arith.constant 2 : i32
      %mul3A_1027 = arith.muli %mul3A_1026, %select_n3A : i32
      %add3A_1028 = arith.constant 1792 : i32
      %add3A_1029 = arith.addi %mul3A_1027, %add3A_1028 : i32
      %add3A_1030 = vector.broadcast %add3A_1029 : i32 to vector<16xi32>
      %add3A_1031 = arith.addi %mul3A_1025, %add3A_1030 : vector<16xi32>
      %broadcast_in_dim3A_1032 = arith.constant 48 : i32
      %broadcast_in_dim3A_1033 = vector.broadcast %broadcast_in_dim3A_1032 : i32 to vector<16xi32>
      %gather3A_1034 = tpu.vector_load_idx %arg16[%add3A_1031] : memref<8960xf32, #tpu.memory_space<vmem>>[vector<16xi32>], vector<16xf32>,
      %scatter3A_1035 = arith.constant 1 : i32
      %scatter3A_1036 = arith.constant 0 : i32
      %scatter3A_1037 = arith.constant 0 : i32
      %scatter3A_1038 = tpu.memref_slice %arg15[%scatter3A_1035, %scatter3A_1036, %scatter3A_1037] : memref<5x128x128xf32, #tpu.memory_space<vmem>> -> memref<1x128x128xf32, #tpu.memory_space<vmem>>
      %scatter3A_1039 = tpu.memref_squeeze %scatter3A_1038 : memref<1x128x128xf32, #tpu.memory_space<vmem>> -> memref<128x128xf32, #tpu.memory_space<vmem>>
      tpu.vector_store_idx %scatter3A_1039[%add3A_1022, %broadcast_in_dim3A_1033], %gather3A_1034 : memref<128x128xf32, #tpu.memory_space<vmem>>[vector<16xi32>, vector<16xi32>], vector<16xf32>,
      %add3A_1040 = arith.constant 1 : i32
      %add3A_1041 = vector.broadcast %add3A_1040 : i32 to vector<16xi32>
      %add3A_1042 = arith.addi %add3A_1031, %add3A_1041 : vector<16xi32>
      %gather3A_1043 = tpu.vector_load_idx %arg16[%add3A_1042] : memref<8960xf32, #tpu.memory_space<vmem>>[vector<16xi32>], vector<16xf32>,
      %add3A_1044 = arith.constant 64 : i32
      %add3A_1045 = vector.broadcast %add3A_1044 : i32 to vector<16xi32>
      %add3A_1046 = arith.addi %broadcast_in_dim3A_1033, %add3A_1045 : vector<16xi32>
      %scatter3A_1047 = arith.constant 1 : i32
      %scatter3A_1048 = arith.constant 0 : i32
      %scatter3A_1049 = arith.constant 0 : i32
      %scatter3A_1050 = tpu.memref_slice %arg15[%scatter3A_1047, %scatter3A_1048, %scatter3A_1049] : memref<5x128x128xf32, #tpu.memory_space<vmem>> -> memref<1x128x128xf32, #tpu.memory_space<vmem>>
      %scatter3A_1051 = tpu.memref_squeeze %scatter3A_1050 : memref<1x128x128xf32, #tpu.memory_space<vmem>> -> memref<128x128xf32, #tpu.memory_space<vmem>>
      tpu.vector_store_idx %scatter3A_1051[%add3A_1022, %add3A_1046], %gather3A_1043 : memref<128x128xf32, #tpu.memory_space<vmem>>[vector<16xi32>, vector<16xi32>], vector<16xf32>,
      %broadcast_in_dim3A_1052 = arith.constant 49 : i32
      %broadcast_in_dim3A_1053 = vector.broadcast %broadcast_in_dim3A_1052 : i32 to vector<16xi32>
      %gather3A_1054 = tpu.vector_load_idx %arg17[%add3A_1031] : memref<8960xf32, #tpu.memory_space<vmem>>[vector<16xi32>], vector<16xf32>,
      %scatter3A_1055 = arith.constant 1 : i32
      %scatter3A_1056 = arith.constant 0 : i32
      %scatter3A_1057 = arith.constant 0 : i32
      %scatter3A_1058 = tpu.memref_slice %arg15[%scatter3A_1055, %scatter3A_1056, %scatter3A_1057] : memref<5x128x128xf32, #tpu.memory_space<vmem>> -> memref<1x128x128xf32, #tpu.memory_space<vmem>>
      %scatter3A_1059 = tpu.memref_squeeze %scatter3A_1058 : memref<1x128x128xf32, #tpu.memory_space<vmem>> -> memref<128x128xf32, #tpu.memory_space<vmem>>
      tpu.vector_store_idx %scatter3A_1059[%add3A_1022, %broadcast_in_dim3A_1053], %gather3A_1054 : memref<128x128xf32, #tpu.memory_space<vmem>>[vector<16xi32>, vector<16xi32>], vector<16xf32>,
      %add3A_1060 = arith.constant 1 : i32
      %add3A_1061 = vector.broadcast %add3A_1060 : i32 to vector<16xi32>
      %add3A_1062 = arith.addi %add3A_1031, %add3A_1061 : vector<16xi32>
      %gather3A_1063 = tpu.vector_load_idx %arg17[%add3A_1062] : memref<8960xf32, #tpu.memory_space<vmem>>[vector<16xi32>], vector<16xf32>,
      %add3A_1064 = arith.constant 64 : i32
      %add3A_1065 = vector.broadcast %add3A_1064 : i32 to vector<16xi32>
      %add3A_1066 = arith.addi %broadcast_in_dim3A_1053, %add3A_1065 : vector<16xi32>
      %scatter3A_1067 = arith.constant 1 : i32
      %scatter3A_1068 = arith.constant 0 : i32
      %scatter3A_1069 = arith.constant 0 : i32
      %scatter3A_1070 = tpu.memref_slice %arg15[%scatter3A_1067, %scatter3A_1068, %scatter3A_1069] : memref<5x128x128xf32, #tpu.memory_space<vmem>> -> memref<1x128x128xf32, #tpu.memory_space<vmem>>
      %scatter3A_1071 = tpu.memref_squeeze %scatter3A_1070 : memref<1x128x128xf32, #tpu.memory_space<vmem>> -> memref<128x128xf32, #tpu.memory_space<vmem>>
      tpu.vector_store_idx %scatter3A_1071[%add3A_1022, %add3A_1066], %gather3A_1063 : memref<128x128xf32, #tpu.memory_space<vmem>>[vector<16xi32>, vector<16xi32>], vector<16xf32>,
      %broadcast_in_dim3A_1072 = arith.constant 50 : i32
      %broadcast_in_dim3A_1073 = vector.broadcast %broadcast_in_dim3A_1072 : i32 to vector<16xi32>
      %gather3A_1074 = tpu.vector_load_idx %arg18[%add3A_1031] : memref<8960xf32, #tpu.memory_space<vmem>>[vector<16xi32>], vector<16xf32>,
      %scatter3A_1075 = arith.constant 1 : i32
      %scatter3A_1076 = arith.constant 0 : i32
      %scatter3A_1077 = arith.constant 0 : i32
      %scatter3A_1078 = tpu.memref_slice %arg15[%scatter3A_1075, %scatter3A_1076, %scatter3A_1077] : memref<5x128x128xf32, #tpu.memory_space<vmem>> -> memref<1x128x128xf32, #tpu.memory_space<vmem>>
      %scatter3A_1079 = tpu.memref_squeeze %scatter3A_1078 : memref<1x128x128xf32, #tpu.memory_space<vmem>> -> memref<128x128xf32, #tpu.memory_space<vmem>>
      tpu.vector_store_idx %scatter3A_1079[%add3A_1022, %broadcast_in_dim3A_1073], %gather3A_1074 : memref<128x128xf32, #tpu.memory_space<vmem>>[vector<16xi32>, vector<16xi32>], vector<16xf32>,
      %add3A_1080 = arith.constant 1 : i32
      %add3A_1081 = vector.broadcast %add3A_1080 : i32 to vector<16xi32>
      %add3A_1082 = arith.addi %add3A_1031, %add3A_1081 : vector<16xi32>
      %gather3A_1083 = tpu.vector_load_idx %arg18[%add3A_1082] : memref<8960xf32, #tpu.memory_space<vmem>>[vector<16xi32>], vector<16xf32>,
      %add3A_1084 = arith.constant 64 : i32
      %add3A_1085 = vector.broadcast %add3A_1084 : i32 to vector<16xi32>
      %add3A_1086 = arith.addi %broadcast_in_dim3A_1073, %add3A_1085 : vector<16xi32>
      %scatter3A_1087 = arith.constant 1 : i32
      %scatter3A_1088 = arith.constant 0 : i32
      %scatter3A_1089 = arith.constant 0 : i32
      %scatter3A_1090 = tpu.memref_slice %arg15[%scatter3A_1087, %scatter3A_1088, %scatter3A_1089] : memref<5x128x128xf32, #tpu.memory_space<vmem>> -> memref<1x128x128xf32, #tpu.memory_space<vmem>>
      %scatter3A_1091 = tpu.memref_squeeze %scatter3A_1090 : memref<1x128x128xf32, #tpu.memory_space<vmem>> -> memref<128x128xf32, #tpu.memory_space<vmem>>
      tpu.vector_store_idx %scatter3A_1091[%add3A_1022, %add3A_1086], %gather3A_1083 : memref<128x128xf32, #tpu.memory_space<vmem>>[vector<16xi32>, vector<16xi32>], vector<16xf32>,
      %add3A_1092 = arith.constant 80 : i32
      %add3A_1093 = vector.broadcast %add3A_1092 : i32 to vector<16xi32>
      %add3A_1094 = arith.addi %iota3A, %add3A_1093 : vector<16xi32>
      %mul3A_1095 = arith.constant 14 : i32
      %mul3A_1096 = vector.broadcast %mul3A_1095 : i32 to vector<16xi32>
      %mul3A_1097 = arith.muli %add3A_1094, %mul3A_1096 : vector<16xi32>
      %mul3A_1098 = arith.constant 2 : i32
      %mul3A_1099 = arith.muli %mul3A_1098, %select_n3A : i32
      %add3A_1100 = arith.constant 1792 : i32
      %add3A_1101 = arith.addi %mul3A_1099, %add3A_1100 : i32
      %add3A_1102 = vector.broadcast %add3A_1101 : i32 to vector<16xi32>
      %add3A_1103 = arith.addi %mul3A_1097, %add3A_1102 : vector<16xi32>
      %broadcast_in_dim3A_1104 = arith.constant 48 : i32
      %broadcast_in_dim3A_1105 = vector.broadcast %broadcast_in_dim3A_1104 : i32 to vector<16xi32>
      %gather3A_1106 = tpu.vector_load_idx %arg16[%add3A_1103] : memref<8960xf32, #tpu.memory_space<vmem>>[vector<16xi32>], vector<16xf32>,
      %scatter3A_1107 = arith.constant 1 : i32
      %scatter3A_1108 = arith.constant 0 : i32
      %scatter3A_1109 = arith.constant 0 : i32
      %scatter3A_1110 = tpu.memref_slice %arg15[%scatter3A_1107, %scatter3A_1108, %scatter3A_1109] : memref<5x128x128xf32, #tpu.memory_space<vmem>> -> memref<1x128x128xf32, #tpu.memory_space<vmem>>
      %scatter3A_1111 = tpu.memref_squeeze %scatter3A_1110 : memref<1x128x128xf32, #tpu.memory_space<vmem>> -> memref<128x128xf32, #tpu.memory_space<vmem>>
      tpu.vector_store_idx %scatter3A_1111[%add3A_1094, %broadcast_in_dim3A_1105], %gather3A_1106 : memref<128x128xf32, #tpu.memory_space<vmem>>[vector<16xi32>, vector<16xi32>], vector<16xf32>,
      %add3A_1112 = arith.constant 1 : i32
      %add3A_1113 = vector.broadcast %add3A_1112 : i32 to vector<16xi32>
      %add3A_1114 = arith.addi %add3A_1103, %add3A_1113 : vector<16xi32>
      %gather3A_1115 = tpu.vector_load_idx %arg16[%add3A_1114] : memref<8960xf32, #tpu.memory_space<vmem>>[vector<16xi32>], vector<16xf32>,
      %add3A_1116 = arith.constant 64 : i32
      %add3A_1117 = vector.broadcast %add3A_1116 : i32 to vector<16xi32>
      %add3A_1118 = arith.addi %broadcast_in_dim3A_1105, %add3A_1117 : vector<16xi32>
      %scatter3A_1119 = arith.constant 1 : i32
      %scatter3A_1120 = arith.constant 0 : i32
      %scatter3A_1121 = arith.constant 0 : i32
      %scatter3A_1122 = tpu.memref_slice %arg15[%scatter3A_1119, %scatter3A_1120, %scatter3A_1121] : memref<5x128x128xf32, #tpu.memory_space<vmem>> -> memref<1x128x128xf32, #tpu.memory_space<vmem>>
      %scatter3A_1123 = tpu.memref_squeeze %scatter3A_1122 : memref<1x128x128xf32, #tpu.memory_space<vmem>> -> memref<128x128xf32, #tpu.memory_space<vmem>>
      tpu.vector_store_idx %scatter3A_1123[%add3A_1094, %add3A_1118], %gather3A_1115 : memref<128x128xf32, #tpu.memory_space<vmem>>[vector<16xi32>, vector<16xi32>], vector<16xf32>,
      %broadcast_in_dim3A_1124 = arith.constant 49 : i32
      %broadcast_in_dim3A_1125 = vector.broadcast %broadcast_in_dim3A_1124 : i32 to vector<16xi32>
      %gather3A_1126 = tpu.vector_load_idx %arg17[%add3A_1103] : memref<8960xf32, #tpu.memory_space<vmem>>[vector<16xi32>], vector<16xf32>,
      %scatter3A_1127 = arith.constant 1 : i32
      %scatter3A_1128 = arith.constant 0 : i32
      %scatter3A_1129 = arith.constant 0 : i32
      %scatter3A_1130 = tpu.memref_slice %arg15[%scatter3A_1127, %scatter3A_1128, %scatter3A_1129] : memref<5x128x128xf32, #tpu.memory_space<vmem>> -> memref<1x128x128xf32, #tpu.memory_space<vmem>>
      %scatter3A_1131 = tpu.memref_squeeze %scatter3A_1130 : memref<1x128x128xf32, #tpu.memory_space<vmem>> -> memref<128x128xf32, #tpu.memory_space<vmem>>
      tpu.vector_store_idx %scatter3A_1131[%add3A_1094, %broadcast_in_dim3A_1125], %gather3A_1126 : memref<128x128xf32, #tpu.memory_space<vmem>>[vector<16xi32>, vector<16xi32>], vector<16xf32>,
      %add3A_1132 = arith.constant 1 : i32
      %add3A_1133 = vector.broadcast %add3A_1132 : i32 to vector<16xi32>
      %add3A_1134 = arith.addi %add3A_1103, %add3A_1133 : vector<16xi32>
      %gather3A_1135 = tpu.vector_load_idx %arg17[%add3A_1134] : memref<8960xf32, #tpu.memory_space<vmem>>[vector<16xi32>], vector<16xf32>,
      %add3A_1136 = arith.constant 64 : i32
      %add3A_1137 = vector.broadcast %add3A_1136 : i32 to vector<16xi32>
      %add3A_1138 = arith.addi %broadcast_in_dim3A_1125, %add3A_1137 : vector<16xi32>
      %scatter3A_1139 = arith.constant 1 : i32
      %scatter3A_1140 = arith.constant 0 : i32
      %scatter3A_1141 = arith.constant 0 : i32
      %scatter3A_1142 = tpu.memref_slice %arg15[%scatter3A_1139, %scatter3A_1140, %scatter3A_1141] : memref<5x128x128xf32, #tpu.memory_space<vmem>> -> memref<1x128x128xf32, #tpu.memory_space<vmem>>
      %scatter3A_1143 = tpu.memref_squeeze %scatter3A_1142 : memref<1x128x128xf32, #tpu.memory_space<vmem>> -> memref<128x128xf32, #tpu.memory_space<vmem>>
      tpu.vector_store_idx %scatter3A_1143[%add3A_1094, %add3A_1138], %gather3A_1135 : memref<128x128xf32, #tpu.memory_space<vmem>>[vector<16xi32>, vector<16xi32>], vector<16xf32>,
      %broadcast_in_dim3A_1144 = arith.constant 50 : i32
      %broadcast_in_dim3A_1145 = vector.broadcast %broadcast_in_dim3A_1144 : i32 to vector<16xi32>
      %gather3A_1146 = tpu.vector_load_idx %arg18[%add3A_1103] : memref<8960xf32, #tpu.memory_space<vmem>>[vector<16xi32>], vector<16xf32>,
      %scatter3A_1147 = arith.constant 1 : i32
      %scatter3A_1148 = arith.constant 0 : i32
      %scatter3A_1149 = arith.constant 0 : i32
      %scatter3A_1150 = tpu.memref_slice %arg15[%scatter3A_1147, %scatter3A_1148, %scatter3A_1149] : memref<5x128x128xf32, #tpu.memory_space<vmem>> -> memref<1x128x128xf32, #tpu.memory_space<vmem>>
      %scatter3A_1151 = tpu.memref_squeeze %scatter3A_1150 : memref<1x128x128xf32, #tpu.memory_space<vmem>> -> memref<128x128xf32, #tpu.memory_space<vmem>>
      tpu.vector_store_idx %scatter3A_1151[%add3A_1094, %broadcast_in_dim3A_1145], %gather3A_1146 : memref<128x128xf32, #tpu.memory_space<vmem>>[vector<16xi32>, vector<16xi32>], vector<16xf32>,
      %add3A_1152 = arith.constant 1 : i32
      %add3A_1153 = vector.broadcast %add3A_1152 : i32 to vector<16xi32>
      %add3A_1154 = arith.addi %add3A_1103, %add3A_1153 : vector<16xi32>
      %gather3A_1155 = tpu.vector_load_idx %arg18[%add3A_1154] : memref<8960xf32, #tpu.memory_space<vmem>>[vector<16xi32>], vector<16xf32>,
      %add3A_1156 = arith.constant 64 : i32
      %add3A_1157 = vector.broadcast %add3A_1156 : i32 to vector<16xi32>
      %add3A_1158 = arith.addi %broadcast_in_dim3A_1145, %add3A_1157 : vector<16xi32>
      %scatter3A_1159 = arith.constant 1 : i32
      %scatter3A_1160 = arith.constant 0 : i32
      %scatter3A_1161 = arith.constant 0 : i32
      %scatter3A_1162 = tpu.memref_slice %arg15[%scatter3A_1159, %scatter3A_1160, %scatter3A_1161] : memref<5x128x128xf32, #tpu.memory_space<vmem>> -> memref<1x128x128xf32, #tpu.memory_space<vmem>>
      %scatter3A_1163 = tpu.memref_squeeze %scatter3A_1162 : memref<1x128x128xf32, #tpu.memory_space<vmem>> -> memref<128x128xf32, #tpu.memory_space<vmem>>
      tpu.vector_store_idx %scatter3A_1163[%add3A_1094, %add3A_1158], %gather3A_1155 : memref<128x128xf32, #tpu.memory_space<vmem>>[vector<16xi32>, vector<16xi32>], vector<16xf32>,
      %add3A_1164 = arith.constant 96 : i32
      %add3A_1165 = vector.broadcast %add3A_1164 : i32 to vector<16xi32>
      %add3A_1166 = arith.addi %iota3A, %add3A_1165 : vector<16xi32>
      %mul3A_1167 = arith.constant 14 : i32
      %mul3A_1168 = vector.broadcast %mul3A_1167 : i32 to vector<16xi32>
      %mul3A_1169 = arith.muli %add3A_1166, %mul3A_1168 : vector<16xi32>
      %mul3A_1170 = arith.constant 2 : i32
      %mul3A_1171 = arith.muli %mul3A_1170, %select_n3A : i32
      %add3A_1172 = arith.constant 1792 : i32
      %add3A_1173 = arith.addi %mul3A_1171, %add3A_1172 : i32
      %add3A_1174 = vector.broadcast %add3A_1173 : i32 to vector<16xi32>
      %add3A_1175 = arith.addi %mul3A_1169, %add3A_1174 : vector<16xi32>
      %broadcast_in_dim3A_1176 = arith.constant 48 : i32
      %broadcast_in_dim3A_1177 = vector.broadcast %broadcast_in_dim3A_1176 : i32 to vector<16xi32>
      %gather3A_1178 = tpu.vector_load_idx %arg16[%add3A_1175] : memref<8960xf32, #tpu.memory_space<vmem>>[vector<16xi32>], vector<16xf32>,
      %scatter3A_1179 = arith.constant 1 : i32
      %scatter3A_1180 = arith.constant 0 : i32
      %scatter3A_1181 = arith.constant 0 : i32
      %scatter3A_1182 = tpu.memref_slice %arg15[%scatter3A_1179, %scatter3A_1180, %scatter3A_1181] : memref<5x128x128xf32, #tpu.memory_space<vmem>> -> memref<1x128x128xf32, #tpu.memory_space<vmem>>
      %scatter3A_1183 = tpu.memref_squeeze %scatter3A_1182 : memref<1x128x128xf32, #tpu.memory_space<vmem>> -> memref<128x128xf32, #tpu.memory_space<vmem>>
      tpu.vector_store_idx %scatter3A_1183[%add3A_1166, %broadcast_in_dim3A_1177], %gather3A_1178 : memref<128x128xf32, #tpu.memory_space<vmem>>[vector<16xi32>, vector<16xi32>], vector<16xf32>,
      %add3A_1184 = arith.constant 1 : i32
      %add3A_1185 = vector.broadcast %add3A_1184 : i32 to vector<16xi32>
      %add3A_1186 = arith.addi %add3A_1175, %add3A_1185 : vector<16xi32>
      %gather3A_1187 = tpu.vector_load_idx %arg16[%add3A_1186] : memref<8960xf32, #tpu.memory_space<vmem>>[vector<16xi32>], vector<16xf32>,
      %add3A_1188 = arith.constant 64 : i32
      %add3A_1189 = vector.broadcast %add3A_1188 : i32 to vector<16xi32>
      %add3A_1190 = arith.addi %broadcast_in_dim3A_1177, %add3A_1189 : vector<16xi32>
      %scatter3A_1191 = arith.constant 1 : i32
      %scatter3A_1192 = arith.constant 0 : i32
      %scatter3A_1193 = arith.constant 0 : i32
      %scatter3A_1194 = tpu.memref_slice %arg15[%scatter3A_1191, %scatter3A_1192, %scatter3A_1193] : memref<5x128x128xf32, #tpu.memory_space<vmem>> -> memref<1x128x128xf32, #tpu.memory_space<vmem>>
      %scatter3A_1195 = tpu.memref_squeeze %scatter3A_1194 : memref<1x128x128xf32, #tpu.memory_space<vmem>> -> memref<128x128xf32, #tpu.memory_space<vmem>>
      tpu.vector_store_idx %scatter3A_1195[%add3A_1166, %add3A_1190], %gather3A_1187 : memref<128x128xf32, #tpu.memory_space<vmem>>[vector<16xi32>, vector<16xi32>], vector<16xf32>,
      %broadcast_in_dim3A_1196 = arith.constant 49 : i32
      %broadcast_in_dim3A_1197 = vector.broadcast %broadcast_in_dim3A_1196 : i32 to vector<16xi32>
      %gather3A_1198 = tpu.vector_load_idx %arg17[%add3A_1175] : memref<8960xf32, #tpu.memory_space<vmem>>[vector<16xi32>], vector<16xf32>,
      %scatter3A_1199 = arith.constant 1 : i32
      %scatter3A_1200 = arith.constant 0 : i32
      %scatter3A_1201 = arith.constant 0 : i32
      %scatter3A_1202 = tpu.memref_slice %arg15[%scatter3A_1199, %scatter3A_1200, %scatter3A_1201] : memref<5x128x128xf32, #tpu.memory_space<vmem>> -> memref<1x128x128xf32, #tpu.memory_space<vmem>>
      %scatter3A_1203 = tpu.memref_squeeze %scatter3A_1202 : memref<1x128x128xf32, #tpu.memory_space<vmem>> -> memref<128x128xf32, #tpu.memory_space<vmem>>
      tpu.vector_store_idx %scatter3A_1203[%add3A_1166, %broadcast_in_dim3A_1197], %gather3A_1198 : memref<128x128xf32, #tpu.memory_space<vmem>>[vector<16xi32>, vector<16xi32>], vector<16xf32>,
      %add3A_1204 = arith.constant 1 : i32
      %add3A_1205 = vector.broadcast %add3A_1204 : i32 to vector<16xi32>
      %add3A_1206 = arith.addi %add3A_1175, %add3A_1205 : vector<16xi32>
      %gather3A_1207 = tpu.vector_load_idx %arg17[%add3A_1206] : memref<8960xf32, #tpu.memory_space<vmem>>[vector<16xi32>], vector<16xf32>,
      %add3A_1208 = arith.constant 64 : i32
      %add3A_1209 = vector.broadcast %add3A_1208 : i32 to vector<16xi32>
      %add3A_1210 = arith.addi %broadcast_in_dim3A_1197, %add3A_1209 : vector<16xi32>
      %scatter3A_1211 = arith.constant 1 : i32
      %scatter3A_1212 = arith.constant 0 : i32
      %scatter3A_1213 = arith.constant 0 : i32
      %scatter3A_1214 = tpu.memref_slice %arg15[%scatter3A_1211, %scatter3A_1212, %scatter3A_1213] : memref<5x128x128xf32, #tpu.memory_space<vmem>> -> memref<1x128x128xf32, #tpu.memory_space<vmem>>
      %scatter3A_1215 = tpu.memref_squeeze %scatter3A_1214 : memref<1x128x128xf32, #tpu.memory_space<vmem>> -> memref<128x128xf32, #tpu.memory_space<vmem>>
      tpu.vector_store_idx %scatter3A_1215[%add3A_1166, %add3A_1210], %gather3A_1207 : memref<128x128xf32, #tpu.memory_space<vmem>>[vector<16xi32>, vector<16xi32>], vector<16xf32>,
      %broadcast_in_dim3A_1216 = arith.constant 50 : i32
      %broadcast_in_dim3A_1217 = vector.broadcast %broadcast_in_dim3A_1216 : i32 to vector<16xi32>
      %gather3A_1218 = tpu.vector_load_idx %arg18[%add3A_1175] : memref<8960xf32, #tpu.memory_space<vmem>>[vector<16xi32>], vector<16xf32>,
      %scatter3A_1219 = arith.constant 1 : i32
      %scatter3A_1220 = arith.constant 0 : i32
      %scatter3A_1221 = arith.constant 0 : i32
      %scatter3A_1222 = tpu.memref_slice %arg15[%scatter3A_1219, %scatter3A_1220, %scatter3A_1221] : memref<5x128x128xf32, #tpu.memory_space<vmem>> -> memref<1x128x128xf32, #tpu.memory_space<vmem>>
      %scatter3A_1223 = tpu.memref_squeeze %scatter3A_1222 : memref<1x128x128xf32, #tpu.memory_space<vmem>> -> memref<128x128xf32, #tpu.memory_space<vmem>>
      tpu.vector_store_idx %scatter3A_1223[%add3A_1166, %broadcast_in_dim3A_1217], %gather3A_1218 : memref<128x128xf32, #tpu.memory_space<vmem>>[vector<16xi32>, vector<16xi32>], vector<16xf32>,
      %add3A_1224 = arith.constant 1 : i32
      %add3A_1225 = vector.broadcast %add3A_1224 : i32 to vector<16xi32>
      %add3A_1226 = arith.addi %add3A_1175, %add3A_1225 : vector<16xi32>
      %gather3A_1227 = tpu.vector_load_idx %arg18[%add3A_1226] : memref<8960xf32, #tpu.memory_space<vmem>>[vector<16xi32>], vector<16xf32>,
      %add3A_1228 = arith.constant 64 : i32
      %add3A_1229 = vector.broadcast %add3A_1228 : i32 to vector<16xi32>
      %add3A_1230 = arith.addi %broadcast_in_dim3A_1217, %add3A_1229 : vector<16xi32>
      %scatter3A_1231 = arith.constant 1 : i32
      %scatter3A_1232 = arith.constant 0 : i32
      %scatter3A_1233 = arith.constant 0 : i32
      %scatter3A_1234 = tpu.memref_slice %arg15[%scatter3A_1231, %scatter3A_1232, %scatter3A_1233] : memref<5x128x128xf32, #tpu.memory_space<vmem>> -> memref<1x128x128xf32, #tpu.memory_space<vmem>>
      %scatter3A_1235 = tpu.memref_squeeze %scatter3A_1234 : memref<1x128x128xf32, #tpu.memory_space<vmem>> -> memref<128x128xf32, #tpu.memory_space<vmem>>
      tpu.vector_store_idx %scatter3A_1235[%add3A_1166, %add3A_1230], %gather3A_1227 : memref<128x128xf32, #tpu.memory_space<vmem>>[vector<16xi32>, vector<16xi32>], vector<16xf32>,
      %add3A_1236 = arith.constant 112 : i32
      %add3A_1237 = vector.broadcast %add3A_1236 : i32 to vector<16xi32>
      %add3A_1238 = arith.addi %iota3A, %add3A_1237 : vector<16xi32>
      %mul3A_1239 = arith.constant 14 : i32
      %mul3A_1240 = vector.broadcast %mul3A_1239 : i32 to vector<16xi32>
      %mul3A_1241 = arith.muli %add3A_1238, %mul3A_1240 : vector<16xi32>
      %mul3A_1242 = arith.constant 2 : i32
      %mul3A_1243 = arith.muli %mul3A_1242, %select_n3A : i32
      %add3A_1244 = arith.constant 1792 : i32
      %add3A_1245 = arith.addi %mul3A_1243, %add3A_1244 : i32
      %add3A_1246 = vector.broadcast %add3A_1245 : i32 to vector<16xi32>
      %add3A_1247 = arith.addi %mul3A_1241, %add3A_1246 : vector<16xi32>
      %broadcast_in_dim3A_1248 = arith.constant 48 : i32
      %broadcast_in_dim3A_1249 = vector.broadcast %broadcast_in_dim3A_1248 : i32 to vector<16xi32>
      %gather3A_1250 = tpu.vector_load_idx %arg16[%add3A_1247] : memref<8960xf32, #tpu.memory_space<vmem>>[vector<16xi32>], vector<16xf32>,
      %scatter3A_1251 = arith.constant 1 : i32
      %scatter3A_1252 = arith.constant 0 : i32
      %scatter3A_1253 = arith.constant 0 : i32
      %scatter3A_1254 = tpu.memref_slice %arg15[%scatter3A_1251, %scatter3A_1252, %scatter3A_1253] : memref<5x128x128xf32, #tpu.memory_space<vmem>> -> memref<1x128x128xf32, #tpu.memory_space<vmem>>
      %scatter3A_1255 = tpu.memref_squeeze %scatter3A_1254 : memref<1x128x128xf32, #tpu.memory_space<vmem>> -> memref<128x128xf32, #tpu.memory_space<vmem>>
      tpu.vector_store_idx %scatter3A_1255[%add3A_1238, %broadcast_in_dim3A_1249], %gather3A_1250 : memref<128x128xf32, #tpu.memory_space<vmem>>[vector<16xi32>, vector<16xi32>], vector<16xf32>,
      %add3A_1256 = arith.constant 1 : i32
      %add3A_1257 = vector.broadcast %add3A_1256 : i32 to vector<16xi32>
      %add3A_1258 = arith.addi %add3A_1247, %add3A_1257 : vector<16xi32>
      %gather3A_1259 = tpu.vector_load_idx %arg16[%add3A_1258] : memref<8960xf32, #tpu.memory_space<vmem>>[vector<16xi32>], vector<16xf32>,
      %add3A_1260 = arith.constant 64 : i32
      %add3A_1261 = vector.broadcast %add3A_1260 : i32 to vector<16xi32>
      %add3A_1262 = arith.addi %broadcast_in_dim3A_1249, %add3A_1261 : vector<16xi32>
      %scatter3A_1263 = arith.constant 1 : i32
      %scatter3A_1264 = arith.constant 0 : i32
      %scatter3A_1265 = arith.constant 0 : i32
      %scatter3A_1266 = tpu.memref_slice %arg15[%scatter3A_1263, %scatter3A_1264, %scatter3A_1265] : memref<5x128x128xf32, #tpu.memory_space<vmem>> -> memref<1x128x128xf32, #tpu.memory_space<vmem>>
      %scatter3A_1267 = tpu.memref_squeeze %scatter3A_1266 : memref<1x128x128xf32, #tpu.memory_space<vmem>> -> memref<128x128xf32, #tpu.memory_space<vmem>>
      tpu.vector_store_idx %scatter3A_1267[%add3A_1238, %add3A_1262], %gather3A_1259 : memref<128x128xf32, #tpu.memory_space<vmem>>[vector<16xi32>, vector<16xi32>], vector<16xf32>,
      %broadcast_in_dim3A_1268 = arith.constant 49 : i32
      %broadcast_in_dim3A_1269 = vector.broadcast %broadcast_in_dim3A_1268 : i32 to vector<16xi32>
      %gather3A_1270 = tpu.vector_load_idx %arg17[%add3A_1247] : memref<8960xf32, #tpu.memory_space<vmem>>[vector<16xi32>], vector<16xf32>,
      %scatter3A_1271 = arith.constant 1 : i32
      %scatter3A_1272 = arith.constant 0 : i32
      %scatter3A_1273 = arith.constant 0 : i32
      %scatter3A_1274 = tpu.memref_slice %arg15[%scatter3A_1271, %scatter3A_1272, %scatter3A_1273] : memref<5x128x128xf32, #tpu.memory_space<vmem>> -> memref<1x128x128xf32, #tpu.memory_space<vmem>>
      %scatter3A_1275 = tpu.memref_squeeze %scatter3A_1274 : memref<1x128x128xf32, #tpu.memory_space<vmem>> -> memref<128x128xf32, #tpu.memory_space<vmem>>
      tpu.vector_store_idx %scatter3A_1275[%add3A_1238, %broadcast_in_dim3A_1269], %gather3A_1270 : memref<128x128xf32, #tpu.memory_space<vmem>>[vector<16xi32>, vector<16xi32>], vector<16xf32>,
      %add3A_1276 = arith.constant 1 : i32
      %add3A_1277 = vector.broadcast %add3A_1276 : i32 to vector<16xi32>
      %add3A_1278 = arith.addi %add3A_1247, %add3A_1277 : vector<16xi32>
      %gather3A_1279 = tpu.vector_load_idx %arg17[%add3A_1278] : memref<8960xf32, #tpu.memory_space<vmem>>[vector<16xi32>], vector<16xf32>,
      %add3A_1280 = arith.constant 64 : i32
      %add3A_1281 = vector.broadcast %add3A_1280 : i32 to vector<16xi32>
      %add3A_1282 = arith.addi %broadcast_in_dim3A_1269, %add3A_1281 : vector<16xi32>
      %scatter3A_1283 = arith.constant 1 : i32
      %scatter3A_1284 = arith.constant 0 : i32
      %scatter3A_1285 = arith.constant 0 : i32
      %scatter3A_1286 = tpu.memref_slice %arg15[%scatter3A_1283, %scatter3A_1284, %scatter3A_1285] : memref<5x128x128xf32, #tpu.memory_space<vmem>> -> memref<1x128x128xf32, #tpu.memory_space<vmem>>
      %scatter3A_1287 = tpu.memref_squeeze %scatter3A_1286 : memref<1x128x128xf32, #tpu.memory_space<vmem>> -> memref<128x128xf32, #tpu.memory_space<vmem>>
      tpu.vector_store_idx %scatter3A_1287[%add3A_1238, %add3A_1282], %gather3A_1279 : memref<128x128xf32, #tpu.memory_space<vmem>>[vector<16xi32>, vector<16xi32>], vector<16xf32>,
      %broadcast_in_dim3A_1288 = arith.constant 50 : i32
      %broadcast_in_dim3A_1289 = vector.broadcast %broadcast_in_dim3A_1288 : i32 to vector<16xi32>
      %gather3A_1290 = tpu.vector_load_idx %arg18[%add3A_1247] : memref<8960xf32, #tpu.memory_space<vmem>>[vector<16xi32>], vector<16xf32>,
      %scatter3A_1291 = arith.constant 1 : i32
      %scatter3A_1292 = arith.constant 0 : i32
      %scatter3A_1293 = arith.constant 0 : i32
      %scatter3A_1294 = tpu.memref_slice %arg15[%scatter3A_1291, %scatter3A_1292, %scatter3A_1293] : memref<5x128x128xf32, #tpu.memory_space<vmem>> -> memref<1x128x128xf32, #tpu.memory_space<vmem>>
      %scatter3A_1295 = tpu.memref_squeeze %scatter3A_1294 : memref<1x128x128xf32, #tpu.memory_space<vmem>> -> memref<128x128xf32, #tpu.memory_space<vmem>>
      tpu.vector_store_idx %scatter3A_1295[%add3A_1238, %broadcast_in_dim3A_1289], %gather3A_1290 : memref<128x128xf32, #tpu.memory_space<vmem>>[vector<16xi32>, vector<16xi32>], vector<16xf32>,
      %add3A_1296 = arith.constant 1 : i32
      %add3A_1297 = vector.broadcast %add3A_1296 : i32 to vector<16xi32>
      %add3A_1298 = arith.addi %add3A_1247, %add3A_1297 : vector<16xi32>
      %gather3A_1299 = tpu.vector_load_idx %arg18[%add3A_1298] : memref<8960xf32, #tpu.memory_space<vmem>>[vector<16xi32>], vector<16xf32>,
      %add3A_1300 = arith.constant 64 : i32
      %add3A_1301 = vector.broadcast %add3A_1300 : i32 to vector<16xi32>
      %add3A_1302 = arith.addi %broadcast_in_dim3A_1289, %add3A_1301 : vector<16xi32>
      %scatter3A_1303 = arith.constant 1 : i32
      %scatter3A_1304 = arith.constant 0 : i32
      %scatter3A_1305 = arith.constant 0 : i32
      %scatter3A_1306 = tpu.memref_slice %arg15[%scatter3A_1303, %scatter3A_1304, %scatter3A_1305] : memref<5x128x128xf32, #tpu.memory_space<vmem>> -> memref<1x128x128xf32, #tpu.memory_space<vmem>>
      %scatter3A_1307 = tpu.memref_squeeze %scatter3A_1306 : memref<1x128x128xf32, #tpu.memory_space<vmem>> -> memref<128x128xf32, #tpu.memory_space<vmem>>
      tpu.vector_store_idx %scatter3A_1307[%add3A_1238, %add3A_1302], %gather3A_1299 : memref<128x128xf32, #tpu.memory_space<vmem>>[vector<16xi32>, vector<16xi32>], vector<16xf32>,
      %add3A_1308 = arith.constant 1 : i32
      %add3A_1309 = arith.addi %add3A_17, %add3A_1308 : i32
      %dma_start3A_1310 = arith.constant 1 : i32
      %dma_start3A_1311 = arith.constant 0 : i32
      %dma_start3A_1312 = arith.constant 0 : i32
      %dma_start3A_1313 = tpu.memref_slice %arg15[%dma_start3A_1310, %dma_start3A_1311, %dma_start3A_1312] : memref<5x128x128xf32, #tpu.memory_space<vmem>> -> memref<1x128x128xf32, #tpu.memory_space<vmem>>
      %dma_start3A_1314 = tpu.memref_squeeze %dma_start3A_1313 : memref<1x128x128xf32, #tpu.memory_space<vmem>> -> memref<128x128xf32, #tpu.memory_space<vmem>>
      %dma_start3A_1315 = arith.constant 0 : i32
      %dma_start3A_1316 = arith.constant 0 : i32
      %dma_start3A_1317 = tpu.memref_slice %arg11[%add3A_1309, %dma_start3A_1315, %dma_start3A_1316] : memref<5600x128x128xf32, #tpu.memory_space<hbm>> -> memref<1x128x128xf32, #tpu.memory_space<hbm>>
      %dma_start3A_1318 = tpu.memref_squeeze %dma_start3A_1317 : memref<1x128x128xf32, #tpu.memory_space<hbm>> -> memref<128x128xf32, #tpu.memory_space<hbm>>
      %dma_start3A_1319 = arith.constant 0 : i32
      %dma_start3A_1320 = arith.constant 0 : i32
      %dma_start3A_1321 = tpu.memref_slice %arg11[%add3A_1309, %dma_start3A_1319, %dma_start3A_1320] : memref<5600x128x128xf32, #tpu.memory_space<hbm>> -> memref<1x128x128xf32, #tpu.memory_space<hbm>>
      %dma_start3A_1322 = tpu.memref_squeeze %dma_start3A_1321 : memref<1x128x128xf32, #tpu.memory_space<hbm>> -> memref<128x128xf32, #tpu.memory_space<hbm>>
      %dma_start3A_1323 = arith.constant 0 : i32
      %dma_start3A_1324 = arith.constant 0 : i32
      %dma_start3A_1325 = tpu.memref_slice %arg15[%dma_start3A_1310, %dma_start3A_1323, %dma_start3A_1324] : memref<5x128x128xf32, #tpu.memory_space<vmem>> -> memref<1x128x128xf32, #tpu.memory_space<vmem>>
      %dma_start3A_1326 = tpu.memref_squeeze %dma_start3A_1325 : memref<1x128x128xf32, #tpu.memory_space<vmem>> -> memref<128x128xf32, #tpu.memory_space<vmem>>
      tpu.enqueue_dma source(%dma_start3A_1326 : memref<128x128xf32, #tpu.memory_space<vmem>>) target(%dma_start3A_1322 : memref<128x128xf32, #tpu.memory_space<hbm>>) target_semaphore(%arg20 : memref<!tpu.dma_semaphore, #tpu.memory_space<semaphore_mem>>)
      %dma_wait3A_1327 = arith.constant 2 : i32
      %dma_wait3A_1328 = arith.constant 0 : i32
      %dma_wait3A_1329 = arith.constant 0 : i32
      %dma_wait3A_1330 = tpu.memref_slice %arg15[%dma_wait3A_1327, %dma_wait3A_1328, %dma_wait3A_1329] : memref<5x128x128xf32, #tpu.memory_space<vmem>> -> memref<1x128x128xf32, #tpu.memory_space<vmem>>
      %dma_wait3A_1331 = tpu.memref_squeeze %dma_wait3A_1330 : memref<1x128x128xf32, #tpu.memory_space<vmem>> -> memref<128x128xf32, #tpu.memory_space<vmem>>
      %dma_wait3A_1332 = arith.constant 256 : i32
      %dma_wait3A_1333 = tpu.memref_slice %arg14[%dma_wait3A_1332] : memref<640xi32, #tpu.memory_space<vmem>> -> memref<128xi32, #tpu.memory_space<vmem>>
      %dma_wait3A_1334 = arith.constant 0 : i32
      %dma_wait3A_1335 = arith.constant 0 : i32
      %dma_wait3A_1336 = tpu.memref_slice %arg2[%dma_wait3A_1334, %dma_wait3A_1335] : memref<51984x128xf32, #tpu.memory_space<hbm>> -> memref<51984x128xf32, #tpu.memory_space<hbm>>
      tpu.wait_indirect_dma semaphore(%arg19 : memref<!tpu.dma_semaphore, #tpu.memory_space<semaphore_mem>>) src(%dma_wait3A_1336 : memref<51984x128xf32, #tpu.memory_space<hbm>>) dst(%dma_wait3A_1331 : memref<128x128xf32, #tpu.memory_space<vmem>>)
      %add3A_1337 = arith.constant 0 : i32
      %add3A_1338 = vector.broadcast %add3A_1337 : i32 to vector<16xi32>
      %add3A_1339 = arith.addi %iota3A, %add3A_1338 : vector<16xi32>
      %mul3A_1340 = arith.constant 14 : i32
      %mul3A_1341 = vector.broadcast %mul3A_1340 : i32 to vector<16xi32>
      %mul3A_1342 = arith.muli %add3A_1339, %mul3A_1341 : vector<16xi32>
      %mul3A_1343 = arith.constant 2 : i32
      %mul3A_1344 = arith.muli %mul3A_1343, %select_n3A : i32
      %add3A_1345 = arith.constant 3584 : i32
      %add3A_1346 = arith.addi %mul3A_1344, %add3A_1345 : i32
      %add3A_1347 = vector.broadcast %add3A_1346 : i32 to vector<16xi32>
      %add3A_1348 = arith.addi %mul3A_1342, %add3A_1347 : vector<16xi32>
      %broadcast_in_dim3A_1349 = arith.constant 48 : i32
      %broadcast_in_dim3A_1350 = vector.broadcast %broadcast_in_dim3A_1349 : i32 to vector<16xi32>
      %gather3A_1351 = tpu.vector_load_idx %arg16[%add3A_1348] : memref<8960xf32, #tpu.memory_space<vmem>>[vector<16xi32>], vector<16xf32>,
      %scatter3A_1352 = arith.constant 2 : i32
      %scatter3A_1353 = arith.constant 0 : i32
      %scatter3A_1354 = arith.constant 0 : i32
      %scatter3A_1355 = tpu.memref_slice %arg15[%scatter3A_1352, %scatter3A_1353, %scatter3A_1354] : memref<5x128x128xf32, #tpu.memory_space<vmem>> -> memref<1x128x128xf32, #tpu.memory_space<vmem>>
      %scatter3A_1356 = tpu.memref_squeeze %scatter3A_1355 : memref<1x128x128xf32, #tpu.memory_space<vmem>> -> memref<128x128xf32, #tpu.memory_space<vmem>>
      tpu.vector_store_idx %scatter3A_1356[%add3A_1339, %broadcast_in_dim3A_1350], %gather3A_1351 : memref<128x128xf32, #tpu.memory_space<vmem>>[vector<16xi32>, vector<16xi32>], vector<16xf32>,
      %add3A_1357 = arith.constant 1 : i32
      %add3A_1358 = vector.broadcast %add3A_1357 : i32 to vector<16xi32>
      %add3A_1359 = arith.addi %add3A_1348, %add3A_1358 : vector<16xi32>
      %gather3A_1360 = tpu.vector_load_idx %arg16[%add3A_1359] : memref<8960xf32, #tpu.memory_space<vmem>>[vector<16xi32>], vector<16xf32>,
      %add3A_1361 = arith.constant 64 : i32
      %add3A_1362 = vector.broadcast %add3A_1361 : i32 to vector<16xi32>
      %add3A_1363 = arith.addi %broadcast_in_dim3A_1350, %add3A_1362 : vector<16xi32>
      %scatter3A_1364 = arith.constant 2 : i32
      %scatter3A_1365 = arith.constant 0 : i32
      %scatter3A_1366 = arith.constant 0 : i32
      %scatter3A_1367 = tpu.memref_slice %arg15[%scatter3A_1364, %scatter3A_1365, %scatter3A_1366] : memref<5x128x128xf32, #tpu.memory_space<vmem>> -> memref<1x128x128xf32, #tpu.memory_space<vmem>>
      %scatter3A_1368 = tpu.memref_squeeze %scatter3A_1367 : memref<1x128x128xf32, #tpu.memory_space<vmem>> -> memref<128x128xf32, #tpu.memory_space<vmem>>
      tpu.vector_store_idx %scatter3A_1368[%add3A_1339, %add3A_1363], %gather3A_1360 : memref<128x128xf32, #tpu.memory_space<vmem>>[vector<16xi32>, vector<16xi32>], vector<16xf32>,
      %broadcast_in_dim3A_1369 = arith.constant 49 : i32
      %broadcast_in_dim3A_1370 = vector.broadcast %broadcast_in_dim3A_1369 : i32 to vector<16xi32>
      %gather3A_1371 = tpu.vector_load_idx %arg17[%add3A_1348] : memref<8960xf32, #tpu.memory_space<vmem>>[vector<16xi32>], vector<16xf32>,
      %scatter3A_1372 = arith.constant 2 : i32
      %scatter3A_1373 = arith.constant 0 : i32
      %scatter3A_1374 = arith.constant 0 : i32
      %scatter3A_1375 = tpu.memref_slice %arg15[%scatter3A_1372, %scatter3A_1373, %scatter3A_1374] : memref<5x128x128xf32, #tpu.memory_space<vmem>> -> memref<1x128x128xf32, #tpu.memory_space<vmem>>
      %scatter3A_1376 = tpu.memref_squeeze %scatter3A_1375 : memref<1x128x128xf32, #tpu.memory_space<vmem>> -> memref<128x128xf32, #tpu.memory_space<vmem>>
      tpu.vector_store_idx %scatter3A_1376[%add3A_1339, %broadcast_in_dim3A_1370], %gather3A_1371 : memref<128x128xf32, #tpu.memory_space<vmem>>[vector<16xi32>, vector<16xi32>], vector<16xf32>,
      %add3A_1377 = arith.constant 1 : i32
      %add3A_1378 = vector.broadcast %add3A_1377 : i32 to vector<16xi32>
      %add3A_1379 = arith.addi %add3A_1348, %add3A_1378 : vector<16xi32>
      %gather3A_1380 = tpu.vector_load_idx %arg17[%add3A_1379] : memref<8960xf32, #tpu.memory_space<vmem>>[vector<16xi32>], vector<16xf32>,
      %add3A_1381 = arith.constant 64 : i32
      %add3A_1382 = vector.broadcast %add3A_1381 : i32 to vector<16xi32>
      %add3A_1383 = arith.addi %broadcast_in_dim3A_1370, %add3A_1382 : vector<16xi32>
      %scatter3A_1384 = arith.constant 2 : i32
      %scatter3A_1385 = arith.constant 0 : i32
      %scatter3A_1386 = arith.constant 0 : i32
      %scatter3A_1387 = tpu.memref_slice %arg15[%scatter3A_1384, %scatter3A_1385, %scatter3A_1386] : memref<5x128x128xf32, #tpu.memory_space<vmem>> -> memref<1x128x128xf32, #tpu.memory_space<vmem>>
      %scatter3A_1388 = tpu.memref_squeeze %scatter3A_1387 : memref<1x128x128xf32, #tpu.memory_space<vmem>> -> memref<128x128xf32, #tpu.memory_space<vmem>>
      tpu.vector_store_idx %scatter3A_1388[%add3A_1339, %add3A_1383], %gather3A_1380 : memref<128x128xf32, #tpu.memory_space<vmem>>[vector<16xi32>, vector<16xi32>], vector<16xf32>,
      %broadcast_in_dim3A_1389 = arith.constant 50 : i32
      %broadcast_in_dim3A_1390 = vector.broadcast %broadcast_in_dim3A_1389 : i32 to vector<16xi32>
      %gather3A_1391 = tpu.vector_load_idx %arg18[%add3A_1348] : memref<8960xf32, #tpu.memory_space<vmem>>[vector<16xi32>], vector<16xf32>,
      %scatter3A_1392 = arith.constant 2 : i32
      %scatter3A_1393 = arith.constant 0 : i32
      %scatter3A_1394 = arith.constant 0 : i32
      %scatter3A_1395 = tpu.memref_slice %arg15[%scatter3A_1392, %scatter3A_1393, %scatter3A_1394] : memref<5x128x128xf32, #tpu.memory_space<vmem>> -> memref<1x128x128xf32, #tpu.memory_space<vmem>>
      %scatter3A_1396 = tpu.memref_squeeze %scatter3A_1395 : memref<1x128x128xf32, #tpu.memory_space<vmem>> -> memref<128x128xf32, #tpu.memory_space<vmem>>
      tpu.vector_store_idx %scatter3A_1396[%add3A_1339, %broadcast_in_dim3A_1390], %gather3A_1391 : memref<128x128xf32, #tpu.memory_space<vmem>>[vector<16xi32>, vector<16xi32>], vector<16xf32>,
      %add3A_1397 = arith.constant 1 : i32
      %add3A_1398 = vector.broadcast %add3A_1397 : i32 to vector<16xi32>
      %add3A_1399 = arith.addi %add3A_1348, %add3A_1398 : vector<16xi32>
      %gather3A_1400 = tpu.vector_load_idx %arg18[%add3A_1399] : memref<8960xf32, #tpu.memory_space<vmem>>[vector<16xi32>], vector<16xf32>,
      %add3A_1401 = arith.constant 64 : i32
      %add3A_1402 = vector.broadcast %add3A_1401 : i32 to vector<16xi32>
      %add3A_1403 = arith.addi %broadcast_in_dim3A_1390, %add3A_1402 : vector<16xi32>
      %scatter3A_1404 = arith.constant 2 : i32
      %scatter3A_1405 = arith.constant 0 : i32
      %scatter3A_1406 = arith.constant 0 : i32
      %scatter3A_1407 = tpu.memref_slice %arg15[%scatter3A_1404, %scatter3A_1405, %scatter3A_1406] : memref<5x128x128xf32, #tpu.memory_space<vmem>> -> memref<1x128x128xf32, #tpu.memory_space<vmem>>
      %scatter3A_1408 = tpu.memref_squeeze %scatter3A_1407 : memref<1x128x128xf32, #tpu.memory_space<vmem>> -> memref<128x128xf32, #tpu.memory_space<vmem>>
      tpu.vector_store_idx %scatter3A_1408[%add3A_1339, %add3A_1403], %gather3A_1400 : memref<128x128xf32, #tpu.memory_space<vmem>>[vector<16xi32>, vector<16xi32>], vector<16xf32>,
      %add3A_1409 = arith.constant 16 : i32
      %add3A_1410 = vector.broadcast %add3A_1409 : i32 to vector<16xi32>
      %add3A_1411 = arith.addi %iota3A, %add3A_1410 : vector<16xi32>
      %mul3A_1412 = arith.constant 14 : i32
      %mul3A_1413 = vector.broadcast %mul3A_1412 : i32 to vector<16xi32>
      %mul3A_1414 = arith.muli %add3A_1411, %mul3A_1413 : vector<16xi32>
      %mul3A_1415 = arith.constant 2 : i32
      %mul3A_1416 = arith.muli %mul3A_1415, %select_n3A : i32
      %add3A_1417 = arith.constant 3584 : i32
      %add3A_1418 = arith.addi %mul3A_1416, %add3A_1417 : i32
      %add3A_1419 = vector.broadcast %add3A_1418 : i32 to vector<16xi32>
      %add3A_1420 = arith.addi %mul3A_1414, %add3A_1419 : vector<16xi32>
      %broadcast_in_dim3A_1421 = arith.constant 48 : i32
      %broadcast_in_dim3A_1422 = vector.broadcast %broadcast_in_dim3A_1421 : i32 to vector<16xi32>
      %gather3A_1423 = tpu.vector_load_idx %arg16[%add3A_1420] : memref<8960xf32, #tpu.memory_space<vmem>>[vector<16xi32>], vector<16xf32>,
      %scatter3A_1424 = arith.constant 2 : i32
      %scatter3A_1425 = arith.constant 0 : i32
      %scatter3A_1426 = arith.constant 0 : i32
      %scatter3A_1427 = tpu.memref_slice %arg15[%scatter3A_1424, %scatter3A_1425, %scatter3A_1426] : memref<5x128x128xf32, #tpu.memory_space<vmem>> -> memref<1x128x128xf32, #tpu.memory_space<vmem>>
      %scatter3A_1428 = tpu.memref_squeeze %scatter3A_1427 : memref<1x128x128xf32, #tpu.memory_space<vmem>> -> memref<128x128xf32, #tpu.memory_space<vmem>>
      tpu.vector_store_idx %scatter3A_1428[%add3A_1411, %broadcast_in_dim3A_1422], %gather3A_1423 : memref<128x128xf32, #tpu.memory_space<vmem>>[vector<16xi32>, vector<16xi32>], vector<16xf32>,
      %add3A_1429 = arith.constant 1 : i32
      %add3A_1430 = vector.broadcast %add3A_1429 : i32 to vector<16xi32>
      %add3A_1431 = arith.addi %add3A_1420, %add3A_1430 : vector<16xi32>
      %gather3A_1432 = tpu.vector_load_idx %arg16[%add3A_1431] : memref<8960xf32, #tpu.memory_space<vmem>>[vector<16xi32>], vector<16xf32>,
      %add3A_1433 = arith.constant 64 : i32
      %add3A_1434 = vector.broadcast %add3A_1433 : i32 to vector<16xi32>
      %add3A_1435 = arith.addi %broadcast_in_dim3A_1422, %add3A_1434 : vector<16xi32>
      %scatter3A_1436 = arith.constant 2 : i32
      %scatter3A_1437 = arith.constant 0 : i32
      %scatter3A_1438 = arith.constant 0 : i32
      %scatter3A_1439 = tpu.memref_slice %arg15[%scatter3A_1436, %scatter3A_1437, %scatter3A_1438] : memref<5x128x128xf32, #tpu.memory_space<vmem>> -> memref<1x128x128xf32, #tpu.memory_space<vmem>>
      %scatter3A_1440 = tpu.memref_squeeze %scatter3A_1439 : memref<1x128x128xf32, #tpu.memory_space<vmem>> -> memref<128x128xf32, #tpu.memory_space<vmem>>
      tpu.vector_store_idx %scatter3A_1440[%add3A_1411, %add3A_1435], %gather3A_1432 : memref<128x128xf32, #tpu.memory_space<vmem>>[vector<16xi32>, vector<16xi32>], vector<16xf32>,
      %broadcast_in_dim3A_1441 = arith.constant 49 : i32
      %broadcast_in_dim3A_1442 = vector.broadcast %broadcast_in_dim3A_1441 : i32 to vector<16xi32>
      %gather3A_1443 = tpu.vector_load_idx %arg17[%add3A_1420] : memref<8960xf32, #tpu.memory_space<vmem>>[vector<16xi32>], vector<16xf32>,
      %scatter3A_1444 = arith.constant 2 : i32
      %scatter3A_1445 = arith.constant 0 : i32
      %scatter3A_1446 = arith.constant 0 : i32
      %scatter3A_1447 = tpu.memref_slice %arg15[%scatter3A_1444, %scatter3A_1445, %scatter3A_1446] : memref<5x128x128xf32, #tpu.memory_space<vmem>> -> memref<1x128x128xf32, #tpu.memory_space<vmem>>
      %scatter3A_1448 = tpu.memref_squeeze %scatter3A_1447 : memref<1x128x128xf32, #tpu.memory_space<vmem>> -> memref<128x128xf32, #tpu.memory_space<vmem>>
      tpu.vector_store_idx %scatter3A_1448[%add3A_1411, %broadcast_in_dim3A_1442], %gather3A_1443 : memref<128x128xf32, #tpu.memory_space<vmem>>[vector<16xi32>, vector<16xi32>], vector<16xf32>,
      %add3A_1449 = arith.constant 1 : i32
      %add3A_1450 = vector.broadcast %add3A_1449 : i32 to vector<16xi32>
      %add3A_1451 = arith.addi %add3A_1420, %add3A_1450 : vector<16xi32>
      %gather3A_1452 = tpu.vector_load_idx %arg17[%add3A_1451] : memref<8960xf32, #tpu.memory_space<vmem>>[vector<16xi32>], vector<16xf32>,
      %add3A_1453 = arith.constant 64 : i32
      %add3A_1454 = vector.broadcast %add3A_1453 : i32 to vector<16xi32>
      %add3A_1455 = arith.addi %broadcast_in_dim3A_1442, %add3A_1454 : vector<16xi32>
      %scatter3A_1456 = arith.constant 2 : i32
      %scatter3A_1457 = arith.constant 0 : i32
      %scatter3A_1458 = arith.constant 0 : i32
      %scatter3A_1459 = tpu.memref_slice %arg15[%scatter3A_1456, %scatter3A_1457, %scatter3A_1458] : memref<5x128x128xf32, #tpu.memory_space<vmem>> -> memref<1x128x128xf32, #tpu.memory_space<vmem>>
      %scatter3A_1460 = tpu.memref_squeeze %scatter3A_1459 : memref<1x128x128xf32, #tpu.memory_space<vmem>> -> memref<128x128xf32, #tpu.memory_space<vmem>>
      tpu.vector_store_idx %scatter3A_1460[%add3A_1411, %add3A_1455], %gather3A_1452 : memref<128x128xf32, #tpu.memory_space<vmem>>[vector<16xi32>, vector<16xi32>], vector<16xf32>,
      %broadcast_in_dim3A_1461 = arith.constant 50 : i32
      %broadcast_in_dim3A_1462 = vector.broadcast %broadcast_in_dim3A_1461 : i32 to vector<16xi32>
      %gather3A_1463 = tpu.vector_load_idx %arg18[%add3A_1420] : memref<8960xf32, #tpu.memory_space<vmem>>[vector<16xi32>], vector<16xf32>,
      %scatter3A_1464 = arith.constant 2 : i32
      %scatter3A_1465 = arith.constant 0 : i32
      %scatter3A_1466 = arith.constant 0 : i32
      %scatter3A_1467 = tpu.memref_slice %arg15[%scatter3A_1464, %scatter3A_1465, %scatter3A_1466] : memref<5x128x128xf32, #tpu.memory_space<vmem>> -> memref<1x128x128xf32, #tpu.memory_space<vmem>>
      %scatter3A_1468 = tpu.memref_squeeze %scatter3A_1467 : memref<1x128x128xf32, #tpu.memory_space<vmem>> -> memref<128x128xf32, #tpu.memory_space<vmem>>
      tpu.vector_store_idx %scatter3A_1468[%add3A_1411, %broadcast_in_dim3A_1462], %gather3A_1463 : memref<128x128xf32, #tpu.memory_space<vmem>>[vector<16xi32>, vector<16xi32>], vector<16xf32>,
      %add3A_1469 = arith.constant 1 : i32
      %add3A_1470 = vector.broadcast %add3A_1469 : i32 to vector<16xi32>
      %add3A_1471 = arith.addi %add3A_1420, %add3A_1470 : vector<16xi32>
      %gather3A_1472 = tpu.vector_load_idx %arg18[%add3A_1471] : memref<8960xf32, #tpu.memory_space<vmem>>[vector<16xi32>], vector<16xf32>,
      %add3A_1473 = arith.constant 64 : i32
      %add3A_1474 = vector.broadcast %add3A_1473 : i32 to vector<16xi32>
      %add3A_1475 = arith.addi %broadcast_in_dim3A_1462, %add3A_1474 : vector<16xi32>
      %scatter3A_1476 = arith.constant 2 : i32
      %scatter3A_1477 = arith.constant 0 : i32
      %scatter3A_1478 = arith.constant 0 : i32
      %scatter3A_1479 = tpu.memref_slice %arg15[%scatter3A_1476, %scatter3A_1477, %scatter3A_1478] : memref<5x128x128xf32, #tpu.memory_space<vmem>> -> memref<1x128x128xf32, #tpu.memory_space<vmem>>
      %scatter3A_1480 = tpu.memref_squeeze %scatter3A_1479 : memref<1x128x128xf32, #tpu.memory_space<vmem>> -> memref<128x128xf32, #tpu.memory_space<vmem>>
      tpu.vector_store_idx %scatter3A_1480[%add3A_1411, %add3A_1475], %gather3A_1472 : memref<128x128xf32, #tpu.memory_space<vmem>>[vector<16xi32>, vector<16xi32>], vector<16xf32>,
      %add3A_1481 = arith.constant 32 : i32
      %add3A_1482 = vector.broadcast %add3A_1481 : i32 to vector<16xi32>
      %add3A_1483 = arith.addi %iota3A, %add3A_1482 : vector<16xi32>
      %mul3A_1484 = arith.constant 14 : i32
      %mul3A_1485 = vector.broadcast %mul3A_1484 : i32 to vector<16xi32>
      %mul3A_1486 = arith.muli %add3A_1483, %mul3A_1485 : vector<16xi32>
      %mul3A_1487 = arith.constant 2 : i32
      %mul3A_1488 = arith.muli %mul3A_1487, %select_n3A : i32
      %add3A_1489 = arith.constant 3584 : i32
      %add3A_1490 = arith.addi %mul3A_1488, %add3A_1489 : i32
      %add3A_1491 = vector.broadcast %add3A_1490 : i32 to vector<16xi32>
      %add3A_1492 = arith.addi %mul3A_1486, %add3A_1491 : vector<16xi32>
      %broadcast_in_dim3A_1493 = arith.constant 48 : i32
      %broadcast_in_dim3A_1494 = vector.broadcast %broadcast_in_dim3A_1493 : i32 to vector<16xi32>
      %gather3A_1495 = tpu.vector_load_idx %arg16[%add3A_1492] : memref<8960xf32, #tpu.memory_space<vmem>>[vector<16xi32>], vector<16xf32>,
      %scatter3A_1496 = arith.constant 2 : i32
      %scatter3A_1497 = arith.constant 0 : i32
      %scatter3A_1498 = arith.constant 0 : i32
      %scatter3A_1499 = tpu.memref_slice %arg15[%scatter3A_1496, %scatter3A_1497, %scatter3A_1498] : memref<5x128x128xf32, #tpu.memory_space<vmem>> -> memref<1x128x128xf32, #tpu.memory_space<vmem>>
      %scatter3A_1500 = tpu.memref_squeeze %scatter3A_1499 : memref<1x128x128xf32, #tpu.memory_space<vmem>> -> memref<128x128xf32, #tpu.memory_space<vmem>>
      tpu.vector_store_idx %scatter3A_1500[%add3A_1483, %broadcast_in_dim3A_1494], %gather3A_1495 : memref<128x128xf32, #tpu.memory_space<vmem>>[vector<16xi32>, vector<16xi32>], vector<16xf32>,
      %add3A_1501 = arith.constant 1 : i32
      %add3A_1502 = vector.broadcast %add3A_1501 : i32 to vector<16xi32>
      %add3A_1503 = arith.addi %add3A_1492, %add3A_1502 : vector<16xi32>
      %gather3A_1504 = tpu.vector_load_idx %arg16[%add3A_1503] : memref<8960xf32, #tpu.memory_space<vmem>>[vector<16xi32>], vector<16xf32>,
      %add3A_1505 = arith.constant 64 : i32
      %add3A_1506 = vector.broadcast %add3A_1505 : i32 to vector<16xi32>
      %add3A_1507 = arith.addi %broadcast_in_dim3A_1494, %add3A_1506 : vector<16xi32>
      %scatter3A_1508 = arith.constant 2 : i32
      %scatter3A_1509 = arith.constant 0 : i32
      %scatter3A_1510 = arith.constant 0 : i32
      %scatter3A_1511 = tpu.memref_slice %arg15[%scatter3A_1508, %scatter3A_1509, %scatter3A_1510] : memref<5x128x128xf32, #tpu.memory_space<vmem>> -> memref<1x128x128xf32, #tpu.memory_space<vmem>>
      %scatter3A_1512 = tpu.memref_squeeze %scatter3A_1511 : memref<1x128x128xf32, #tpu.memory_space<vmem>> -> memref<128x128xf32, #tpu.memory_space<vmem>>
      tpu.vector_store_idx %scatter3A_1512[%add3A_1483, %add3A_1507], %gather3A_1504 : memref<128x128xf32, #tpu.memory_space<vmem>>[vector<16xi32>, vector<16xi32>], vector<16xf32>,
      %broadcast_in_dim3A_1513 = arith.constant 49 : i32
      %broadcast_in_dim3A_1514 = vector.broadcast %broadcast_in_dim3A_1513 : i32 to vector<16xi32>
      %gather3A_1515 = tpu.vector_load_idx %arg17[%add3A_1492] : memref<8960xf32, #tpu.memory_space<vmem>>[vector<16xi32>], vector<16xf32>,
      %scatter3A_1516 = arith.constant 2 : i32
      %scatter3A_1517 = arith.constant 0 : i32
      %scatter3A_1518 = arith.constant 0 : i32
      %scatter3A_1519 = tpu.memref_slice %arg15[%scatter3A_1516, %scatter3A_1517, %scatter3A_1518] : memref<5x128x128xf32, #tpu.memory_space<vmem>> -> memref<1x128x128xf32, #tpu.memory_space<vmem>>
      %scatter3A_1520 = tpu.memref_squeeze %scatter3A_1519 : memref<1x128x128xf32, #tpu.memory_space<vmem>> -> memref<128x128xf32, #tpu.memory_space<vmem>>
      tpu.vector_store_idx %scatter3A_1520[%add3A_1483, %broadcast_in_dim3A_1514], %gather3A_1515 : memref<128x128xf32, #tpu.memory_space<vmem>>[vector<16xi32>, vector<16xi32>], vector<16xf32>,
      %add3A_1521 = arith.constant 1 : i32
      %add3A_1522 = vector.broadcast %add3A_1521 : i32 to vector<16xi32>
      %add3A_1523 = arith.addi %add3A_1492, %add3A_1522 : vector<16xi32>
      %gather3A_1524 = tpu.vector_load_idx %arg17[%add3A_1523] : memref<8960xf32, #tpu.memory_space<vmem>>[vector<16xi32>], vector<16xf32>,
      %add3A_1525 = arith.constant 64 : i32
      %add3A_1526 = vector.broadcast %add3A_1525 : i32 to vector<16xi32>
      %add3A_1527 = arith.addi %broadcast_in_dim3A_1514, %add3A_1526 : vector<16xi32>
      %scatter3A_1528 = arith.constant 2 : i32
      %scatter3A_1529 = arith.constant 0 : i32
      %scatter3A_1530 = arith.constant 0 : i32
      %scatter3A_1531 = tpu.memref_slice %arg15[%scatter3A_1528, %scatter3A_1529, %scatter3A_1530] : memref<5x128x128xf32, #tpu.memory_space<vmem>> -> memref<1x128x128xf32, #tpu.memory_space<vmem>>
      %scatter3A_1532 = tpu.memref_squeeze %scatter3A_1531 : memref<1x128x128xf32, #tpu.memory_space<vmem>> -> memref<128x128xf32, #tpu.memory_space<vmem>>
      tpu.vector_store_idx %scatter3A_1532[%add3A_1483, %add3A_1527], %gather3A_1524 : memref<128x128xf32, #tpu.memory_space<vmem>>[vector<16xi32>, vector<16xi32>], vector<16xf32>,
      %broadcast_in_dim3A_1533 = arith.constant 50 : i32
      %broadcast_in_dim3A_1534 = vector.broadcast %broadcast_in_dim3A_1533 : i32 to vector<16xi32>
      %gather3A_1535 = tpu.vector_load_idx %arg18[%add3A_1492] : memref<8960xf32, #tpu.memory_space<vmem>>[vector<16xi32>], vector<16xf32>,
      %scatter3A_1536 = arith.constant 2 : i32
      %scatter3A_1537 = arith.constant 0 : i32
      %scatter3A_1538 = arith.constant 0 : i32
      %scatter3A_1539 = tpu.memref_slice %arg15[%scatter3A_1536, %scatter3A_1537, %scatter3A_1538] : memref<5x128x128xf32, #tpu.memory_space<vmem>> -> memref<1x128x128xf32, #tpu.memory_space<vmem>>
      %scatter3A_1540 = tpu.memref_squeeze %scatter3A_1539 : memref<1x128x128xf32, #tpu.memory_space<vmem>> -> memref<128x128xf32, #tpu.memory_space<vmem>>
      tpu.vector_store_idx %scatter3A_1540[%add3A_1483, %broadcast_in_dim3A_1534], %gather3A_1535 : memref<128x128xf32, #tpu.memory_space<vmem>>[vector<16xi32>, vector<16xi32>], vector<16xf32>,
      %add3A_1541 = arith.constant 1 : i32
      %add3A_1542 = vector.broadcast %add3A_1541 : i32 to vector<16xi32>
      %add3A_1543 = arith.addi %add3A_1492, %add3A_1542 : vector<16xi32>
      %gather3A_1544 = tpu.vector_load_idx %arg18[%add3A_1543] : memref<8960xf32, #tpu.memory_space<vmem>>[vector<16xi32>], vector<16xf32>,
      %add3A_1545 = arith.constant 64 : i32
      %add3A_1546 = vector.broadcast %add3A_1545 : i32 to vector<16xi32>
      %add3A_1547 = arith.addi %broadcast_in_dim3A_1534, %add3A_1546 : vector<16xi32>
      %scatter3A_1548 = arith.constant 2 : i32
      %scatter3A_1549 = arith.constant 0 : i32
      %scatter3A_1550 = arith.constant 0 : i32
      %scatter3A_1551 = tpu.memref_slice %arg15[%scatter3A_1548, %scatter3A_1549, %scatter3A_1550] : memref<5x128x128xf32, #tpu.memory_space<vmem>> -> memref<1x128x128xf32, #tpu.memory_space<vmem>>
      %scatter3A_1552 = tpu.memref_squeeze %scatter3A_1551 : memref<1x128x128xf32, #tpu.memory_space<vmem>> -> memref<128x128xf32, #tpu.memory_space<vmem>>
      tpu.vector_store_idx %scatter3A_1552[%add3A_1483, %add3A_1547], %gather3A_1544 : memref<128x128xf32, #tpu.memory_space<vmem>>[vector<16xi32>, vector<16xi32>], vector<16xf32>,
      %add3A_1553 = arith.constant 48 : i32
      %add3A_1554 = vector.broadcast %add3A_1553 : i32 to vector<16xi32>
      %add3A_1555 = arith.addi %iota3A, %add3A_1554 : vector<16xi32>
      %mul3A_1556 = arith.constant 14 : i32
      %mul3A_1557 = vector.broadcast %mul3A_1556 : i32 to vector<16xi32>
      %mul3A_1558 = arith.muli %add3A_1555, %mul3A_1557 : vector<16xi32>
      %mul3A_1559 = arith.constant 2 : i32
      %mul3A_1560 = arith.muli %mul3A_1559, %select_n3A : i32
      %add3A_1561 = arith.constant 3584 : i32
      %add3A_1562 = arith.addi %mul3A_1560, %add3A_1561 : i32
      %add3A_1563 = vector.broadcast %add3A_1562 : i32 to vector<16xi32>
      %add3A_1564 = arith.addi %mul3A_1558, %add3A_1563 : vector<16xi32>
      %broadcast_in_dim3A_1565 = arith.constant 48 : i32
      %broadcast_in_dim3A_1566 = vector.broadcast %broadcast_in_dim3A_1565 : i32 to vector<16xi32>
      %gather3A_1567 = tpu.vector_load_idx %arg16[%add3A_1564] : memref<8960xf32, #tpu.memory_space<vmem>>[vector<16xi32>], vector<16xf32>,
      %scatter3A_1568 = arith.constant 2 : i32
      %scatter3A_1569 = arith.constant 0 : i32
      %scatter3A_1570 = arith.constant 0 : i32
      %scatter3A_1571 = tpu.memref_slice %arg15[%scatter3A_1568, %scatter3A_1569, %scatter3A_1570] : memref<5x128x128xf32, #tpu.memory_space<vmem>> -> memref<1x128x128xf32, #tpu.memory_space<vmem>>
      %scatter3A_1572 = tpu.memref_squeeze %scatter3A_1571 : memref<1x128x128xf32, #tpu.memory_space<vmem>> -> memref<128x128xf32, #tpu.memory_space<vmem>>
      tpu.vector_store_idx %scatter3A_1572[%add3A_1555, %broadcast_in_dim3A_1566], %gather3A_1567 : memref<128x128xf32, #tpu.memory_space<vmem>>[vector<16xi32>, vector<16xi32>], vector<16xf32>,
      %add3A_1573 = arith.constant 1 : i32
      %add3A_1574 = vector.broadcast %add3A_1573 : i32 to vector<16xi32>
      %add3A_1575 = arith.addi %add3A_1564, %add3A_1574 : vector<16xi32>
      %gather3A_1576 = tpu.vector_load_idx %arg16[%add3A_1575] : memref<8960xf32, #tpu.memory_space<vmem>>[vector<16xi32>], vector<16xf32>,
      %add3A_1577 = arith.constant 64 : i32
      %add3A_1578 = vector.broadcast %add3A_1577 : i32 to vector<16xi32>
      %add3A_1579 = arith.addi %broadcast_in_dim3A_1566, %add3A_1578 : vector<16xi32>
      %scatter3A_1580 = arith.constant 2 : i32
      %scatter3A_1581 = arith.constant 0 : i32
      %scatter3A_1582 = arith.constant 0 : i32
      %scatter3A_1583 = tpu.memref_slice %arg15[%scatter3A_1580, %scatter3A_1581, %scatter3A_1582] : memref<5x128x128xf32, #tpu.memory_space<vmem>> -> memref<1x128x128xf32, #tpu.memory_space<vmem>>
      %scatter3A_1584 = tpu.memref_squeeze %scatter3A_1583 : memref<1x128x128xf32, #tpu.memory_space<vmem>> -> memref<128x128xf32, #tpu.memory_space<vmem>>
      tpu.vector_store_idx %scatter3A_1584[%add3A_1555, %add3A_1579], %gather3A_1576 : memref<128x128xf32, #tpu.memory_space<vmem>>[vector<16xi32>, vector<16xi32>], vector<16xf32>,
      %broadcast_in_dim3A_1585 = arith.constant 49 : i32
      %broadcast_in_dim3A_1586 = vector.broadcast %broadcast_in_dim3A_1585 : i32 to vector<16xi32>
      %gather3A_1587 = tpu.vector_load_idx %arg17[%add3A_1564] : memref<8960xf32, #tpu.memory_space<vmem>>[vector<16xi32>], vector<16xf32>,
      %scatter3A_1588 = arith.constant 2 : i32
      %scatter3A_1589 = arith.constant 0 : i32
      %scatter3A_1590 = arith.constant 0 : i32
      %scatter3A_1591 = tpu.memref_slice %arg15[%scatter3A_1588, %scatter3A_1589, %scatter3A_1590] : memref<5x128x128xf32, #tpu.memory_space<vmem>> -> memref<1x128x128xf32, #tpu.memory_space<vmem>>
      %scatter3A_1592 = tpu.memref_squeeze %scatter3A_1591 : memref<1x128x128xf32, #tpu.memory_space<vmem>> -> memref<128x128xf32, #tpu.memory_space<vmem>>
      tpu.vector_store_idx %scatter3A_1592[%add3A_1555, %broadcast_in_dim3A_1586], %gather3A_1587 : memref<128x128xf32, #tpu.memory_space<vmem>>[vector<16xi32>, vector<16xi32>], vector<16xf32>,
      %add3A_1593 = arith.constant 1 : i32
      %add3A_1594 = vector.broadcast %add3A_1593 : i32 to vector<16xi32>
      %add3A_1595 = arith.addi %add3A_1564, %add3A_1594 : vector<16xi32>
      %gather3A_1596 = tpu.vector_load_idx %arg17[%add3A_1595] : memref<8960xf32, #tpu.memory_space<vmem>>[vector<16xi32>], vector<16xf32>,
      %add3A_1597 = arith.constant 64 : i32
      %add3A_1598 = vector.broadcast %add3A_1597 : i32 to vector<16xi32>
      %add3A_1599 = arith.addi %broadcast_in_dim3A_1586, %add3A_1598 : vector<16xi32>
      %scatter3A_1600 = arith.constant 2 : i32
      %scatter3A_1601 = arith.constant 0 : i32
      %scatter3A_1602 = arith.constant 0 : i32
      %scatter3A_1603 = tpu.memref_slice %arg15[%scatter3A_1600, %scatter3A_1601, %scatter3A_1602] : memref<5x128x128xf32, #tpu.memory_space<vmem>> -> memref<1x128x128xf32, #tpu.memory_space<vmem>>
      %scatter3A_1604 = tpu.memref_squeeze %scatter3A_1603 : memref<1x128x128xf32, #tpu.memory_space<vmem>> -> memref<128x128xf32, #tpu.memory_space<vmem>>
      tpu.vector_store_idx %scatter3A_1604[%add3A_1555, %add3A_1599], %gather3A_1596 : memref<128x128xf32, #tpu.memory_space<vmem>>[vector<16xi32>, vector<16xi32>], vector<16xf32>,
      %broadcast_in_dim3A_1605 = arith.constant 50 : i32
      %broadcast_in_dim3A_1606 = vector.broadcast %broadcast_in_dim3A_1605 : i32 to vector<16xi32>
      %gather3A_1607 = tpu.vector_load_idx %arg18[%add3A_1564] : memref<8960xf32, #tpu.memory_space<vmem>>[vector<16xi32>], vector<16xf32>,
      %scatter3A_1608 = arith.constant 2 : i32
      %scatter3A_1609 = arith.constant 0 : i32
      %scatter3A_1610 = arith.constant 0 : i32
      %scatter3A_1611 = tpu.memref_slice %arg15[%scatter3A_1608, %scatter3A_1609, %scatter3A_1610] : memref<5x128x128xf32, #tpu.memory_space<vmem>> -> memref<1x128x128xf32, #tpu.memory_space<vmem>>
      %scatter3A_1612 = tpu.memref_squeeze %scatter3A_1611 : memref<1x128x128xf32, #tpu.memory_space<vmem>> -> memref<128x128xf32, #tpu.memory_space<vmem>>
      tpu.vector_store_idx %scatter3A_1612[%add3A_1555, %broadcast_in_dim3A_1606], %gather3A_1607 : memref<128x128xf32, #tpu.memory_space<vmem>>[vector<16xi32>, vector<16xi32>], vector<16xf32>,
      %add3A_1613 = arith.constant 1 : i32
      %add3A_1614 = vector.broadcast %add3A_1613 : i32 to vector<16xi32>
      %add3A_1615 = arith.addi %add3A_1564, %add3A_1614 : vector<16xi32>
      %gather3A_1616 = tpu.vector_load_idx %arg18[%add3A_1615] : memref<8960xf32, #tpu.memory_space<vmem>>[vector<16xi32>], vector<16xf32>,
      %add3A_1617 = arith.constant 64 : i32
      %add3A_1618 = vector.broadcast %add3A_1617 : i32 to vector<16xi32>
      %add3A_1619 = arith.addi %broadcast_in_dim3A_1606, %add3A_1618 : vector<16xi32>
      %scatter3A_1620 = arith.constant 2 : i32
      %scatter3A_1621 = arith.constant 0 : i32
      %scatter3A_1622 = arith.constant 0 : i32
      %scatter3A_1623 = tpu.memref_slice %arg15[%scatter3A_1620, %scatter3A_1621, %scatter3A_1622] : memref<5x128x128xf32, #tpu.memory_space<vmem>> -> memref<1x128x128xf32, #tpu.memory_space<vmem>>
      %scatter3A_1624 = tpu.memref_squeeze %scatter3A_1623 : memref<1x128x128xf32, #tpu.memory_space<vmem>> -> memref<128x128xf32, #tpu.memory_space<vmem>>
      tpu.vector_store_idx %scatter3A_1624[%add3A_1555, %add3A_1619], %gather3A_1616 : memref<128x128xf32, #tpu.memory_space<vmem>>[vector<16xi32>, vector<16xi32>], vector<16xf32>,
      %add3A_1625 = arith.constant 64 : i32
      %add3A_1626 = vector.broadcast %add3A_1625 : i32 to vector<16xi32>
      %add3A_1627 = arith.addi %iota3A, %add3A_1626 : vector<16xi32>
      %mul3A_1628 = arith.constant 14 : i32
      %mul3A_1629 = vector.broadcast %mul3A_1628 : i32 to vector<16xi32>
      %mul3A_1630 = arith.muli %add3A_1627, %mul3A_1629 : vector<16xi32>
      %mul3A_1631 = arith.constant 2 : i32
      %mul3A_1632 = arith.muli %mul3A_1631, %select_n3A : i32
      %add3A_1633 = arith.constant 3584 : i32
      %add3A_1634 = arith.addi %mul3A_1632, %add3A_1633 : i32
      %add3A_1635 = vector.broadcast %add3A_1634 : i32 to vector<16xi32>
      %add3A_1636 = arith.addi %mul3A_1630, %add3A_1635 : vector<16xi32>
      %broadcast_in_dim3A_1637 = arith.constant 48 : i32
      %broadcast_in_dim3A_1638 = vector.broadcast %broadcast_in_dim3A_1637 : i32 to vector<16xi32>
      %gather3A_1639 = tpu.vector_load_idx %arg16[%add3A_1636] : memref<8960xf32, #tpu.memory_space<vmem>>[vector<16xi32>], vector<16xf32>,
      %scatter3A_1640 = arith.constant 2 : i32
      %scatter3A_1641 = arith.constant 0 : i32
      %scatter3A_1642 = arith.constant 0 : i32
      %scatter3A_1643 = tpu.memref_slice %arg15[%scatter3A_1640, %scatter3A_1641, %scatter3A_1642] : memref<5x128x128xf32, #tpu.memory_space<vmem>> -> memref<1x128x128xf32, #tpu.memory_space<vmem>>
      %scatter3A_1644 = tpu.memref_squeeze %scatter3A_1643 : memref<1x128x128xf32, #tpu.memory_space<vmem>> -> memref<128x128xf32, #tpu.memory_space<vmem>>
      tpu.vector_store_idx %scatter3A_1644[%add3A_1627, %broadcast_in_dim3A_1638], %gather3A_1639 : memref<128x128xf32, #tpu.memory_space<vmem>>[vector<16xi32>, vector<16xi32>], vector<16xf32>,
      %add3A_1645 = arith.constant 1 : i32
      %add3A_1646 = vector.broadcast %add3A_1645 : i32 to vector<16xi32>
      %add3A_1647 = arith.addi %add3A_1636, %add3A_1646 : vector<16xi32>
      %gather3A_1648 = tpu.vector_load_idx %arg16[%add3A_1647] : memref<8960xf32, #tpu.memory_space<vmem>>[vector<16xi32>], vector<16xf32>,
      %add3A_1649 = arith.constant 64 : i32
      %add3A_1650 = vector.broadcast %add3A_1649 : i32 to vector<16xi32>
      %add3A_1651 = arith.addi %broadcast_in_dim3A_1638, %add3A_1650 : vector<16xi32>
      %scatter3A_1652 = arith.constant 2 : i32
      %scatter3A_1653 = arith.constant 0 : i32
      %scatter3A_1654 = arith.constant 0 : i32
      %scatter3A_1655 = tpu.memref_slice %arg15[%scatter3A_1652, %scatter3A_1653, %scatter3A_1654] : memref<5x128x128xf32, #tpu.memory_space<vmem>> -> memref<1x128x128xf32, #tpu.memory_space<vmem>>
      %scatter3A_1656 = tpu.memref_squeeze %scatter3A_1655 : memref<1x128x128xf32, #tpu.memory_space<vmem>> -> memref<128x128xf32, #tpu.memory_space<vmem>>
      tpu.vector_store_idx %scatter3A_1656[%add3A_1627, %add3A_1651], %gather3A_1648 : memref<128x128xf32, #tpu.memory_space<vmem>>[vector<16xi32>, vector<16xi32>], vector<16xf32>,
      %broadcast_in_dim3A_1657 = arith.constant 49 : i32
      %broadcast_in_dim3A_1658 = vector.broadcast %broadcast_in_dim3A_1657 : i32 to vector<16xi32>
      %gather3A_1659 = tpu.vector_load_idx %arg17[%add3A_1636] : memref<8960xf32, #tpu.memory_space<vmem>>[vector<16xi32>], vector<16xf32>,
      %scatter3A_1660 = arith.constant 2 : i32
      %scatter3A_1661 = arith.constant 0 : i32
      %scatter3A_1662 = arith.constant 0 : i32
      %scatter3A_1663 = tpu.memref_slice %arg15[%scatter3A_1660, %scatter3A_1661, %scatter3A_1662] : memref<5x128x128xf32, #tpu.memory_space<vmem>> -> memref<1x128x128xf32, #tpu.memory_space<vmem>>
      %scatter3A_1664 = tpu.memref_squeeze %scatter3A_1663 : memref<1x128x128xf32, #tpu.memory_space<vmem>> -> memref<128x128xf32, #tpu.memory_space<vmem>>
      tpu.vector_store_idx %scatter3A_1664[%add3A_1627, %broadcast_in_dim3A_1658], %gather3A_1659 : memref<128x128xf32, #tpu.memory_space<vmem>>[vector<16xi32>, vector<16xi32>], vector<16xf32>,
      %add3A_1665 = arith.constant 1 : i32
      %add3A_1666 = vector.broadcast %add3A_1665 : i32 to vector<16xi32>
      %add3A_1667 = arith.addi %add3A_1636, %add3A_1666 : vector<16xi32>
      %gather3A_1668 = tpu.vector_load_idx %arg17[%add3A_1667] : memref<8960xf32, #tpu.memory_space<vmem>>[vector<16xi32>], vector<16xf32>,
      %add3A_1669 = arith.constant 64 : i32
      %add3A_1670 = vector.broadcast %add3A_1669 : i32 to vector<16xi32>
      %add3A_1671 = arith.addi %broadcast_in_dim3A_1658, %add3A_1670 : vector<16xi32>
      %scatter3A_1672 = arith.constant 2 : i32
      %scatter3A_1673 = arith.constant 0 : i32
      %scatter3A_1674 = arith.constant 0 : i32
      %scatter3A_1675 = tpu.memref_slice %arg15[%scatter3A_1672, %scatter3A_1673, %scatter3A_1674] : memref<5x128x128xf32, #tpu.memory_space<vmem>> -> memref<1x128x128xf32, #tpu.memory_space<vmem>>
      %scatter3A_1676 = tpu.memref_squeeze %scatter3A_1675 : memref<1x128x128xf32, #tpu.memory_space<vmem>> -> memref<128x128xf32, #tpu.memory_space<vmem>>
      tpu.vector_store_idx %scatter3A_1676[%add3A_1627, %add3A_1671], %gather3A_1668 : memref<128x128xf32, #tpu.memory_space<vmem>>[vector<16xi32>, vector<16xi32>], vector<16xf32>,
      %broadcast_in_dim3A_1677 = arith.constant 50 : i32
      %broadcast_in_dim3A_1678 = vector.broadcast %broadcast_in_dim3A_1677 : i32 to vector<16xi32>
      %gather3A_1679 = tpu.vector_load_idx %arg18[%add3A_1636] : memref<8960xf32, #tpu.memory_space<vmem>>[vector<16xi32>], vector<16xf32>,
      %scatter3A_1680 = arith.constant 2 : i32
      %scatter3A_1681 = arith.constant 0 : i32
      %scatter3A_1682 = arith.constant 0 : i32
      %scatter3A_1683 = tpu.memref_slice %arg15[%scatter3A_1680, %scatter3A_1681, %scatter3A_1682] : memref<5x128x128xf32, #tpu.memory_space<vmem>> -> memref<1x128x128xf32, #tpu.memory_space<vmem>>
      %scatter3A_1684 = tpu.memref_squeeze %scatter3A_1683 : memref<1x128x128xf32, #tpu.memory_space<vmem>> -> memref<128x128xf32, #tpu.memory_space<vmem>>
      tpu.vector_store_idx %scatter3A_1684[%add3A_1627, %broadcast_in_dim3A_1678], %gather3A_1679 : memref<128x128xf32, #tpu.memory_space<vmem>>[vector<16xi32>, vector<16xi32>], vector<16xf32>,
      %add3A_1685 = arith.constant 1 : i32
      %add3A_1686 = vector.broadcast %add3A_1685 : i32 to vector<16xi32>
      %add3A_1687 = arith.addi %add3A_1636, %add3A_1686 : vector<16xi32>
      %gather3A_1688 = tpu.vector_load_idx %arg18[%add3A_1687] : memref<8960xf32, #tpu.memory_space<vmem>>[vector<16xi32>], vector<16xf32>,
      %add3A_1689 = arith.constant 64 : i32
      %add3A_1690 = vector.broadcast %add3A_1689 : i32 to vector<16xi32>
      %add3A_1691 = arith.addi %broadcast_in_dim3A_1678, %add3A_1690 : vector<16xi32>
      %scatter3A_1692 = arith.constant 2 : i32
      %scatter3A_1693 = arith.constant 0 : i32
      %scatter3A_1694 = arith.constant 0 : i32
      %scatter3A_1695 = tpu.memref_slice %arg15[%scatter3A_1692, %scatter3A_1693, %scatter3A_1694] : memref<5x128x128xf32, #tpu.memory_space<vmem>> -> memref<1x128x128xf32, #tpu.memory_space<vmem>>
      %scatter3A_1696 = tpu.memref_squeeze %scatter3A_1695 : memref<1x128x128xf32, #tpu.memory_space<vmem>> -> memref<128x128xf32, #tpu.memory_space<vmem>>
      tpu.vector_store_idx %scatter3A_1696[%add3A_1627, %add3A_1691], %gather3A_1688 : memref<128x128xf32, #tpu.memory_space<vmem>>[vector<16xi32>, vector<16xi32>], vector<16xf32>,
      %add3A_1697 = arith.constant 80 : i32
      %add3A_1698 = vector.broadcast %add3A_1697 : i32 to vector<16xi32>
      %add3A_1699 = arith.addi %iota3A, %add3A_1698 : vector<16xi32>
      %mul3A_1700 = arith.constant 14 : i32
      %mul3A_1701 = vector.broadcast %mul3A_1700 : i32 to vector<16xi32>
      %mul3A_1702 = arith.muli %add3A_1699, %mul3A_1701 : vector<16xi32>
      %mul3A_1703 = arith.constant 2 : i32
      %mul3A_1704 = arith.muli %mul3A_1703, %select_n3A : i32
      %add3A_1705 = arith.constant 3584 : i32
      %add3A_1706 = arith.addi %mul3A_1704, %add3A_1705 : i32
      %add3A_1707 = vector.broadcast %add3A_1706 : i32 to vector<16xi32>
      %add3A_1708 = arith.addi %mul3A_1702, %add3A_1707 : vector<16xi32>
      %broadcast_in_dim3A_1709 = arith.constant 48 : i32
      %broadcast_in_dim3A_1710 = vector.broadcast %broadcast_in_dim3A_1709 : i32 to vector<16xi32>
      %gather3A_1711 = tpu.vector_load_idx %arg16[%add3A_1708] : memref<8960xf32, #tpu.memory_space<vmem>>[vector<16xi32>], vector<16xf32>,
      %scatter3A_1712 = arith.constant 2 : i32
      %scatter3A_1713 = arith.constant 0 : i32
      %scatter3A_1714 = arith.constant 0 : i32
      %scatter3A_1715 = tpu.memref_slice %arg15[%scatter3A_1712, %scatter3A_1713, %scatter3A_1714] : memref<5x128x128xf32, #tpu.memory_space<vmem>> -> memref<1x128x128xf32, #tpu.memory_space<vmem>>
      %scatter3A_1716 = tpu.memref_squeeze %scatter3A_1715 : memref<1x128x128xf32, #tpu.memory_space<vmem>> -> memref<128x128xf32, #tpu.memory_space<vmem>>
      tpu.vector_store_idx %scatter3A_1716[%add3A_1699, %broadcast_in_dim3A_1710], %gather3A_1711 : memref<128x128xf32, #tpu.memory_space<vmem>>[vector<16xi32>, vector<16xi32>], vector<16xf32>,
      %add3A_1717 = arith.constant 1 : i32
      %add3A_1718 = vector.broadcast %add3A_1717 : i32 to vector<16xi32>
      %add3A_1719 = arith.addi %add3A_1708, %add3A_1718 : vector<16xi32>
      %gather3A_1720 = tpu.vector_load_idx %arg16[%add3A_1719] : memref<8960xf32, #tpu.memory_space<vmem>>[vector<16xi32>], vector<16xf32>,
      %add3A_1721 = arith.constant 64 : i32
      %add3A_1722 = vector.broadcast %add3A_1721 : i32 to vector<16xi32>
      %add3A_1723 = arith.addi %broadcast_in_dim3A_1710, %add3A_1722 : vector<16xi32>
      %scatter3A_1724 = arith.constant 2 : i32
      %scatter3A_1725 = arith.constant 0 : i32
      %scatter3A_1726 = arith.constant 0 : i32
      %scatter3A_1727 = tpu.memref_slice %arg15[%scatter3A_1724, %scatter3A_1725, %scatter3A_1726] : memref<5x128x128xf32, #tpu.memory_space<vmem>> -> memref<1x128x128xf32, #tpu.memory_space<vmem>>
      %scatter3A_1728 = tpu.memref_squeeze %scatter3A_1727 : memref<1x128x128xf32, #tpu.memory_space<vmem>> -> memref<128x128xf32, #tpu.memory_space<vmem>>
      tpu.vector_store_idx %scatter3A_1728[%add3A_1699, %add3A_1723], %gather3A_1720 : memref<128x128xf32, #tpu.memory_space<vmem>>[vector<16xi32>, vector<16xi32>], vector<16xf32>,
      %broadcast_in_dim3A_1729 = arith.constant 49 : i32
      %broadcast_in_dim3A_1730 = vector.broadcast %broadcast_in_dim3A_1729 : i32 to vector<16xi32>
      %gather3A_1731 = tpu.vector_load_idx %arg17[%add3A_1708] : memref<8960xf32, #tpu.memory_space<vmem>>[vector<16xi32>], vector<16xf32>,
      %scatter3A_1732 = arith.constant 2 : i32
      %scatter3A_1733 = arith.constant 0 : i32
      %scatter3A_1734 = arith.constant 0 : i32
      %scatter3A_1735 = tpu.memref_slice %arg15[%scatter3A_1732, %scatter3A_1733, %scatter3A_1734] : memref<5x128x128xf32, #tpu.memory_space<vmem>> -> memref<1x128x128xf32, #tpu.memory_space<vmem>>
      %scatter3A_1736 = tpu.memref_squeeze %scatter3A_1735 : memref<1x128x128xf32, #tpu.memory_space<vmem>> -> memref<128x128xf32, #tpu.memory_space<vmem>>
      tpu.vector_store_idx %scatter3A_1736[%add3A_1699, %broadcast_in_dim3A_1730], %gather3A_1731 : memref<128x128xf32, #tpu.memory_space<vmem>>[vector<16xi32>, vector<16xi32>], vector<16xf32>,
      %add3A_1737 = arith.constant 1 : i32
      %add3A_1738 = vector.broadcast %add3A_1737 : i32 to vector<16xi32>
      %add3A_1739 = arith.addi %add3A_1708, %add3A_1738 : vector<16xi32>
      %gather3A_1740 = tpu.vector_load_idx %arg17[%add3A_1739] : memref<8960xf32, #tpu.memory_space<vmem>>[vector<16xi32>], vector<16xf32>,
      %add3A_1741 = arith.constant 64 : i32
      %add3A_1742 = vector.broadcast %add3A_1741 : i32 to vector<16xi32>
      %add3A_1743 = arith.addi %broadcast_in_dim3A_1730, %add3A_1742 : vector<16xi32>
      %scatter3A_1744 = arith.constant 2 : i32
      %scatter3A_1745 = arith.constant 0 : i32
      %scatter3A_1746 = arith.constant 0 : i32
      %scatter3A_1747 = tpu.memref_slice %arg15[%scatter3A_1744, %scatter3A_1745, %scatter3A_1746] : memref<5x128x128xf32, #tpu.memory_space<vmem>> -> memref<1x128x128xf32, #tpu.memory_space<vmem>>
      %scatter3A_1748 = tpu.memref_squeeze %scatter3A_1747 : memref<1x128x128xf32, #tpu.memory_space<vmem>> -> memref<128x128xf32, #tpu.memory_space<vmem>>
      tpu.vector_store_idx %scatter3A_1748[%add3A_1699, %add3A_1743], %gather3A_1740 : memref<128x128xf32, #tpu.memory_space<vmem>>[vector<16xi32>, vector<16xi32>], vector<16xf32>,
      %broadcast_in_dim3A_1749 = arith.constant 50 : i32
      %broadcast_in_dim3A_1750 = vector.broadcast %broadcast_in_dim3A_1749 : i32 to vector<16xi32>
      %gather3A_1751 = tpu.vector_load_idx %arg18[%add3A_1708] : memref<8960xf32, #tpu.memory_space<vmem>>[vector<16xi32>], vector<16xf32>,
      %scatter3A_1752 = arith.constant 2 : i32
      %scatter3A_1753 = arith.constant 0 : i32
      %scatter3A_1754 = arith.constant 0 : i32
      %scatter3A_1755 = tpu.memref_slice %arg15[%scatter3A_1752, %scatter3A_1753, %scatter3A_1754] : memref<5x128x128xf32, #tpu.memory_space<vmem>> -> memref<1x128x128xf32, #tpu.memory_space<vmem>>
      %scatter3A_1756 = tpu.memref_squeeze %scatter3A_1755 : memref<1x128x128xf32, #tpu.memory_space<vmem>> -> memref<128x128xf32, #tpu.memory_space<vmem>>
      tpu.vector_store_idx %scatter3A_1756[%add3A_1699, %broadcast_in_dim3A_1750], %gather3A_1751 : memref<128x128xf32, #tpu.memory_space<vmem>>[vector<16xi32>, vector<16xi32>], vector<16xf32>,
      %add3A_1757 = arith.constant 1 : i32
      %add3A_1758 = vector.broadcast %add3A_1757 : i32 to vector<16xi32>
      %add3A_1759 = arith.addi %add3A_1708, %add3A_1758 : vector<16xi32>
      %gather3A_1760 = tpu.vector_load_idx %arg18[%add3A_1759] : memref<8960xf32, #tpu.memory_space<vmem>>[vector<16xi32>], vector<16xf32>,
      %add3A_1761 = arith.constant 64 : i32
      %add3A_1762 = vector.broadcast %add3A_1761 : i32 to vector<16xi32>
      %add3A_1763 = arith.addi %broadcast_in_dim3A_1750, %add3A_1762 : vector<16xi32>
      %scatter3A_1764 = arith.constant 2 : i32
      %scatter3A_1765 = arith.constant 0 : i32
      %scatter3A_1766 = arith.constant 0 : i32
      %scatter3A_1767 = tpu.memref_slice %arg15[%scatter3A_1764, %scatter3A_1765, %scatter3A_1766] : memref<5x128x128xf32, #tpu.memory_space<vmem>> -> memref<1x128x128xf32, #tpu.memory_space<vmem>>
      %scatter3A_1768 = tpu.memref_squeeze %scatter3A_1767 : memref<1x128x128xf32, #tpu.memory_space<vmem>> -> memref<128x128xf32, #tpu.memory_space<vmem>>
      tpu.vector_store_idx %scatter3A_1768[%add3A_1699, %add3A_1763], %gather3A_1760 : memref<128x128xf32, #tpu.memory_space<vmem>>[vector<16xi32>, vector<16xi32>], vector<16xf32>,
      %add3A_1769 = arith.constant 96 : i32
      %add3A_1770 = vector.broadcast %add3A_1769 : i32 to vector<16xi32>
      %add3A_1771 = arith.addi %iota3A, %add3A_1770 : vector<16xi32>
      %mul3A_1772 = arith.constant 14 : i32
      %mul3A_1773 = vector.broadcast %mul3A_1772 : i32 to vector<16xi32>
      %mul3A_1774 = arith.muli %add3A_1771, %mul3A_1773 : vector<16xi32>
      %mul3A_1775 = arith.constant 2 : i32
      %mul3A_1776 = arith.muli %mul3A_1775, %select_n3A : i32
      %add3A_1777 = arith.constant 3584 : i32
      %add3A_1778 = arith.addi %mul3A_1776, %add3A_1777 : i32
      %add3A_1779 = vector.broadcast %add3A_1778 : i32 to vector<16xi32>
      %add3A_1780 = arith.addi %mul3A_1774, %add3A_1779 : vector<16xi32>
      %broadcast_in_dim3A_1781 = arith.constant 48 : i32
      %broadcast_in_dim3A_1782 = vector.broadcast %broadcast_in_dim3A_1781 : i32 to vector<16xi32>
      %gather3A_1783 = tpu.vector_load_idx %arg16[%add3A_1780] : memref<8960xf32, #tpu.memory_space<vmem>>[vector<16xi32>], vector<16xf32>,
      %scatter3A_1784 = arith.constant 2 : i32
      %scatter3A_1785 = arith.constant 0 : i32
      %scatter3A_1786 = arith.constant 0 : i32
      %scatter3A_1787 = tpu.memref_slice %arg15[%scatter3A_1784, %scatter3A_1785, %scatter3A_1786] : memref<5x128x128xf32, #tpu.memory_space<vmem>> -> memref<1x128x128xf32, #tpu.memory_space<vmem>>
      %scatter3A_1788 = tpu.memref_squeeze %scatter3A_1787 : memref<1x128x128xf32, #tpu.memory_space<vmem>> -> memref<128x128xf32, #tpu.memory_space<vmem>>
      tpu.vector_store_idx %scatter3A_1788[%add3A_1771, %broadcast_in_dim3A_1782], %gather3A_1783 : memref<128x128xf32, #tpu.memory_space<vmem>>[vector<16xi32>, vector<16xi32>], vector<16xf32>,
      %add3A_1789 = arith.constant 1 : i32
      %add3A_1790 = vector.broadcast %add3A_1789 : i32 to vector<16xi32>
      %add3A_1791 = arith.addi %add3A_1780, %add3A_1790 : vector<16xi32>
      %gather3A_1792 = tpu.vector_load_idx %arg16[%add3A_1791] : memref<8960xf32, #tpu.memory_space<vmem>>[vector<16xi32>], vector<16xf32>,
      %add3A_1793 = arith.constant 64 : i32
      %add3A_1794 = vector.broadcast %add3A_1793 : i32 to vector<16xi32>
      %add3A_1795 = arith.addi %broadcast_in_dim3A_1782, %add3A_1794 : vector<16xi32>
      %scatter3A_1796 = arith.constant 2 : i32
      %scatter3A_1797 = arith.constant 0 : i32
      %scatter3A_1798 = arith.constant 0 : i32
      %scatter3A_1799 = tpu.memref_slice %arg15[%scatter3A_1796, %scatter3A_1797, %scatter3A_1798] : memref<5x128x128xf32, #tpu.memory_space<vmem>> -> memref<1x128x128xf32, #tpu.memory_space<vmem>>
      %scatter3A_1800 = tpu.memref_squeeze %scatter3A_1799 : memref<1x128x128xf32, #tpu.memory_space<vmem>> -> memref<128x128xf32, #tpu.memory_space<vmem>>
      tpu.vector_store_idx %scatter3A_1800[%add3A_1771, %add3A_1795], %gather3A_1792 : memref<128x128xf32, #tpu.memory_space<vmem>>[vector<16xi32>, vector<16xi32>], vector<16xf32>,
      %broadcast_in_dim3A_1801 = arith.constant 49 : i32
      %broadcast_in_dim3A_1802 = vector.broadcast %broadcast_in_dim3A_1801 : i32 to vector<16xi32>
      %gather3A_1803 = tpu.vector_load_idx %arg17[%add3A_1780] : memref<8960xf32, #tpu.memory_space<vmem>>[vector<16xi32>], vector<16xf32>,
      %scatter3A_1804 = arith.constant 2 : i32
      %scatter3A_1805 = arith.constant 0 : i32
      %scatter3A_1806 = arith.constant 0 : i32
      %scatter3A_1807 = tpu.memref_slice %arg15[%scatter3A_1804, %scatter3A_1805, %scatter3A_1806] : memref<5x128x128xf32, #tpu.memory_space<vmem>> -> memref<1x128x128xf32, #tpu.memory_space<vmem>>
      %scatter3A_1808 = tpu.memref_squeeze %scatter3A_1807 : memref<1x128x128xf32, #tpu.memory_space<vmem>> -> memref<128x128xf32, #tpu.memory_space<vmem>>
      tpu.vector_store_idx %scatter3A_1808[%add3A_1771, %broadcast_in_dim3A_1802], %gather3A_1803 : memref<128x128xf32, #tpu.memory_space<vmem>>[vector<16xi32>, vector<16xi32>], vector<16xf32>,
      %add3A_1809 = arith.constant 1 : i32
      %add3A_1810 = vector.broadcast %add3A_1809 : i32 to vector<16xi32>
      %add3A_1811 = arith.addi %add3A_1780, %add3A_1810 : vector<16xi32>
      %gather3A_1812 = tpu.vector_load_idx %arg17[%add3A_1811] : memref<8960xf32, #tpu.memory_space<vmem>>[vector<16xi32>], vector<16xf32>,
      %add3A_1813 = arith.constant 64 : i32
      %add3A_1814 = vector.broadcast %add3A_1813 : i32 to vector<16xi32>
      %add3A_1815 = arith.addi %broadcast_in_dim3A_1802, %add3A_1814 : vector<16xi32>
      %scatter3A_1816 = arith.constant 2 : i32
      %scatter3A_1817 = arith.constant 0 : i32
      %scatter3A_1818 = arith.constant 0 : i32
      %scatter3A_1819 = tpu.memref_slice %arg15[%scatter3A_1816, %scatter3A_1817, %scatter3A_1818] : memref<5x128x128xf32, #tpu.memory_space<vmem>> -> memref<1x128x128xf32, #tpu.memory_space<vmem>>
      %scatter3A_1820 = tpu.memref_squeeze %scatter3A_1819 : memref<1x128x128xf32, #tpu.memory_space<vmem>> -> memref<128x128xf32, #tpu.memory_space<vmem>>
      tpu.vector_store_idx %scatter3A_1820[%add3A_1771, %add3A_1815], %gather3A_1812 : memref<128x128xf32, #tpu.memory_space<vmem>>[vector<16xi32>, vector<16xi32>], vector<16xf32>,
      %broadcast_in_dim3A_1821 = arith.constant 50 : i32
      %broadcast_in_dim3A_1822 = vector.broadcast %broadcast_in_dim3A_1821 : i32 to vector<16xi32>
      %gather3A_1823 = tpu.vector_load_idx %arg18[%add3A_1780] : memref<8960xf32, #tpu.memory_space<vmem>>[vector<16xi32>], vector<16xf32>,
      %scatter3A_1824 = arith.constant 2 : i32
      %scatter3A_1825 = arith.constant 0 : i32
      %scatter3A_1826 = arith.constant 0 : i32
      %scatter3A_1827 = tpu.memref_slice %arg15[%scatter3A_1824, %scatter3A_1825, %scatter3A_1826] : memref<5x128x128xf32, #tpu.memory_space<vmem>> -> memref<1x128x128xf32, #tpu.memory_space<vmem>>
      %scatter3A_1828 = tpu.memref_squeeze %scatter3A_1827 : memref<1x128x128xf32, #tpu.memory_space<vmem>> -> memref<128x128xf32, #tpu.memory_space<vmem>>
      tpu.vector_store_idx %scatter3A_1828[%add3A_1771, %broadcast_in_dim3A_1822], %gather3A_1823 : memref<128x128xf32, #tpu.memory_space<vmem>>[vector<16xi32>, vector<16xi32>], vector<16xf32>,
      %add3A_1829 = arith.constant 1 : i32
      %add3A_1830 = vector.broadcast %add3A_1829 : i32 to vector<16xi32>
      %add3A_1831 = arith.addi %add3A_1780, %add3A_1830 : vector<16xi32>
      %gather3A_1832 = tpu.vector_load_idx %arg18[%add3A_1831] : memref<8960xf32, #tpu.memory_space<vmem>>[vector<16xi32>], vector<16xf32>,
      %add3A_1833 = arith.constant 64 : i32
      %add3A_1834 = vector.broadcast %add3A_1833 : i32 to vector<16xi32>
      %add3A_1835 = arith.addi %broadcast_in_dim3A_1822, %add3A_1834 : vector<16xi32>
      %scatter3A_1836 = arith.constant 2 : i32
      %scatter3A_1837 = arith.constant 0 : i32
      %scatter3A_1838 = arith.constant 0 : i32
      %scatter3A_1839 = tpu.memref_slice %arg15[%scatter3A_1836, %scatter3A_1837, %scatter3A_1838] : memref<5x128x128xf32, #tpu.memory_space<vmem>> -> memref<1x128x128xf32, #tpu.memory_space<vmem>>
      %scatter3A_1840 = tpu.memref_squeeze %scatter3A_1839 : memref<1x128x128xf32, #tpu.memory_space<vmem>> -> memref<128x128xf32, #tpu.memory_space<vmem>>
      tpu.vector_store_idx %scatter3A_1840[%add3A_1771, %add3A_1835], %gather3A_1832 : memref<128x128xf32, #tpu.memory_space<vmem>>[vector<16xi32>, vector<16xi32>], vector<16xf32>,
      %add3A_1841 = arith.constant 112 : i32
      %add3A_1842 = vector.broadcast %add3A_1841 : i32 to vector<16xi32>
      %add3A_1843 = arith.addi %iota3A, %add3A_1842 : vector<16xi32>
      %mul3A_1844 = arith.constant 14 : i32
      %mul3A_1845 = vector.broadcast %mul3A_1844 : i32 to vector<16xi32>
      %mul3A_1846 = arith.muli %add3A_1843, %mul3A_1845 : vector<16xi32>
      %mul3A_1847 = arith.constant 2 : i32
      %mul3A_1848 = arith.muli %mul3A_1847, %select_n3A : i32
      %add3A_1849 = arith.constant 3584 : i32
      %add3A_1850 = arith.addi %mul3A_1848, %add3A_1849 : i32
      %add3A_1851 = vector.broadcast %add3A_1850 : i32 to vector<16xi32>
      %add3A_1852 = arith.addi %mul3A_1846, %add3A_1851 : vector<16xi32>
      %broadcast_in_dim3A_1853 = arith.constant 48 : i32
      %broadcast_in_dim3A_1854 = vector.broadcast %broadcast_in_dim3A_1853 : i32 to vector<16xi32>
      %gather3A_1855 = tpu.vector_load_idx %arg16[%add3A_1852] : memref<8960xf32, #tpu.memory_space<vmem>>[vector<16xi32>], vector<16xf32>,
      %scatter3A_1856 = arith.constant 2 : i32
      %scatter3A_1857 = arith.constant 0 : i32
      %scatter3A_1858 = arith.constant 0 : i32
      %scatter3A_1859 = tpu.memref_slice %arg15[%scatter3A_1856, %scatter3A_1857, %scatter3A_1858] : memref<5x128x128xf32, #tpu.memory_space<vmem>> -> memref<1x128x128xf32, #tpu.memory_space<vmem>>
      %scatter3A_1860 = tpu.memref_squeeze %scatter3A_1859 : memref<1x128x128xf32, #tpu.memory_space<vmem>> -> memref<128x128xf32, #tpu.memory_space<vmem>>
      tpu.vector_store_idx %scatter3A_1860[%add3A_1843, %broadcast_in_dim3A_1854], %gather3A_1855 : memref<128x128xf32, #tpu.memory_space<vmem>>[vector<16xi32>, vector<16xi32>], vector<16xf32>,
      %add3A_1861 = arith.constant 1 : i32
      %add3A_1862 = vector.broadcast %add3A_1861 : i32 to vector<16xi32>
      %add3A_1863 = arith.addi %add3A_1852, %add3A_1862 : vector<16xi32>
      %gather3A_1864 = tpu.vector_load_idx %arg16[%add3A_1863] : memref<8960xf32, #tpu.memory_space<vmem>>[vector<16xi32>], vector<16xf32>,
      %add3A_1865 = arith.constant 64 : i32
      %add3A_1866 = vector.broadcast %add3A_1865 : i32 to vector<16xi32>
      %add3A_1867 = arith.addi %broadcast_in_dim3A_1854, %add3A_1866 : vector<16xi32>
      %scatter3A_1868 = arith.constant 2 : i32
      %scatter3A_1869 = arith.constant 0 : i32
      %scatter3A_1870 = arith.constant 0 : i32
      %scatter3A_1871 = tpu.memref_slice %arg15[%scatter3A_1868, %scatter3A_1869, %scatter3A_1870] : memref<5x128x128xf32, #tpu.memory_space<vmem>> -> memref<1x128x128xf32, #tpu.memory_space<vmem>>
      %scatter3A_1872 = tpu.memref_squeeze %scatter3A_1871 : memref<1x128x128xf32, #tpu.memory_space<vmem>> -> memref<128x128xf32, #tpu.memory_space<vmem>>
      tpu.vector_store_idx %scatter3A_1872[%add3A_1843, %add3A_1867], %gather3A_1864 : memref<128x128xf32, #tpu.memory_space<vmem>>[vector<16xi32>, vector<16xi32>], vector<16xf32>,
      %broadcast_in_dim3A_1873 = arith.constant 49 : i32
      %broadcast_in_dim3A_1874 = vector.broadcast %broadcast_in_dim3A_1873 : i32 to vector<16xi32>
      %gather3A_1875 = tpu.vector_load_idx %arg17[%add3A_1852] : memref<8960xf32, #tpu.memory_space<vmem>>[vector<16xi32>], vector<16xf32>,
      %scatter3A_1876 = arith.constant 2 : i32
      %scatter3A_1877 = arith.constant 0 : i32
      %scatter3A_1878 = arith.constant 0 : i32
      %scatter3A_1879 = tpu.memref_slice %arg15[%scatter3A_1876, %scatter3A_1877, %scatter3A_1878] : memref<5x128x128xf32, #tpu.memory_space<vmem>> -> memref<1x128x128xf32, #tpu.memory_space<vmem>>
      %scatter3A_1880 = tpu.memref_squeeze %scatter3A_1879 : memref<1x128x128xf32, #tpu.memory_space<vmem>> -> memref<128x128xf32, #tpu.memory_space<vmem>>
      tpu.vector_store_idx %scatter3A_1880[%add3A_1843, %broadcast_in_dim3A_1874], %gather3A_1875 : memref<128x128xf32, #tpu.memory_space<vmem>>[vector<16xi32>, vector<16xi32>], vector<16xf32>,
      %add3A_1881 = arith.constant 1 : i32
      %add3A_1882 = vector.broadcast %add3A_1881 : i32 to vector<16xi32>
      %add3A_1883 = arith.addi %add3A_1852, %add3A_1882 : vector<16xi32>
      %gather3A_1884 = tpu.vector_load_idx %arg17[%add3A_1883] : memref<8960xf32, #tpu.memory_space<vmem>>[vector<16xi32>], vector<16xf32>,
      %add3A_1885 = arith.constant 64 : i32
      %add3A_1886 = vector.broadcast %add3A_1885 : i32 to vector<16xi32>
      %add3A_1887 = arith.addi %broadcast_in_dim3A_1874, %add3A_1886 : vector<16xi32>
      %scatter3A_1888 = arith.constant 2 : i32
      %scatter3A_1889 = arith.constant 0 : i32
      %scatter3A_1890 = arith.constant 0 : i32
      %scatter3A_1891 = tpu.memref_slice %arg15[%scatter3A_1888, %scatter3A_1889, %scatter3A_1890] : memref<5x128x128xf32, #tpu.memory_space<vmem>> -> memref<1x128x128xf32, #tpu.memory_space<vmem>>
      %scatter3A_1892 = tpu.memref_squeeze %scatter3A_1891 : memref<1x128x128xf32, #tpu.memory_space<vmem>> -> memref<128x128xf32, #tpu.memory_space<vmem>>
      tpu.vector_store_idx %scatter3A_1892[%add3A_1843, %add3A_1887], %gather3A_1884 : memref<128x128xf32, #tpu.memory_space<vmem>>[vector<16xi32>, vector<16xi32>], vector<16xf32>,
      %broadcast_in_dim3A_1893 = arith.constant 50 : i32
      %broadcast_in_dim3A_1894 = vector.broadcast %broadcast_in_dim3A_1893 : i32 to vector<16xi32>
      %gather3A_1895 = tpu.vector_load_idx %arg18[%add3A_1852] : memref<8960xf32, #tpu.memory_space<vmem>>[vector<16xi32>], vector<16xf32>,
      %scatter3A_1896 = arith.constant 2 : i32
      %scatter3A_1897 = arith.constant 0 : i32
      %scatter3A_1898 = arith.constant 0 : i32
      %scatter3A_1899 = tpu.memref_slice %arg15[%scatter3A_1896, %scatter3A_1897, %scatter3A_1898] : memref<5x128x128xf32, #tpu.memory_space<vmem>> -> memref<1x128x128xf32, #tpu.memory_space<vmem>>
      %scatter3A_1900 = tpu.memref_squeeze %scatter3A_1899 : memref<1x128x128xf32, #tpu.memory_space<vmem>> -> memref<128x128xf32, #tpu.memory_space<vmem>>
      tpu.vector_store_idx %scatter3A_1900[%add3A_1843, %broadcast_in_dim3A_1894], %gather3A_1895 : memref<128x128xf32, #tpu.memory_space<vmem>>[vector<16xi32>, vector<16xi32>], vector<16xf32>,
      %add3A_1901 = arith.constant 1 : i32
      %add3A_1902 = vector.broadcast %add3A_1901 : i32 to vector<16xi32>
      %add3A_1903 = arith.addi %add3A_1852, %add3A_1902 : vector<16xi32>
      %gather3A_1904 = tpu.vector_load_idx %arg18[%add3A_1903] : memref<8960xf32, #tpu.memory_space<vmem>>[vector<16xi32>], vector<16xf32>,
      %add3A_1905 = arith.constant 64 : i32
      %add3A_1906 = vector.broadcast %add3A_1905 : i32 to vector<16xi32>
      %add3A_1907 = arith.addi %broadcast_in_dim3A_1894, %add3A_1906 : vector<16xi32>
      %scatter3A_1908 = arith.constant 2 : i32
      %scatter3A_1909 = arith.constant 0 : i32
      %scatter3A_1910 = arith.constant 0 : i32
      %scatter3A_1911 = tpu.memref_slice %arg15[%scatter3A_1908, %scatter3A_1909, %scatter3A_1910] : memref<5x128x128xf32, #tpu.memory_space<vmem>> -> memref<1x128x128xf32, #tpu.memory_space<vmem>>
      %scatter3A_1912 = tpu.memref_squeeze %scatter3A_1911 : memref<1x128x128xf32, #tpu.memory_space<vmem>> -> memref<128x128xf32, #tpu.memory_space<vmem>>
      tpu.vector_store_idx %scatter3A_1912[%add3A_1843, %add3A_1907], %gather3A_1904 : memref<128x128xf32, #tpu.memory_space<vmem>>[vector<16xi32>, vector<16xi32>], vector<16xf32>,
      %add3A_1913 = arith.constant 2 : i32
      %add3A_1914 = arith.addi %add3A_17, %add3A_1913 : i32
      %dma_start3A_1915 = arith.constant 2 : i32
      %dma_start3A_1916 = arith.constant 0 : i32
      %dma_start3A_1917 = arith.constant 0 : i32
      %dma_start3A_1918 = tpu.memref_slice %arg15[%dma_start3A_1915, %dma_start3A_1916, %dma_start3A_1917] : memref<5x128x128xf32, #tpu.memory_space<vmem>> -> memref<1x128x128xf32, #tpu.memory_space<vmem>>
      %dma_start3A_1919 = tpu.memref_squeeze %dma_start3A_1918 : memref<1x128x128xf32, #tpu.memory_space<vmem>> -> memref<128x128xf32, #tpu.memory_space<vmem>>
      %dma_start3A_1920 = arith.constant 0 : i32
      %dma_start3A_1921 = arith.constant 0 : i32
      %dma_start3A_1922 = tpu.memref_slice %arg11[%add3A_1914, %dma_start3A_1920, %dma_start3A_1921] : memref<5600x128x128xf32, #tpu.memory_space<hbm>> -> memref<1x128x128xf32, #tpu.memory_space<hbm>>
      %dma_start3A_1923 = tpu.memref_squeeze %dma_start3A_1922 : memref<1x128x128xf32, #tpu.memory_space<hbm>> -> memref<128x128xf32, #tpu.memory_space<hbm>>
      %dma_start3A_1924 = arith.constant 0 : i32
      %dma_start3A_1925 = arith.constant 0 : i32
      %dma_start3A_1926 = tpu.memref_slice %arg11[%add3A_1914, %dma_start3A_1924, %dma_start3A_1925] : memref<5600x128x128xf32, #tpu.memory_space<hbm>> -> memref<1x128x128xf32, #tpu.memory_space<hbm>>
      %dma_start3A_1927 = tpu.memref_squeeze %dma_start3A_1926 : memref<1x128x128xf32, #tpu.memory_space<hbm>> -> memref<128x128xf32, #tpu.memory_space<hbm>>
      %dma_start3A_1928 = arith.constant 0 : i32
      %dma_start3A_1929 = arith.constant 0 : i32
      %dma_start3A_1930 = tpu.memref_slice %arg15[%dma_start3A_1915, %dma_start3A_1928, %dma_start3A_1929] : memref<5x128x128xf32, #tpu.memory_space<vmem>> -> memref<1x128x128xf32, #tpu.memory_space<vmem>>
      %dma_start3A_1931 = tpu.memref_squeeze %dma_start3A_1930 : memref<1x128x128xf32, #tpu.memory_space<vmem>> -> memref<128x128xf32, #tpu.memory_space<vmem>>
      tpu.enqueue_dma source(%dma_start3A_1931 : memref<128x128xf32, #tpu.memory_space<vmem>>) target(%dma_start3A_1927 : memref<128x128xf32, #tpu.memory_space<hbm>>) target_semaphore(%arg20 : memref<!tpu.dma_semaphore, #tpu.memory_space<semaphore_mem>>)
      %dma_wait3A_1932 = arith.constant 3 : i32
      %dma_wait3A_1933 = arith.constant 0 : i32
      %dma_wait3A_1934 = arith.constant 0 : i32
      %dma_wait3A_1935 = tpu.memref_slice %arg15[%dma_wait3A_1932, %dma_wait3A_1933, %dma_wait3A_1934] : memref<5x128x128xf32, #tpu.memory_space<vmem>> -> memref<1x128x128xf32, #tpu.memory_space<vmem>>
      %dma_wait3A_1936 = tpu.memref_squeeze %dma_wait3A_1935 : memref<1x128x128xf32, #tpu.memory_space<vmem>> -> memref<128x128xf32, #tpu.memory_space<vmem>>
      %dma_wait3A_1937 = arith.constant 384 : i32
      %dma_wait3A_1938 = tpu.memref_slice %arg14[%dma_wait3A_1937] : memref<640xi32, #tpu.memory_space<vmem>> -> memref<128xi32, #tpu.memory_space<vmem>>
      %dma_wait3A_1939 = arith.constant 0 : i32
      %dma_wait3A_1940 = arith.constant 0 : i32
      %dma_wait3A_1941 = tpu.memref_slice %arg2[%dma_wait3A_1939, %dma_wait3A_1940] : memref<51984x128xf32, #tpu.memory_space<hbm>> -> memref<51984x128xf32, #tpu.memory_space<hbm>>
      tpu.wait_indirect_dma semaphore(%arg19 : memref<!tpu.dma_semaphore, #tpu.memory_space<semaphore_mem>>) src(%dma_wait3A_1941 : memref<51984x128xf32, #tpu.memory_space<hbm>>) dst(%dma_wait3A_1936 : memref<128x128xf32, #tpu.memory_space<vmem>>)
      %add3A_1942 = arith.constant 0 : i32
      %add3A_1943 = vector.broadcast %add3A_1942 : i32 to vector<16xi32>
      %add3A_1944 = arith.addi %iota3A, %add3A_1943 : vector<16xi32>
      %mul3A_1945 = arith.constant 14 : i32
      %mul3A_1946 = vector.broadcast %mul3A_1945 : i32 to vector<16xi32>
      %mul3A_1947 = arith.muli %add3A_1944, %mul3A_1946 : vector<16xi32>
      %mul3A_1948 = arith.constant 2 : i32
      %mul3A_1949 = arith.muli %mul3A_1948, %select_n3A : i32
      %add3A_1950 = arith.constant 5376 : i32
      %add3A_1951 = arith.addi %mul3A_1949, %add3A_1950 : i32
      %add3A_1952 = vector.broadcast %add3A_1951 : i32 to vector<16xi32>
      %add3A_1953 = arith.addi %mul3A_1947, %add3A_1952 : vector<16xi32>
      %broadcast_in_dim3A_1954 = arith.constant 48 : i32
      %broadcast_in_dim3A_1955 = vector.broadcast %broadcast_in_dim3A_1954 : i32 to vector<16xi32>
      %gather3A_1956 = tpu.vector_load_idx %arg16[%add3A_1953] : memref<8960xf32, #tpu.memory_space<vmem>>[vector<16xi32>], vector<16xf32>,
      %scatter3A_1957 = arith.constant 3 : i32
      %scatter3A_1958 = arith.constant 0 : i32
      %scatter3A_1959 = arith.constant 0 : i32
      %scatter3A_1960 = tpu.memref_slice %arg15[%scatter3A_1957, %scatter3A_1958, %scatter3A_1959] : memref<5x128x128xf32, #tpu.memory_space<vmem>> -> memref<1x128x128xf32, #tpu.memory_space<vmem>>
      %scatter3A_1961 = tpu.memref_squeeze %scatter3A_1960 : memref<1x128x128xf32, #tpu.memory_space<vmem>> -> memref<128x128xf32, #tpu.memory_space<vmem>>
      tpu.vector_store_idx %scatter3A_1961[%add3A_1944, %broadcast_in_dim3A_1955], %gather3A_1956 : memref<128x128xf32, #tpu.memory_space<vmem>>[vector<16xi32>, vector<16xi32>], vector<16xf32>,
      %add3A_1962 = arith.constant 1 : i32
      %add3A_1963 = vector.broadcast %add3A_1962 : i32 to vector<16xi32>
      %add3A_1964 = arith.addi %add3A_1953, %add3A_1963 : vector<16xi32>
      %gather3A_1965 = tpu.vector_load_idx %arg16[%add3A_1964] : memref<8960xf32, #tpu.memory_space<vmem>>[vector<16xi32>], vector<16xf32>,
      %add3A_1966 = arith.constant 64 : i32
      %add3A_1967 = vector.broadcast %add3A_1966 : i32 to vector<16xi32>
      %add3A_1968 = arith.addi %broadcast_in_dim3A_1955, %add3A_1967 : vector<16xi32>
      %scatter3A_1969 = arith.constant 3 : i32
      %scatter3A_1970 = arith.constant 0 : i32
      %scatter3A_1971 = arith.constant 0 : i32
      %scatter3A_1972 = tpu.memref_slice %arg15[%scatter3A_1969, %scatter3A_1970, %scatter3A_1971] : memref<5x128x128xf32, #tpu.memory_space<vmem>> -> memref<1x128x128xf32, #tpu.memory_space<vmem>>
      %scatter3A_1973 = tpu.memref_squeeze %scatter3A_1972 : memref<1x128x128xf32, #tpu.memory_space<vmem>> -> memref<128x128xf32, #tpu.memory_space<vmem>>
      tpu.vector_store_idx %scatter3A_1973[%add3A_1944, %add3A_1968], %gather3A_1965 : memref<128x128xf32, #tpu.memory_space<vmem>>[vector<16xi32>, vector<16xi32>], vector<16xf32>,
      %broadcast_in_dim3A_1974 = arith.constant 49 : i32
      %broadcast_in_dim3A_1975 = vector.broadcast %broadcast_in_dim3A_1974 : i32 to vector<16xi32>
      %gather3A_1976 = tpu.vector_load_idx %arg17[%add3A_1953] : memref<8960xf32, #tpu.memory_space<vmem>>[vector<16xi32>], vector<16xf32>,
      %scatter3A_1977 = arith.constant 3 : i32
      %scatter3A_1978 = arith.constant 0 : i32
      %scatter3A_1979 = arith.constant 0 : i32
      %scatter3A_1980 = tpu.memref_slice %arg15[%scatter3A_1977, %scatter3A_1978, %scatter3A_1979] : memref<5x128x128xf32, #tpu.memory_space<vmem>> -> memref<1x128x128xf32, #tpu.memory_space<vmem>>
      %scatter3A_1981 = tpu.memref_squeeze %scatter3A_1980 : memref<1x128x128xf32, #tpu.memory_space<vmem>> -> memref<128x128xf32, #tpu.memory_space<vmem>>
      tpu.vector_store_idx %scatter3A_1981[%add3A_1944, %broadcast_in_dim3A_1975], %gather3A_1976 : memref<128x128xf32, #tpu.memory_space<vmem>>[vector<16xi32>, vector<16xi32>], vector<16xf32>,
      %add3A_1982 = arith.constant 1 : i32
      %add3A_1983 = vector.broadcast %add3A_1982 : i32 to vector<16xi32>
      %add3A_1984 = arith.addi %add3A_1953, %add3A_1983 : vector<16xi32>
      %gather3A_1985 = tpu.vector_load_idx %arg17[%add3A_1984] : memref<8960xf32, #tpu.memory_space<vmem>>[vector<16xi32>], vector<16xf32>,
      %add3A_1986 = arith.constant 64 : i32
      %add3A_1987 = vector.broadcast %add3A_1986 : i32 to vector<16xi32>
      %add3A_1988 = arith.addi %broadcast_in_dim3A_1975, %add3A_1987 : vector<16xi32>
      %scatter3A_1989 = arith.constant 3 : i32
      %scatter3A_1990 = arith.constant 0 : i32
      %scatter3A_1991 = arith.constant 0 : i32
      %scatter3A_1992 = tpu.memref_slice %arg15[%scatter3A_1989, %scatter3A_1990, %scatter3A_1991] : memref<5x128x128xf32, #tpu.memory_space<vmem>> -> memref<1x128x128xf32, #tpu.memory_space<vmem>>
      %scatter3A_1993 = tpu.memref_squeeze %scatter3A_1992 : memref<1x128x128xf32, #tpu.memory_space<vmem>> -> memref<128x128xf32, #tpu.memory_space<vmem>>
      tpu.vector_store_idx %scatter3A_1993[%add3A_1944, %add3A_1988], %gather3A_1985 : memref<128x128xf32, #tpu.memory_space<vmem>>[vector<16xi32>, vector<16xi32>], vector<16xf32>,
      %broadcast_in_dim3A_1994 = arith.constant 50 : i32
      %broadcast_in_dim3A_1995 = vector.broadcast %broadcast_in_dim3A_1994 : i32 to vector<16xi32>
      %gather3A_1996 = tpu.vector_load_idx %arg18[%add3A_1953] : memref<8960xf32, #tpu.memory_space<vmem>>[vector<16xi32>], vector<16xf32>,
      %scatter3A_1997 = arith.constant 3 : i32
      %scatter3A_1998 = arith.constant 0 : i32
      %scatter3A_1999 = arith.constant 0 : i32
      %scatter3A_2000 = tpu.memref_slice %arg15[%scatter3A_1997, %scatter3A_1998, %scatter3A_1999] : memref<5x128x128xf32, #tpu.memory_space<vmem>> -> memref<1x128x128xf32, #tpu.memory_space<vmem>>
      %scatter3A_2001 = tpu.memref_squeeze %scatter3A_2000 : memref<1x128x128xf32, #tpu.memory_space<vmem>> -> memref<128x128xf32, #tpu.memory_space<vmem>>
      tpu.vector_store_idx %scatter3A_2001[%add3A_1944, %broadcast_in_dim3A_1995], %gather3A_1996 : memref<128x128xf32, #tpu.memory_space<vmem>>[vector<16xi32>, vector<16xi32>], vector<16xf32>,
      %add3A_2002 = arith.constant 1 : i32
      %add3A_2003 = vector.broadcast %add3A_2002 : i32 to vector<16xi32>
      %add3A_2004 = arith.addi %add3A_1953, %add3A_2003 : vector<16xi32>
      %gather3A_2005 = tpu.vector_load_idx %arg18[%add3A_2004] : memref<8960xf32, #tpu.memory_space<vmem>>[vector<16xi32>], vector<16xf32>,
      %add3A_2006 = arith.constant 64 : i32
      %add3A_2007 = vector.broadcast %add3A_2006 : i32 to vector<16xi32>
      %add3A_2008 = arith.addi %broadcast_in_dim3A_1995, %add3A_2007 : vector<16xi32>
      %scatter3A_2009 = arith.constant 3 : i32
      %scatter3A_2010 = arith.constant 0 : i32
      %scatter3A_2011 = arith.constant 0 : i32
      %scatter3A_2012 = tpu.memref_slice %arg15[%scatter3A_2009, %scatter3A_2010, %scatter3A_2011] : memref<5x128x128xf32, #tpu.memory_space<vmem>> -> memref<1x128x128xf32, #tpu.memory_space<vmem>>
      %scatter3A_2013 = tpu.memref_squeeze %scatter3A_2012 : memref<1x128x128xf32, #tpu.memory_space<vmem>> -> memref<128x128xf32, #tpu.memory_space<vmem>>
      tpu.vector_store_idx %scatter3A_2013[%add3A_1944, %add3A_2008], %gather3A_2005 : memref<128x128xf32, #tpu.memory_space<vmem>>[vector<16xi32>, vector<16xi32>], vector<16xf32>,
      %add3A_2014 = arith.constant 16 : i32
      %add3A_2015 = vector.broadcast %add3A_2014 : i32 to vector<16xi32>
      %add3A_2016 = arith.addi %iota3A, %add3A_2015 : vector<16xi32>
      %mul3A_2017 = arith.constant 14 : i32
      %mul3A_2018 = vector.broadcast %mul3A_2017 : i32 to vector<16xi32>
      %mul3A_2019 = arith.muli %add3A_2016, %mul3A_2018 : vector<16xi32>
      %mul3A_2020 = arith.constant 2 : i32
      %mul3A_2021 = arith.muli %mul3A_2020, %select_n3A : i32
      %add3A_2022 = arith.constant 5376 : i32
      %add3A_2023 = arith.addi %mul3A_2021, %add3A_2022 : i32
      %add3A_2024 = vector.broadcast %add3A_2023 : i32 to vector<16xi32>
      %add3A_2025 = arith.addi %mul3A_2019, %add3A_2024 : vector<16xi32>
      %broadcast_in_dim3A_2026 = arith.constant 48 : i32
      %broadcast_in_dim3A_2027 = vector.broadcast %broadcast_in_dim3A_2026 : i32 to vector<16xi32>
      %gather3A_2028 = tpu.vector_load_idx %arg16[%add3A_2025] : memref<8960xf32, #tpu.memory_space<vmem>>[vector<16xi32>], vector<16xf32>,
      %scatter3A_2029 = arith.constant 3 : i32
      %scatter3A_2030 = arith.constant 0 : i32
      %scatter3A_2031 = arith.constant 0 : i32
      %scatter3A_2032 = tpu.memref_slice %arg15[%scatter3A_2029, %scatter3A_2030, %scatter3A_2031] : memref<5x128x128xf32, #tpu.memory_space<vmem>> -> memref<1x128x128xf32, #tpu.memory_space<vmem>>
      %scatter3A_2033 = tpu.memref_squeeze %scatter3A_2032 : memref<1x128x128xf32, #tpu.memory_space<vmem>> -> memref<128x128xf32, #tpu.memory_space<vmem>>
      tpu.vector_store_idx %scatter3A_2033[%add3A_2016, %broadcast_in_dim3A_2027], %gather3A_2028 : memref<128x128xf32, #tpu.memory_space<vmem>>[vector<16xi32>, vector<16xi32>], vector<16xf32>,
      %add3A_2034 = arith.constant 1 : i32
      %add3A_2035 = vector.broadcast %add3A_2034 : i32 to vector<16xi32>
      %add3A_2036 = arith.addi %add3A_2025, %add3A_2035 : vector<16xi32>
      %gather3A_2037 = tpu.vector_load_idx %arg16[%add3A_2036] : memref<8960xf32, #tpu.memory_space<vmem>>[vector<16xi32>], vector<16xf32>,
      %add3A_2038 = arith.constant 64 : i32
      %add3A_2039 = vector.broadcast %add3A_2038 : i32 to vector<16xi32>
      %add3A_2040 = arith.addi %broadcast_in_dim3A_2027, %add3A_2039 : vector<16xi32>
      %scatter3A_2041 = arith.constant 3 : i32
      %scatter3A_2042 = arith.constant 0 : i32
      %scatter3A_2043 = arith.constant 0 : i32
      %scatter3A_2044 = tpu.memref_slice %arg15[%scatter3A_2041, %scatter3A_2042, %scatter3A_2043] : memref<5x128x128xf32, #tpu.memory_space<vmem>> -> memref<1x128x128xf32, #tpu.memory_space<vmem>>
      %scatter3A_2045 = tpu.memref_squeeze %scatter3A_2044 : memref<1x128x128xf32, #tpu.memory_space<vmem>> -> memref<128x128xf32, #tpu.memory_space<vmem>>
      tpu.vector_store_idx %scatter3A_2045[%add3A_2016, %add3A_2040], %gather3A_2037 : memref<128x128xf32, #tpu.memory_space<vmem>>[vector<16xi32>, vector<16xi32>], vector<16xf32>,
      %broadcast_in_dim3A_2046 = arith.constant 49 : i32
      %broadcast_in_dim3A_2047 = vector.broadcast %broadcast_in_dim3A_2046 : i32 to vector<16xi32>
      %gather3A_2048 = tpu.vector_load_idx %arg17[%add3A_2025] : memref<8960xf32, #tpu.memory_space<vmem>>[vector<16xi32>], vector<16xf32>,
      %scatter3A_2049 = arith.constant 3 : i32
      %scatter3A_2050 = arith.constant 0 : i32
      %scatter3A_2051 = arith.constant 0 : i32
      %scatter3A_2052 = tpu.memref_slice %arg15[%scatter3A_2049, %scatter3A_2050, %scatter3A_2051] : memref<5x128x128xf32, #tpu.memory_space<vmem>> -> memref<1x128x128xf32, #tpu.memory_space<vmem>>
      %scatter3A_2053 = tpu.memref_squeeze %scatter3A_2052 : memref<1x128x128xf32, #tpu.memory_space<vmem>> -> memref<128x128xf32, #tpu.memory_space<vmem>>
      tpu.vector_store_idx %scatter3A_2053[%add3A_2016, %broadcast_in_dim3A_2047], %gather3A_2048 : memref<128x128xf32, #tpu.memory_space<vmem>>[vector<16xi32>, vector<16xi32>], vector<16xf32>,
      %add3A_2054 = arith.constant 1 : i32
      %add3A_2055 = vector.broadcast %add3A_2054 : i32 to vector<16xi32>
      %add3A_2056 = arith.addi %add3A_2025, %add3A_2055 : vector<16xi32>
      %gather3A_2057 = tpu.vector_load_idx %arg17[%add3A_2056] : memref<8960xf32, #tpu.memory_space<vmem>>[vector<16xi32>], vector<16xf32>,
      %add3A_2058 = arith.constant 64 : i32
      %add3A_2059 = vector.broadcast %add3A_2058 : i32 to vector<16xi32>
      %add3A_2060 = arith.addi %broadcast_in_dim3A_2047, %add3A_2059 : vector<16xi32>
      %scatter3A_2061 = arith.constant 3 : i32
      %scatter3A_2062 = arith.constant 0 : i32
      %scatter3A_2063 = arith.constant 0 : i32
      %scatter3A_2064 = tpu.memref_slice %arg15[%scatter3A_2061, %scatter3A_2062, %scatter3A_2063] : memref<5x128x128xf32, #tpu.memory_space<vmem>> -> memref<1x128x128xf32, #tpu.memory_space<vmem>>
      %scatter3A_2065 = tpu.memref_squeeze %scatter3A_2064 : memref<1x128x128xf32, #tpu.memory_space<vmem>> -> memref<128x128xf32, #tpu.memory_space<vmem>>
      tpu.vector_store_idx %scatter3A_2065[%add3A_2016, %add3A_2060], %gather3A_2057 : memref<128x128xf32, #tpu.memory_space<vmem>>[vector<16xi32>, vector<16xi32>], vector<16xf32>,
      %broadcast_in_dim3A_2066 = arith.constant 50 : i32
      %broadcast_in_dim3A_2067 = vector.broadcast %broadcast_in_dim3A_2066 : i32 to vector<16xi32>
      %gather3A_2068 = tpu.vector_load_idx %arg18[%add3A_2025] : memref<8960xf32, #tpu.memory_space<vmem>>[vector<16xi32>], vector<16xf32>,
      %scatter3A_2069 = arith.constant 3 : i32
      %scatter3A_2070 = arith.constant 0 : i32
      %scatter3A_2071 = arith.constant 0 : i32
      %scatter3A_2072 = tpu.memref_slice %arg15[%scatter3A_2069, %scatter3A_2070, %scatter3A_2071] : memref<5x128x128xf32, #tpu.memory_space<vmem>> -> memref<1x128x128xf32, #tpu.memory_space<vmem>>
      %scatter3A_2073 = tpu.memref_squeeze %scatter3A_2072 : memref<1x128x128xf32, #tpu.memory_space<vmem>> -> memref<128x128xf32, #tpu.memory_space<vmem>>
      tpu.vector_store_idx %scatter3A_2073[%add3A_2016, %broadcast_in_dim3A_2067], %gather3A_2068 : memref<128x128xf32, #tpu.memory_space<vmem>>[vector<16xi32>, vector<16xi32>], vector<16xf32>,
      %add3A_2074 = arith.constant 1 : i32
      %add3A_2075 = vector.broadcast %add3A_2074 : i32 to vector<16xi32>
      %add3A_2076 = arith.addi %add3A_2025, %add3A_2075 : vector<16xi32>
      %gather3A_2077 = tpu.vector_load_idx %arg18[%add3A_2076] : memref<8960xf32, #tpu.memory_space<vmem>>[vector<16xi32>], vector<16xf32>,
      %add3A_2078 = arith.constant 64 : i32
      %add3A_2079 = vector.broadcast %add3A_2078 : i32 to vector<16xi32>
      %add3A_2080 = arith.addi %broadcast_in_dim3A_2067, %add3A_2079 : vector<16xi32>
      %scatter3A_2081 = arith.constant 3 : i32
      %scatter3A_2082 = arith.constant 0 : i32
      %scatter3A_2083 = arith.constant 0 : i32
      %scatter3A_2084 = tpu.memref_slice %arg15[%scatter3A_2081, %scatter3A_2082, %scatter3A_2083] : memref<5x128x128xf32, #tpu.memory_space<vmem>> -> memref<1x128x128xf32, #tpu.memory_space<vmem>>
      %scatter3A_2085 = tpu.memref_squeeze %scatter3A_2084 : memref<1x128x128xf32, #tpu.memory_space<vmem>> -> memref<128x128xf32, #tpu.memory_space<vmem>>
      tpu.vector_store_idx %scatter3A_2085[%add3A_2016, %add3A_2080], %gather3A_2077 : memref<128x128xf32, #tpu.memory_space<vmem>>[vector<16xi32>, vector<16xi32>], vector<16xf32>,
      %add3A_2086 = arith.constant 32 : i32
      %add3A_2087 = vector.broadcast %add3A_2086 : i32 to vector<16xi32>
      %add3A_2088 = arith.addi %iota3A, %add3A_2087 : vector<16xi32>
      %mul3A_2089 = arith.constant 14 : i32
      %mul3A_2090 = vector.broadcast %mul3A_2089 : i32 to vector<16xi32>
      %mul3A_2091 = arith.muli %add3A_2088, %mul3A_2090 : vector<16xi32>
      %mul3A_2092 = arith.constant 2 : i32
      %mul3A_2093 = arith.muli %mul3A_2092, %select_n3A : i32
      %add3A_2094 = arith.constant 5376 : i32
      %add3A_2095 = arith.addi %mul3A_2093, %add3A_2094 : i32
      %add3A_2096 = vector.broadcast %add3A_2095 : i32 to vector<16xi32>
      %add3A_2097 = arith.addi %mul3A_2091, %add3A_2096 : vector<16xi32>
      %broadcast_in_dim3A_2098 = arith.constant 48 : i32
      %broadcast_in_dim3A_2099 = vector.broadcast %broadcast_in_dim3A_2098 : i32 to vector<16xi32>
      %gather3A_2100 = tpu.vector_load_idx %arg16[%add3A_2097] : memref<8960xf32, #tpu.memory_space<vmem>>[vector<16xi32>], vector<16xf32>,
      %scatter3A_2101 = arith.constant 3 : i32
      %scatter3A_2102 = arith.constant 0 : i32
      %scatter3A_2103 = arith.constant 0 : i32
      %scatter3A_2104 = tpu.memref_slice %arg15[%scatter3A_2101, %scatter3A_2102, %scatter3A_2103] : memref<5x128x128xf32, #tpu.memory_space<vmem>> -> memref<1x128x128xf32, #tpu.memory_space<vmem>>
      %scatter3A_2105 = tpu.memref_squeeze %scatter3A_2104 : memref<1x128x128xf32, #tpu.memory_space<vmem>> -> memref<128x128xf32, #tpu.memory_space<vmem>>
      tpu.vector_store_idx %scatter3A_2105[%add3A_2088, %broadcast_in_dim3A_2099], %gather3A_2100 : memref<128x128xf32, #tpu.memory_space<vmem>>[vector<16xi32>, vector<16xi32>], vector<16xf32>,
      %add3A_2106 = arith.constant 1 : i32
      %add3A_2107 = vector.broadcast %add3A_2106 : i32 to vector<16xi32>
      %add3A_2108 = arith.addi %add3A_2097, %add3A_2107 : vector<16xi32>
      %gather3A_2109 = tpu.vector_load_idx %arg16[%add3A_2108] : memref<8960xf32, #tpu.memory_space<vmem>>[vector<16xi32>], vector<16xf32>,
      %add3A_2110 = arith.constant 64 : i32
      %add3A_2111 = vector.broadcast %add3A_2110 : i32 to vector<16xi32>
      %add3A_2112 = arith.addi %broadcast_in_dim3A_2099, %add3A_2111 : vector<16xi32>
      %scatter3A_2113 = arith.constant 3 : i32
      %scatter3A_2114 = arith.constant 0 : i32
      %scatter3A_2115 = arith.constant 0 : i32
      %scatter3A_2116 = tpu.memref_slice %arg15[%scatter3A_2113, %scatter3A_2114, %scatter3A_2115] : memref<5x128x128xf32, #tpu.memory_space<vmem>> -> memref<1x128x128xf32, #tpu.memory_space<vmem>>
      %scatter3A_2117 = tpu.memref_squeeze %scatter3A_2116 : memref<1x128x128xf32, #tpu.memory_space<vmem>> -> memref<128x128xf32, #tpu.memory_space<vmem>>
      tpu.vector_store_idx %scatter3A_2117[%add3A_2088, %add3A_2112], %gather3A_2109 : memref<128x128xf32, #tpu.memory_space<vmem>>[vector<16xi32>, vector<16xi32>], vector<16xf32>,
      %broadcast_in_dim3A_2118 = arith.constant 49 : i32
      %broadcast_in_dim3A_2119 = vector.broadcast %broadcast_in_dim3A_2118 : i32 to vector<16xi32>
      %gather3A_2120 = tpu.vector_load_idx %arg17[%add3A_2097] : memref<8960xf32, #tpu.memory_space<vmem>>[vector<16xi32>], vector<16xf32>,
      %scatter3A_2121 = arith.constant 3 : i32
      %scatter3A_2122 = arith.constant 0 : i32
      %scatter3A_2123 = arith.constant 0 : i32
      %scatter3A_2124 = tpu.memref_slice %arg15[%scatter3A_2121, %scatter3A_2122, %scatter3A_2123] : memref<5x128x128xf32, #tpu.memory_space<vmem>> -> memref<1x128x128xf32, #tpu.memory_space<vmem>>
      %scatter3A_2125 = tpu.memref_squeeze %scatter3A_2124 : memref<1x128x128xf32, #tpu.memory_space<vmem>> -> memref<128x128xf32, #tpu.memory_space<vmem>>
      tpu.vector_store_idx %scatter3A_2125[%add3A_2088, %broadcast_in_dim3A_2119], %gather3A_2120 : memref<128x128xf32, #tpu.memory_space<vmem>>[vector<16xi32>, vector<16xi32>], vector<16xf32>,
      %add3A_2126 = arith.constant 1 : i32
      %add3A_2127 = vector.broadcast %add3A_2126 : i32 to vector<16xi32>
      %add3A_2128 = arith.addi %add3A_2097, %add3A_2127 : vector<16xi32>
      %gather3A_2129 = tpu.vector_load_idx %arg17[%add3A_2128] : memref<8960xf32, #tpu.memory_space<vmem>>[vector<16xi32>], vector<16xf32>,
      %add3A_2130 = arith.constant 64 : i32
      %add3A_2131 = vector.broadcast %add3A_2130 : i32 to vector<16xi32>
      %add3A_2132 = arith.addi %broadcast_in_dim3A_2119, %add3A_2131 : vector<16xi32>
      %scatter3A_2133 = arith.constant 3 : i32
      %scatter3A_2134 = arith.constant 0 : i32
      %scatter3A_2135 = arith.constant 0 : i32
      %scatter3A_2136 = tpu.memref_slice %arg15[%scatter3A_2133, %scatter3A_2134, %scatter3A_2135] : memref<5x128x128xf32, #tpu.memory_space<vmem>> -> memref<1x128x128xf32, #tpu.memory_space<vmem>>
      %scatter3A_2137 = tpu.memref_squeeze %scatter3A_2136 : memref<1x128x128xf32, #tpu.memory_space<vmem>> -> memref<128x128xf32, #tpu.memory_space<vmem>>
      tpu.vector_store_idx %scatter3A_2137[%add3A_2088, %add3A_2132], %gather3A_2129 : memref<128x128xf32, #tpu.memory_space<vmem>>[vector<16xi32>, vector<16xi32>], vector<16xf32>,
      %broadcast_in_dim3A_2138 = arith.constant 50 : i32
      %broadcast_in_dim3A_2139 = vector.broadcast %broadcast_in_dim3A_2138 : i32 to vector<16xi32>
      %gather3A_2140 = tpu.vector_load_idx %arg18[%add3A_2097] : memref<8960xf32, #tpu.memory_space<vmem>>[vector<16xi32>], vector<16xf32>,
      %scatter3A_2141 = arith.constant 3 : i32
      %scatter3A_2142 = arith.constant 0 : i32
      %scatter3A_2143 = arith.constant 0 : i32
      %scatter3A_2144 = tpu.memref_slice %arg15[%scatter3A_2141, %scatter3A_2142, %scatter3A_2143] : memref<5x128x128xf32, #tpu.memory_space<vmem>> -> memref<1x128x128xf32, #tpu.memory_space<vmem>>
      %scatter3A_2145 = tpu.memref_squeeze %scatter3A_2144 : memref<1x128x128xf32, #tpu.memory_space<vmem>> -> memref<128x128xf32, #tpu.memory_space<vmem>>
      tpu.vector_store_idx %scatter3A_2145[%add3A_2088, %broadcast_in_dim3A_2139], %gather3A_2140 : memref<128x128xf32, #tpu.memory_space<vmem>>[vector<16xi32>, vector<16xi32>], vector<16xf32>,
      %add3A_2146 = arith.constant 1 : i32
      %add3A_2147 = vector.broadcast %add3A_2146 : i32 to vector<16xi32>
      %add3A_2148 = arith.addi %add3A_2097, %add3A_2147 : vector<16xi32>
      %gather3A_2149 = tpu.vector_load_idx %arg18[%add3A_2148] : memref<8960xf32, #tpu.memory_space<vmem>>[vector<16xi32>], vector<16xf32>,
      %add3A_2150 = arith.constant 64 : i32
      %add3A_2151 = vector.broadcast %add3A_2150 : i32 to vector<16xi32>
      %add3A_2152 = arith.addi %broadcast_in_dim3A_2139, %add3A_2151 : vector<16xi32>
      %scatter3A_2153 = arith.constant 3 : i32
      %scatter3A_2154 = arith.constant 0 : i32
      %scatter3A_2155 = arith.constant 0 : i32
      %scatter3A_2156 = tpu.memref_slice %arg15[%scatter3A_2153, %scatter3A_2154, %scatter3A_2155] : memref<5x128x128xf32, #tpu.memory_space<vmem>> -> memref<1x128x128xf32, #tpu.memory_space<vmem>>
      %scatter3A_2157 = tpu.memref_squeeze %scatter3A_2156 : memref<1x128x128xf32, #tpu.memory_space<vmem>> -> memref<128x128xf32, #tpu.memory_space<vmem>>
      tpu.vector_store_idx %scatter3A_2157[%add3A_2088, %add3A_2152], %gather3A_2149 : memref<128x128xf32, #tpu.memory_space<vmem>>[vector<16xi32>, vector<16xi32>], vector<16xf32>,
      %add3A_2158 = arith.constant 48 : i32
      %add3A_2159 = vector.broadcast %add3A_2158 : i32 to vector<16xi32>
      %add3A_2160 = arith.addi %iota3A, %add3A_2159 : vector<16xi32>
      %mul3A_2161 = arith.constant 14 : i32
      %mul3A_2162 = vector.broadcast %mul3A_2161 : i32 to vector<16xi32>
      %mul3A_2163 = arith.muli %add3A_2160, %mul3A_2162 : vector<16xi32>
      %mul3A_2164 = arith.constant 2 : i32
      %mul3A_2165 = arith.muli %mul3A_2164, %select_n3A : i32
      %add3A_2166 = arith.constant 5376 : i32
      %add3A_2167 = arith.addi %mul3A_2165, %add3A_2166 : i32
      %add3A_2168 = vector.broadcast %add3A_2167 : i32 to vector<16xi32>
      %add3A_2169 = arith.addi %mul3A_2163, %add3A_2168 : vector<16xi32>
      %broadcast_in_dim3A_2170 = arith.constant 48 : i32
      %broadcast_in_dim3A_2171 = vector.broadcast %broadcast_in_dim3A_2170 : i32 to vector<16xi32>
      %gather3A_2172 = tpu.vector_load_idx %arg16[%add3A_2169] : memref<8960xf32, #tpu.memory_space<vmem>>[vector<16xi32>], vector<16xf32>,
      %scatter3A_2173 = arith.constant 3 : i32
      %scatter3A_2174 = arith.constant 0 : i32
      %scatter3A_2175 = arith.constant 0 : i32
      %scatter3A_2176 = tpu.memref_slice %arg15[%scatter3A_2173, %scatter3A_2174, %scatter3A_2175] : memref<5x128x128xf32, #tpu.memory_space<vmem>> -> memref<1x128x128xf32, #tpu.memory_space<vmem>>
      %scatter3A_2177 = tpu.memref_squeeze %scatter3A_2176 : memref<1x128x128xf32, #tpu.memory_space<vmem>> -> memref<128x128xf32, #tpu.memory_space<vmem>>
      tpu.vector_store_idx %scatter3A_2177[%add3A_2160, %broadcast_in_dim3A_2171], %gather3A_2172 : memref<128x128xf32, #tpu.memory_space<vmem>>[vector<16xi32>, vector<16xi32>], vector<16xf32>,
      %add3A_2178 = arith.constant 1 : i32
      %add3A_2179 = vector.broadcast %add3A_2178 : i32 to vector<16xi32>
      %add3A_2180 = arith.addi %add3A_2169, %add3A_2179 : vector<16xi32>
      %gather3A_2181 = tpu.vector_load_idx %arg16[%add3A_2180] : memref<8960xf32, #tpu.memory_space<vmem>>[vector<16xi32>], vector<16xf32>,
      %add3A_2182 = arith.constant 64 : i32
      %add3A_2183 = vector.broadcast %add3A_2182 : i32 to vector<16xi32>
      %add3A_2184 = arith.addi %broadcast_in_dim3A_2171, %add3A_2183 : vector<16xi32>
      %scatter3A_2185 = arith.constant 3 : i32
      %scatter3A_2186 = arith.constant 0 : i32
      %scatter3A_2187 = arith.constant 0 : i32
      %scatter3A_2188 = tpu.memref_slice %arg15[%scatter3A_2185, %scatter3A_2186, %scatter3A_2187] : memref<5x128x128xf32, #tpu.memory_space<vmem>> -> memref<1x128x128xf32, #tpu.memory_space<vmem>>
      %scatter3A_2189 = tpu.memref_squeeze %scatter3A_2188 : memref<1x128x128xf32, #tpu.memory_space<vmem>> -> memref<128x128xf32, #tpu.memory_space<vmem>>
      tpu.vector_store_idx %scatter3A_2189[%add3A_2160, %add3A_2184], %gather3A_2181 : memref<128x128xf32, #tpu.memory_space<vmem>>[vector<16xi32>, vector<16xi32>], vector<16xf32>,
      %broadcast_in_dim3A_2190 = arith.constant 49 : i32
      %broadcast_in_dim3A_2191 = vector.broadcast %broadcast_in_dim3A_2190 : i32 to vector<16xi32>
      %gather3A_2192 = tpu.vector_load_idx %arg17[%add3A_2169] : memref<8960xf32, #tpu.memory_space<vmem>>[vector<16xi32>], vector<16xf32>,
      %scatter3A_2193 = arith.constant 3 : i32
      %scatter3A_2194 = arith.constant 0 : i32
      %scatter3A_2195 = arith.constant 0 : i32
      %scatter3A_2196 = tpu.memref_slice %arg15[%scatter3A_2193, %scatter3A_2194, %scatter3A_2195] : memref<5x128x128xf32, #tpu.memory_space<vmem>> -> memref<1x128x128xf32, #tpu.memory_space<vmem>>
      %scatter3A_2197 = tpu.memref_squeeze %scatter3A_2196 : memref<1x128x128xf32, #tpu.memory_space<vmem>> -> memref<128x128xf32, #tpu.memory_space<vmem>>
      tpu.vector_store_idx %scatter3A_2197[%add3A_2160, %broadcast_in_dim3A_2191], %gather3A_2192 : memref<128x128xf32, #tpu.memory_space<vmem>>[vector<16xi32>, vector<16xi32>], vector<16xf32>,
      %add3A_2198 = arith.constant 1 : i32
      %add3A_2199 = vector.broadcast %add3A_2198 : i32 to vector<16xi32>
      %add3A_2200 = arith.addi %add3A_2169, %add3A_2199 : vector<16xi32>
      %gather3A_2201 = tpu.vector_load_idx %arg17[%add3A_2200] : memref<8960xf32, #tpu.memory_space<vmem>>[vector<16xi32>], vector<16xf32>,
      %add3A_2202 = arith.constant 64 : i32
      %add3A_2203 = vector.broadcast %add3A_2202 : i32 to vector<16xi32>
      %add3A_2204 = arith.addi %broadcast_in_dim3A_2191, %add3A_2203 : vector<16xi32>
      %scatter3A_2205 = arith.constant 3 : i32
      %scatter3A_2206 = arith.constant 0 : i32
      %scatter3A_2207 = arith.constant 0 : i32
      %scatter3A_2208 = tpu.memref_slice %arg15[%scatter3A_2205, %scatter3A_2206, %scatter3A_2207] : memref<5x128x128xf32, #tpu.memory_space<vmem>> -> memref<1x128x128xf32, #tpu.memory_space<vmem>>
      %scatter3A_2209 = tpu.memref_squeeze %scatter3A_2208 : memref<1x128x128xf32, #tpu.memory_space<vmem>> -> memref<128x128xf32, #tpu.memory_space<vmem>>
      tpu.vector_store_idx %scatter3A_2209[%add3A_2160, %add3A_2204], %gather3A_2201 : memref<128x128xf32, #tpu.memory_space<vmem>>[vector<16xi32>, vector<16xi32>], vector<16xf32>,
      %broadcast_in_dim3A_2210 = arith.constant 50 : i32
      %broadcast_in_dim3A_2211 = vector.broadcast %broadcast_in_dim3A_2210 : i32 to vector<16xi32>
      %gather3A_2212 = tpu.vector_load_idx %arg18[%add3A_2169] : memref<8960xf32, #tpu.memory_space<vmem>>[vector<16xi32>], vector<16xf32>,
      %scatter3A_2213 = arith.constant 3 : i32
      %scatter3A_2214 = arith.constant 0 : i32
      %scatter3A_2215 = arith.constant 0 : i32
      %scatter3A_2216 = tpu.memref_slice %arg15[%scatter3A_2213, %scatter3A_2214, %scatter3A_2215] : memref<5x128x128xf32, #tpu.memory_space<vmem>> -> memref<1x128x128xf32, #tpu.memory_space<vmem>>
      %scatter3A_2217 = tpu.memref_squeeze %scatter3A_2216 : memref<1x128x128xf32, #tpu.memory_space<vmem>> -> memref<128x128xf32, #tpu.memory_space<vmem>>
      tpu.vector_store_idx %scatter3A_2217[%add3A_2160, %broadcast_in_dim3A_2211], %gather3A_2212 : memref<128x128xf32, #tpu.memory_space<vmem>>[vector<16xi32>, vector<16xi32>], vector<16xf32>,
      %add3A_2218 = arith.constant 1 : i32
      %add3A_2219 = vector.broadcast %add3A_2218 : i32 to vector<16xi32>
      %add3A_2220 = arith.addi %add3A_2169, %add3A_2219 : vector<16xi32>
      %gather3A_2221 = tpu.vector_load_idx %arg18[%add3A_2220] : memref<8960xf32, #tpu.memory_space<vmem>>[vector<16xi32>], vector<16xf32>,
      %add3A_2222 = arith.constant 64 : i32
      %add3A_2223 = vector.broadcast %add3A_2222 : i32 to vector<16xi32>
      %add3A_2224 = arith.addi %broadcast_in_dim3A_2211, %add3A_2223 : vector<16xi32>
      %scatter3A_2225 = arith.constant 3 : i32
      %scatter3A_2226 = arith.constant 0 : i32
      %scatter3A_2227 = arith.constant 0 : i32
      %scatter3A_2228 = tpu.memref_slice %arg15[%scatter3A_2225, %scatter3A_2226, %scatter3A_2227] : memref<5x128x128xf32, #tpu.memory_space<vmem>> -> memref<1x128x128xf32, #tpu.memory_space<vmem>>
      %scatter3A_2229 = tpu.memref_squeeze %scatter3A_2228 : memref<1x128x128xf32, #tpu.memory_space<vmem>> -> memref<128x128xf32, #tpu.memory_space<vmem>>
      tpu.vector_store_idx %scatter3A_2229[%add3A_2160, %add3A_2224], %gather3A_2221 : memref<128x128xf32, #tpu.memory_space<vmem>>[vector<16xi32>, vector<16xi32>], vector<16xf32>,
      %add3A_2230 = arith.constant 64 : i32
      %add3A_2231 = vector.broadcast %add3A_2230 : i32 to vector<16xi32>
      %add3A_2232 = arith.addi %iota3A, %add3A_2231 : vector<16xi32>
      %mul3A_2233 = arith.constant 14 : i32
      %mul3A_2234 = vector.broadcast %mul3A_2233 : i32 to vector<16xi32>
      %mul3A_2235 = arith.muli %add3A_2232, %mul3A_2234 : vector<16xi32>
      %mul3A_2236 = arith.constant 2 : i32
      %mul3A_2237 = arith.muli %mul3A_2236, %select_n3A : i32
      %add3A_2238 = arith.constant 5376 : i32
      %add3A_2239 = arith.addi %mul3A_2237, %add3A_2238 : i32
      %add3A_2240 = vector.broadcast %add3A_2239 : i32 to vector<16xi32>
      %add3A_2241 = arith.addi %mul3A_2235, %add3A_2240 : vector<16xi32>
      %broadcast_in_dim3A_2242 = arith.constant 48 : i32
      %broadcast_in_dim3A_2243 = vector.broadcast %broadcast_in_dim3A_2242 : i32 to vector<16xi32>
      %gather3A_2244 = tpu.vector_load_idx %arg16[%add3A_2241] : memref<8960xf32, #tpu.memory_space<vmem>>[vector<16xi32>], vector<16xf32>,
      %scatter3A_2245 = arith.constant 3 : i32
      %scatter3A_2246 = arith.constant 0 : i32
      %scatter3A_2247 = arith.constant 0 : i32
      %scatter3A_2248 = tpu.memref_slice %arg15[%scatter3A_2245, %scatter3A_2246, %scatter3A_2247] : memref<5x128x128xf32, #tpu.memory_space<vmem>> -> memref<1x128x128xf32, #tpu.memory_space<vmem>>
      %scatter3A_2249 = tpu.memref_squeeze %scatter3A_2248 : memref<1x128x128xf32, #tpu.memory_space<vmem>> -> memref<128x128xf32, #tpu.memory_space<vmem>>
      tpu.vector_store_idx %scatter3A_2249[%add3A_2232, %broadcast_in_dim3A_2243], %gather3A_2244 : memref<128x128xf32, #tpu.memory_space<vmem>>[vector<16xi32>, vector<16xi32>], vector<16xf32>,
      %add3A_2250 = arith.constant 1 : i32
      %add3A_2251 = vector.broadcast %add3A_2250 : i32 to vector<16xi32>
      %add3A_2252 = arith.addi %add3A_2241, %add3A_2251 : vector<16xi32>
      %gather3A_2253 = tpu.vector_load_idx %arg16[%add3A_2252] : memref<8960xf32, #tpu.memory_space<vmem>>[vector<16xi32>], vector<16xf32>,
      %add3A_2254 = arith.constant 64 : i32
      %add3A_2255 = vector.broadcast %add3A_2254 : i32 to vector<16xi32>
      %add3A_2256 = arith.addi %broadcast_in_dim3A_2243, %add3A_2255 : vector<16xi32>
      %scatter3A_2257 = arith.constant 3 : i32
      %scatter3A_2258 = arith.constant 0 : i32
      %scatter3A_2259 = arith.constant 0 : i32
      %scatter3A_2260 = tpu.memref_slice %arg15[%scatter3A_2257, %scatter3A_2258, %scatter3A_2259] : memref<5x128x128xf32, #tpu.memory_space<vmem>> -> memref<1x128x128xf32, #tpu.memory_space<vmem>>
      %scatter3A_2261 = tpu.memref_squeeze %scatter3A_2260 : memref<1x128x128xf32, #tpu.memory_space<vmem>> -> memref<128x128xf32, #tpu.memory_space<vmem>>
      tpu.vector_store_idx %scatter3A_2261[%add3A_2232, %add3A_2256], %gather3A_2253 : memref<128x128xf32, #tpu.memory_space<vmem>>[vector<16xi32>, vector<16xi32>], vector<16xf32>,
      %broadcast_in_dim3A_2262 = arith.constant 49 : i32
      %broadcast_in_dim3A_2263 = vector.broadcast %broadcast_in_dim3A_2262 : i32 to vector<16xi32>
      %gather3A_2264 = tpu.vector_load_idx %arg17[%add3A_2241] : memref<8960xf32, #tpu.memory_space<vmem>>[vector<16xi32>], vector<16xf32>,
      %scatter3A_2265 = arith.constant 3 : i32
      %scatter3A_2266 = arith.constant 0 : i32
      %scatter3A_2267 = arith.constant 0 : i32
      %scatter3A_2268 = tpu.memref_slice %arg15[%scatter3A_2265, %scatter3A_2266, %scatter3A_2267] : memref<5x128x128xf32, #tpu.memory_space<vmem>> -> memref<1x128x128xf32, #tpu.memory_space<vmem>>
      %scatter3A_2269 = tpu.memref_squeeze %scatter3A_2268 : memref<1x128x128xf32, #tpu.memory_space<vmem>> -> memref<128x128xf32, #tpu.memory_space<vmem>>
      tpu.vector_store_idx %scatter3A_2269[%add3A_2232, %broadcast_in_dim3A_2263], %gather3A_2264 : memref<128x128xf32, #tpu.memory_space<vmem>>[vector<16xi32>, vector<16xi32>], vector<16xf32>,
      %add3A_2270 = arith.constant 1 : i32
      %add3A_2271 = vector.broadcast %add3A_2270 : i32 to vector<16xi32>
      %add3A_2272 = arith.addi %add3A_2241, %add3A_2271 : vector<16xi32>
      %gather3A_2273 = tpu.vector_load_idx %arg17[%add3A_2272] : memref<8960xf32, #tpu.memory_space<vmem>>[vector<16xi32>], vector<16xf32>,
      %add3A_2274 = arith.constant 64 : i32
      %add3A_2275 = vector.broadcast %add3A_2274 : i32 to vector<16xi32>
      %add3A_2276 = arith.addi %broadcast_in_dim3A_2263, %add3A_2275 : vector<16xi32>
      %scatter3A_2277 = arith.constant 3 : i32
      %scatter3A_2278 = arith.constant 0 : i32
      %scatter3A_2279 = arith.constant 0 : i32
      %scatter3A_2280 = tpu.memref_slice %arg15[%scatter3A_2277, %scatter3A_2278, %scatter3A_2279] : memref<5x128x128xf32, #tpu.memory_space<vmem>> -> memref<1x128x128xf32, #tpu.memory_space<vmem>>
      %scatter3A_2281 = tpu.memref_squeeze %scatter3A_2280 : memref<1x128x128xf32, #tpu.memory_space<vmem>> -> memref<128x128xf32, #tpu.memory_space<vmem>>
      tpu.vector_store_idx %scatter3A_2281[%add3A_2232, %add3A_2276], %gather3A_2273 : memref<128x128xf32, #tpu.memory_space<vmem>>[vector<16xi32>, vector<16xi32>], vector<16xf32>,
      %broadcast_in_dim3A_2282 = arith.constant 50 : i32
      %broadcast_in_dim3A_2283 = vector.broadcast %broadcast_in_dim3A_2282 : i32 to vector<16xi32>
      %gather3A_2284 = tpu.vector_load_idx %arg18[%add3A_2241] : memref<8960xf32, #tpu.memory_space<vmem>>[vector<16xi32>], vector<16xf32>,
      %scatter3A_2285 = arith.constant 3 : i32
      %scatter3A_2286 = arith.constant 0 : i32
      %scatter3A_2287 = arith.constant 0 : i32
      %scatter3A_2288 = tpu.memref_slice %arg15[%scatter3A_2285, %scatter3A_2286, %scatter3A_2287] : memref<5x128x128xf32, #tpu.memory_space<vmem>> -> memref<1x128x128xf32, #tpu.memory_space<vmem>>
      %scatter3A_2289 = tpu.memref_squeeze %scatter3A_2288 : memref<1x128x128xf32, #tpu.memory_space<vmem>> -> memref<128x128xf32, #tpu.memory_space<vmem>>
      tpu.vector_store_idx %scatter3A_2289[%add3A_2232, %broadcast_in_dim3A_2283], %gather3A_2284 : memref<128x128xf32, #tpu.memory_space<vmem>>[vector<16xi32>, vector<16xi32>], vector<16xf32>,
      %add3A_2290 = arith.constant 1 : i32
      %add3A_2291 = vector.broadcast %add3A_2290 : i32 to vector<16xi32>
      %add3A_2292 = arith.addi %add3A_2241, %add3A_2291 : vector<16xi32>
      %gather3A_2293 = tpu.vector_load_idx %arg18[%add3A_2292] : memref<8960xf32, #tpu.memory_space<vmem>>[vector<16xi32>], vector<16xf32>,
      %add3A_2294 = arith.constant 64 : i32
      %add3A_2295 = vector.broadcast %add3A_2294 : i32 to vector<16xi32>
      %add3A_2296 = arith.addi %broadcast_in_dim3A_2283, %add3A_2295 : vector<16xi32>
      %scatter3A_2297 = arith.constant 3 : i32
      %scatter3A_2298 = arith.constant 0 : i32
      %scatter3A_2299 = arith.constant 0 : i32
      %scatter3A_2300 = tpu.memref_slice %arg15[%scatter3A_2297, %scatter3A_2298, %scatter3A_2299] : memref<5x128x128xf32, #tpu.memory_space<vmem>> -> memref<1x128x128xf32, #tpu.memory_space<vmem>>
      %scatter3A_2301 = tpu.memref_squeeze %scatter3A_2300 : memref<1x128x128xf32, #tpu.memory_space<vmem>> -> memref<128x128xf32, #tpu.memory_space<vmem>>
      tpu.vector_store_idx %scatter3A_2301[%add3A_2232, %add3A_2296], %gather3A_2293 : memref<128x128xf32, #tpu.memory_space<vmem>>[vector<16xi32>, vector<16xi32>], vector<16xf32>,
      %add3A_2302 = arith.constant 80 : i32
      %add3A_2303 = vector.broadcast %add3A_2302 : i32 to vector<16xi32>
      %add3A_2304 = arith.addi %iota3A, %add3A_2303 : vector<16xi32>
      %mul3A_2305 = arith.constant 14 : i32
      %mul3A_2306 = vector.broadcast %mul3A_2305 : i32 to vector<16xi32>
      %mul3A_2307 = arith.muli %add3A_2304, %mul3A_2306 : vector<16xi32>
      %mul3A_2308 = arith.constant 2 : i32
      %mul3A_2309 = arith.muli %mul3A_2308, %select_n3A : i32
      %add3A_2310 = arith.constant 5376 : i32
      %add3A_2311 = arith.addi %mul3A_2309, %add3A_2310 : i32
      %add3A_2312 = vector.broadcast %add3A_2311 : i32 to vector<16xi32>
      %add3A_2313 = arith.addi %mul3A_2307, %add3A_2312 : vector<16xi32>
      %broadcast_in_dim3A_2314 = arith.constant 48 : i32
      %broadcast_in_dim3A_2315 = vector.broadcast %broadcast_in_dim3A_2314 : i32 to vector<16xi32>
      %gather3A_2316 = tpu.vector_load_idx %arg16[%add3A_2313] : memref<8960xf32, #tpu.memory_space<vmem>>[vector<16xi32>], vector<16xf32>,
      %scatter3A_2317 = arith.constant 3 : i32
      %scatter3A_2318 = arith.constant 0 : i32
      %scatter3A_2319 = arith.constant 0 : i32
      %scatter3A_2320 = tpu.memref_slice %arg15[%scatter3A_2317, %scatter3A_2318, %scatter3A_2319] : memref<5x128x128xf32, #tpu.memory_space<vmem>> -> memref<1x128x128xf32, #tpu.memory_space<vmem>>
      %scatter3A_2321 = tpu.memref_squeeze %scatter3A_2320 : memref<1x128x128xf32, #tpu.memory_space<vmem>> -> memref<128x128xf32, #tpu.memory_space<vmem>>
      tpu.vector_store_idx %scatter3A_2321[%add3A_2304, %broadcast_in_dim3A_2315], %gather3A_2316 : memref<128x128xf32, #tpu.memory_space<vmem>>[vector<16xi32>, vector<16xi32>], vector<16xf32>,
      %add3A_2322 = arith.constant 1 : i32
      %add3A_2323 = vector.broadcast %add3A_2322 : i32 to vector<16xi32>
      %add3A_2324 = arith.addi %add3A_2313, %add3A_2323 : vector<16xi32>
      %gather3A_2325 = tpu.vector_load_idx %arg16[%add3A_2324] : memref<8960xf32, #tpu.memory_space<vmem>>[vector<16xi32>], vector<16xf32>,
      %add3A_2326 = arith.constant 64 : i32
      %add3A_2327 = vector.broadcast %add3A_2326 : i32 to vector<16xi32>
      %add3A_2328 = arith.addi %broadcast_in_dim3A_2315, %add3A_2327 : vector<16xi32>
      %scatter3A_2329 = arith.constant 3 : i32
      %scatter3A_2330 = arith.constant 0 : i32
      %scatter3A_2331 = arith.constant 0 : i32
      %scatter3A_2332 = tpu.memref_slice %arg15[%scatter3A_2329, %scatter3A_2330, %scatter3A_2331] : memref<5x128x128xf32, #tpu.memory_space<vmem>> -> memref<1x128x128xf32, #tpu.memory_space<vmem>>
      %scatter3A_2333 = tpu.memref_squeeze %scatter3A_2332 : memref<1x128x128xf32, #tpu.memory_space<vmem>> -> memref<128x128xf32, #tpu.memory_space<vmem>>
      tpu.vector_store_idx %scatter3A_2333[%add3A_2304, %add3A_2328], %gather3A_2325 : memref<128x128xf32, #tpu.memory_space<vmem>>[vector<16xi32>, vector<16xi32>], vector<16xf32>,
      %broadcast_in_dim3A_2334 = arith.constant 49 : i32
      %broadcast_in_dim3A_2335 = vector.broadcast %broadcast_in_dim3A_2334 : i32 to vector<16xi32>
      %gather3A_2336 = tpu.vector_load_idx %arg17[%add3A_2313] : memref<8960xf32, #tpu.memory_space<vmem>>[vector<16xi32>], vector<16xf32>,
      %scatter3A_2337 = arith.constant 3 : i32
      %scatter3A_2338 = arith.constant 0 : i32
      %scatter3A_2339 = arith.constant 0 : i32
      %scatter3A_2340 = tpu.memref_slice %arg15[%scatter3A_2337, %scatter3A_2338, %scatter3A_2339] : memref<5x128x128xf32, #tpu.memory_space<vmem>> -> memref<1x128x128xf32, #tpu.memory_space<vmem>>
      %scatter3A_2341 = tpu.memref_squeeze %scatter3A_2340 : memref<1x128x128xf32, #tpu.memory_space<vmem>> -> memref<128x128xf32, #tpu.memory_space<vmem>>
      tpu.vector_store_idx %scatter3A_2341[%add3A_2304, %broadcast_in_dim3A_2335], %gather3A_2336 : memref<128x128xf32, #tpu.memory_space<vmem>>[vector<16xi32>, vector<16xi32>], vector<16xf32>,
      %add3A_2342 = arith.constant 1 : i32
      %add3A_2343 = vector.broadcast %add3A_2342 : i32 to vector<16xi32>
      %add3A_2344 = arith.addi %add3A_2313, %add3A_2343 : vector<16xi32>
      %gather3A_2345 = tpu.vector_load_idx %arg17[%add3A_2344] : memref<8960xf32, #tpu.memory_space<vmem>>[vector<16xi32>], vector<16xf32>,
      %add3A_2346 = arith.constant 64 : i32
      %add3A_2347 = vector.broadcast %add3A_2346 : i32 to vector<16xi32>
      %add3A_2348 = arith.addi %broadcast_in_dim3A_2335, %add3A_2347 : vector<16xi32>
      %scatter3A_2349 = arith.constant 3 : i32
      %scatter3A_2350 = arith.constant 0 : i32
      %scatter3A_2351 = arith.constant 0 : i32
      %scatter3A_2352 = tpu.memref_slice %arg15[%scatter3A_2349, %scatter3A_2350, %scatter3A_2351] : memref<5x128x128xf32, #tpu.memory_space<vmem>> -> memref<1x128x128xf32, #tpu.memory_space<vmem>>
      %scatter3A_2353 = tpu.memref_squeeze %scatter3A_2352 : memref<1x128x128xf32, #tpu.memory_space<vmem>> -> memref<128x128xf32, #tpu.memory_space<vmem>>
      tpu.vector_store_idx %scatter3A_2353[%add3A_2304, %add3A_2348], %gather3A_2345 : memref<128x128xf32, #tpu.memory_space<vmem>>[vector<16xi32>, vector<16xi32>], vector<16xf32>,
      %broadcast_in_dim3A_2354 = arith.constant 50 : i32
      %broadcast_in_dim3A_2355 = vector.broadcast %broadcast_in_dim3A_2354 : i32 to vector<16xi32>
      %gather3A_2356 = tpu.vector_load_idx %arg18[%add3A_2313] : memref<8960xf32, #tpu.memory_space<vmem>>[vector<16xi32>], vector<16xf32>,
      %scatter3A_2357 = arith.constant 3 : i32
      %scatter3A_2358 = arith.constant 0 : i32
      %scatter3A_2359 = arith.constant 0 : i32
      %scatter3A_2360 = tpu.memref_slice %arg15[%scatter3A_2357, %scatter3A_2358, %scatter3A_2359] : memref<5x128x128xf32, #tpu.memory_space<vmem>> -> memref<1x128x128xf32, #tpu.memory_space<vmem>>
      %scatter3A_2361 = tpu.memref_squeeze %scatter3A_2360 : memref<1x128x128xf32, #tpu.memory_space<vmem>> -> memref<128x128xf32, #tpu.memory_space<vmem>>
      tpu.vector_store_idx %scatter3A_2361[%add3A_2304, %broadcast_in_dim3A_2355], %gather3A_2356 : memref<128x128xf32, #tpu.memory_space<vmem>>[vector<16xi32>, vector<16xi32>], vector<16xf32>,
      %add3A_2362 = arith.constant 1 : i32
      %add3A_2363 = vector.broadcast %add3A_2362 : i32 to vector<16xi32>
      %add3A_2364 = arith.addi %add3A_2313, %add3A_2363 : vector<16xi32>
      %gather3A_2365 = tpu.vector_load_idx %arg18[%add3A_2364] : memref<8960xf32, #tpu.memory_space<vmem>>[vector<16xi32>], vector<16xf32>,
      %add3A_2366 = arith.constant 64 : i32
      %add3A_2367 = vector.broadcast %add3A_2366 : i32 to vector<16xi32>
      %add3A_2368 = arith.addi %broadcast_in_dim3A_2355, %add3A_2367 : vector<16xi32>
      %scatter3A_2369 = arith.constant 3 : i32
      %scatter3A_2370 = arith.constant 0 : i32
      %scatter3A_2371 = arith.constant 0 : i32
      %scatter3A_2372 = tpu.memref_slice %arg15[%scatter3A_2369, %scatter3A_2370, %scatter3A_2371] : memref<5x128x128xf32, #tpu.memory_space<vmem>> -> memref<1x128x128xf32, #tpu.memory_space<vmem>>
      %scatter3A_2373 = tpu.memref_squeeze %scatter3A_2372 : memref<1x128x128xf32, #tpu.memory_space<vmem>> -> memref<128x128xf32, #tpu.memory_space<vmem>>
      tpu.vector_store_idx %scatter3A_2373[%add3A_2304, %add3A_2368], %gather3A_2365 : memref<128x128xf32, #tpu.memory_space<vmem>>[vector<16xi32>, vector<16xi32>], vector<16xf32>,
      %add3A_2374 = arith.constant 96 : i32
      %add3A_2375 = vector.broadcast %add3A_2374 : i32 to vector<16xi32>
      %add3A_2376 = arith.addi %iota3A, %add3A_2375 : vector<16xi32>
      %mul3A_2377 = arith.constant 14 : i32
      %mul3A_2378 = vector.broadcast %mul3A_2377 : i32 to vector<16xi32>
      %mul3A_2379 = arith.muli %add3A_2376, %mul3A_2378 : vector<16xi32>
      %mul3A_2380 = arith.constant 2 : i32
      %mul3A_2381 = arith.muli %mul3A_2380, %select_n3A : i32
      %add3A_2382 = arith.constant 5376 : i32
      %add3A_2383 = arith.addi %mul3A_2381, %add3A_2382 : i32
      %add3A_2384 = vector.broadcast %add3A_2383 : i32 to vector<16xi32>
      %add3A_2385 = arith.addi %mul3A_2379, %add3A_2384 : vector<16xi32>
      %broadcast_in_dim3A_2386 = arith.constant 48 : i32
      %broadcast_in_dim3A_2387 = vector.broadcast %broadcast_in_dim3A_2386 : i32 to vector<16xi32>
      %gather3A_2388 = tpu.vector_load_idx %arg16[%add3A_2385] : memref<8960xf32, #tpu.memory_space<vmem>>[vector<16xi32>], vector<16xf32>,
      %scatter3A_2389 = arith.constant 3 : i32
      %scatter3A_2390 = arith.constant 0 : i32
      %scatter3A_2391 = arith.constant 0 : i32
      %scatter3A_2392 = tpu.memref_slice %arg15[%scatter3A_2389, %scatter3A_2390, %scatter3A_2391] : memref<5x128x128xf32, #tpu.memory_space<vmem>> -> memref<1x128x128xf32, #tpu.memory_space<vmem>>
      %scatter3A_2393 = tpu.memref_squeeze %scatter3A_2392 : memref<1x128x128xf32, #tpu.memory_space<vmem>> -> memref<128x128xf32, #tpu.memory_space<vmem>>
      tpu.vector_store_idx %scatter3A_2393[%add3A_2376, %broadcast_in_dim3A_2387], %gather3A_2388 : memref<128x128xf32, #tpu.memory_space<vmem>>[vector<16xi32>, vector<16xi32>], vector<16xf32>,
      %add3A_2394 = arith.constant 1 : i32
      %add3A_2395 = vector.broadcast %add3A_2394 : i32 to vector<16xi32>
      %add3A_2396 = arith.addi %add3A_2385, %add3A_2395 : vector<16xi32>
      %gather3A_2397 = tpu.vector_load_idx %arg16[%add3A_2396] : memref<8960xf32, #tpu.memory_space<vmem>>[vector<16xi32>], vector<16xf32>,
      %add3A_2398 = arith.constant 64 : i32
      %add3A_2399 = vector.broadcast %add3A_2398 : i32 to vector<16xi32>
      %add3A_2400 = arith.addi %broadcast_in_dim3A_2387, %add3A_2399 : vector<16xi32>
      %scatter3A_2401 = arith.constant 3 : i32
      %scatter3A_2402 = arith.constant 0 : i32
      %scatter3A_2403 = arith.constant 0 : i32
      %scatter3A_2404 = tpu.memref_slice %arg15[%scatter3A_2401, %scatter3A_2402, %scatter3A_2403] : memref<5x128x128xf32, #tpu.memory_space<vmem>> -> memref<1x128x128xf32, #tpu.memory_space<vmem>>
      %scatter3A_2405 = tpu.memref_squeeze %scatter3A_2404 : memref<1x128x128xf32, #tpu.memory_space<vmem>> -> memref<128x128xf32, #tpu.memory_space<vmem>>
      tpu.vector_store_idx %scatter3A_2405[%add3A_2376, %add3A_2400], %gather3A_2397 : memref<128x128xf32, #tpu.memory_space<vmem>>[vector<16xi32>, vector<16xi32>], vector<16xf32>,
      %broadcast_in_dim3A_2406 = arith.constant 49 : i32
      %broadcast_in_dim3A_2407 = vector.broadcast %broadcast_in_dim3A_2406 : i32 to vector<16xi32>
      %gather3A_2408 = tpu.vector_load_idx %arg17[%add3A_2385] : memref<8960xf32, #tpu.memory_space<vmem>>[vector<16xi32>], vector<16xf32>,
      %scatter3A_2409 = arith.constant 3 : i32
      %scatter3A_2410 = arith.constant 0 : i32
      %scatter3A_2411 = arith.constant 0 : i32
      %scatter3A_2412 = tpu.memref_slice %arg15[%scatter3A_2409, %scatter3A_2410, %scatter3A_2411] : memref<5x128x128xf32, #tpu.memory_space<vmem>> -> memref<1x128x128xf32, #tpu.memory_space<vmem>>
      %scatter3A_2413 = tpu.memref_squeeze %scatter3A_2412 : memref<1x128x128xf32, #tpu.memory_space<vmem>> -> memref<128x128xf32, #tpu.memory_space<vmem>>
      tpu.vector_store_idx %scatter3A_2413[%add3A_2376, %broadcast_in_dim3A_2407], %gather3A_2408 : memref<128x128xf32, #tpu.memory_space<vmem>>[vector<16xi32>, vector<16xi32>], vector<16xf32>,
      %add3A_2414 = arith.constant 1 : i32
      %add3A_2415 = vector.broadcast %add3A_2414 : i32 to vector<16xi32>
      %add3A_2416 = arith.addi %add3A_2385, %add3A_2415 : vector<16xi32>
      %gather3A_2417 = tpu.vector_load_idx %arg17[%add3A_2416] : memref<8960xf32, #tpu.memory_space<vmem>>[vector<16xi32>], vector<16xf32>,
      %add3A_2418 = arith.constant 64 : i32
      %add3A_2419 = vector.broadcast %add3A_2418 : i32 to vector<16xi32>
      %add3A_2420 = arith.addi %broadcast_in_dim3A_2407, %add3A_2419 : vector<16xi32>
      %scatter3A_2421 = arith.constant 3 : i32
      %scatter3A_2422 = arith.constant 0 : i32
      %scatter3A_2423 = arith.constant 0 : i32
      %scatter3A_2424 = tpu.memref_slice %arg15[%scatter3A_2421, %scatter3A_2422, %scatter3A_2423] : memref<5x128x128xf32, #tpu.memory_space<vmem>> -> memref<1x128x128xf32, #tpu.memory_space<vmem>>
      %scatter3A_2425 = tpu.memref_squeeze %scatter3A_2424 : memref<1x128x128xf32, #tpu.memory_space<vmem>> -> memref<128x128xf32, #tpu.memory_space<vmem>>
      tpu.vector_store_idx %scatter3A_2425[%add3A_2376, %add3A_2420], %gather3A_2417 : memref<128x128xf32, #tpu.memory_space<vmem>>[vector<16xi32>, vector<16xi32>], vector<16xf32>,
      %broadcast_in_dim3A_2426 = arith.constant 50 : i32
      %broadcast_in_dim3A_2427 = vector.broadcast %broadcast_in_dim3A_2426 : i32 to vector<16xi32>
      %gather3A_2428 = tpu.vector_load_idx %arg18[%add3A_2385] : memref<8960xf32, #tpu.memory_space<vmem>>[vector<16xi32>], vector<16xf32>,
      %scatter3A_2429 = arith.constant 3 : i32
      %scatter3A_2430 = arith.constant 0 : i32
      %scatter3A_2431 = arith.constant 0 : i32
      %scatter3A_2432 = tpu.memref_slice %arg15[%scatter3A_2429, %scatter3A_2430, %scatter3A_2431] : memref<5x128x128xf32, #tpu.memory_space<vmem>> -> memref<1x128x128xf32, #tpu.memory_space<vmem>>
      %scatter3A_2433 = tpu.memref_squeeze %scatter3A_2432 : memref<1x128x128xf32, #tpu.memory_space<vmem>> -> memref<128x128xf32, #tpu.memory_space<vmem>>
      tpu.vector_store_idx %scatter3A_2433[%add3A_2376, %broadcast_in_dim3A_2427], %gather3A_2428 : memref<128x128xf32, #tpu.memory_space<vmem>>[vector<16xi32>, vector<16xi32>], vector<16xf32>,
      %add3A_2434 = arith.constant 1 : i32
      %add3A_2435 = vector.broadcast %add3A_2434 : i32 to vector<16xi32>
      %add3A_2436 = arith.addi %add3A_2385, %add3A_2435 : vector<16xi32>
      %gather3A_2437 = tpu.vector_load_idx %arg18[%add3A_2436] : memref<8960xf32, #tpu.memory_space<vmem>>[vector<16xi32>], vector<16xf32>,
      %add3A_2438 = arith.constant 64 : i32
      %add3A_2439 = vector.broadcast %add3A_2438 : i32 to vector<16xi32>
      %add3A_2440 = arith.addi %broadcast_in_dim3A_2427, %add3A_2439 : vector<16xi32>
      %scatter3A_2441 = arith.constant 3 : i32
      %scatter3A_2442 = arith.constant 0 : i32
      %scatter3A_2443 = arith.constant 0 : i32
      %scatter3A_2444 = tpu.memref_slice %arg15[%scatter3A_2441, %scatter3A_2442, %scatter3A_2443] : memref<5x128x128xf32, #tpu.memory_space<vmem>> -> memref<1x128x128xf32, #tpu.memory_space<vmem>>
      %scatter3A_2445 = tpu.memref_squeeze %scatter3A_2444 : memref<1x128x128xf32, #tpu.memory_space<vmem>> -> memref<128x128xf32, #tpu.memory_space<vmem>>
      tpu.vector_store_idx %scatter3A_2445[%add3A_2376, %add3A_2440], %gather3A_2437 : memref<128x128xf32, #tpu.memory_space<vmem>>[vector<16xi32>, vector<16xi32>], vector<16xf32>,
      %add3A_2446 = arith.constant 112 : i32
      %add3A_2447 = vector.broadcast %add3A_2446 : i32 to vector<16xi32>
      %add3A_2448 = arith.addi %iota3A, %add3A_2447 : vector<16xi32>
      %mul3A_2449 = arith.constant 14 : i32
      %mul3A_2450 = vector.broadcast %mul3A_2449 : i32 to vector<16xi32>
      %mul3A_2451 = arith.muli %add3A_2448, %mul3A_2450 : vector<16xi32>
      %mul3A_2452 = arith.constant 2 : i32
      %mul3A_2453 = arith.muli %mul3A_2452, %select_n3A : i32
      %add3A_2454 = arith.constant 5376 : i32
      %add3A_2455 = arith.addi %mul3A_2453, %add3A_2454 : i32
      %add3A_2456 = vector.broadcast %add3A_2455 : i32 to vector<16xi32>
      %add3A_2457 = arith.addi %mul3A_2451, %add3A_2456 : vector<16xi32>
      %broadcast_in_dim3A_2458 = arith.constant 48 : i32
      %broadcast_in_dim3A_2459 = vector.broadcast %broadcast_in_dim3A_2458 : i32 to vector<16xi32>
      %gather3A_2460 = tpu.vector_load_idx %arg16[%add3A_2457] : memref<8960xf32, #tpu.memory_space<vmem>>[vector<16xi32>], vector<16xf32>,
      %scatter3A_2461 = arith.constant 3 : i32
      %scatter3A_2462 = arith.constant 0 : i32
      %scatter3A_2463 = arith.constant 0 : i32
      %scatter3A_2464 = tpu.memref_slice %arg15[%scatter3A_2461, %scatter3A_2462, %scatter3A_2463] : memref<5x128x128xf32, #tpu.memory_space<vmem>> -> memref<1x128x128xf32, #tpu.memory_space<vmem>>
      %scatter3A_2465 = tpu.memref_squeeze %scatter3A_2464 : memref<1x128x128xf32, #tpu.memory_space<vmem>> -> memref<128x128xf32, #tpu.memory_space<vmem>>
      tpu.vector_store_idx %scatter3A_2465[%add3A_2448, %broadcast_in_dim3A_2459], %gather3A_2460 : memref<128x128xf32, #tpu.memory_space<vmem>>[vector<16xi32>, vector<16xi32>], vector<16xf32>,
      %add3A_2466 = arith.constant 1 : i32
      %add3A_2467 = vector.broadcast %add3A_2466 : i32 to vector<16xi32>
      %add3A_2468 = arith.addi %add3A_2457, %add3A_2467 : vector<16xi32>
      %gather3A_2469 = tpu.vector_load_idx %arg16[%add3A_2468] : memref<8960xf32, #tpu.memory_space<vmem>>[vector<16xi32>], vector<16xf32>,
      %add3A_2470 = arith.constant 64 : i32
      %add3A_2471 = vector.broadcast %add3A_2470 : i32 to vector<16xi32>
      %add3A_2472 = arith.addi %broadcast_in_dim3A_2459, %add3A_2471 : vector<16xi32>
      %scatter3A_2473 = arith.constant 3 : i32
      %scatter3A_2474 = arith.constant 0 : i32
      %scatter3A_2475 = arith.constant 0 : i32
      %scatter3A_2476 = tpu.memref_slice %arg15[%scatter3A_2473, %scatter3A_2474, %scatter3A_2475] : memref<5x128x128xf32, #tpu.memory_space<vmem>> -> memref<1x128x128xf32, #tpu.memory_space<vmem>>
      %scatter3A_2477 = tpu.memref_squeeze %scatter3A_2476 : memref<1x128x128xf32, #tpu.memory_space<vmem>> -> memref<128x128xf32, #tpu.memory_space<vmem>>
      tpu.vector_store_idx %scatter3A_2477[%add3A_2448, %add3A_2472], %gather3A_2469 : memref<128x128xf32, #tpu.memory_space<vmem>>[vector<16xi32>, vector<16xi32>], vector<16xf32>,
      %broadcast_in_dim3A_2478 = arith.constant 49 : i32
      %broadcast_in_dim3A_2479 = vector.broadcast %broadcast_in_dim3A_2478 : i32 to vector<16xi32>
      %gather3A_2480 = tpu.vector_load_idx %arg17[%add3A_2457] : memref<8960xf32, #tpu.memory_space<vmem>>[vector<16xi32>], vector<16xf32>,
      %scatter3A_2481 = arith.constant 3 : i32
      %scatter3A_2482 = arith.constant 0 : i32
      %scatter3A_2483 = arith.constant 0 : i32
      %scatter3A_2484 = tpu.memref_slice %arg15[%scatter3A_2481, %scatter3A_2482, %scatter3A_2483] : memref<5x128x128xf32, #tpu.memory_space<vmem>> -> memref<1x128x128xf32, #tpu.memory_space<vmem>>
      %scatter3A_2485 = tpu.memref_squeeze %scatter3A_2484 : memref<1x128x128xf32, #tpu.memory_space<vmem>> -> memref<128x128xf32, #tpu.memory_space<vmem>>
      tpu.vector_store_idx %scatter3A_2485[%add3A_2448, %broadcast_in_dim3A_2479], %gather3A_2480 : memref<128x128xf32, #tpu.memory_space<vmem>>[vector<16xi32>, vector<16xi32>], vector<16xf32>,
      %add3A_2486 = arith.constant 1 : i32
      %add3A_2487 = vector.broadcast %add3A_2486 : i32 to vector<16xi32>
      %add3A_2488 = arith.addi %add3A_2457, %add3A_2487 : vector<16xi32>
      %gather3A_2489 = tpu.vector_load_idx %arg17[%add3A_2488] : memref<8960xf32, #tpu.memory_space<vmem>>[vector<16xi32>], vector<16xf32>,
      %add3A_2490 = arith.constant 64 : i32
      %add3A_2491 = vector.broadcast %add3A_2490 : i32 to vector<16xi32>
      %add3A_2492 = arith.addi %broadcast_in_dim3A_2479, %add3A_2491 : vector<16xi32>
      %scatter3A_2493 = arith.constant 3 : i32
      %scatter3A_2494 = arith.constant 0 : i32
      %scatter3A_2495 = arith.constant 0 : i32
      %scatter3A_2496 = tpu.memref_slice %arg15[%scatter3A_2493, %scatter3A_2494, %scatter3A_2495] : memref<5x128x128xf32, #tpu.memory_space<vmem>> -> memref<1x128x128xf32, #tpu.memory_space<vmem>>
      %scatter3A_2497 = tpu.memref_squeeze %scatter3A_2496 : memref<1x128x128xf32, #tpu.memory_space<vmem>> -> memref<128x128xf32, #tpu.memory_space<vmem>>
      tpu.vector_store_idx %scatter3A_2497[%add3A_2448, %add3A_2492], %gather3A_2489 : memref<128x128xf32, #tpu.memory_space<vmem>>[vector<16xi32>, vector<16xi32>], vector<16xf32>,
      %broadcast_in_dim3A_2498 = arith.constant 50 : i32
      %broadcast_in_dim3A_2499 = vector.broadcast %broadcast_in_dim3A_2498 : i32 to vector<16xi32>
      %gather3A_2500 = tpu.vector_load_idx %arg18[%add3A_2457] : memref<8960xf32, #tpu.memory_space<vmem>>[vector<16xi32>], vector<16xf32>,
      %scatter3A_2501 = arith.constant 3 : i32
      %scatter3A_2502 = arith.constant 0 : i32
      %scatter3A_2503 = arith.constant 0 : i32
      %scatter3A_2504 = tpu.memref_slice %arg15[%scatter3A_2501, %scatter3A_2502, %scatter3A_2503] : memref<5x128x128xf32, #tpu.memory_space<vmem>> -> memref<1x128x128xf32, #tpu.memory_space<vmem>>
      %scatter3A_2505 = tpu.memref_squeeze %scatter3A_2504 : memref<1x128x128xf32, #tpu.memory_space<vmem>> -> memref<128x128xf32, #tpu.memory_space<vmem>>
      tpu.vector_store_idx %scatter3A_2505[%add3A_2448, %broadcast_in_dim3A_2499], %gather3A_2500 : memref<128x128xf32, #tpu.memory_space<vmem>>[vector<16xi32>, vector<16xi32>], vector<16xf32>,
      %add3A_2506 = arith.constant 1 : i32
      %add3A_2507 = vector.broadcast %add3A_2506 : i32 to vector<16xi32>
      %add3A_2508 = arith.addi %add3A_2457, %add3A_2507 : vector<16xi32>
      %gather3A_2509 = tpu.vector_load_idx %arg18[%add3A_2508] : memref<8960xf32, #tpu.memory_space<vmem>>[vector<16xi32>], vector<16xf32>,
      %add3A_2510 = arith.constant 64 : i32
      %add3A_2511 = vector.broadcast %add3A_2510 : i32 to vector<16xi32>
      %add3A_2512 = arith.addi %broadcast_in_dim3A_2499, %add3A_2511 : vector<16xi32>
      %scatter3A_2513 = arith.constant 3 : i32
      %scatter3A_2514 = arith.constant 0 : i32
      %scatter3A_2515 = arith.constant 0 : i32
      %scatter3A_2516 = tpu.memref_slice %arg15[%scatter3A_2513, %scatter3A_2514, %scatter3A_2515] : memref<5x128x128xf32, #tpu.memory_space<vmem>> -> memref<1x128x128xf32, #tpu.memory_space<vmem>>
      %scatter3A_2517 = tpu.memref_squeeze %scatter3A_2516 : memref<1x128x128xf32, #tpu.memory_space<vmem>> -> memref<128x128xf32, #tpu.memory_space<vmem>>
      tpu.vector_store_idx %scatter3A_2517[%add3A_2448, %add3A_2512], %gather3A_2509 : memref<128x128xf32, #tpu.memory_space<vmem>>[vector<16xi32>, vector<16xi32>], vector<16xf32>,
      %add3A_2518 = arith.constant 3 : i32
      %add3A_2519 = arith.addi %add3A_17, %add3A_2518 : i32
      %dma_start3A_2520 = arith.constant 3 : i32
      %dma_start3A_2521 = arith.constant 0 : i32
      %dma_start3A_2522 = arith.constant 0 : i32
      %dma_start3A_2523 = tpu.memref_slice %arg15[%dma_start3A_2520, %dma_start3A_2521, %dma_start3A_2522] : memref<5x128x128xf32, #tpu.memory_space<vmem>> -> memref<1x128x128xf32, #tpu.memory_space<vmem>>
      %dma_start3A_2524 = tpu.memref_squeeze %dma_start3A_2523 : memref<1x128x128xf32, #tpu.memory_space<vmem>> -> memref<128x128xf32, #tpu.memory_space<vmem>>
      %dma_start3A_2525 = arith.constant 0 : i32
      %dma_start3A_2526 = arith.constant 0 : i32
      %dma_start3A_2527 = tpu.memref_slice %arg11[%add3A_2519, %dma_start3A_2525, %dma_start3A_2526] : memref<5600x128x128xf32, #tpu.memory_space<hbm>> -> memref<1x128x128xf32, #tpu.memory_space<hbm>>
      %dma_start3A_2528 = tpu.memref_squeeze %dma_start3A_2527 : memref<1x128x128xf32, #tpu.memory_space<hbm>> -> memref<128x128xf32, #tpu.memory_space<hbm>>
      %dma_start3A_2529 = arith.constant 0 : i32
      %dma_start3A_2530 = arith.constant 0 : i32
      %dma_start3A_2531 = tpu.memref_slice %arg11[%add3A_2519, %dma_start3A_2529, %dma_start3A_2530] : memref<5600x128x128xf32, #tpu.memory_space<hbm>> -> memref<1x128x128xf32, #tpu.memory_space<hbm>>
      %dma_start3A_2532 = tpu.memref_squeeze %dma_start3A_2531 : memref<1x128x128xf32, #tpu.memory_space<hbm>> -> memref<128x128xf32, #tpu.memory_space<hbm>>
      %dma_start3A_2533 = arith.constant 0 : i32
      %dma_start3A_2534 = arith.constant 0 : i32
      %dma_start3A_2535 = tpu.memref_slice %arg15[%dma_start3A_2520, %dma_start3A_2533, %dma_start3A_2534] : memref<5x128x128xf32, #tpu.memory_space<vmem>> -> memref<1x128x128xf32, #tpu.memory_space<vmem>>
      %dma_start3A_2536 = tpu.memref_squeeze %dma_start3A_2535 : memref<1x128x128xf32, #tpu.memory_space<vmem>> -> memref<128x128xf32, #tpu.memory_space<vmem>>
      tpu.enqueue_dma source(%dma_start3A_2536 : memref<128x128xf32, #tpu.memory_space<vmem>>) target(%dma_start3A_2532 : memref<128x128xf32, #tpu.memory_space<hbm>>) target_semaphore(%arg20 : memref<!tpu.dma_semaphore, #tpu.memory_space<semaphore_mem>>)
      %dma_wait3A_2537 = arith.constant 4 : i32
      %dma_wait3A_2538 = arith.constant 0 : i32
      %dma_wait3A_2539 = arith.constant 0 : i32
      %dma_wait3A_2540 = tpu.memref_slice %arg15[%dma_wait3A_2537, %dma_wait3A_2538, %dma_wait3A_2539] : memref<5x128x128xf32, #tpu.memory_space<vmem>> -> memref<1x128x128xf32, #tpu.memory_space<vmem>>
      %dma_wait3A_2541 = tpu.memref_squeeze %dma_wait3A_2540 : memref<1x128x128xf32, #tpu.memory_space<vmem>> -> memref<128x128xf32, #tpu.memory_space<vmem>>
      %dma_wait3A_2542 = arith.constant 512 : i32
      %dma_wait3A_2543 = tpu.memref_slice %arg14[%dma_wait3A_2542] : memref<640xi32, #tpu.memory_space<vmem>> -> memref<128xi32, #tpu.memory_space<vmem>>
      %dma_wait3A_2544 = arith.constant 0 : i32
      %dma_wait3A_2545 = arith.constant 0 : i32
      %dma_wait3A_2546 = tpu.memref_slice %arg2[%dma_wait3A_2544, %dma_wait3A_2545] : memref<51984x128xf32, #tpu.memory_space<hbm>> -> memref<51984x128xf32, #tpu.memory_space<hbm>>
      tpu.wait_indirect_dma semaphore(%arg19 : memref<!tpu.dma_semaphore, #tpu.memory_space<semaphore_mem>>) src(%dma_wait3A_2546 : memref<51984x128xf32, #tpu.memory_space<hbm>>) dst(%dma_wait3A_2541 : memref<128x128xf32, #tpu.memory_space<vmem>>)
      %add3A_2547 = arith.constant 0 : i32
      %add3A_2548 = vector.broadcast %add3A_2547 : i32 to vector<16xi32>
      %add3A_2549 = arith.addi %iota3A, %add3A_2548 : vector<16xi32>
      %mul3A_2550 = arith.constant 14 : i32
      %mul3A_2551 = vector.broadcast %mul3A_2550 : i32 to vector<16xi32>
      %mul3A_2552 = arith.muli %add3A_2549, %mul3A_2551 : vector<16xi32>
      %mul3A_2553 = arith.constant 2 : i32
      %mul3A_2554 = arith.muli %mul3A_2553, %select_n3A : i32
      %add3A_2555 = arith.constant 7168 : i32
      %add3A_2556 = arith.addi %mul3A_2554, %add3A_2555 : i32
      %add3A_2557 = vector.broadcast %add3A_2556 : i32 to vector<16xi32>
      %add3A_2558 = arith.addi %mul3A_2552, %add3A_2557 : vector<16xi32>
      %broadcast_in_dim3A_2559 = arith.constant 48 : i32
      %broadcast_in_dim3A_2560 = vector.broadcast %broadcast_in_dim3A_2559 : i32 to vector<16xi32>
      %gather3A_2561 = tpu.vector_load_idx %arg16[%add3A_2558] : memref<8960xf32, #tpu.memory_space<vmem>>[vector<16xi32>], vector<16xf32>,
      %scatter3A_2562 = arith.constant 4 : i32
      %scatter3A_2563 = arith.constant 0 : i32
      %scatter3A_2564 = arith.constant 0 : i32
      %scatter3A_2565 = tpu.memref_slice %arg15[%scatter3A_2562, %scatter3A_2563, %scatter3A_2564] : memref<5x128x128xf32, #tpu.memory_space<vmem>> -> memref<1x128x128xf32, #tpu.memory_space<vmem>>
      %scatter3A_2566 = tpu.memref_squeeze %scatter3A_2565 : memref<1x128x128xf32, #tpu.memory_space<vmem>> -> memref<128x128xf32, #tpu.memory_space<vmem>>
      tpu.vector_store_idx %scatter3A_2566[%add3A_2549, %broadcast_in_dim3A_2560], %gather3A_2561 : memref<128x128xf32, #tpu.memory_space<vmem>>[vector<16xi32>, vector<16xi32>], vector<16xf32>,
      %add3A_2567 = arith.constant 1 : i32
      %add3A_2568 = vector.broadcast %add3A_2567 : i32 to vector<16xi32>
      %add3A_2569 = arith.addi %add3A_2558, %add3A_2568 : vector<16xi32>
      %gather3A_2570 = tpu.vector_load_idx %arg16[%add3A_2569] : memref<8960xf32, #tpu.memory_space<vmem>>[vector<16xi32>], vector<16xf32>,
      %add3A_2571 = arith.constant 64 : i32
      %add3A_2572 = vector.broadcast %add3A_2571 : i32 to vector<16xi32>
      %add3A_2573 = arith.addi %broadcast_in_dim3A_2560, %add3A_2572 : vector<16xi32>
      %scatter3A_2574 = arith.constant 4 : i32
      %scatter3A_2575 = arith.constant 0 : i32
      %scatter3A_2576 = arith.constant 0 : i32
      %scatter3A_2577 = tpu.memref_slice %arg15[%scatter3A_2574, %scatter3A_2575, %scatter3A_2576] : memref<5x128x128xf32, #tpu.memory_space<vmem>> -> memref<1x128x128xf32, #tpu.memory_space<vmem>>
      %scatter3A_2578 = tpu.memref_squeeze %scatter3A_2577 : memref<1x128x128xf32, #tpu.memory_space<vmem>> -> memref<128x128xf32, #tpu.memory_space<vmem>>
      tpu.vector_store_idx %scatter3A_2578[%add3A_2549, %add3A_2573], %gather3A_2570 : memref<128x128xf32, #tpu.memory_space<vmem>>[vector<16xi32>, vector<16xi32>], vector<16xf32>,
      %broadcast_in_dim3A_2579 = arith.constant 49 : i32
      %broadcast_in_dim3A_2580 = vector.broadcast %broadcast_in_dim3A_2579 : i32 to vector<16xi32>
      %gather3A_2581 = tpu.vector_load_idx %arg17[%add3A_2558] : memref<8960xf32, #tpu.memory_space<vmem>>[vector<16xi32>], vector<16xf32>,
      %scatter3A_2582 = arith.constant 4 : i32
      %scatter3A_2583 = arith.constant 0 : i32
      %scatter3A_2584 = arith.constant 0 : i32
      %scatter3A_2585 = tpu.memref_slice %arg15[%scatter3A_2582, %scatter3A_2583, %scatter3A_2584] : memref<5x128x128xf32, #tpu.memory_space<vmem>> -> memref<1x128x128xf32, #tpu.memory_space<vmem>>
      %scatter3A_2586 = tpu.memref_squeeze %scatter3A_2585 : memref<1x128x128xf32, #tpu.memory_space<vmem>> -> memref<128x128xf32, #tpu.memory_space<vmem>>
      tpu.vector_store_idx %scatter3A_2586[%add3A_2549, %broadcast_in_dim3A_2580], %gather3A_2581 : memref<128x128xf32, #tpu.memory_space<vmem>>[vector<16xi32>, vector<16xi32>], vector<16xf32>,
      %add3A_2587 = arith.constant 1 : i32
      %add3A_2588 = vector.broadcast %add3A_2587 : i32 to vector<16xi32>
      %add3A_2589 = arith.addi %add3A_2558, %add3A_2588 : vector<16xi32>
      %gather3A_2590 = tpu.vector_load_idx %arg17[%add3A_2589] : memref<8960xf32, #tpu.memory_space<vmem>>[vector<16xi32>], vector<16xf32>,
      %add3A_2591 = arith.constant 64 : i32
      %add3A_2592 = vector.broadcast %add3A_2591 : i32 to vector<16xi32>
      %add3A_2593 = arith.addi %broadcast_in_dim3A_2580, %add3A_2592 : vector<16xi32>
      %scatter3A_2594 = arith.constant 4 : i32
      %scatter3A_2595 = arith.constant 0 : i32
      %scatter3A_2596 = arith.constant 0 : i32
      %scatter3A_2597 = tpu.memref_slice %arg15[%scatter3A_2594, %scatter3A_2595, %scatter3A_2596] : memref<5x128x128xf32, #tpu.memory_space<vmem>> -> memref<1x128x128xf32, #tpu.memory_space<vmem>>
      %scatter3A_2598 = tpu.memref_squeeze %scatter3A_2597 : memref<1x128x128xf32, #tpu.memory_space<vmem>> -> memref<128x128xf32, #tpu.memory_space<vmem>>
      tpu.vector_store_idx %scatter3A_2598[%add3A_2549, %add3A_2593], %gather3A_2590 : memref<128x128xf32, #tpu.memory_space<vmem>>[vector<16xi32>, vector<16xi32>], vector<16xf32>,
      %broadcast_in_dim3A_2599 = arith.constant 50 : i32
      %broadcast_in_dim3A_2600 = vector.broadcast %broadcast_in_dim3A_2599 : i32 to vector<16xi32>
      %gather3A_2601 = tpu.vector_load_idx %arg18[%add3A_2558] : memref<8960xf32, #tpu.memory_space<vmem>>[vector<16xi32>], vector<16xf32>,
      %scatter3A_2602 = arith.constant 4 : i32
      %scatter3A_2603 = arith.constant 0 : i32
      %scatter3A_2604 = arith.constant 0 : i32
      %scatter3A_2605 = tpu.memref_slice %arg15[%scatter3A_2602, %scatter3A_2603, %scatter3A_2604] : memref<5x128x128xf32, #tpu.memory_space<vmem>> -> memref<1x128x128xf32, #tpu.memory_space<vmem>>
      %scatter3A_2606 = tpu.memref_squeeze %scatter3A_2605 : memref<1x128x128xf32, #tpu.memory_space<vmem>> -> memref<128x128xf32, #tpu.memory_space<vmem>>
      tpu.vector_store_idx %scatter3A_2606[%add3A_2549, %broadcast_in_dim3A_2600], %gather3A_2601 : memref<128x128xf32, #tpu.memory_space<vmem>>[vector<16xi32>, vector<16xi32>], vector<16xf32>,
      %add3A_2607 = arith.constant 1 : i32
      %add3A_2608 = vector.broadcast %add3A_2607 : i32 to vector<16xi32>
      %add3A_2609 = arith.addi %add3A_2558, %add3A_2608 : vector<16xi32>
      %gather3A_2610 = tpu.vector_load_idx %arg18[%add3A_2609] : memref<8960xf32, #tpu.memory_space<vmem>>[vector<16xi32>], vector<16xf32>,
      %add3A_2611 = arith.constant 64 : i32
      %add3A_2612 = vector.broadcast %add3A_2611 : i32 to vector<16xi32>
      %add3A_2613 = arith.addi %broadcast_in_dim3A_2600, %add3A_2612 : vector<16xi32>
      %scatter3A_2614 = arith.constant 4 : i32
      %scatter3A_2615 = arith.constant 0 : i32
      %scatter3A_2616 = arith.constant 0 : i32
      %scatter3A_2617 = tpu.memref_slice %arg15[%scatter3A_2614, %scatter3A_2615, %scatter3A_2616] : memref<5x128x128xf32, #tpu.memory_space<vmem>> -> memref<1x128x128xf32, #tpu.memory_space<vmem>>
      %scatter3A_2618 = tpu.memref_squeeze %scatter3A_2617 : memref<1x128x128xf32, #tpu.memory_space<vmem>> -> memref<128x128xf32, #tpu.memory_space<vmem>>
      tpu.vector_store_idx %scatter3A_2618[%add3A_2549, %add3A_2613], %gather3A_2610 : memref<128x128xf32, #tpu.memory_space<vmem>>[vector<16xi32>, vector<16xi32>], vector<16xf32>,
      %add3A_2619 = arith.constant 16 : i32
      %add3A_2620 = vector.broadcast %add3A_2619 : i32 to vector<16xi32>
      %add3A_2621 = arith.addi %iota3A, %add3A_2620 : vector<16xi32>
      %mul3A_2622 = arith.constant 14 : i32
      %mul3A_2623 = vector.broadcast %mul3A_2622 : i32 to vector<16xi32>
      %mul3A_2624 = arith.muli %add3A_2621, %mul3A_2623 : vector<16xi32>
      %mul3A_2625 = arith.constant 2 : i32
      %mul3A_2626 = arith.muli %mul3A_2625, %select_n3A : i32
      %add3A_2627 = arith.constant 7168 : i32
      %add3A_2628 = arith.addi %mul3A_2626, %add3A_2627 : i32
      %add3A_2629 = vector.broadcast %add3A_2628 : i32 to vector<16xi32>
      %add3A_2630 = arith.addi %mul3A_2624, %add3A_2629 : vector<16xi32>
      %broadcast_in_dim3A_2631 = arith.constant 48 : i32
      %broadcast_in_dim3A_2632 = vector.broadcast %broadcast_in_dim3A_2631 : i32 to vector<16xi32>
      %gather3A_2633 = tpu.vector_load_idx %arg16[%add3A_2630] : memref<8960xf32, #tpu.memory_space<vmem>>[vector<16xi32>], vector<16xf32>,
      %scatter3A_2634 = arith.constant 4 : i32
      %scatter3A_2635 = arith.constant 0 : i32
      %scatter3A_2636 = arith.constant 0 : i32
      %scatter3A_2637 = tpu.memref_slice %arg15[%scatter3A_2634, %scatter3A_2635, %scatter3A_2636] : memref<5x128x128xf32, #tpu.memory_space<vmem>> -> memref<1x128x128xf32, #tpu.memory_space<vmem>>
      %scatter3A_2638 = tpu.memref_squeeze %scatter3A_2637 : memref<1x128x128xf32, #tpu.memory_space<vmem>> -> memref<128x128xf32, #tpu.memory_space<vmem>>
      tpu.vector_store_idx %scatter3A_2638[%add3A_2621, %broadcast_in_dim3A_2632], %gather3A_2633 : memref<128x128xf32, #tpu.memory_space<vmem>>[vector<16xi32>, vector<16xi32>], vector<16xf32>,
      %add3A_2639 = arith.constant 1 : i32
      %add3A_2640 = vector.broadcast %add3A_2639 : i32 to vector<16xi32>
      %add3A_2641 = arith.addi %add3A_2630, %add3A_2640 : vector<16xi32>
      %gather3A_2642 = tpu.vector_load_idx %arg16[%add3A_2641] : memref<8960xf32, #tpu.memory_space<vmem>>[vector<16xi32>], vector<16xf32>,
      %add3A_2643 = arith.constant 64 : i32
      %add3A_2644 = vector.broadcast %add3A_2643 : i32 to vector<16xi32>
      %add3A_2645 = arith.addi %broadcast_in_dim3A_2632, %add3A_2644 : vector<16xi32>
      %scatter3A_2646 = arith.constant 4 : i32
      %scatter3A_2647 = arith.constant 0 : i32
      %scatter3A_2648 = arith.constant 0 : i32
      %scatter3A_2649 = tpu.memref_slice %arg15[%scatter3A_2646, %scatter3A_2647, %scatter3A_2648] : memref<5x128x128xf32, #tpu.memory_space<vmem>> -> memref<1x128x128xf32, #tpu.memory_space<vmem>>
      %scatter3A_2650 = tpu.memref_squeeze %scatter3A_2649 : memref<1x128x128xf32, #tpu.memory_space<vmem>> -> memref<128x128xf32, #tpu.memory_space<vmem>>
      tpu.vector_store_idx %scatter3A_2650[%add3A_2621, %add3A_2645], %gather3A_2642 : memref<128x128xf32, #tpu.memory_space<vmem>>[vector<16xi32>, vector<16xi32>], vector<16xf32>,
      %broadcast_in_dim3A_2651 = arith.constant 49 : i32
      %broadcast_in_dim3A_2652 = vector.broadcast %broadcast_in_dim3A_2651 : i32 to vector<16xi32>
      %gather3A_2653 = tpu.vector_load_idx %arg17[%add3A_2630] : memref<8960xf32, #tpu.memory_space<vmem>>[vector<16xi32>], vector<16xf32>,
      %scatter3A_2654 = arith.constant 4 : i32
      %scatter3A_2655 = arith.constant 0 : i32
      %scatter3A_2656 = arith.constant 0 : i32
      %scatter3A_2657 = tpu.memref_slice %arg15[%scatter3A_2654, %scatter3A_2655, %scatter3A_2656] : memref<5x128x128xf32, #tpu.memory_space<vmem>> -> memref<1x128x128xf32, #tpu.memory_space<vmem>>
      %scatter3A_2658 = tpu.memref_squeeze %scatter3A_2657 : memref<1x128x128xf32, #tpu.memory_space<vmem>> -> memref<128x128xf32, #tpu.memory_space<vmem>>
      tpu.vector_store_idx %scatter3A_2658[%add3A_2621, %broadcast_in_dim3A_2652], %gather3A_2653 : memref<128x128xf32, #tpu.memory_space<vmem>>[vector<16xi32>, vector<16xi32>], vector<16xf32>,
      %add3A_2659 = arith.constant 1 : i32
      %add3A_2660 = vector.broadcast %add3A_2659 : i32 to vector<16xi32>
      %add3A_2661 = arith.addi %add3A_2630, %add3A_2660 : vector<16xi32>
      %gather3A_2662 = tpu.vector_load_idx %arg17[%add3A_2661] : memref<8960xf32, #tpu.memory_space<vmem>>[vector<16xi32>], vector<16xf32>,
      %add3A_2663 = arith.constant 64 : i32
      %add3A_2664 = vector.broadcast %add3A_2663 : i32 to vector<16xi32>
      %add3A_2665 = arith.addi %broadcast_in_dim3A_2652, %add3A_2664 : vector<16xi32>
      %scatter3A_2666 = arith.constant 4 : i32
      %scatter3A_2667 = arith.constant 0 : i32
      %scatter3A_2668 = arith.constant 0 : i32
      %scatter3A_2669 = tpu.memref_slice %arg15[%scatter3A_2666, %scatter3A_2667, %scatter3A_2668] : memref<5x128x128xf32, #tpu.memory_space<vmem>> -> memref<1x128x128xf32, #tpu.memory_space<vmem>>
      %scatter3A_2670 = tpu.memref_squeeze %scatter3A_2669 : memref<1x128x128xf32, #tpu.memory_space<vmem>> -> memref<128x128xf32, #tpu.memory_space<vmem>>
      tpu.vector_store_idx %scatter3A_2670[%add3A_2621, %add3A_2665], %gather3A_2662 : memref<128x128xf32, #tpu.memory_space<vmem>>[vector<16xi32>, vector<16xi32>], vector<16xf32>,
      %broadcast_in_dim3A_2671 = arith.constant 50 : i32
      %broadcast_in_dim3A_2672 = vector.broadcast %broadcast_in_dim3A_2671 : i32 to vector<16xi32>
      %gather3A_2673 = tpu.vector_load_idx %arg18[%add3A_2630] : memref<8960xf32, #tpu.memory_space<vmem>>[vector<16xi32>], vector<16xf32>,
      %scatter3A_2674 = arith.constant 4 : i32
      %scatter3A_2675 = arith.constant 0 : i32
      %scatter3A_2676 = arith.constant 0 : i32
      %scatter3A_2677 = tpu.memref_slice %arg15[%scatter3A_2674, %scatter3A_2675, %scatter3A_2676] : memref<5x128x128xf32, #tpu.memory_space<vmem>> -> memref<1x128x128xf32, #tpu.memory_space<vmem>>
      %scatter3A_2678 = tpu.memref_squeeze %scatter3A_2677 : memref<1x128x128xf32, #tpu.memory_space<vmem>> -> memref<128x128xf32, #tpu.memory_space<vmem>>
      tpu.vector_store_idx %scatter3A_2678[%add3A_2621, %broadcast_in_dim3A_2672], %gather3A_2673 : memref<128x128xf32, #tpu.memory_space<vmem>>[vector<16xi32>, vector<16xi32>], vector<16xf32>,
      %add3A_2679 = arith.constant 1 : i32
      %add3A_2680 = vector.broadcast %add3A_2679 : i32 to vector<16xi32>
      %add3A_2681 = arith.addi %add3A_2630, %add3A_2680 : vector<16xi32>
      %gather3A_2682 = tpu.vector_load_idx %arg18[%add3A_2681] : memref<8960xf32, #tpu.memory_space<vmem>>[vector<16xi32>], vector<16xf32>,
      %add3A_2683 = arith.constant 64 : i32
      %add3A_2684 = vector.broadcast %add3A_2683 : i32 to vector<16xi32>
      %add3A_2685 = arith.addi %broadcast_in_dim3A_2672, %add3A_2684 : vector<16xi32>
      %scatter3A_2686 = arith.constant 4 : i32
      %scatter3A_2687 = arith.constant 0 : i32
      %scatter3A_2688 = arith.constant 0 : i32
      %scatter3A_2689 = tpu.memref_slice %arg15[%scatter3A_2686, %scatter3A_2687, %scatter3A_2688] : memref<5x128x128xf32, #tpu.memory_space<vmem>> -> memref<1x128x128xf32, #tpu.memory_space<vmem>>
      %scatter3A_2690 = tpu.memref_squeeze %scatter3A_2689 : memref<1x128x128xf32, #tpu.memory_space<vmem>> -> memref<128x128xf32, #tpu.memory_space<vmem>>
      tpu.vector_store_idx %scatter3A_2690[%add3A_2621, %add3A_2685], %gather3A_2682 : memref<128x128xf32, #tpu.memory_space<vmem>>[vector<16xi32>, vector<16xi32>], vector<16xf32>,
      %add3A_2691 = arith.constant 32 : i32
      %add3A_2692 = vector.broadcast %add3A_2691 : i32 to vector<16xi32>
      %add3A_2693 = arith.addi %iota3A, %add3A_2692 : vector<16xi32>
      %mul3A_2694 = arith.constant 14 : i32
      %mul3A_2695 = vector.broadcast %mul3A_2694 : i32 to vector<16xi32>
      %mul3A_2696 = arith.muli %add3A_2693, %mul3A_2695 : vector<16xi32>
      %mul3A_2697 = arith.constant 2 : i32
      %mul3A_2698 = arith.muli %mul3A_2697, %select_n3A : i32
      %add3A_2699 = arith.constant 7168 : i32
      %add3A_2700 = arith.addi %mul3A_2698, %add3A_2699 : i32
      %add3A_2701 = vector.broadcast %add3A_2700 : i32 to vector<16xi32>
      %add3A_2702 = arith.addi %mul3A_2696, %add3A_2701 : vector<16xi32>
      %broadcast_in_dim3A_2703 = arith.constant 48 : i32
      %broadcast_in_dim3A_2704 = vector.broadcast %broadcast_in_dim3A_2703 : i32 to vector<16xi32>
      %gather3A_2705 = tpu.vector_load_idx %arg16[%add3A_2702] : memref<8960xf32, #tpu.memory_space<vmem>>[vector<16xi32>], vector<16xf32>,
      %scatter3A_2706 = arith.constant 4 : i32
      %scatter3A_2707 = arith.constant 0 : i32
      %scatter3A_2708 = arith.constant 0 : i32
      %scatter3A_2709 = tpu.memref_slice %arg15[%scatter3A_2706, %scatter3A_2707, %scatter3A_2708] : memref<5x128x128xf32, #tpu.memory_space<vmem>> -> memref<1x128x128xf32, #tpu.memory_space<vmem>>
      %scatter3A_2710 = tpu.memref_squeeze %scatter3A_2709 : memref<1x128x128xf32, #tpu.memory_space<vmem>> -> memref<128x128xf32, #tpu.memory_space<vmem>>
      tpu.vector_store_idx %scatter3A_2710[%add3A_2693, %broadcast_in_dim3A_2704], %gather3A_2705 : memref<128x128xf32, #tpu.memory_space<vmem>>[vector<16xi32>, vector<16xi32>], vector<16xf32>,
      %add3A_2711 = arith.constant 1 : i32
      %add3A_2712 = vector.broadcast %add3A_2711 : i32 to vector<16xi32>
      %add3A_2713 = arith.addi %add3A_2702, %add3A_2712 : vector<16xi32>
      %gather3A_2714 = tpu.vector_load_idx %arg16[%add3A_2713] : memref<8960xf32, #tpu.memory_space<vmem>>[vector<16xi32>], vector<16xf32>,
      %add3A_2715 = arith.constant 64 : i32
      %add3A_2716 = vector.broadcast %add3A_2715 : i32 to vector<16xi32>
      %add3A_2717 = arith.addi %broadcast_in_dim3A_2704, %add3A_2716 : vector<16xi32>
      %scatter3A_2718 = arith.constant 4 : i32
      %scatter3A_2719 = arith.constant 0 : i32
      %scatter3A_2720 = arith.constant 0 : i32
      %scatter3A_2721 = tpu.memref_slice %arg15[%scatter3A_2718, %scatter3A_2719, %scatter3A_2720] : memref<5x128x128xf32, #tpu.memory_space<vmem>> -> memref<1x128x128xf32, #tpu.memory_space<vmem>>
      %scatter3A_2722 = tpu.memref_squeeze %scatter3A_2721 : memref<1x128x128xf32, #tpu.memory_space<vmem>> -> memref<128x128xf32, #tpu.memory_space<vmem>>
      tpu.vector_store_idx %scatter3A_2722[%add3A_2693, %add3A_2717], %gather3A_2714 : memref<128x128xf32, #tpu.memory_space<vmem>>[vector<16xi32>, vector<16xi32>], vector<16xf32>,
      %broadcast_in_dim3A_2723 = arith.constant 49 : i32
      %broadcast_in_dim3A_2724 = vector.broadcast %broadcast_in_dim3A_2723 : i32 to vector<16xi32>
      %gather3A_2725 = tpu.vector_load_idx %arg17[%add3A_2702] : memref<8960xf32, #tpu.memory_space<vmem>>[vector<16xi32>], vector<16xf32>,
      %scatter3A_2726 = arith.constant 4 : i32
      %scatter3A_2727 = arith.constant 0 : i32
      %scatter3A_2728 = arith.constant 0 : i32
      %scatter3A_2729 = tpu.memref_slice %arg15[%scatter3A_2726, %scatter3A_2727, %scatter3A_2728] : memref<5x128x128xf32, #tpu.memory_space<vmem>> -> memref<1x128x128xf32, #tpu.memory_space<vmem>>
      %scatter3A_2730 = tpu.memref_squeeze %scatter3A_2729 : memref<1x128x128xf32, #tpu.memory_space<vmem>> -> memref<128x128xf32, #tpu.memory_space<vmem>>
      tpu.vector_store_idx %scatter3A_2730[%add3A_2693, %broadcast_in_dim3A_2724], %gather3A_2725 : memref<128x128xf32, #tpu.memory_space<vmem>>[vector<16xi32>, vector<16xi32>], vector<16xf32>,
      %add3A_2731 = arith.constant 1 : i32
      %add3A_2732 = vector.broadcast %add3A_2731 : i32 to vector<16xi32>
      %add3A_2733 = arith.addi %add3A_2702, %add3A_2732 : vector<16xi32>
      %gather3A_2734 = tpu.vector_load_idx %arg17[%add3A_2733] : memref<8960xf32, #tpu.memory_space<vmem>>[vector<16xi32>], vector<16xf32>,
      %add3A_2735 = arith.constant 64 : i32
      %add3A_2736 = vector.broadcast %add3A_2735 : i32 to vector<16xi32>
      %add3A_2737 = arith.addi %broadcast_in_dim3A_2724, %add3A_2736 : vector<16xi32>
      %scatter3A_2738 = arith.constant 4 : i32
      %scatter3A_2739 = arith.constant 0 : i32
      %scatter3A_2740 = arith.constant 0 : i32
      %scatter3A_2741 = tpu.memref_slice %arg15[%scatter3A_2738, %scatter3A_2739, %scatter3A_2740] : memref<5x128x128xf32, #tpu.memory_space<vmem>> -> memref<1x128x128xf32, #tpu.memory_space<vmem>>
      %scatter3A_2742 = tpu.memref_squeeze %scatter3A_2741 : memref<1x128x128xf32, #tpu.memory_space<vmem>> -> memref<128x128xf32, #tpu.memory_space<vmem>>
      tpu.vector_store_idx %scatter3A_2742[%add3A_2693, %add3A_2737], %gather3A_2734 : memref<128x128xf32, #tpu.memory_space<vmem>>[vector<16xi32>, vector<16xi32>], vector<16xf32>,
      %broadcast_in_dim3A_2743 = arith.constant 50 : i32
      %broadcast_in_dim3A_2744 = vector.broadcast %broadcast_in_dim3A_2743 : i32 to vector<16xi32>
      %gather3A_2745 = tpu.vector_load_idx %arg18[%add3A_2702] : memref<8960xf32, #tpu.memory_space<vmem>>[vector<16xi32>], vector<16xf32>,
      %scatter3A_2746 = arith.constant 4 : i32
      %scatter3A_2747 = arith.constant 0 : i32
      %scatter3A_2748 = arith.constant 0 : i32
      %scatter3A_2749 = tpu.memref_slice %arg15[%scatter3A_2746, %scatter3A_2747, %scatter3A_2748] : memref<5x128x128xf32, #tpu.memory_space<vmem>> -> memref<1x128x128xf32, #tpu.memory_space<vmem>>
      %scatter3A_2750 = tpu.memref_squeeze %scatter3A_2749 : memref<1x128x128xf32, #tpu.memory_space<vmem>> -> memref<128x128xf32, #tpu.memory_space<vmem>>
      tpu.vector_store_idx %scatter3A_2750[%add3A_2693, %broadcast_in_dim3A_2744], %gather3A_2745 : memref<128x128xf32, #tpu.memory_space<vmem>>[vector<16xi32>, vector<16xi32>], vector<16xf32>,
      %add3A_2751 = arith.constant 1 : i32
      %add3A_2752 = vector.broadcast %add3A_2751 : i32 to vector<16xi32>
      %add3A_2753 = arith.addi %add3A_2702, %add3A_2752 : vector<16xi32>
      %gather3A_2754 = tpu.vector_load_idx %arg18[%add3A_2753] : memref<8960xf32, #tpu.memory_space<vmem>>[vector<16xi32>], vector<16xf32>,
      %add3A_2755 = arith.constant 64 : i32
      %add3A_2756 = vector.broadcast %add3A_2755 : i32 to vector<16xi32>
      %add3A_2757 = arith.addi %broadcast_in_dim3A_2744, %add3A_2756 : vector<16xi32>
      %scatter3A_2758 = arith.constant 4 : i32
      %scatter3A_2759 = arith.constant 0 : i32
      %scatter3A_2760 = arith.constant 0 : i32
      %scatter3A_2761 = tpu.memref_slice %arg15[%scatter3A_2758, %scatter3A_2759, %scatter3A_2760] : memref<5x128x128xf32, #tpu.memory_space<vmem>> -> memref<1x128x128xf32, #tpu.memory_space<vmem>>
      %scatter3A_2762 = tpu.memref_squeeze %scatter3A_2761 : memref<1x128x128xf32, #tpu.memory_space<vmem>> -> memref<128x128xf32, #tpu.memory_space<vmem>>
      tpu.vector_store_idx %scatter3A_2762[%add3A_2693, %add3A_2757], %gather3A_2754 : memref<128x128xf32, #tpu.memory_space<vmem>>[vector<16xi32>, vector<16xi32>], vector<16xf32>,
      %add3A_2763 = arith.constant 48 : i32
      %add3A_2764 = vector.broadcast %add3A_2763 : i32 to vector<16xi32>
      %add3A_2765 = arith.addi %iota3A, %add3A_2764 : vector<16xi32>
      %mul3A_2766 = arith.constant 14 : i32
      %mul3A_2767 = vector.broadcast %mul3A_2766 : i32 to vector<16xi32>
      %mul3A_2768 = arith.muli %add3A_2765, %mul3A_2767 : vector<16xi32>
      %mul3A_2769 = arith.constant 2 : i32
      %mul3A_2770 = arith.muli %mul3A_2769, %select_n3A : i32
      %add3A_2771 = arith.constant 7168 : i32
      %add3A_2772 = arith.addi %mul3A_2770, %add3A_2771 : i32
      %add3A_2773 = vector.broadcast %add3A_2772 : i32 to vector<16xi32>
      %add3A_2774 = arith.addi %mul3A_2768, %add3A_2773 : vector<16xi32>
      %broadcast_in_dim3A_2775 = arith.constant 48 : i32
      %broadcast_in_dim3A_2776 = vector.broadcast %broadcast_in_dim3A_2775 : i32 to vector<16xi32>
      %gather3A_2777 = tpu.vector_load_idx %arg16[%add3A_2774] : memref<8960xf32, #tpu.memory_space<vmem>>[vector<16xi32>], vector<16xf32>,
      %scatter3A_2778 = arith.constant 4 : i32
      %scatter3A_2779 = arith.constant 0 : i32
      %scatter3A_2780 = arith.constant 0 : i32
      %scatter3A_2781 = tpu.memref_slice %arg15[%scatter3A_2778, %scatter3A_2779, %scatter3A_2780] : memref<5x128x128xf32, #tpu.memory_space<vmem>> -> memref<1x128x128xf32, #tpu.memory_space<vmem>>
      %scatter3A_2782 = tpu.memref_squeeze %scatter3A_2781 : memref<1x128x128xf32, #tpu.memory_space<vmem>> -> memref<128x128xf32, #tpu.memory_space<vmem>>
      tpu.vector_store_idx %scatter3A_2782[%add3A_2765, %broadcast_in_dim3A_2776], %gather3A_2777 : memref<128x128xf32, #tpu.memory_space<vmem>>[vector<16xi32>, vector<16xi32>], vector<16xf32>,
      %add3A_2783 = arith.constant 1 : i32
      %add3A_2784 = vector.broadcast %add3A_2783 : i32 to vector<16xi32>
      %add3A_2785 = arith.addi %add3A_2774, %add3A_2784 : vector<16xi32>
      %gather3A_2786 = tpu.vector_load_idx %arg16[%add3A_2785] : memref<8960xf32, #tpu.memory_space<vmem>>[vector<16xi32>], vector<16xf32>,
      %add3A_2787 = arith.constant 64 : i32
      %add3A_2788 = vector.broadcast %add3A_2787 : i32 to vector<16xi32>
      %add3A_2789 = arith.addi %broadcast_in_dim3A_2776, %add3A_2788 : vector<16xi32>
      %scatter3A_2790 = arith.constant 4 : i32
      %scatter3A_2791 = arith.constant 0 : i32
      %scatter3A_2792 = arith.constant 0 : i32
      %scatter3A_2793 = tpu.memref_slice %arg15[%scatter3A_2790, %scatter3A_2791, %scatter3A_2792] : memref<5x128x128xf32, #tpu.memory_space<vmem>> -> memref<1x128x128xf32, #tpu.memory_space<vmem>>
      %scatter3A_2794 = tpu.memref_squeeze %scatter3A_2793 : memref<1x128x128xf32, #tpu.memory_space<vmem>> -> memref<128x128xf32, #tpu.memory_space<vmem>>
      tpu.vector_store_idx %scatter3A_2794[%add3A_2765, %add3A_2789], %gather3A_2786 : memref<128x128xf32, #tpu.memory_space<vmem>>[vector<16xi32>, vector<16xi32>], vector<16xf32>,
      %broadcast_in_dim3A_2795 = arith.constant 49 : i32
      %broadcast_in_dim3A_2796 = vector.broadcast %broadcast_in_dim3A_2795 : i32 to vector<16xi32>
      %gather3A_2797 = tpu.vector_load_idx %arg17[%add3A_2774] : memref<8960xf32, #tpu.memory_space<vmem>>[vector<16xi32>], vector<16xf32>,
      %scatter3A_2798 = arith.constant 4 : i32
      %scatter3A_2799 = arith.constant 0 : i32
      %scatter3A_2800 = arith.constant 0 : i32
      %scatter3A_2801 = tpu.memref_slice %arg15[%scatter3A_2798, %scatter3A_2799, %scatter3A_2800] : memref<5x128x128xf32, #tpu.memory_space<vmem>> -> memref<1x128x128xf32, #tpu.memory_space<vmem>>
      %scatter3A_2802 = tpu.memref_squeeze %scatter3A_2801 : memref<1x128x128xf32, #tpu.memory_space<vmem>> -> memref<128x128xf32, #tpu.memory_space<vmem>>
      tpu.vector_store_idx %scatter3A_2802[%add3A_2765, %broadcast_in_dim3A_2796], %gather3A_2797 : memref<128x128xf32, #tpu.memory_space<vmem>>[vector<16xi32>, vector<16xi32>], vector<16xf32>,
      %add3A_2803 = arith.constant 1 : i32
      %add3A_2804 = vector.broadcast %add3A_2803 : i32 to vector<16xi32>
      %add3A_2805 = arith.addi %add3A_2774, %add3A_2804 : vector<16xi32>
      %gather3A_2806 = tpu.vector_load_idx %arg17[%add3A_2805] : memref<8960xf32, #tpu.memory_space<vmem>>[vector<16xi32>], vector<16xf32>,
      %add3A_2807 = arith.constant 64 : i32
      %add3A_2808 = vector.broadcast %add3A_2807 : i32 to vector<16xi32>
      %add3A_2809 = arith.addi %broadcast_in_dim3A_2796, %add3A_2808 : vector<16xi32>
      %scatter3A_2810 = arith.constant 4 : i32
      %scatter3A_2811 = arith.constant 0 : i32
      %scatter3A_2812 = arith.constant 0 : i32
      %scatter3A_2813 = tpu.memref_slice %arg15[%scatter3A_2810, %scatter3A_2811, %scatter3A_2812] : memref<5x128x128xf32, #tpu.memory_space<vmem>> -> memref<1x128x128xf32, #tpu.memory_space<vmem>>
      %scatter3A_2814 = tpu.memref_squeeze %scatter3A_2813 : memref<1x128x128xf32, #tpu.memory_space<vmem>> -> memref<128x128xf32, #tpu.memory_space<vmem>>
      tpu.vector_store_idx %scatter3A_2814[%add3A_2765, %add3A_2809], %gather3A_2806 : memref<128x128xf32, #tpu.memory_space<vmem>>[vector<16xi32>, vector<16xi32>], vector<16xf32>,
      %broadcast_in_dim3A_2815 = arith.constant 50 : i32
      %broadcast_in_dim3A_2816 = vector.broadcast %broadcast_in_dim3A_2815 : i32 to vector<16xi32>
      %gather3A_2817 = tpu.vector_load_idx %arg18[%add3A_2774] : memref<8960xf32, #tpu.memory_space<vmem>>[vector<16xi32>], vector<16xf32>,
      %scatter3A_2818 = arith.constant 4 : i32
      %scatter3A_2819 = arith.constant 0 : i32
      %scatter3A_2820 = arith.constant 0 : i32
      %scatter3A_2821 = tpu.memref_slice %arg15[%scatter3A_2818, %scatter3A_2819, %scatter3A_2820] : memref<5x128x128xf32, #tpu.memory_space<vmem>> -> memref<1x128x128xf32, #tpu.memory_space<vmem>>
      %scatter3A_2822 = tpu.memref_squeeze %scatter3A_2821 : memref<1x128x128xf32, #tpu.memory_space<vmem>> -> memref<128x128xf32, #tpu.memory_space<vmem>>
      tpu.vector_store_idx %scatter3A_2822[%add3A_2765, %broadcast_in_dim3A_2816], %gather3A_2817 : memref<128x128xf32, #tpu.memory_space<vmem>>[vector<16xi32>, vector<16xi32>], vector<16xf32>,
      %add3A_2823 = arith.constant 1 : i32
      %add3A_2824 = vector.broadcast %add3A_2823 : i32 to vector<16xi32>
      %add3A_2825 = arith.addi %add3A_2774, %add3A_2824 : vector<16xi32>
      %gather3A_2826 = tpu.vector_load_idx %arg18[%add3A_2825] : memref<8960xf32, #tpu.memory_space<vmem>>[vector<16xi32>], vector<16xf32>,
      %add3A_2827 = arith.constant 64 : i32
      %add3A_2828 = vector.broadcast %add3A_2827 : i32 to vector<16xi32>
      %add3A_2829 = arith.addi %broadcast_in_dim3A_2816, %add3A_2828 : vector<16xi32>
      %scatter3A_2830 = arith.constant 4 : i32
      %scatter3A_2831 = arith.constant 0 : i32
      %scatter3A_2832 = arith.constant 0 : i32
      %scatter3A_2833 = tpu.memref_slice %arg15[%scatter3A_2830, %scatter3A_2831, %scatter3A_2832] : memref<5x128x128xf32, #tpu.memory_space<vmem>> -> memref<1x128x128xf32, #tpu.memory_space<vmem>>
      %scatter3A_2834 = tpu.memref_squeeze %scatter3A_2833 : memref<1x128x128xf32, #tpu.memory_space<vmem>> -> memref<128x128xf32, #tpu.memory_space<vmem>>
      tpu.vector_store_idx %scatter3A_2834[%add3A_2765, %add3A_2829], %gather3A_2826 : memref<128x128xf32, #tpu.memory_space<vmem>>[vector<16xi32>, vector<16xi32>], vector<16xf32>,
      %add3A_2835 = arith.constant 64 : i32
      %add3A_2836 = vector.broadcast %add3A_2835 : i32 to vector<16xi32>
      %add3A_2837 = arith.addi %iota3A, %add3A_2836 : vector<16xi32>
      %mul3A_2838 = arith.constant 14 : i32
      %mul3A_2839 = vector.broadcast %mul3A_2838 : i32 to vector<16xi32>
      %mul3A_2840 = arith.muli %add3A_2837, %mul3A_2839 : vector<16xi32>
      %mul3A_2841 = arith.constant 2 : i32
      %mul3A_2842 = arith.muli %mul3A_2841, %select_n3A : i32
      %add3A_2843 = arith.constant 7168 : i32
      %add3A_2844 = arith.addi %mul3A_2842, %add3A_2843 : i32
      %add3A_2845 = vector.broadcast %add3A_2844 : i32 to vector<16xi32>
      %add3A_2846 = arith.addi %mul3A_2840, %add3A_2845 : vector<16xi32>
      %broadcast_in_dim3A_2847 = arith.constant 48 : i32
      %broadcast_in_dim3A_2848 = vector.broadcast %broadcast_in_dim3A_2847 : i32 to vector<16xi32>
      %gather3A_2849 = tpu.vector_load_idx %arg16[%add3A_2846] : memref<8960xf32, #tpu.memory_space<vmem>>[vector<16xi32>], vector<16xf32>,
      %scatter3A_2850 = arith.constant 4 : i32
      %scatter3A_2851 = arith.constant 0 : i32
      %scatter3A_2852 = arith.constant 0 : i32
      %scatter3A_2853 = tpu.memref_slice %arg15[%scatter3A_2850, %scatter3A_2851, %scatter3A_2852] : memref<5x128x128xf32, #tpu.memory_space<vmem>> -> memref<1x128x128xf32, #tpu.memory_space<vmem>>
      %scatter3A_2854 = tpu.memref_squeeze %scatter3A_2853 : memref<1x128x128xf32, #tpu.memory_space<vmem>> -> memref<128x128xf32, #tpu.memory_space<vmem>>
      tpu.vector_store_idx %scatter3A_2854[%add3A_2837, %broadcast_in_dim3A_2848], %gather3A_2849 : memref<128x128xf32, #tpu.memory_space<vmem>>[vector<16xi32>, vector<16xi32>], vector<16xf32>,
      %add3A_2855 = arith.constant 1 : i32
      %add3A_2856 = vector.broadcast %add3A_2855 : i32 to vector<16xi32>
      %add3A_2857 = arith.addi %add3A_2846, %add3A_2856 : vector<16xi32>
      %gather3A_2858 = tpu.vector_load_idx %arg16[%add3A_2857] : memref<8960xf32, #tpu.memory_space<vmem>>[vector<16xi32>], vector<16xf32>,
      %add3A_2859 = arith.constant 64 : i32
      %add3A_2860 = vector.broadcast %add3A_2859 : i32 to vector<16xi32>
      %add3A_2861 = arith.addi %broadcast_in_dim3A_2848, %add3A_2860 : vector<16xi32>
      %scatter3A_2862 = arith.constant 4 : i32
      %scatter3A_2863 = arith.constant 0 : i32
      %scatter3A_2864 = arith.constant 0 : i32
      %scatter3A_2865 = tpu.memref_slice %arg15[%scatter3A_2862, %scatter3A_2863, %scatter3A_2864] : memref<5x128x128xf32, #tpu.memory_space<vmem>> -> memref<1x128x128xf32, #tpu.memory_space<vmem>>
      %scatter3A_2866 = tpu.memref_squeeze %scatter3A_2865 : memref<1x128x128xf32, #tpu.memory_space<vmem>> -> memref<128x128xf32, #tpu.memory_space<vmem>>
      tpu.vector_store_idx %scatter3A_2866[%add3A_2837, %add3A_2861], %gather3A_2858 : memref<128x128xf32, #tpu.memory_space<vmem>>[vector<16xi32>, vector<16xi32>], vector<16xf32>,
      %broadcast_in_dim3A_2867 = arith.constant 49 : i32
      %broadcast_in_dim3A_2868 = vector.broadcast %broadcast_in_dim3A_2867 : i32 to vector<16xi32>
      %gather3A_2869 = tpu.vector_load_idx %arg17[%add3A_2846] : memref<8960xf32, #tpu.memory_space<vmem>>[vector<16xi32>], vector<16xf32>,
      %scatter3A_2870 = arith.constant 4 : i32
      %scatter3A_2871 = arith.constant 0 : i32
      %scatter3A_2872 = arith.constant 0 : i32
      %scatter3A_2873 = tpu.memref_slice %arg15[%scatter3A_2870, %scatter3A_2871, %scatter3A_2872] : memref<5x128x128xf32, #tpu.memory_space<vmem>> -> memref<1x128x128xf32, #tpu.memory_space<vmem>>
      %scatter3A_2874 = tpu.memref_squeeze %scatter3A_2873 : memref<1x128x128xf32, #tpu.memory_space<vmem>> -> memref<128x128xf32, #tpu.memory_space<vmem>>
      tpu.vector_store_idx %scatter3A_2874[%add3A_2837, %broadcast_in_dim3A_2868], %gather3A_2869 : memref<128x128xf32, #tpu.memory_space<vmem>>[vector<16xi32>, vector<16xi32>], vector<16xf32>,
      %add3A_2875 = arith.constant 1 : i32
      %add3A_2876 = vector.broadcast %add3A_2875 : i32 to vector<16xi32>
      %add3A_2877 = arith.addi %add3A_2846, %add3A_2876 : vector<16xi32>
      %gather3A_2878 = tpu.vector_load_idx %arg17[%add3A_2877] : memref<8960xf32, #tpu.memory_space<vmem>>[vector<16xi32>], vector<16xf32>,
      %add3A_2879 = arith.constant 64 : i32
      %add3A_2880 = vector.broadcast %add3A_2879 : i32 to vector<16xi32>
      %add3A_2881 = arith.addi %broadcast_in_dim3A_2868, %add3A_2880 : vector<16xi32>
      %scatter3A_2882 = arith.constant 4 : i32
      %scatter3A_2883 = arith.constant 0 : i32
      %scatter3A_2884 = arith.constant 0 : i32
      %scatter3A_2885 = tpu.memref_slice %arg15[%scatter3A_2882, %scatter3A_2883, %scatter3A_2884] : memref<5x128x128xf32, #tpu.memory_space<vmem>> -> memref<1x128x128xf32, #tpu.memory_space<vmem>>
      %scatter3A_2886 = tpu.memref_squeeze %scatter3A_2885 : memref<1x128x128xf32, #tpu.memory_space<vmem>> -> memref<128x128xf32, #tpu.memory_space<vmem>>
      tpu.vector_store_idx %scatter3A_2886[%add3A_2837, %add3A_2881], %gather3A_2878 : memref<128x128xf32, #tpu.memory_space<vmem>>[vector<16xi32>, vector<16xi32>], vector<16xf32>,
      %broadcast_in_dim3A_2887 = arith.constant 50 : i32
      %broadcast_in_dim3A_2888 = vector.broadcast %broadcast_in_dim3A_2887 : i32 to vector<16xi32>
      %gather3A_2889 = tpu.vector_load_idx %arg18[%add3A_2846] : memref<8960xf32, #tpu.memory_space<vmem>>[vector<16xi32>], vector<16xf32>,
      %scatter3A_2890 = arith.constant 4 : i32
      %scatter3A_2891 = arith.constant 0 : i32
      %scatter3A_2892 = arith.constant 0 : i32
      %scatter3A_2893 = tpu.memref_slice %arg15[%scatter3A_2890, %scatter3A_2891, %scatter3A_2892] : memref<5x128x128xf32, #tpu.memory_space<vmem>> -> memref<1x128x128xf32, #tpu.memory_space<vmem>>
      %scatter3A_2894 = tpu.memref_squeeze %scatter3A_2893 : memref<1x128x128xf32, #tpu.memory_space<vmem>> -> memref<128x128xf32, #tpu.memory_space<vmem>>
      tpu.vector_store_idx %scatter3A_2894[%add3A_2837, %broadcast_in_dim3A_2888], %gather3A_2889 : memref<128x128xf32, #tpu.memory_space<vmem>>[vector<16xi32>, vector<16xi32>], vector<16xf32>,
      %add3A_2895 = arith.constant 1 : i32
      %add3A_2896 = vector.broadcast %add3A_2895 : i32 to vector<16xi32>
      %add3A_2897 = arith.addi %add3A_2846, %add3A_2896 : vector<16xi32>
      %gather3A_2898 = tpu.vector_load_idx %arg18[%add3A_2897] : memref<8960xf32, #tpu.memory_space<vmem>>[vector<16xi32>], vector<16xf32>,
      %add3A_2899 = arith.constant 64 : i32
      %add3A_2900 = vector.broadcast %add3A_2899 : i32 to vector<16xi32>
      %add3A_2901 = arith.addi %broadcast_in_dim3A_2888, %add3A_2900 : vector<16xi32>
      %scatter3A_2902 = arith.constant 4 : i32
      %scatter3A_2903 = arith.constant 0 : i32
      %scatter3A_2904 = arith.constant 0 : i32
      %scatter3A_2905 = tpu.memref_slice %arg15[%scatter3A_2902, %scatter3A_2903, %scatter3A_2904] : memref<5x128x128xf32, #tpu.memory_space<vmem>> -> memref<1x128x128xf32, #tpu.memory_space<vmem>>
      %scatter3A_2906 = tpu.memref_squeeze %scatter3A_2905 : memref<1x128x128xf32, #tpu.memory_space<vmem>> -> memref<128x128xf32, #tpu.memory_space<vmem>>
      tpu.vector_store_idx %scatter3A_2906[%add3A_2837, %add3A_2901], %gather3A_2898 : memref<128x128xf32, #tpu.memory_space<vmem>>[vector<16xi32>, vector<16xi32>], vector<16xf32>,
      %add3A_2907 = arith.constant 80 : i32
      %add3A_2908 = vector.broadcast %add3A_2907 : i32 to vector<16xi32>
      %add3A_2909 = arith.addi %iota3A, %add3A_2908 : vector<16xi32>
      %mul3A_2910 = arith.constant 14 : i32
      %mul3A_2911 = vector.broadcast %mul3A_2910 : i32 to vector<16xi32>
      %mul3A_2912 = arith.muli %add3A_2909, %mul3A_2911 : vector<16xi32>
      %mul3A_2913 = arith.constant 2 : i32
      %mul3A_2914 = arith.muli %mul3A_2913, %select_n3A : i32
      %add3A_2915 = arith.constant 7168 : i32
      %add3A_2916 = arith.addi %mul3A_2914, %add3A_2915 : i32
      %add3A_2917 = vector.broadcast %add3A_2916 : i32 to vector<16xi32>
      %add3A_2918 = arith.addi %mul3A_2912, %add3A_2917 : vector<16xi32>
      %broadcast_in_dim3A_2919 = arith.constant 48 : i32
      %broadcast_in_dim3A_2920 = vector.broadcast %broadcast_in_dim3A_2919 : i32 to vector<16xi32>
      %gather3A_2921 = tpu.vector_load_idx %arg16[%add3A_2918] : memref<8960xf32, #tpu.memory_space<vmem>>[vector<16xi32>], vector<16xf32>,
      %scatter3A_2922 = arith.constant 4 : i32
      %scatter3A_2923 = arith.constant 0 : i32
      %scatter3A_2924 = arith.constant 0 : i32
      %scatter3A_2925 = tpu.memref_slice %arg15[%scatter3A_2922, %scatter3A_2923, %scatter3A_2924] : memref<5x128x128xf32, #tpu.memory_space<vmem>> -> memref<1x128x128xf32, #tpu.memory_space<vmem>>
      %scatter3A_2926 = tpu.memref_squeeze %scatter3A_2925 : memref<1x128x128xf32, #tpu.memory_space<vmem>> -> memref<128x128xf32, #tpu.memory_space<vmem>>
      tpu.vector_store_idx %scatter3A_2926[%add3A_2909, %broadcast_in_dim3A_2920], %gather3A_2921 : memref<128x128xf32, #tpu.memory_space<vmem>>[vector<16xi32>, vector<16xi32>], vector<16xf32>,
      %add3A_2927 = arith.constant 1 : i32
      %add3A_2928 = vector.broadcast %add3A_2927 : i32 to vector<16xi32>
      %add3A_2929 = arith.addi %add3A_2918, %add3A_2928 : vector<16xi32>
      %gather3A_2930 = tpu.vector_load_idx %arg16[%add3A_2929] : memref<8960xf32, #tpu.memory_space<vmem>>[vector<16xi32>], vector<16xf32>,
      %add3A_2931 = arith.constant 64 : i32
      %add3A_2932 = vector.broadcast %add3A_2931 : i32 to vector<16xi32>
      %add3A_2933 = arith.addi %broadcast_in_dim3A_2920, %add3A_2932 : vector<16xi32>
      %scatter3A_2934 = arith.constant 4 : i32
      %scatter3A_2935 = arith.constant 0 : i32
      %scatter3A_2936 = arith.constant 0 : i32
      %scatter3A_2937 = tpu.memref_slice %arg15[%scatter3A_2934, %scatter3A_2935, %scatter3A_2936] : memref<5x128x128xf32, #tpu.memory_space<vmem>> -> memref<1x128x128xf32, #tpu.memory_space<vmem>>
      %scatter3A_2938 = tpu.memref_squeeze %scatter3A_2937 : memref<1x128x128xf32, #tpu.memory_space<vmem>> -> memref<128x128xf32, #tpu.memory_space<vmem>>
      tpu.vector_store_idx %scatter3A_2938[%add3A_2909, %add3A_2933], %gather3A_2930 : memref<128x128xf32, #tpu.memory_space<vmem>>[vector<16xi32>, vector<16xi32>], vector<16xf32>,
      %broadcast_in_dim3A_2939 = arith.constant 49 : i32
      %broadcast_in_dim3A_2940 = vector.broadcast %broadcast_in_dim3A_2939 : i32 to vector<16xi32>
      %gather3A_2941 = tpu.vector_load_idx %arg17[%add3A_2918] : memref<8960xf32, #tpu.memory_space<vmem>>[vector<16xi32>], vector<16xf32>,
      %scatter3A_2942 = arith.constant 4 : i32
      %scatter3A_2943 = arith.constant 0 : i32
      %scatter3A_2944 = arith.constant 0 : i32
      %scatter3A_2945 = tpu.memref_slice %arg15[%scatter3A_2942, %scatter3A_2943, %scatter3A_2944] : memref<5x128x128xf32, #tpu.memory_space<vmem>> -> memref<1x128x128xf32, #tpu.memory_space<vmem>>
      %scatter3A_2946 = tpu.memref_squeeze %scatter3A_2945 : memref<1x128x128xf32, #tpu.memory_space<vmem>> -> memref<128x128xf32, #tpu.memory_space<vmem>>
      tpu.vector_store_idx %scatter3A_2946[%add3A_2909, %broadcast_in_dim3A_2940], %gather3A_2941 : memref<128x128xf32, #tpu.memory_space<vmem>>[vector<16xi32>, vector<16xi32>], vector<16xf32>,
      %add3A_2947 = arith.constant 1 : i32
      %add3A_2948 = vector.broadcast %add3A_2947 : i32 to vector<16xi32>
      %add3A_2949 = arith.addi %add3A_2918, %add3A_2948 : vector<16xi32>
      %gather3A_2950 = tpu.vector_load_idx %arg17[%add3A_2949] : memref<8960xf32, #tpu.memory_space<vmem>>[vector<16xi32>], vector<16xf32>,
      %add3A_2951 = arith.constant 64 : i32
      %add3A_2952 = vector.broadcast %add3A_2951 : i32 to vector<16xi32>
      %add3A_2953 = arith.addi %broadcast_in_dim3A_2940, %add3A_2952 : vector<16xi32>
      %scatter3A_2954 = arith.constant 4 : i32
      %scatter3A_2955 = arith.constant 0 : i32
      %scatter3A_2956 = arith.constant 0 : i32
      %scatter3A_2957 = tpu.memref_slice %arg15[%scatter3A_2954, %scatter3A_2955, %scatter3A_2956] : memref<5x128x128xf32, #tpu.memory_space<vmem>> -> memref<1x128x128xf32, #tpu.memory_space<vmem>>
      %scatter3A_2958 = tpu.memref_squeeze %scatter3A_2957 : memref<1x128x128xf32, #tpu.memory_space<vmem>> -> memref<128x128xf32, #tpu.memory_space<vmem>>
      tpu.vector_store_idx %scatter3A_2958[%add3A_2909, %add3A_2953], %gather3A_2950 : memref<128x128xf32, #tpu.memory_space<vmem>>[vector<16xi32>, vector<16xi32>], vector<16xf32>,
      %broadcast_in_dim3A_2959 = arith.constant 50 : i32
      %broadcast_in_dim3A_2960 = vector.broadcast %broadcast_in_dim3A_2959 : i32 to vector<16xi32>
      %gather3A_2961 = tpu.vector_load_idx %arg18[%add3A_2918] : memref<8960xf32, #tpu.memory_space<vmem>>[vector<16xi32>], vector<16xf32>,
      %scatter3A_2962 = arith.constant 4 : i32
      %scatter3A_2963 = arith.constant 0 : i32
      %scatter3A_2964 = arith.constant 0 : i32
      %scatter3A_2965 = tpu.memref_slice %arg15[%scatter3A_2962, %scatter3A_2963, %scatter3A_2964] : memref<5x128x128xf32, #tpu.memory_space<vmem>> -> memref<1x128x128xf32, #tpu.memory_space<vmem>>
      %scatter3A_2966 = tpu.memref_squeeze %scatter3A_2965 : memref<1x128x128xf32, #tpu.memory_space<vmem>> -> memref<128x128xf32, #tpu.memory_space<vmem>>
      tpu.vector_store_idx %scatter3A_2966[%add3A_2909, %broadcast_in_dim3A_2960], %gather3A_2961 : memref<128x128xf32, #tpu.memory_space<vmem>>[vector<16xi32>, vector<16xi32>], vector<16xf32>,
      %add3A_2967 = arith.constant 1 : i32
      %add3A_2968 = vector.broadcast %add3A_2967 : i32 to vector<16xi32>
      %add3A_2969 = arith.addi %add3A_2918, %add3A_2968 : vector<16xi32>
      %gather3A_2970 = tpu.vector_load_idx %arg18[%add3A_2969] : memref<8960xf32, #tpu.memory_space<vmem>>[vector<16xi32>], vector<16xf32>,
      %add3A_2971 = arith.constant 64 : i32
      %add3A_2972 = vector.broadcast %add3A_2971 : i32 to vector<16xi32>
      %add3A_2973 = arith.addi %broadcast_in_dim3A_2960, %add3A_2972 : vector<16xi32>
      %scatter3A_2974 = arith.constant 4 : i32
      %scatter3A_2975 = arith.constant 0 : i32
      %scatter3A_2976 = arith.constant 0 : i32
      %scatter3A_2977 = tpu.memref_slice %arg15[%scatter3A_2974, %scatter3A_2975, %scatter3A_2976] : memref<5x128x128xf32, #tpu.memory_space<vmem>> -> memref<1x128x128xf32, #tpu.memory_space<vmem>>
      %scatter3A_2978 = tpu.memref_squeeze %scatter3A_2977 : memref<1x128x128xf32, #tpu.memory_space<vmem>> -> memref<128x128xf32, #tpu.memory_space<vmem>>
      tpu.vector_store_idx %scatter3A_2978[%add3A_2909, %add3A_2973], %gather3A_2970 : memref<128x128xf32, #tpu.memory_space<vmem>>[vector<16xi32>, vector<16xi32>], vector<16xf32>,
      %add3A_2979 = arith.constant 96 : i32
      %add3A_2980 = vector.broadcast %add3A_2979 : i32 to vector<16xi32>
      %add3A_2981 = arith.addi %iota3A, %add3A_2980 : vector<16xi32>
      %mul3A_2982 = arith.constant 14 : i32
      %mul3A_2983 = vector.broadcast %mul3A_2982 : i32 to vector<16xi32>
      %mul3A_2984 = arith.muli %add3A_2981, %mul3A_2983 : vector<16xi32>
      %mul3A_2985 = arith.constant 2 : i32
      %mul3A_2986 = arith.muli %mul3A_2985, %select_n3A : i32
      %add3A_2987 = arith.constant 7168 : i32
      %add3A_2988 = arith.addi %mul3A_2986, %add3A_2987 : i32
      %add3A_2989 = vector.broadcast %add3A_2988 : i32 to vector<16xi32>
      %add3A_2990 = arith.addi %mul3A_2984, %add3A_2989 : vector<16xi32>
      %broadcast_in_dim3A_2991 = arith.constant 48 : i32
      %broadcast_in_dim3A_2992 = vector.broadcast %broadcast_in_dim3A_2991 : i32 to vector<16xi32>
      %gather3A_2993 = tpu.vector_load_idx %arg16[%add3A_2990] : memref<8960xf32, #tpu.memory_space<vmem>>[vector<16xi32>], vector<16xf32>,
      %scatter3A_2994 = arith.constant 4 : i32
      %scatter3A_2995 = arith.constant 0 : i32
      %scatter3A_2996 = arith.constant 0 : i32
      %scatter3A_2997 = tpu.memref_slice %arg15[%scatter3A_2994, %scatter3A_2995, %scatter3A_2996] : memref<5x128x128xf32, #tpu.memory_space<vmem>> -> memref<1x128x128xf32, #tpu.memory_space<vmem>>
      %scatter3A_2998 = tpu.memref_squeeze %scatter3A_2997 : memref<1x128x128xf32, #tpu.memory_space<vmem>> -> memref<128x128xf32, #tpu.memory_space<vmem>>
      tpu.vector_store_idx %scatter3A_2998[%add3A_2981, %broadcast_in_dim3A_2992], %gather3A_2993 : memref<128x128xf32, #tpu.memory_space<vmem>>[vector<16xi32>, vector<16xi32>], vector<16xf32>,
      %add3A_2999 = arith.constant 1 : i32
      %add3A_3000 = vector.broadcast %add3A_2999 : i32 to vector<16xi32>
      %add3A_3001 = arith.addi %add3A_2990, %add3A_3000 : vector<16xi32>
      %gather3A_3002 = tpu.vector_load_idx %arg16[%add3A_3001] : memref<8960xf32, #tpu.memory_space<vmem>>[vector<16xi32>], vector<16xf32>,
      %add3A_3003 = arith.constant 64 : i32
      %add3A_3004 = vector.broadcast %add3A_3003 : i32 to vector<16xi32>
      %add3A_3005 = arith.addi %broadcast_in_dim3A_2992, %add3A_3004 : vector<16xi32>
      %scatter3A_3006 = arith.constant 4 : i32
      %scatter3A_3007 = arith.constant 0 : i32
      %scatter3A_3008 = arith.constant 0 : i32
      %scatter3A_3009 = tpu.memref_slice %arg15[%scatter3A_3006, %scatter3A_3007, %scatter3A_3008] : memref<5x128x128xf32, #tpu.memory_space<vmem>> -> memref<1x128x128xf32, #tpu.memory_space<vmem>>
      %scatter3A_3010 = tpu.memref_squeeze %scatter3A_3009 : memref<1x128x128xf32, #tpu.memory_space<vmem>> -> memref<128x128xf32, #tpu.memory_space<vmem>>
      tpu.vector_store_idx %scatter3A_3010[%add3A_2981, %add3A_3005], %gather3A_3002 : memref<128x128xf32, #tpu.memory_space<vmem>>[vector<16xi32>, vector<16xi32>], vector<16xf32>,
      %broadcast_in_dim3A_3011 = arith.constant 49 : i32
      %broadcast_in_dim3A_3012 = vector.broadcast %broadcast_in_dim3A_3011 : i32 to vector<16xi32>
      %gather3A_3013 = tpu.vector_load_idx %arg17[%add3A_2990] : memref<8960xf32, #tpu.memory_space<vmem>>[vector<16xi32>], vector<16xf32>,
      %scatter3A_3014 = arith.constant 4 : i32
      %scatter3A_3015 = arith.constant 0 : i32
      %scatter3A_3016 = arith.constant 0 : i32
      %scatter3A_3017 = tpu.memref_slice %arg15[%scatter3A_3014, %scatter3A_3015, %scatter3A_3016] : memref<5x128x128xf32, #tpu.memory_space<vmem>> -> memref<1x128x128xf32, #tpu.memory_space<vmem>>
      %scatter3A_3018 = tpu.memref_squeeze %scatter3A_3017 : memref<1x128x128xf32, #tpu.memory_space<vmem>> -> memref<128x128xf32, #tpu.memory_space<vmem>>
      tpu.vector_store_idx %scatter3A_3018[%add3A_2981, %broadcast_in_dim3A_3012], %gather3A_3013 : memref<128x128xf32, #tpu.memory_space<vmem>>[vector<16xi32>, vector<16xi32>], vector<16xf32>,
      %add3A_3019 = arith.constant 1 : i32
      %add3A_3020 = vector.broadcast %add3A_3019 : i32 to vector<16xi32>
      %add3A_3021 = arith.addi %add3A_2990, %add3A_3020 : vector<16xi32>
      %gather3A_3022 = tpu.vector_load_idx %arg17[%add3A_3021] : memref<8960xf32, #tpu.memory_space<vmem>>[vector<16xi32>], vector<16xf32>,
      %add3A_3023 = arith.constant 64 : i32
      %add3A_3024 = vector.broadcast %add3A_3023 : i32 to vector<16xi32>
      %add3A_3025 = arith.addi %broadcast_in_dim3A_3012, %add3A_3024 : vector<16xi32>
      %scatter3A_3026 = arith.constant 4 : i32
      %scatter3A_3027 = arith.constant 0 : i32
      %scatter3A_3028 = arith.constant 0 : i32
      %scatter3A_3029 = tpu.memref_slice %arg15[%scatter3A_3026, %scatter3A_3027, %scatter3A_3028] : memref<5x128x128xf32, #tpu.memory_space<vmem>> -> memref<1x128x128xf32, #tpu.memory_space<vmem>>
      %scatter3A_3030 = tpu.memref_squeeze %scatter3A_3029 : memref<1x128x128xf32, #tpu.memory_space<vmem>> -> memref<128x128xf32, #tpu.memory_space<vmem>>
      tpu.vector_store_idx %scatter3A_3030[%add3A_2981, %add3A_3025], %gather3A_3022 : memref<128x128xf32, #tpu.memory_space<vmem>>[vector<16xi32>, vector<16xi32>], vector<16xf32>,
      %broadcast_in_dim3A_3031 = arith.constant 50 : i32
      %broadcast_in_dim3A_3032 = vector.broadcast %broadcast_in_dim3A_3031 : i32 to vector<16xi32>
      %gather3A_3033 = tpu.vector_load_idx %arg18[%add3A_2990] : memref<8960xf32, #tpu.memory_space<vmem>>[vector<16xi32>], vector<16xf32>,
      %scatter3A_3034 = arith.constant 4 : i32
      %scatter3A_3035 = arith.constant 0 : i32
      %scatter3A_3036 = arith.constant 0 : i32
      %scatter3A_3037 = tpu.memref_slice %arg15[%scatter3A_3034, %scatter3A_3035, %scatter3A_3036] : memref<5x128x128xf32, #tpu.memory_space<vmem>> -> memref<1x128x128xf32, #tpu.memory_space<vmem>>
      %scatter3A_3038 = tpu.memref_squeeze %scatter3A_3037 : memref<1x128x128xf32, #tpu.memory_space<vmem>> -> memref<128x128xf32, #tpu.memory_space<vmem>>
      tpu.vector_store_idx %scatter3A_3038[%add3A_2981, %broadcast_in_dim3A_3032], %gather3A_3033 : memref<128x128xf32, #tpu.memory_space<vmem>>[vector<16xi32>, vector<16xi32>], vector<16xf32>,
      %add3A_3039 = arith.constant 1 : i32
      %add3A_3040 = vector.broadcast %add3A_3039 : i32 to vector<16xi32>
      %add3A_3041 = arith.addi %add3A_2990, %add3A_3040 : vector<16xi32>
      %gather3A_3042 = tpu.vector_load_idx %arg18[%add3A_3041] : memref<8960xf32, #tpu.memory_space<vmem>>[vector<16xi32>], vector<16xf32>,
      %add3A_3043 = arith.constant 64 : i32
      %add3A_3044 = vector.broadcast %add3A_3043 : i32 to vector<16xi32>
      %add3A_3045 = arith.addi %broadcast_in_dim3A_3032, %add3A_3044 : vector<16xi32>
      %scatter3A_3046 = arith.constant 4 : i32
      %scatter3A_3047 = arith.constant 0 : i32
      %scatter3A_3048 = arith.constant 0 : i32
      %scatter3A_3049 = tpu.memref_slice %arg15[%scatter3A_3046, %scatter3A_3047, %scatter3A_3048] : memref<5x128x128xf32, #tpu.memory_space<vmem>> -> memref<1x128x128xf32, #tpu.memory_space<vmem>>
      %scatter3A_3050 = tpu.memref_squeeze %scatter3A_3049 : memref<1x128x128xf32, #tpu.memory_space<vmem>> -> memref<128x128xf32, #tpu.memory_space<vmem>>
      tpu.vector_store_idx %scatter3A_3050[%add3A_2981, %add3A_3045], %gather3A_3042 : memref<128x128xf32, #tpu.memory_space<vmem>>[vector<16xi32>, vector<16xi32>], vector<16xf32>,
      %add3A_3051 = arith.constant 112 : i32
      %add3A_3052 = vector.broadcast %add3A_3051 : i32 to vector<16xi32>
      %add3A_3053 = arith.addi %iota3A, %add3A_3052 : vector<16xi32>
      %mul3A_3054 = arith.constant 14 : i32
      %mul3A_3055 = vector.broadcast %mul3A_3054 : i32 to vector<16xi32>
      %mul3A_3056 = arith.muli %add3A_3053, %mul3A_3055 : vector<16xi32>
      %mul3A_3057 = arith.constant 2 : i32
      %mul3A_3058 = arith.muli %mul3A_3057, %select_n3A : i32
      %add3A_3059 = arith.constant 7168 : i32
      %add3A_3060 = arith.addi %mul3A_3058, %add3A_3059 : i32
      %add3A_3061 = vector.broadcast %add3A_3060 : i32 to vector<16xi32>
      %add3A_3062 = arith.addi %mul3A_3056, %add3A_3061 : vector<16xi32>
      %broadcast_in_dim3A_3063 = arith.constant 48 : i32
      %broadcast_in_dim3A_3064 = vector.broadcast %broadcast_in_dim3A_3063 : i32 to vector<16xi32>
      %gather3A_3065 = tpu.vector_load_idx %arg16[%add3A_3062] : memref<8960xf32, #tpu.memory_space<vmem>>[vector<16xi32>], vector<16xf32>,
      %scatter3A_3066 = arith.constant 4 : i32
      %scatter3A_3067 = arith.constant 0 : i32
      %scatter3A_3068 = arith.constant 0 : i32
      %scatter3A_3069 = tpu.memref_slice %arg15[%scatter3A_3066, %scatter3A_3067, %scatter3A_3068] : memref<5x128x128xf32, #tpu.memory_space<vmem>> -> memref<1x128x128xf32, #tpu.memory_space<vmem>>
      %scatter3A_3070 = tpu.memref_squeeze %scatter3A_3069 : memref<1x128x128xf32, #tpu.memory_space<vmem>> -> memref<128x128xf32, #tpu.memory_space<vmem>>
      tpu.vector_store_idx %scatter3A_3070[%add3A_3053, %broadcast_in_dim3A_3064], %gather3A_3065 : memref<128x128xf32, #tpu.memory_space<vmem>>[vector<16xi32>, vector<16xi32>], vector<16xf32>,
      %add3A_3071 = arith.constant 1 : i32
      %add3A_3072 = vector.broadcast %add3A_3071 : i32 to vector<16xi32>
      %add3A_3073 = arith.addi %add3A_3062, %add3A_3072 : vector<16xi32>
      %gather3A_3074 = tpu.vector_load_idx %arg16[%add3A_3073] : memref<8960xf32, #tpu.memory_space<vmem>>[vector<16xi32>], vector<16xf32>,
      %add3A_3075 = arith.constant 64 : i32
      %add3A_3076 = vector.broadcast %add3A_3075 : i32 to vector<16xi32>
      %add3A_3077 = arith.addi %broadcast_in_dim3A_3064, %add3A_3076 : vector<16xi32>
      %scatter3A_3078 = arith.constant 4 : i32
      %scatter3A_3079 = arith.constant 0 : i32
      %scatter3A_3080 = arith.constant 0 : i32
      %scatter3A_3081 = tpu.memref_slice %arg15[%scatter3A_3078, %scatter3A_3079, %scatter3A_3080] : memref<5x128x128xf32, #tpu.memory_space<vmem>> -> memref<1x128x128xf32, #tpu.memory_space<vmem>>
      %scatter3A_3082 = tpu.memref_squeeze %scatter3A_3081 : memref<1x128x128xf32, #tpu.memory_space<vmem>> -> memref<128x128xf32, #tpu.memory_space<vmem>>
      tpu.vector_store_idx %scatter3A_3082[%add3A_3053, %add3A_3077], %gather3A_3074 : memref<128x128xf32, #tpu.memory_space<vmem>>[vector<16xi32>, vector<16xi32>], vector<16xf32>,
      %broadcast_in_dim3A_3083 = arith.constant 49 : i32
      %broadcast_in_dim3A_3084 = vector.broadcast %broadcast_in_dim3A_3083 : i32 to vector<16xi32>
      %gather3A_3085 = tpu.vector_load_idx %arg17[%add3A_3062] : memref<8960xf32, #tpu.memory_space<vmem>>[vector<16xi32>], vector<16xf32>,
      %scatter3A_3086 = arith.constant 4 : i32
      %scatter3A_3087 = arith.constant 0 : i32
      %scatter3A_3088 = arith.constant 0 : i32
      %scatter3A_3089 = tpu.memref_slice %arg15[%scatter3A_3086, %scatter3A_3087, %scatter3A_3088] : memref<5x128x128xf32, #tpu.memory_space<vmem>> -> memref<1x128x128xf32, #tpu.memory_space<vmem>>
      %scatter3A_3090 = tpu.memref_squeeze %scatter3A_3089 : memref<1x128x128xf32, #tpu.memory_space<vmem>> -> memref<128x128xf32, #tpu.memory_space<vmem>>
      tpu.vector_store_idx %scatter3A_3090[%add3A_3053, %broadcast_in_dim3A_3084], %gather3A_3085 : memref<128x128xf32, #tpu.memory_space<vmem>>[vector<16xi32>, vector<16xi32>], vector<16xf32>,
      %add3A_3091 = arith.constant 1 : i32
      %add3A_3092 = vector.broadcast %add3A_3091 : i32 to vector<16xi32>
      %add3A_3093 = arith.addi %add3A_3062, %add3A_3092 : vector<16xi32>
      %gather3A_3094 = tpu.vector_load_idx %arg17[%add3A_3093] : memref<8960xf32, #tpu.memory_space<vmem>>[vector<16xi32>], vector<16xf32>,
      %add3A_3095 = arith.constant 64 : i32
      %add3A_3096 = vector.broadcast %add3A_3095 : i32 to vector<16xi32>
      %add3A_3097 = arith.addi %broadcast_in_dim3A_3084, %add3A_3096 : vector<16xi32>
      %scatter3A_3098 = arith.constant 4 : i32
      %scatter3A_3099 = arith.constant 0 : i32
      %scatter3A_3100 = arith.constant 0 : i32
      %scatter3A_3101 = tpu.memref_slice %arg15[%scatter3A_3098, %scatter3A_3099, %scatter3A_3100] : memref<5x128x128xf32, #tpu.memory_space<vmem>> -> memref<1x128x128xf32, #tpu.memory_space<vmem>>
      %scatter3A_3102 = tpu.memref_squeeze %scatter3A_3101 : memref<1x128x128xf32, #tpu.memory_space<vmem>> -> memref<128x128xf32, #tpu.memory_space<vmem>>
      tpu.vector_store_idx %scatter3A_3102[%add3A_3053, %add3A_3097], %gather3A_3094 : memref<128x128xf32, #tpu.memory_space<vmem>>[vector<16xi32>, vector<16xi32>], vector<16xf32>,
      %broadcast_in_dim3A_3103 = arith.constant 50 : i32
      %broadcast_in_dim3A_3104 = vector.broadcast %broadcast_in_dim3A_3103 : i32 to vector<16xi32>
      %gather3A_3105 = tpu.vector_load_idx %arg18[%add3A_3062] : memref<8960xf32, #tpu.memory_space<vmem>>[vector<16xi32>], vector<16xf32>,
      %scatter3A_3106 = arith.constant 4 : i32
      %scatter3A_3107 = arith.constant 0 : i32
      %scatter3A_3108 = arith.constant 0 : i32
      %scatter3A_3109 = tpu.memref_slice %arg15[%scatter3A_3106, %scatter3A_3107, %scatter3A_3108] : memref<5x128x128xf32, #tpu.memory_space<vmem>> -> memref<1x128x128xf32, #tpu.memory_space<vmem>>
      %scatter3A_3110 = tpu.memref_squeeze %scatter3A_3109 : memref<1x128x128xf32, #tpu.memory_space<vmem>> -> memref<128x128xf32, #tpu.memory_space<vmem>>
      tpu.vector_store_idx %scatter3A_3110[%add3A_3053, %broadcast_in_dim3A_3104], %gather3A_3105 : memref<128x128xf32, #tpu.memory_space<vmem>>[vector<16xi32>, vector<16xi32>], vector<16xf32>,
      %add3A_3111 = arith.constant 1 : i32
      %add3A_3112 = vector.broadcast %add3A_3111 : i32 to vector<16xi32>
      %add3A_3113 = arith.addi %add3A_3062, %add3A_3112 : vector<16xi32>
      %gather3A_3114 = tpu.vector_load_idx %arg18[%add3A_3113] : memref<8960xf32, #tpu.memory_space<vmem>>[vector<16xi32>], vector<16xf32>,
      %add3A_3115 = arith.constant 64 : i32
      %add3A_3116 = vector.broadcast %add3A_3115 : i32 to vector<16xi32>
      %add3A_3117 = arith.addi %broadcast_in_dim3A_3104, %add3A_3116 : vector<16xi32>
      %scatter3A_3118 = arith.constant 4 : i32
      %scatter3A_3119 = arith.constant 0 : i32
      %scatter3A_3120 = arith.constant 0 : i32
      %scatter3A_3121 = tpu.memref_slice %arg15[%scatter3A_3118, %scatter3A_3119, %scatter3A_3120] : memref<5x128x128xf32, #tpu.memory_space<vmem>> -> memref<1x128x128xf32, #tpu.memory_space<vmem>>
      %scatter3A_3122 = tpu.memref_squeeze %scatter3A_3121 : memref<1x128x128xf32, #tpu.memory_space<vmem>> -> memref<128x128xf32, #tpu.memory_space<vmem>>
      tpu.vector_store_idx %scatter3A_3122[%add3A_3053, %add3A_3117], %gather3A_3114 : memref<128x128xf32, #tpu.memory_space<vmem>>[vector<16xi32>, vector<16xi32>], vector<16xf32>,
      %add3A_3123 = arith.constant 4 : i32
      %add3A_3124 = arith.addi %add3A_17, %add3A_3123 : i32
      %dma_start3A_3125 = arith.constant 4 : i32
      %dma_start3A_3126 = arith.constant 0 : i32
      %dma_start3A_3127 = arith.constant 0 : i32
      %dma_start3A_3128 = tpu.memref_slice %arg15[%dma_start3A_3125, %dma_start3A_3126, %dma_start3A_3127] : memref<5x128x128xf32, #tpu.memory_space<vmem>> -> memref<1x128x128xf32, #tpu.memory_space<vmem>>
      %dma_start3A_3129 = tpu.memref_squeeze %dma_start3A_3128 : memref<1x128x128xf32, #tpu.memory_space<vmem>> -> memref<128x128xf32, #tpu.memory_space<vmem>>
      %dma_start3A_3130 = arith.constant 0 : i32
      %dma_start3A_3131 = arith.constant 0 : i32
      %dma_start3A_3132 = tpu.memref_slice %arg11[%add3A_3124, %dma_start3A_3130, %dma_start3A_3131] : memref<5600x128x128xf32, #tpu.memory_space<hbm>> -> memref<1x128x128xf32, #tpu.memory_space<hbm>>
      %dma_start3A_3133 = tpu.memref_squeeze %dma_start3A_3132 : memref<1x128x128xf32, #tpu.memory_space<hbm>> -> memref<128x128xf32, #tpu.memory_space<hbm>>
      %dma_start3A_3134 = arith.constant 0 : i32
      %dma_start3A_3135 = arith.constant 0 : i32
      %dma_start3A_3136 = tpu.memref_slice %arg11[%add3A_3124, %dma_start3A_3134, %dma_start3A_3135] : memref<5600x128x128xf32, #tpu.memory_space<hbm>> -> memref<1x128x128xf32, #tpu.memory_space<hbm>>
      %dma_start3A_3137 = tpu.memref_squeeze %dma_start3A_3136 : memref<1x128x128xf32, #tpu.memory_space<hbm>> -> memref<128x128xf32, #tpu.memory_space<hbm>>
      %dma_start3A_3138 = arith.constant 0 : i32
      %dma_start3A_3139 = arith.constant 0 : i32
      %dma_start3A_3140 = tpu.memref_slice %arg15[%dma_start3A_3125, %dma_start3A_3138, %dma_start3A_3139] : memref<5x128x128xf32, #tpu.memory_space<vmem>> -> memref<1x128x128xf32, #tpu.memory_space<vmem>>
      %dma_start3A_3141 = tpu.memref_squeeze %dma_start3A_3140 : memref<1x128x128xf32, #tpu.memory_space<vmem>> -> memref<128x128xf32, #tpu.memory_space<vmem>>
      tpu.enqueue_dma source(%dma_start3A_3141 : memref<128x128xf32, #tpu.memory_space<vmem>>) target(%dma_start3A_3137 : memref<128x128xf32, #tpu.memory_space<hbm>>) target_semaphore(%arg20 : memref<!tpu.dma_semaphore, #tpu.memory_space<semaphore_mem>>)
      %dma_wait3A_3142 = arith.constant 0 : i32
      %dma_wait3A_3143 = arith.constant 0 : i32
      %dma_wait3A_3144 = arith.constant 0 : i32
      %dma_wait3A_3145 = tpu.memref_slice %arg15[%dma_wait3A_3142, %dma_wait3A_3143, %dma_wait3A_3144] : memref<5x128x128xf32, #tpu.memory_space<vmem>> -> memref<1x128x128xf32, #tpu.memory_space<vmem>>
      %dma_wait3A_3146 = tpu.memref_squeeze %dma_wait3A_3145 : memref<1x128x128xf32, #tpu.memory_space<vmem>> -> memref<128x128xf32, #tpu.memory_space<vmem>>
      %dma_wait3A_3147 = arith.constant 0 : i32
      %dma_wait3A_3148 = arith.constant 0 : i32
      %dma_wait3A_3149 = tpu.memref_slice %arg11[%add3A_704, %dma_wait3A_3147, %dma_wait3A_3148] : memref<5600x128x128xf32, #tpu.memory_space<hbm>> -> memref<1x128x128xf32, #tpu.memory_space<hbm>>
      %dma_wait3A_3150 = tpu.memref_squeeze %dma_wait3A_3149 : memref<1x128x128xf32, #tpu.memory_space<hbm>> -> memref<128x128xf32, #tpu.memory_space<hbm>>
      %dma_wait3A_3151 = arith.constant 0 : i32
      %dma_wait3A_3152 = arith.constant 0 : i32
      %dma_wait3A_3153 = tpu.memref_slice %arg11[%add3A_704, %dma_wait3A_3151, %dma_wait3A_3152] : memref<5600x128x128xf32, #tpu.memory_space<hbm>> -> memref<1x128x128xf32, #tpu.memory_space<hbm>>
      %dma_wait3A_3154 = tpu.memref_squeeze %dma_wait3A_3153 : memref<1x128x128xf32, #tpu.memory_space<hbm>> -> memref<128x128xf32, #tpu.memory_space<hbm>>
      %dma_wait3A_3155 = arith.constant 0 : i32
      %dma_wait3A_3156 = arith.constant 0 : i32
      %dma_wait3A_3157 = tpu.memref_slice %arg15[%dma_wait3A_3142, %dma_wait3A_3155, %dma_wait3A_3156] : memref<5x128x128xf32, #tpu.memory_space<vmem>> -> memref<1x128x128xf32, #tpu.memory_space<vmem>>
      %dma_wait3A_3158 = tpu.memref_squeeze %dma_wait3A_3157 : memref<1x128x128xf32, #tpu.memory_space<vmem>> -> memref<128x128xf32, #tpu.memory_space<vmem>>
      tpu.wait_dma2 semaphore(%arg20 : memref<!tpu.dma_semaphore, #tpu.memory_space<semaphore_mem>>) src(%dma_wait3A_3158 : memref<128x128xf32, #tpu.memory_space<vmem>>) dst(%dma_wait3A_3154 : memref<128x128xf32, #tpu.memory_space<hbm>>)
      %dma_wait3A_3159 = arith.constant 1 : i32
      %dma_wait3A_3160 = arith.constant 0 : i32
      %dma_wait3A_3161 = arith.constant 0 : i32
      %dma_wait3A_3162 = tpu.memref_slice %arg15[%dma_wait3A_3159, %dma_wait3A_3160, %dma_wait3A_3161] : memref<5x128x128xf32, #tpu.memory_space<vmem>> -> memref<1x128x128xf32, #tpu.memory_space<vmem>>
      %dma_wait3A_3163 = tpu.memref_squeeze %dma_wait3A_3162 : memref<1x128x128xf32, #tpu.memory_space<vmem>> -> memref<128x128xf32, #tpu.memory_space<vmem>>
      %dma_wait3A_3164 = arith.constant 0 : i32
      %dma_wait3A_3165 = arith.constant 0 : i32
      %dma_wait3A_3166 = tpu.memref_slice %arg11[%add3A_1309, %dma_wait3A_3164, %dma_wait3A_3165] : memref<5600x128x128xf32, #tpu.memory_space<hbm>> -> memref<1x128x128xf32, #tpu.memory_space<hbm>>
      %dma_wait3A_3167 = tpu.memref_squeeze %dma_wait3A_3166 : memref<1x128x128xf32, #tpu.memory_space<hbm>> -> memref<128x128xf32, #tpu.memory_space<hbm>>
      %dma_wait3A_3168 = arith.constant 0 : i32
      %dma_wait3A_3169 = arith.constant 0 : i32
      %dma_wait3A_3170 = tpu.memref_slice %arg11[%add3A_1309, %dma_wait3A_3168, %dma_wait3A_3169] : memref<5600x128x128xf32, #tpu.memory_space<hbm>> -> memref<1x128x128xf32, #tpu.memory_space<hbm>>
      %dma_wait3A_3171 = tpu.memref_squeeze %dma_wait3A_3170 : memref<1x128x128xf32, #tpu.memory_space<hbm>> -> memref<128x128xf32, #tpu.memory_space<hbm>>
      %dma_wait3A_3172 = arith.constant 0 : i32
      %dma_wait3A_3173 = arith.constant 0 : i32
      %dma_wait3A_3174 = tpu.memref_slice %arg15[%dma_wait3A_3159, %dma_wait3A_3172, %dma_wait3A_3173] : memref<5x128x128xf32, #tpu.memory_space<vmem>> -> memref<1x128x128xf32, #tpu.memory_space<vmem>>
      %dma_wait3A_3175 = tpu.memref_squeeze %dma_wait3A_3174 : memref<1x128x128xf32, #tpu.memory_space<vmem>> -> memref<128x128xf32, #tpu.memory_space<vmem>>
      tpu.wait_dma2 semaphore(%arg20 : memref<!tpu.dma_semaphore, #tpu.memory_space<semaphore_mem>>) src(%dma_wait3A_3175 : memref<128x128xf32, #tpu.memory_space<vmem>>) dst(%dma_wait3A_3171 : memref<128x128xf32, #tpu.memory_space<hbm>>)
      %dma_wait3A_3176 = arith.constant 2 : i32
      %dma_wait3A_3177 = arith.constant 0 : i32
      %dma_wait3A_3178 = arith.constant 0 : i32
      %dma_wait3A_3179 = tpu.memref_slice %arg15[%dma_wait3A_3176, %dma_wait3A_3177, %dma_wait3A_3178] : memref<5x128x128xf32, #tpu.memory_space<vmem>> -> memref<1x128x128xf32, #tpu.memory_space<vmem>>
      %dma_wait3A_3180 = tpu.memref_squeeze %dma_wait3A_3179 : memref<1x128x128xf32, #tpu.memory_space<vmem>> -> memref<128x128xf32, #tpu.memory_space<vmem>>
      %dma_wait3A_3181 = arith.constant 0 : i32
      %dma_wait3A_3182 = arith.constant 0 : i32
      %dma_wait3A_3183 = tpu.memref_slice %arg11[%add3A_1914, %dma_wait3A_3181, %dma_wait3A_3182] : memref<5600x128x128xf32, #tpu.memory_space<hbm>> -> memref<1x128x128xf32, #tpu.memory_space<hbm>>
      %dma_wait3A_3184 = tpu.memref_squeeze %dma_wait3A_3183 : memref<1x128x128xf32, #tpu.memory_space<hbm>> -> memref<128x128xf32, #tpu.memory_space<hbm>>
      %dma_wait3A_3185 = arith.constant 0 : i32
      %dma_wait3A_3186 = arith.constant 0 : i32
      %dma_wait3A_3187 = tpu.memref_slice %arg11[%add3A_1914, %dma_wait3A_3185, %dma_wait3A_3186] : memref<5600x128x128xf32, #tpu.memory_space<hbm>> -> memref<1x128x128xf32, #tpu.memory_space<hbm>>
      %dma_wait3A_3188 = tpu.memref_squeeze %dma_wait3A_3187 : memref<1x128x128xf32, #tpu.memory_space<hbm>> -> memref<128x128xf32, #tpu.memory_space<hbm>>
      %dma_wait3A_3189 = arith.constant 0 : i32
      %dma_wait3A_3190 = arith.constant 0 : i32
      %dma_wait3A_3191 = tpu.memref_slice %arg15[%dma_wait3A_3176, %dma_wait3A_3189, %dma_wait3A_3190] : memref<5x128x128xf32, #tpu.memory_space<vmem>> -> memref<1x128x128xf32, #tpu.memory_space<vmem>>
      %dma_wait3A_3192 = tpu.memref_squeeze %dma_wait3A_3191 : memref<1x128x128xf32, #tpu.memory_space<vmem>> -> memref<128x128xf32, #tpu.memory_space<vmem>>
      tpu.wait_dma2 semaphore(%arg20 : memref<!tpu.dma_semaphore, #tpu.memory_space<semaphore_mem>>) src(%dma_wait3A_3192 : memref<128x128xf32, #tpu.memory_space<vmem>>) dst(%dma_wait3A_3188 : memref<128x128xf32, #tpu.memory_space<hbm>>)
      %dma_wait3A_3193 = arith.constant 3 : i32
      %dma_wait3A_3194 = arith.constant 0 : i32
      %dma_wait3A_3195 = arith.constant 0 : i32
      %dma_wait3A_3196 = tpu.memref_slice %arg15[%dma_wait3A_3193, %dma_wait3A_3194, %dma_wait3A_3195] : memref<5x128x128xf32, #tpu.memory_space<vmem>> -> memref<1x128x128xf32, #tpu.memory_space<vmem>>
      %dma_wait3A_3197 = tpu.memref_squeeze %dma_wait3A_3196 : memref<1x128x128xf32, #tpu.memory_space<vmem>> -> memref<128x128xf32, #tpu.memory_space<vmem>>
      %dma_wait3A_3198 = arith.constant 0 : i32
      %dma_wait3A_3199 = arith.constant 0 : i32
      %dma_wait3A_3200 = tpu.memref_slice %arg11[%add3A_2519, %dma_wait3A_3198, %dma_wait3A_3199] : memref<5600x128x128xf32, #tpu.memory_space<hbm>> -> memref<1x128x128xf32, #tpu.memory_space<hbm>>
      %dma_wait3A_3201 = tpu.memref_squeeze %dma_wait3A_3200 : memref<1x128x128xf32, #tpu.memory_space<hbm>> -> memref<128x128xf32, #tpu.memory_space<hbm>>
      %dma_wait3A_3202 = arith.constant 0 : i32
      %dma_wait3A_3203 = arith.constant 0 : i32
      %dma_wait3A_3204 = tpu.memref_slice %arg11[%add3A_2519, %dma_wait3A_3202, %dma_wait3A_3203] : memref<5600x128x128xf32, #tpu.memory_space<hbm>> -> memref<1x128x128xf32, #tpu.memory_space<hbm>>
      %dma_wait3A_3205 = tpu.memref_squeeze %dma_wait3A_3204 : memref<1x128x128xf32, #tpu.memory_space<hbm>> -> memref<128x128xf32, #tpu.memory_space<hbm>>
      %dma_wait3A_3206 = arith.constant 0 : i32
      %dma_wait3A_3207 = arith.constant 0 : i32
      %dma_wait3A_3208 = tpu.memref_slice %arg15[%dma_wait3A_3193, %dma_wait3A_3206, %dma_wait3A_3207] : memref<5x128x128xf32, #tpu.memory_space<vmem>> -> memref<1x128x128xf32, #tpu.memory_space<vmem>>
      %dma_wait3A_3209 = tpu.memref_squeeze %dma_wait3A_3208 : memref<1x128x128xf32, #tpu.memory_space<vmem>> -> memref<128x128xf32, #tpu.memory_space<vmem>>
      tpu.wait_dma2 semaphore(%arg20 : memref<!tpu.dma_semaphore, #tpu.memory_space<semaphore_mem>>) src(%dma_wait3A_3209 : memref<128x128xf32, #tpu.memory_space<vmem>>) dst(%dma_wait3A_3205 : memref<128x128xf32, #tpu.memory_space<hbm>>)
      %dma_wait3A_3210 = arith.constant 4 : i32
      %dma_wait3A_3211 = arith.constant 0 : i32
      %dma_wait3A_3212 = arith.constant 0 : i32
      %dma_wait3A_3213 = tpu.memref_slice %arg15[%dma_wait3A_3210, %dma_wait3A_3211, %dma_wait3A_3212] : memref<5x128x128xf32, #tpu.memory_space<vmem>> -> memref<1x128x128xf32, #tpu.memory_space<vmem>>
      %dma_wait3A_3214 = tpu.memref_squeeze %dma_wait3A_3213 : memref<1x128x128xf32, #tpu.memory_space<vmem>> -> memref<128x128xf32, #tpu.memory_space<vmem>>
      %dma_wait3A_3215 = arith.constant 0 : i32
      %dma_wait3A_3216 = arith.constant 0 : i32
      %dma_wait3A_3217 = tpu.memref_slice %arg11[%add3A_3124, %dma_wait3A_3215, %dma_wait3A_3216] : memref<5600x128x128xf32, #tpu.memory_space<hbm>> -> memref<1x128x128xf32, #tpu.memory_space<hbm>>
      %dma_wait3A_3218 = tpu.memref_squeeze %dma_wait3A_3217 : memref<1x128x128xf32, #tpu.memory_space<hbm>> -> memref<128x128xf32, #tpu.memory_space<hbm>>
      %dma_wait3A_3219 = arith.constant 0 : i32
      %dma_wait3A_3220 = arith.constant 0 : i32
      %dma_wait3A_3221 = tpu.memref_slice %arg11[%add3A_3124, %dma_wait3A_3219, %dma_wait3A_3220] : memref<5600x128x128xf32, #tpu.memory_space<hbm>> -> memref<1x128x128xf32, #tpu.memory_space<hbm>>
      %dma_wait3A_3222 = tpu.memref_squeeze %dma_wait3A_3221 : memref<1x128x128xf32, #tpu.memory_space<hbm>> -> memref<128x128xf32, #tpu.memory_space<hbm>>
      %dma_wait3A_3223 = arith.constant 0 : i32
      %dma_wait3A_3224 = arith.constant 0 : i32
      %dma_wait3A_3225 = tpu.memref_slice %arg15[%dma_wait3A_3210, %dma_wait3A_3223, %dma_wait3A_3224] : memref<5x128x128xf32, #tpu.memory_space<vmem>> -> memref<1x128x128xf32, #tpu.memory_space<vmem>>
      %dma_wait3A_3226 = tpu.memref_squeeze %dma_wait3A_3225 : memref<1x128x128xf32, #tpu.memory_space<vmem>> -> memref<128x128xf32, #tpu.memory_space<vmem>>
      tpu.wait_dma2 semaphore(%arg20 : memref<!tpu.dma_semaphore, #tpu.memory_space<semaphore_mem>>) src(%dma_wait3A_3226 : memref<128x128xf32, #tpu.memory_space<vmem>>) dst(%dma_wait3A_3222 : memref<128x128xf32, #tpu.memory_space<hbm>>)
    }
    %scan3A_5 = arith.constant 35 : i32
    %scan3A_6 = arith.constant 0 : i32
    %scan3A_7 = arith.constant 0 : i32
    %scan3A_8 = arith.constant 5 : i32
    %scan3A_9 = arith.addi %scan3A_7, %scan3A_8 : i32
    %scan3A_10 = arith.constant 1 : i32
    scf.for %scan3A_12 = %scan3A_7 to %scan3A_9 step %scan3A_10  : i32 {
      %mul3A_13 = arith.constant 25 : i32
      %mul3A_14 = arith.muli %add3A, %mul3A_13 : i32
      %mul3A_15 = arith.constant 5 : i32
      %mul3A_16 = arith.muli %scan3A_12, %mul3A_15 : i32
      %add3A_17 = arith.addi %mul3A_14, %mul3A_16 : i32
      %mul3A_18 = arith.constant 128 : i32
      %mul3A_19 = arith.muli %add3A_17, %mul3A_18 : i32
      "tpu.region"() ({
        %run_scoped3A = tpu.sem_alloc : memref<!tpu.dma_semaphore, #tpu.memory_space<semaphore_mem>>
        %dma_start3A_220 = tpu.memref_slice %arg6[%mul3A_19] : memref<102400xi32, #tpu.memory_space<hbm>> -> memref<640xi32, #tpu.memory_space<hbm>>
        %dma_start3A_221 = tpu.memref_slice %arg6[%mul3A_19] : memref<102400xi32, #tpu.memory_space<hbm>> -> memref<640xi32, #tpu.memory_space<hbm>>
        tpu.enqueue_dma source(%dma_start3A_221 : memref<640xi32, #tpu.memory_space<hbm>>) target(%arg14 : memref<640xi32, #tpu.memory_space<vmem>>) target_semaphore(%run_scoped3A : memref<!tpu.dma_semaphore, #tpu.memory_space<semaphore_mem>>)
        %dma_wait3A_222 = tpu.memref_slice %arg6[%mul3A_19] : memref<102400xi32, #tpu.memory_space<hbm>> -> memref<640xi32, #tpu.memory_space<hbm>>
        %dma_wait3A_223 = tpu.memref_slice %arg6[%mul3A_19] : memref<102400xi32, #tpu.memory_space<hbm>> -> memref<640xi32, #tpu.memory_space<hbm>>
        tpu.wait_dma2 semaphore(%run_scoped3A : memref<!tpu.dma_semaphore, #tpu.memory_space<semaphore_mem>>) src(%dma_wait3A_223 : memref<640xi32, #tpu.memory_space<hbm>>) dst(%arg14 : memref<640xi32, #tpu.memory_space<vmem>>)
        tpu.yield
      }) : () -> ()
      %dma_start3A = arith.constant 0 : i32
      %dma_start3A_20 = arith.constant 0 : i32
      %dma_start3A_21 = arith.constant 0 : i32
      %dma_start3A_22 = tpu.memref_slice %arg15[%dma_start3A, %dma_start3A_20, %dma_start3A_21] : memref<5x128x128xf32, #tpu.memory_space<vmem>> -> memref<1x128x128xf32, #tpu.memory_space<vmem>>
      %dma_start3A_23 = tpu.memref_squeeze %dma_start3A_22 : memref<1x128x128xf32, #tpu.memory_space<vmem>> -> memref<128x128xf32, #tpu.memory_space<vmem>>
      %dma_start3A_24 = arith.constant 0 : i32
      %dma_start3A_25 = tpu.memref_slice %arg14[%dma_start3A_24] : memref<640xi32, #tpu.memory_space<vmem>> -> memref<128xi32, #tpu.memory_space<vmem>>
      %dma_start3A_26 = arith.constant 0 : i32
      %dma_start3A_27 = arith.constant 0 : i32
      %dma_start3A_28 = tpu.memref_slice %arg3[%dma_start3A_26, %dma_start3A_27] : memref<24x128xf32, #tpu.memory_space<hbm>> -> memref<24x128xf32, #tpu.memory_space<hbm>>
      tpu.enqueue_indirect_dma source(%dma_start3A_28 : memref<24x128xf32, #tpu.memory_space<hbm>>) target(%dma_start3A_23 : memref<128x128xf32, #tpu.memory_space<vmem>>) offsets(%dma_start3A_25 : memref<128xi32, #tpu.memory_space<vmem>>) semaphore(%arg19 : memref<!tpu.dma_semaphore, #tpu.memory_space<semaphore_mem>>)
      %dma_start3A_29 = arith.constant 1 : i32
      %dma_start3A_30 = arith.constant 0 : i32
      %dma_start3A_31 = arith.constant 0 : i32
      %dma_start3A_32 = tpu.memref_slice %arg15[%dma_start3A_29, %dma_start3A_30, %dma_start3A_31] : memref<5x128x128xf32, #tpu.memory_space<vmem>> -> memref<1x128x128xf32, #tpu.memory_space<vmem>>
      %dma_start3A_33 = tpu.memref_squeeze %dma_start3A_32 : memref<1x128x128xf32, #tpu.memory_space<vmem>> -> memref<128x128xf32, #tpu.memory_space<vmem>>
      %dma_start3A_34 = arith.constant 128 : i32
      %dma_start3A_35 = tpu.memref_slice %arg14[%dma_start3A_34] : memref<640xi32, #tpu.memory_space<vmem>> -> memref<128xi32, #tpu.memory_space<vmem>>
      %dma_start3A_36 = arith.constant 0 : i32
      %dma_start3A_37 = arith.constant 0 : i32
      %dma_start3A_38 = tpu.memref_slice %arg3[%dma_start3A_36, %dma_start3A_37] : memref<24x128xf32, #tpu.memory_space<hbm>> -> memref<24x128xf32, #tpu.memory_space<hbm>>
      tpu.enqueue_indirect_dma source(%dma_start3A_38 : memref<24x128xf32, #tpu.memory_space<hbm>>) target(%dma_start3A_33 : memref<128x128xf32, #tpu.memory_space<vmem>>) offsets(%dma_start3A_35 : memref<128xi32, #tpu.memory_space<vmem>>) semaphore(%arg19 : memref<!tpu.dma_semaphore, #tpu.memory_space<semaphore_mem>>)
      %dma_start3A_39 = arith.constant 2 : i32
      %dma_start3A_40 = arith.constant 0 : i32
      %dma_start3A_41 = arith.constant 0 : i32
      %dma_start3A_42 = tpu.memref_slice %arg15[%dma_start3A_39, %dma_start3A_40, %dma_start3A_41] : memref<5x128x128xf32, #tpu.memory_space<vmem>> -> memref<1x128x128xf32, #tpu.memory_space<vmem>>
      %dma_start3A_43 = tpu.memref_squeeze %dma_start3A_42 : memref<1x128x128xf32, #tpu.memory_space<vmem>> -> memref<128x128xf32, #tpu.memory_space<vmem>>
      %dma_start3A_44 = arith.constant 256 : i32
      %dma_start3A_45 = tpu.memref_slice %arg14[%dma_start3A_44] : memref<640xi32, #tpu.memory_space<vmem>> -> memref<128xi32, #tpu.memory_space<vmem>>
      %dma_start3A_46 = arith.constant 0 : i32
      %dma_start3A_47 = arith.constant 0 : i32
      %dma_start3A_48 = tpu.memref_slice %arg3[%dma_start3A_46, %dma_start3A_47] : memref<24x128xf32, #tpu.memory_space<hbm>> -> memref<24x128xf32, #tpu.memory_space<hbm>>
      tpu.enqueue_indirect_dma source(%dma_start3A_48 : memref<24x128xf32, #tpu.memory_space<hbm>>) target(%dma_start3A_43 : memref<128x128xf32, #tpu.memory_space<vmem>>) offsets(%dma_start3A_45 : memref<128xi32, #tpu.memory_space<vmem>>) semaphore(%arg19 : memref<!tpu.dma_semaphore, #tpu.memory_space<semaphore_mem>>)
      %dma_start3A_49 = arith.constant 3 : i32
      %dma_start3A_50 = arith.constant 0 : i32
      %dma_start3A_51 = arith.constant 0 : i32
      %dma_start3A_52 = tpu.memref_slice %arg15[%dma_start3A_49, %dma_start3A_50, %dma_start3A_51] : memref<5x128x128xf32, #tpu.memory_space<vmem>> -> memref<1x128x128xf32, #tpu.memory_space<vmem>>
      %dma_start3A_53 = tpu.memref_squeeze %dma_start3A_52 : memref<1x128x128xf32, #tpu.memory_space<vmem>> -> memref<128x128xf32, #tpu.memory_space<vmem>>
      %dma_start3A_54 = arith.constant 384 : i32
      %dma_start3A_55 = tpu.memref_slice %arg14[%dma_start3A_54] : memref<640xi32, #tpu.memory_space<vmem>> -> memref<128xi32, #tpu.memory_space<vmem>>
      %dma_start3A_56 = arith.constant 0 : i32
      %dma_start3A_57 = arith.constant 0 : i32
      %dma_start3A_58 = tpu.memref_slice %arg3[%dma_start3A_56, %dma_start3A_57] : memref<24x128xf32, #tpu.memory_space<hbm>> -> memref<24x128xf32, #tpu.memory_space<hbm>>
      tpu.enqueue_indirect_dma source(%dma_start3A_58 : memref<24x128xf32, #tpu.memory_space<hbm>>) target(%dma_start3A_53 : memref<128x128xf32, #tpu.memory_space<vmem>>) offsets(%dma_start3A_55 : memref<128xi32, #tpu.memory_space<vmem>>) semaphore(%arg19 : memref<!tpu.dma_semaphore, #tpu.memory_space<semaphore_mem>>)
      %dma_start3A_59 = arith.constant 4 : i32
      %dma_start3A_60 = arith.constant 0 : i32
      %dma_start3A_61 = arith.constant 0 : i32
      %dma_start3A_62 = tpu.memref_slice %arg15[%dma_start3A_59, %dma_start3A_60, %dma_start3A_61] : memref<5x128x128xf32, #tpu.memory_space<vmem>> -> memref<1x128x128xf32, #tpu.memory_space<vmem>>
      %dma_start3A_63 = tpu.memref_squeeze %dma_start3A_62 : memref<1x128x128xf32, #tpu.memory_space<vmem>> -> memref<128x128xf32, #tpu.memory_space<vmem>>
      %dma_start3A_64 = arith.constant 512 : i32
      %dma_start3A_65 = tpu.memref_slice %arg14[%dma_start3A_64] : memref<640xi32, #tpu.memory_space<vmem>> -> memref<128xi32, #tpu.memory_space<vmem>>
      %dma_start3A_66 = arith.constant 0 : i32
      %dma_start3A_67 = arith.constant 0 : i32
      %dma_start3A_68 = tpu.memref_slice %arg3[%dma_start3A_66, %dma_start3A_67] : memref<24x128xf32, #tpu.memory_space<hbm>> -> memref<24x128xf32, #tpu.memory_space<hbm>>
      tpu.enqueue_indirect_dma source(%dma_start3A_68 : memref<24x128xf32, #tpu.memory_space<hbm>>) target(%dma_start3A_63 : memref<128x128xf32, #tpu.memory_space<vmem>>) offsets(%dma_start3A_65 : memref<128xi32, #tpu.memory_space<vmem>>) semaphore(%arg19 : memref<!tpu.dma_semaphore, #tpu.memory_space<semaphore_mem>>)
      %dma_wait3A = arith.constant 0 : i32
      %dma_wait3A_69 = arith.constant 0 : i32
      %dma_wait3A_70 = arith.constant 0 : i32
      %dma_wait3A_71 = tpu.memref_slice %arg15[%dma_wait3A, %dma_wait3A_69, %dma_wait3A_70] : memref<5x128x128xf32, #tpu.memory_space<vmem>> -> memref<1x128x128xf32, #tpu.memory_space<vmem>>
      %dma_wait3A_72 = tpu.memref_squeeze %dma_wait3A_71 : memref<1x128x128xf32, #tpu.memory_space<vmem>> -> memref<128x128xf32, #tpu.memory_space<vmem>>
      %dma_wait3A_73 = arith.constant 0 : i32
      %dma_wait3A_74 = tpu.memref_slice %arg14[%dma_wait3A_73] : memref<640xi32, #tpu.memory_space<vmem>> -> memref<128xi32, #tpu.memory_space<vmem>>
      %dma_wait3A_75 = arith.constant 0 : i32
      %dma_wait3A_76 = arith.constant 0 : i32
      %dma_wait3A_77 = tpu.memref_slice %arg3[%dma_wait3A_75, %dma_wait3A_76] : memref<24x128xf32, #tpu.memory_space<hbm>> -> memref<24x128xf32, #tpu.memory_space<hbm>>
      tpu.wait_indirect_dma semaphore(%arg19 : memref<!tpu.dma_semaphore, #tpu.memory_space<semaphore_mem>>) src(%dma_wait3A_77 : memref<24x128xf32, #tpu.memory_space<hbm>>) dst(%dma_wait3A_72 : memref<128x128xf32, #tpu.memory_space<vmem>>)
      %dma_wait3A_78 = arith.constant 1 : i32
      %dma_wait3A_79 = arith.constant 0 : i32
      %dma_wait3A_80 = arith.constant 0 : i32
      %dma_wait3A_81 = tpu.memref_slice %arg15[%dma_wait3A_78, %dma_wait3A_79, %dma_wait3A_80] : memref<5x128x128xf32, #tpu.memory_space<vmem>> -> memref<1x128x128xf32, #tpu.memory_space<vmem>>
      %dma_wait3A_82 = tpu.memref_squeeze %dma_wait3A_81 : memref<1x128x128xf32, #tpu.memory_space<vmem>> -> memref<128x128xf32, #tpu.memory_space<vmem>>
      %dma_wait3A_83 = arith.constant 128 : i32
      %dma_wait3A_84 = tpu.memref_slice %arg14[%dma_wait3A_83] : memref<640xi32, #tpu.memory_space<vmem>> -> memref<128xi32, #tpu.memory_space<vmem>>
      %dma_wait3A_85 = arith.constant 0 : i32
      %dma_wait3A_86 = arith.constant 0 : i32
      %dma_wait3A_87 = tpu.memref_slice %arg3[%dma_wait3A_85, %dma_wait3A_86] : memref<24x128xf32, #tpu.memory_space<hbm>> -> memref<24x128xf32, #tpu.memory_space<hbm>>
      tpu.wait_indirect_dma semaphore(%arg19 : memref<!tpu.dma_semaphore, #tpu.memory_space<semaphore_mem>>) src(%dma_wait3A_87 : memref<24x128xf32, #tpu.memory_space<hbm>>) dst(%dma_wait3A_82 : memref<128x128xf32, #tpu.memory_space<vmem>>)
      %dma_wait3A_88 = arith.constant 2 : i32
      %dma_wait3A_89 = arith.constant 0 : i32
      %dma_wait3A_90 = arith.constant 0 : i32
      %dma_wait3A_91 = tpu.memref_slice %arg15[%dma_wait3A_88, %dma_wait3A_89, %dma_wait3A_90] : memref<5x128x128xf32, #tpu.memory_space<vmem>> -> memref<1x128x128xf32, #tpu.memory_space<vmem>>
      %dma_wait3A_92 = tpu.memref_squeeze %dma_wait3A_91 : memref<1x128x128xf32, #tpu.memory_space<vmem>> -> memref<128x128xf32, #tpu.memory_space<vmem>>
      %dma_wait3A_93 = arith.constant 256 : i32
      %dma_wait3A_94 = tpu.memref_slice %arg14[%dma_wait3A_93] : memref<640xi32, #tpu.memory_space<vmem>> -> memref<128xi32, #tpu.memory_space<vmem>>
      %dma_wait3A_95 = arith.constant 0 : i32
      %dma_wait3A_96 = arith.constant 0 : i32
      %dma_wait3A_97 = tpu.memref_slice %arg3[%dma_wait3A_95, %dma_wait3A_96] : memref<24x128xf32, #tpu.memory_space<hbm>> -> memref<24x128xf32, #tpu.memory_space<hbm>>
      tpu.wait_indirect_dma semaphore(%arg19 : memref<!tpu.dma_semaphore, #tpu.memory_space<semaphore_mem>>) src(%dma_wait3A_97 : memref<24x128xf32, #tpu.memory_space<hbm>>) dst(%dma_wait3A_92 : memref<128x128xf32, #tpu.memory_space<vmem>>)
      %dma_wait3A_98 = arith.constant 3 : i32
      %dma_wait3A_99 = arith.constant 0 : i32
      %dma_wait3A_100 = arith.constant 0 : i32
      %dma_wait3A_101 = tpu.memref_slice %arg15[%dma_wait3A_98, %dma_wait3A_99, %dma_wait3A_100] : memref<5x128x128xf32, #tpu.memory_space<vmem>> -> memref<1x128x128xf32, #tpu.memory_space<vmem>>
      %dma_wait3A_102 = tpu.memref_squeeze %dma_wait3A_101 : memref<1x128x128xf32, #tpu.memory_space<vmem>> -> memref<128x128xf32, #tpu.memory_space<vmem>>
      %dma_wait3A_103 = arith.constant 384 : i32
      %dma_wait3A_104 = tpu.memref_slice %arg14[%dma_wait3A_103] : memref<640xi32, #tpu.memory_space<vmem>> -> memref<128xi32, #tpu.memory_space<vmem>>
      %dma_wait3A_105 = arith.constant 0 : i32
      %dma_wait3A_106 = arith.constant 0 : i32
      %dma_wait3A_107 = tpu.memref_slice %arg3[%dma_wait3A_105, %dma_wait3A_106] : memref<24x128xf32, #tpu.memory_space<hbm>> -> memref<24x128xf32, #tpu.memory_space<hbm>>
      tpu.wait_indirect_dma semaphore(%arg19 : memref<!tpu.dma_semaphore, #tpu.memory_space<semaphore_mem>>) src(%dma_wait3A_107 : memref<24x128xf32, #tpu.memory_space<hbm>>) dst(%dma_wait3A_102 : memref<128x128xf32, #tpu.memory_space<vmem>>)
      %dma_wait3A_108 = arith.constant 4 : i32
      %dma_wait3A_109 = arith.constant 0 : i32
      %dma_wait3A_110 = arith.constant 0 : i32
      %dma_wait3A_111 = tpu.memref_slice %arg15[%dma_wait3A_108, %dma_wait3A_109, %dma_wait3A_110] : memref<5x128x128xf32, #tpu.memory_space<vmem>> -> memref<1x128x128xf32, #tpu.memory_space<vmem>>
      %dma_wait3A_112 = tpu.memref_squeeze %dma_wait3A_111 : memref<1x128x128xf32, #tpu.memory_space<vmem>> -> memref<128x128xf32, #tpu.memory_space<vmem>>
      %dma_wait3A_113 = arith.constant 512 : i32
      %dma_wait3A_114 = tpu.memref_slice %arg14[%dma_wait3A_113] : memref<640xi32, #tpu.memory_space<vmem>> -> memref<128xi32, #tpu.memory_space<vmem>>
      %dma_wait3A_115 = arith.constant 0 : i32
      %dma_wait3A_116 = arith.constant 0 : i32
      %dma_wait3A_117 = tpu.memref_slice %arg3[%dma_wait3A_115, %dma_wait3A_116] : memref<24x128xf32, #tpu.memory_space<hbm>> -> memref<24x128xf32, #tpu.memory_space<hbm>>
      tpu.wait_indirect_dma semaphore(%arg19 : memref<!tpu.dma_semaphore, #tpu.memory_space<semaphore_mem>>) src(%dma_wait3A_117 : memref<24x128xf32, #tpu.memory_space<hbm>>) dst(%dma_wait3A_112 : memref<128x128xf32, #tpu.memory_space<vmem>>)
      "tpu.region"() ({
        %run_scoped3A = tpu.sem_alloc : memref<!tpu.dma_semaphore, #tpu.memory_space<semaphore_mem>>
        %dma_start3A_220 = arith.constant 0 : i32
        %dma_start3A_221 = arith.constant 0 : i32
        %dma_start3A_222 = tpu.memref_slice %arg12[%add3A_17, %dma_start3A_220, %dma_start3A_221] : memref<800x128x128xf32, #tpu.memory_space<hbm>> -> memref<5x128x128xf32, #tpu.memory_space<hbm>>
        %dma_start3A_223 = arith.constant 0 : i32
        %dma_start3A_224 = arith.constant 0 : i32
        %dma_start3A_225 = tpu.memref_slice %arg12[%add3A_17, %dma_start3A_223, %dma_start3A_224] : memref<800x128x128xf32, #tpu.memory_space<hbm>> -> memref<5x128x128xf32, #tpu.memory_space<hbm>>
        tpu.enqueue_dma source(%arg15 : memref<5x128x128xf32, #tpu.memory_space<vmem>>) target(%dma_start3A_225 : memref<5x128x128xf32, #tpu.memory_space<hbm>>) target_semaphore(%run_scoped3A : memref<!tpu.dma_semaphore, #tpu.memory_space<semaphore_mem>>)
        %dma_wait3A_226 = arith.constant 0 : i32
        %dma_wait3A_227 = arith.constant 0 : i32
        %dma_wait3A_228 = tpu.memref_slice %arg12[%add3A_17, %dma_wait3A_226, %dma_wait3A_227] : memref<800x128x128xf32, #tpu.memory_space<hbm>> -> memref<5x128x128xf32, #tpu.memory_space<hbm>>
        %dma_wait3A_229 = arith.constant 0 : i32
        %dma_wait3A_230 = arith.constant 0 : i32
        %dma_wait3A_231 = tpu.memref_slice %arg12[%add3A_17, %dma_wait3A_229, %dma_wait3A_230] : memref<800x128x128xf32, #tpu.memory_space<hbm>> -> memref<5x128x128xf32, #tpu.memory_space<hbm>>
        tpu.wait_dma2 semaphore(%run_scoped3A : memref<!tpu.dma_semaphore, #tpu.memory_space<semaphore_mem>>) src(%arg15 : memref<5x128x128xf32, #tpu.memory_space<vmem>>) dst(%dma_wait3A_231 : memref<5x128x128xf32, #tpu.memory_space<hbm>>)
        tpu.yield
      }) : () -> ()
      %mul3A_118 = arith.constant 128 : i32
      %mul3A_119 = arith.muli %add3A_17, %mul3A_118 : i32
      "tpu.region"() ({
        %run_scoped3A = tpu.sem_alloc : memref<!tpu.dma_semaphore, #tpu.memory_space<semaphore_mem>>
        %dma_start3A_220 = tpu.memref_slice %arg7[%mul3A_119] : memref<102400xi32, #tpu.memory_space<hbm>> -> memref<640xi32, #tpu.memory_space<hbm>>
        %dma_start3A_221 = tpu.memref_slice %arg7[%mul3A_119] : memref<102400xi32, #tpu.memory_space<hbm>> -> memref<640xi32, #tpu.memory_space<hbm>>
        tpu.enqueue_dma source(%dma_start3A_221 : memref<640xi32, #tpu.memory_space<hbm>>) target(%arg14 : memref<640xi32, #tpu.memory_space<vmem>>) target_semaphore(%run_scoped3A : memref<!tpu.dma_semaphore, #tpu.memory_space<semaphore_mem>>)
        %dma_wait3A_222 = tpu.memref_slice %arg7[%mul3A_119] : memref<102400xi32, #tpu.memory_space<hbm>> -> memref<640xi32, #tpu.memory_space<hbm>>
        %dma_wait3A_223 = tpu.memref_slice %arg7[%mul3A_119] : memref<102400xi32, #tpu.memory_space<hbm>> -> memref<640xi32, #tpu.memory_space<hbm>>
        tpu.wait_dma2 semaphore(%run_scoped3A : memref<!tpu.dma_semaphore, #tpu.memory_space<semaphore_mem>>) src(%dma_wait3A_223 : memref<640xi32, #tpu.memory_space<hbm>>) dst(%arg14 : memref<640xi32, #tpu.memory_space<vmem>>)
        tpu.yield
      }) : () -> ()
      %dma_start3A_120 = arith.constant 0 : i32
      %dma_start3A_121 = arith.constant 0 : i32
      %dma_start3A_122 = arith.constant 0 : i32
      %dma_start3A_123 = tpu.memref_slice %arg15[%dma_start3A_120, %dma_start3A_121, %dma_start3A_122] : memref<5x128x128xf32, #tpu.memory_space<vmem>> -> memref<1x128x128xf32, #tpu.memory_space<vmem>>
      %dma_start3A_124 = tpu.memref_squeeze %dma_start3A_123 : memref<1x128x128xf32, #tpu.memory_space<vmem>> -> memref<128x128xf32, #tpu.memory_space<vmem>>
      %dma_start3A_125 = arith.constant 0 : i32
      %dma_start3A_126 = tpu.memref_slice %arg14[%dma_start3A_125] : memref<640xi32, #tpu.memory_space<vmem>> -> memref<128xi32, #tpu.memory_space<vmem>>
      %dma_start3A_127 = arith.constant 0 : i32
      %dma_start3A_128 = arith.constant 0 : i32
      %dma_start3A_129 = tpu.memref_slice %arg4[%dma_start3A_127, %dma_start3A_128] : memref<8192x128xf32, #tpu.memory_space<hbm>> -> memref<8192x128xf32, #tpu.memory_space<hbm>>
      tpu.enqueue_indirect_dma source(%dma_start3A_129 : memref<8192x128xf32, #tpu.memory_space<hbm>>) target(%dma_start3A_124 : memref<128x128xf32, #tpu.memory_space<vmem>>) offsets(%dma_start3A_126 : memref<128xi32, #tpu.memory_space<vmem>>) semaphore(%arg19 : memref<!tpu.dma_semaphore, #tpu.memory_space<semaphore_mem>>)
      %dma_start3A_130 = arith.constant 1 : i32
      %dma_start3A_131 = arith.constant 0 : i32
      %dma_start3A_132 = arith.constant 0 : i32
      %dma_start3A_133 = tpu.memref_slice %arg15[%dma_start3A_130, %dma_start3A_131, %dma_start3A_132] : memref<5x128x128xf32, #tpu.memory_space<vmem>> -> memref<1x128x128xf32, #tpu.memory_space<vmem>>
      %dma_start3A_134 = tpu.memref_squeeze %dma_start3A_133 : memref<1x128x128xf32, #tpu.memory_space<vmem>> -> memref<128x128xf32, #tpu.memory_space<vmem>>
      %dma_start3A_135 = arith.constant 128 : i32
      %dma_start3A_136 = tpu.memref_slice %arg14[%dma_start3A_135] : memref<640xi32, #tpu.memory_space<vmem>> -> memref<128xi32, #tpu.memory_space<vmem>>
      %dma_start3A_137 = arith.constant 0 : i32
      %dma_start3A_138 = arith.constant 0 : i32
      %dma_start3A_139 = tpu.memref_slice %arg4[%dma_start3A_137, %dma_start3A_138] : memref<8192x128xf32, #tpu.memory_space<hbm>> -> memref<8192x128xf32, #tpu.memory_space<hbm>>
      tpu.enqueue_indirect_dma source(%dma_start3A_139 : memref<8192x128xf32, #tpu.memory_space<hbm>>) target(%dma_start3A_134 : memref<128x128xf32, #tpu.memory_space<vmem>>) offsets(%dma_start3A_136 : memref<128xi32, #tpu.memory_space<vmem>>) semaphore(%arg19 : memref<!tpu.dma_semaphore, #tpu.memory_space<semaphore_mem>>)
      %dma_start3A_140 = arith.constant 2 : i32
      %dma_start3A_141 = arith.constant 0 : i32
      %dma_start3A_142 = arith.constant 0 : i32
      %dma_start3A_143 = tpu.memref_slice %arg15[%dma_start3A_140, %dma_start3A_141, %dma_start3A_142] : memref<5x128x128xf32, #tpu.memory_space<vmem>> -> memref<1x128x128xf32, #tpu.memory_space<vmem>>
      %dma_start3A_144 = tpu.memref_squeeze %dma_start3A_143 : memref<1x128x128xf32, #tpu.memory_space<vmem>> -> memref<128x128xf32, #tpu.memory_space<vmem>>
      %dma_start3A_145 = arith.constant 256 : i32
      %dma_start3A_146 = tpu.memref_slice %arg14[%dma_start3A_145] : memref<640xi32, #tpu.memory_space<vmem>> -> memref<128xi32, #tpu.memory_space<vmem>>
      %dma_start3A_147 = arith.constant 0 : i32
      %dma_start3A_148 = arith.constant 0 : i32
      %dma_start3A_149 = tpu.memref_slice %arg4[%dma_start3A_147, %dma_start3A_148] : memref<8192x128xf32, #tpu.memory_space<hbm>> -> memref<8192x128xf32, #tpu.memory_space<hbm>>
      tpu.enqueue_indirect_dma source(%dma_start3A_149 : memref<8192x128xf32, #tpu.memory_space<hbm>>) target(%dma_start3A_144 : memref<128x128xf32, #tpu.memory_space<vmem>>) offsets(%dma_start3A_146 : memref<128xi32, #tpu.memory_space<vmem>>) semaphore(%arg19 : memref<!tpu.dma_semaphore, #tpu.memory_space<semaphore_mem>>)
      %dma_start3A_150 = arith.constant 3 : i32
      %dma_start3A_151 = arith.constant 0 : i32
      %dma_start3A_152 = arith.constant 0 : i32
      %dma_start3A_153 = tpu.memref_slice %arg15[%dma_start3A_150, %dma_start3A_151, %dma_start3A_152] : memref<5x128x128xf32, #tpu.memory_space<vmem>> -> memref<1x128x128xf32, #tpu.memory_space<vmem>>
      %dma_start3A_154 = tpu.memref_squeeze %dma_start3A_153 : memref<1x128x128xf32, #tpu.memory_space<vmem>> -> memref<128x128xf32, #tpu.memory_space<vmem>>
      %dma_start3A_155 = arith.constant 384 : i32
      %dma_start3A_156 = tpu.memref_slice %arg14[%dma_start3A_155] : memref<640xi32, #tpu.memory_space<vmem>> -> memref<128xi32, #tpu.memory_space<vmem>>
      %dma_start3A_157 = arith.constant 0 : i32
      %dma_start3A_158 = arith.constant 0 : i32
      %dma_start3A_159 = tpu.memref_slice %arg4[%dma_start3A_157, %dma_start3A_158] : memref<8192x128xf32, #tpu.memory_space<hbm>> -> memref<8192x128xf32, #tpu.memory_space<hbm>>
      tpu.enqueue_indirect_dma source(%dma_start3A_159 : memref<8192x128xf32, #tpu.memory_space<hbm>>) target(%dma_start3A_154 : memref<128x128xf32, #tpu.memory_space<vmem>>) offsets(%dma_start3A_156 : memref<128xi32, #tpu.memory_space<vmem>>) semaphore(%arg19 : memref<!tpu.dma_semaphore, #tpu.memory_space<semaphore_mem>>)
      %dma_start3A_160 = arith.constant 4 : i32
      %dma_start3A_161 = arith.constant 0 : i32
      %dma_start3A_162 = arith.constant 0 : i32
      %dma_start3A_163 = tpu.memref_slice %arg15[%dma_start3A_160, %dma_start3A_161, %dma_start3A_162] : memref<5x128x128xf32, #tpu.memory_space<vmem>> -> memref<1x128x128xf32, #tpu.memory_space<vmem>>
      %dma_start3A_164 = tpu.memref_squeeze %dma_start3A_163 : memref<1x128x128xf32, #tpu.memory_space<vmem>> -> memref<128x128xf32, #tpu.memory_space<vmem>>
      %dma_start3A_165 = arith.constant 512 : i32
      %dma_start3A_166 = tpu.memref_slice %arg14[%dma_start3A_165] : memref<640xi32, #tpu.memory_space<vmem>> -> memref<128xi32, #tpu.memory_space<vmem>>
      %dma_start3A_167 = arith.constant 0 : i32
      %dma_start3A_168 = arith.constant 0 : i32
      %dma_start3A_169 = tpu.memref_slice %arg4[%dma_start3A_167, %dma_start3A_168] : memref<8192x128xf32, #tpu.memory_space<hbm>> -> memref<8192x128xf32, #tpu.memory_space<hbm>>
      tpu.enqueue_indirect_dma source(%dma_start3A_169 : memref<8192x128xf32, #tpu.memory_space<hbm>>) target(%dma_start3A_164 : memref<128x128xf32, #tpu.memory_space<vmem>>) offsets(%dma_start3A_166 : memref<128xi32, #tpu.memory_space<vmem>>) semaphore(%arg19 : memref<!tpu.dma_semaphore, #tpu.memory_space<semaphore_mem>>)
      %dma_wait3A_170 = arith.constant 0 : i32
      %dma_wait3A_171 = arith.constant 0 : i32
      %dma_wait3A_172 = arith.constant 0 : i32
      %dma_wait3A_173 = tpu.memref_slice %arg15[%dma_wait3A_170, %dma_wait3A_171, %dma_wait3A_172] : memref<5x128x128xf32, #tpu.memory_space<vmem>> -> memref<1x128x128xf32, #tpu.memory_space<vmem>>
      %dma_wait3A_174 = tpu.memref_squeeze %dma_wait3A_173 : memref<1x128x128xf32, #tpu.memory_space<vmem>> -> memref<128x128xf32, #tpu.memory_space<vmem>>
      %dma_wait3A_175 = arith.constant 0 : i32
      %dma_wait3A_176 = tpu.memref_slice %arg14[%dma_wait3A_175] : memref<640xi32, #tpu.memory_space<vmem>> -> memref<128xi32, #tpu.memory_space<vmem>>
      %dma_wait3A_177 = arith.constant 0 : i32
      %dma_wait3A_178 = arith.constant 0 : i32
      %dma_wait3A_179 = tpu.memref_slice %arg4[%dma_wait3A_177, %dma_wait3A_178] : memref<8192x128xf32, #tpu.memory_space<hbm>> -> memref<8192x128xf32, #tpu.memory_space<hbm>>
      tpu.wait_indirect_dma semaphore(%arg19 : memref<!tpu.dma_semaphore, #tpu.memory_space<semaphore_mem>>) src(%dma_wait3A_179 : memref<8192x128xf32, #tpu.memory_space<hbm>>) dst(%dma_wait3A_174 : memref<128x128xf32, #tpu.memory_space<vmem>>)
      %dma_wait3A_180 = arith.constant 1 : i32
      %dma_wait3A_181 = arith.constant 0 : i32
      %dma_wait3A_182 = arith.constant 0 : i32
      %dma_wait3A_183 = tpu.memref_slice %arg15[%dma_wait3A_180, %dma_wait3A_181, %dma_wait3A_182] : memref<5x128x128xf32, #tpu.memory_space<vmem>> -> memref<1x128x128xf32, #tpu.memory_space<vmem>>
      %dma_wait3A_184 = tpu.memref_squeeze %dma_wait3A_183 : memref<1x128x128xf32, #tpu.memory_space<vmem>> -> memref<128x128xf32, #tpu.memory_space<vmem>>
      %dma_wait3A_185 = arith.constant 128 : i32
      %dma_wait3A_186 = tpu.memref_slice %arg14[%dma_wait3A_185] : memref<640xi32, #tpu.memory_space<vmem>> -> memref<128xi32, #tpu.memory_space<vmem>>
      %dma_wait3A_187 = arith.constant 0 : i32
      %dma_wait3A_188 = arith.constant 0 : i32
      %dma_wait3A_189 = tpu.memref_slice %arg4[%dma_wait3A_187, %dma_wait3A_188] : memref<8192x128xf32, #tpu.memory_space<hbm>> -> memref<8192x128xf32, #tpu.memory_space<hbm>>
      tpu.wait_indirect_dma semaphore(%arg19 : memref<!tpu.dma_semaphore, #tpu.memory_space<semaphore_mem>>) src(%dma_wait3A_189 : memref<8192x128xf32, #tpu.memory_space<hbm>>) dst(%dma_wait3A_184 : memref<128x128xf32, #tpu.memory_space<vmem>>)
      %dma_wait3A_190 = arith.constant 2 : i32
      %dma_wait3A_191 = arith.constant 0 : i32
      %dma_wait3A_192 = arith.constant 0 : i32
      %dma_wait3A_193 = tpu.memref_slice %arg15[%dma_wait3A_190, %dma_wait3A_191, %dma_wait3A_192] : memref<5x128x128xf32, #tpu.memory_space<vmem>> -> memref<1x128x128xf32, #tpu.memory_space<vmem>>
      %dma_wait3A_194 = tpu.memref_squeeze %dma_wait3A_193 : memref<1x128x128xf32, #tpu.memory_space<vmem>> -> memref<128x128xf32, #tpu.memory_space<vmem>>
      %dma_wait3A_195 = arith.constant 256 : i32
      %dma_wait3A_196 = tpu.memref_slice %arg14[%dma_wait3A_195] : memref<640xi32, #tpu.memory_space<vmem>> -> memref<128xi32, #tpu.memory_space<vmem>>
      %dma_wait3A_197 = arith.constant 0 : i32
      %dma_wait3A_198 = arith.constant 0 : i32
      %dma_wait3A_199 = tpu.memref_slice %arg4[%dma_wait3A_197, %dma_wait3A_198] : memref<8192x128xf32, #tpu.memory_space<hbm>> -> memref<8192x128xf32, #tpu.memory_space<hbm>>
      tpu.wait_indirect_dma semaphore(%arg19 : memref<!tpu.dma_semaphore, #tpu.memory_space<semaphore_mem>>) src(%dma_wait3A_199 : memref<8192x128xf32, #tpu.memory_space<hbm>>) dst(%dma_wait3A_194 : memref<128x128xf32, #tpu.memory_space<vmem>>)
      %dma_wait3A_200 = arith.constant 3 : i32
      %dma_wait3A_201 = arith.constant 0 : i32
      %dma_wait3A_202 = arith.constant 0 : i32
      %dma_wait3A_203 = tpu.memref_slice %arg15[%dma_wait3A_200, %dma_wait3A_201, %dma_wait3A_202] : memref<5x128x128xf32, #tpu.memory_space<vmem>> -> memref<1x128x128xf32, #tpu.memory_space<vmem>>
      %dma_wait3A_204 = tpu.memref_squeeze %dma_wait3A_203 : memref<1x128x128xf32, #tpu.memory_space<vmem>> -> memref<128x128xf32, #tpu.memory_space<vmem>>
      %dma_wait3A_205 = arith.constant 384 : i32
      %dma_wait3A_206 = tpu.memref_slice %arg14[%dma_wait3A_205] : memref<640xi32, #tpu.memory_space<vmem>> -> memref<128xi32, #tpu.memory_space<vmem>>
      %dma_wait3A_207 = arith.constant 0 : i32
      %dma_wait3A_208 = arith.constant 0 : i32
      %dma_wait3A_209 = tpu.memref_slice %arg4[%dma_wait3A_207, %dma_wait3A_208] : memref<8192x128xf32, #tpu.memory_space<hbm>> -> memref<8192x128xf32, #tpu.memory_space<hbm>>
      tpu.wait_indirect_dma semaphore(%arg19 : memref<!tpu.dma_semaphore, #tpu.memory_space<semaphore_mem>>) src(%dma_wait3A_209 : memref<8192x128xf32, #tpu.memory_space<hbm>>) dst(%dma_wait3A_204 : memref<128x128xf32, #tpu.memory_space<vmem>>)
      %dma_wait3A_210 = arith.constant 4 : i32
      %dma_wait3A_211 = arith.constant 0 : i32
      %dma_wait3A_212 = arith.constant 0 : i32
      %dma_wait3A_213 = tpu.memref_slice %arg15[%dma_wait3A_210, %dma_wait3A_211, %dma_wait3A_212] : memref<5x128x128xf32, #tpu.memory_space<vmem>> -> memref<1x128x128xf32, #tpu.memory_space<vmem>>
      %dma_wait3A_214 = tpu.memref_squeeze %dma_wait3A_213 : memref<1x128x128xf32, #tpu.memory_space<vmem>> -> memref<128x128xf32, #tpu.memory_space<vmem>>
      %dma_wait3A_215 = arith.constant 512 : i32
      %dma_wait3A_216 = tpu.memref_slice %arg14[%dma_wait3A_215] : memref<640xi32, #tpu.memory_space<vmem>> -> memref<128xi32, #tpu.memory_space<vmem>>
      %dma_wait3A_217 = arith.constant 0 : i32
      %dma_wait3A_218 = arith.constant 0 : i32
      %dma_wait3A_219 = tpu.memref_slice %arg4[%dma_wait3A_217, %dma_wait3A_218] : memref<8192x128xf32, #tpu.memory_space<hbm>> -> memref<8192x128xf32, #tpu.memory_space<hbm>>
      tpu.wait_indirect_dma semaphore(%arg19 : memref<!tpu.dma_semaphore, #tpu.memory_space<semaphore_mem>>) src(%dma_wait3A_219 : memref<8192x128xf32, #tpu.memory_space<hbm>>) dst(%dma_wait3A_214 : memref<128x128xf32, #tpu.memory_space<vmem>>)
      "tpu.region"() ({
        %run_scoped3A = tpu.sem_alloc : memref<!tpu.dma_semaphore, #tpu.memory_space<semaphore_mem>>
        %dma_start3A_220 = arith.constant 0 : i32
        %dma_start3A_221 = arith.constant 0 : i32
        %dma_start3A_222 = tpu.memref_slice %arg13[%add3A_17, %dma_start3A_220, %dma_start3A_221] : memref<800x128x128xf32, #tpu.memory_space<hbm>> -> memref<5x128x128xf32, #tpu.memory_space<hbm>>
        %dma_start3A_223 = arith.constant 0 : i32
        %dma_start3A_224 = arith.constant 0 : i32
        %dma_start3A_225 = tpu.memref_slice %arg13[%add3A_17, %dma_start3A_223, %dma_start3A_224] : memref<800x128x128xf32, #tpu.memory_space<hbm>> -> memref<5x128x128xf32, #tpu.memory_space<hbm>>
        tpu.enqueue_dma source(%arg15 : memref<5x128x128xf32, #tpu.memory_space<vmem>>) target(%dma_start3A_225 : memref<5x128x128xf32, #tpu.memory_space<hbm>>) target_semaphore(%run_scoped3A : memref<!tpu.dma_semaphore, #tpu.memory_space<semaphore_mem>>)
        %dma_wait3A_226 = arith.constant 0 : i32
        %dma_wait3A_227 = arith.constant 0 : i32
        %dma_wait3A_228 = tpu.memref_slice %arg13[%add3A_17, %dma_wait3A_226, %dma_wait3A_227] : memref<800x128x128xf32, #tpu.memory_space<hbm>> -> memref<5x128x128xf32, #tpu.memory_space<hbm>>
        %dma_wait3A_229 = arith.constant 0 : i32
        %dma_wait3A_230 = arith.constant 0 : i32
        %dma_wait3A_231 = tpu.memref_slice %arg13[%add3A_17, %dma_wait3A_229, %dma_wait3A_230] : memref<800x128x128xf32, #tpu.memory_space<hbm>> -> memref<5x128x128xf32, #tpu.memory_space<hbm>>
        tpu.wait_dma2 semaphore(%run_scoped3A : memref<!tpu.dma_semaphore, #tpu.memory_space<semaphore_mem>>) src(%arg15 : memref<5x128x128xf32, #tpu.memory_space<vmem>>) dst(%dma_wait3A_231 : memref<5x128x128xf32, #tpu.memory_space<hbm>>)
        tpu.yield
      }) : () -> ()
    }
    %scan3A_11 = arith.constant 5 : i32
    return
  }
}

module attributes {stable_mosaic.version = 14 : i64} {
  func.func @_mm_body(%arg0: i32, %arg1: i32, %arg2: memref<16x128x128xf32, #tpu.memory_space<vmem>>, %arg3: memref<16x128x128xf32, #tpu.memory_space<vmem>>, %arg4: memref<16x128x128xf32, #tpu.memory_space<vmem>>, %arg5: memref<1x128x256xf32, #tpu.memory_space<vmem>>, %arg6: memref<128x256xf32, #tpu.memory_space<vmem>>, %arg7: memref<128x256xf32, #tpu.memory_space<vmem>>, %arg8: memref<1x256xf32, #tpu.memory_space<vmem>>, %arg9: memref<2048x256xf32, #tpu.memory_space<vmem>>) attributes {dimension_semantics = [#tpu.dimension_semantics<arbitrary>, #tpu.dimension_semantics<arbitrary>], iteration_bounds = array<i64: 50, 7>, scalar_prefetch = 0 : i64, scratch_operands = 0 : i64, tpu.core_type = #tpu.core_type<tc>, window_params = [{transform_indices = @transform_0, window_bounds = array<i64: 16, 128, 128>}, {transform_indices = @transform_1, window_bounds = array<i64: 16, 128, 128>}, {transform_indices = @transform_2, window_bounds = array<i64: 16, 128, 128>}, {transform_indices = @transform_3, window_bounds = array<i64: 1, 128, 256>}, {pipeline_mode = #tpu.pipeline_mode<synchronous>, transform_indices = @transform_4, window_bounds = array<i64: 128, 256>}, {pipeline_mode = #tpu.pipeline_mode<synchronous>, transform_indices = @transform_5, window_bounds = array<i64: 128, 256>}, {pipeline_mode = #tpu.pipeline_mode<synchronous>, transform_indices = @transform_6, window_bounds = array<i64: 1, 256>}, {transform_indices = @transform_7, window_bounds = array<i64: 2048, 256>}]} {
    %eq3A = arith.constant 0 : i32
    %eq3A_0 = arith.cmpi eq, %arg1, %eq3A : i32
    %convert_element_type3A = arith.extui %eq3A_0 : i1 to i32
    %cond3A = arith.constant 0 : i32
    %cond3A_1 = arith.cmpi ne, %convert_element_type3A, %cond3A : i32
    scf.if %cond3A_1 {
      %get3A_16 = arith.constant 0 : index
      %get3A_17 = arith.constant 0 : index
      %get3A_18 = arith.constant 0 : index
      %get3A_19 = vector.load %arg3[%get3A_16, %get3A_17, %get3A_18] : memref<16x128x128xf32, #tpu.memory_space<vmem>>, vector<16x128x128xf32>
      %reshape3A_20 = vector.shape_cast %get3A_19 : vector<16x128x128xf32> to vector<2048x128xf32>
      %get3A_21 = arith.constant 0 : index
      %get3A_22 = arith.constant 0 : index
      %get3A_23 = vector.load %arg6[%get3A_21, %get3A_22] : memref<128x256xf32, #tpu.memory_space<vmem>>, vector<128x256xf32>
      %dot_general3A_24 = arith.constant dense<0.000000e+00> : vector<2048x256xf32>
      %dot_general3A_25 = tpu.matmul %reshape3A_20, %get3A_23, %dot_general3A_24 {dimension_numbers = #tpu.dot_dimension_numbers<[1], [0], [0], [1], [0, 0, 1, 1], [], []>, transpose_lhs_hint = false} : vector<2048x128xf32>, vector<128x256xf32>, vector<2048x256xf32> -> vector<2048x256xf32>
      %get3A_26 = arith.constant 0 : index
      %get3A_27 = arith.constant 0 : index
      %get3A_28 = arith.constant 0 : index
      %get3A_29 = vector.load %arg4[%get3A_26, %get3A_27, %get3A_28] : memref<16x128x128xf32, #tpu.memory_space<vmem>>, vector<16x128x128xf32>
      %reshape3A_30 = vector.shape_cast %get3A_29 : vector<16x128x128xf32> to vector<2048x128xf32>
      %get3A_31 = arith.constant 0 : index
      %get3A_32 = arith.constant 0 : index
      %get3A_33 = vector.load %arg7[%get3A_31, %get3A_32] : memref<128x256xf32, #tpu.memory_space<vmem>>, vector<128x256xf32>
      %dot_general3A_34 = arith.constant dense<0.000000e+00> : vector<2048x256xf32>
      %dot_general3A_35 = tpu.matmul %reshape3A_30, %get3A_33, %dot_general3A_34 {dimension_numbers = #tpu.dot_dimension_numbers<[1], [0], [0], [1], [0, 0, 1, 1], [], []>, transpose_lhs_hint = false} : vector<2048x128xf32>, vector<128x256xf32>, vector<2048x256xf32> -> vector<2048x256xf32>
      %add3A_36 = arith.addf %dot_general3A_25, %dot_general3A_35 : vector<2048x256xf32>
      %get3A_37 = arith.constant 0 : index
      %get3A_38 = arith.constant 0 : index
      %get3A_39 = vector.load %arg8[%get3A_37, %get3A_38] : memref<1x256xf32, #tpu.memory_space<vmem>>, vector<1x256xf32>
      %add3A_40 = vector.broadcast %get3A_39 : vector<1x256xf32> to vector<2048x256xf32>
      %add3A_41 = arith.addf %add3A_36, %add3A_40 : vector<2048x256xf32>
      %swap3A_42 = arith.constant 0 : index
      %swap3A_43 = arith.constant 0 : index
      %swap3A_44 = vector.load %arg9[%swap3A_42, %swap3A_43] : memref<2048x256xf32, #tpu.memory_space<vmem>>, vector<2048x256xf32>
      tpu.vector_store %arg9[%swap3A_42, %swap3A_43], %add3A_41 {strides = array<i32>} : memref<2048x256xf32, #tpu.memory_space<vmem>>, vector<2048x256xf32>,
    } else {
    }
    %get3A = arith.constant 0 : index
    %get3A_2 = arith.constant 0 : index
    %get3A_3 = vector.load %arg9[%get3A, %get3A_2] : memref<2048x256xf32, #tpu.memory_space<vmem>>, vector<2048x256xf32>
    %get3A_4 = arith.constant 0 : index
    %get3A_5 = arith.constant 0 : index
    %get3A_6 = arith.constant 0 : index
    %get3A_7 = vector.load %arg2[%get3A_4, %get3A_5, %get3A_6] : memref<16x128x128xf32, #tpu.memory_space<vmem>>, vector<16x128x128xf32>
    %reshape3A = vector.shape_cast %get3A_7 : vector<16x128x128xf32> to vector<2048x128xf32>
    %get3A_8 = arith.constant 0 : index
    %get3A_9 = arith.constant 0 : index
    %get3A_10 = arith.constant 0 : index
    %get3A_11 = vector.load %arg5[%get3A_8, %get3A_9, %get3A_10] : memref<1x128x256xf32, #tpu.memory_space<vmem>>, vector<1x128x256xf32>
    %get3A_12 = vector.shape_cast %get3A_11 : vector<1x128x256xf32> to vector<128x256xf32>
    %dot_general3A = arith.constant dense<0.000000e+00> : vector<2048x256xf32>
    %dot_general3A_13 = tpu.matmul %reshape3A, %get3A_12, %dot_general3A {dimension_numbers = #tpu.dot_dimension_numbers<[1], [0], [0], [1], [0, 0, 1, 1], [], []>, transpose_lhs_hint = false} : vector<2048x128xf32>, vector<128x256xf32>, vector<2048x256xf32> -> vector<2048x256xf32>
    %add3A = arith.addf %get3A_3, %dot_general3A_13 : vector<2048x256xf32>
    %swap3A = arith.constant 0 : index
    %swap3A_14 = arith.constant 0 : index
    %swap3A_15 = vector.load %arg9[%swap3A, %swap3A_14] : memref<2048x256xf32, #tpu.memory_space<vmem>>, vector<2048x256xf32>
    tpu.vector_store %arg9[%swap3A, %swap3A_14], %add3A {strides = array<i32>} : memref<2048x256xf32, #tpu.memory_space<vmem>>, vector<2048x256xf32>,
    return
  }
  func.func @transform_0(%arg0: i32, %arg1: i32) -> (i32, i32, i32) {
    %mul3A = arith.constant 50 : i32
    %mul3A_0 = arith.muli %arg1, %mul3A : i32
    %add3A = arith.addi %mul3A_0, %arg0 : i32
    %c0_i32 = arith.constant 0 : i32
    %c0_i32_1 = arith.constant 0 : i32
    %c0_i32_2 = arith.constant 0 : i32
    return %add3A, %c0_i32, %c0_i32_1 : i32, i32, i32
  }
  func.func @transform_1(%arg0: i32, %arg1: i32) -> (i32, i32, i32) {
    %c0_i32 = arith.constant 0 : i32
    %c0_i32_0 = arith.constant 0 : i32
    %c0_i32_1 = arith.constant 0 : i32
    return %arg0, %c0_i32, %c0_i32_0 : i32, i32, i32
  }
  func.func @transform_2(%arg0: i32, %arg1: i32) -> (i32, i32, i32) {
    %c0_i32 = arith.constant 0 : i32
    %c0_i32_0 = arith.constant 0 : i32
    %c0_i32_1 = arith.constant 0 : i32
    return %arg0, %c0_i32, %c0_i32_0 : i32, i32, i32
  }
  func.func @transform_3(%arg0: i32, %arg1: i32) -> (i32, i32, i32) {
    %c0_i32 = arith.constant 0 : i32
    %c0_i32_0 = arith.constant 0 : i32
    %c0_i32_1 = arith.constant 0 : i32
    return %arg1, %c0_i32, %c0_i32_0 : i32, i32, i32
  }
  func.func @transform_4(%arg0: i32, %arg1: i32) -> (i32, i32) {
    %c0_i32 = arith.constant 0 : i32
    %c0_i32_0 = arith.constant 0 : i32
    %c0_i32_1 = arith.constant 0 : i32
    return %c0_i32, %c0_i32_0 : i32, i32
  }
  func.func @transform_5(%arg0: i32, %arg1: i32) -> (i32, i32) {
    %c0_i32 = arith.constant 0 : i32
    %c0_i32_0 = arith.constant 0 : i32
    %c0_i32_1 = arith.constant 0 : i32
    return %c0_i32, %c0_i32_0 : i32, i32
  }
  func.func @transform_6(%arg0: i32, %arg1: i32) -> (i32, i32) {
    %c0_i32 = arith.constant 0 : i32
    %c0_i32_0 = arith.constant 0 : i32
    %c0_i32_1 = arith.constant 0 : i32
    return %c0_i32, %c0_i32_0 : i32, i32
  }
  func.func @transform_7(%arg0: i32, %arg1: i32) -> (i32, i32) {
    %c0_i32 = arith.constant 0 : i32
    %c0_i32_0 = arith.constant 0 : i32
    return %arg0, %c0_i32 : i32, i32
  }
}

</mosaic_0001>

<sc_bundles>
// kernel: kernel.4.cloned.1.call-start
scs
__scs_entry_jumppad:
0x0: {  	(pc) =	sbr.rel $0x88, $3  }
0x1: {  	(tag) =	ssettag $0x0;
	lr =	simm.s32 $0x1  }
0x2: {  	[smem:$0x3F95] =	sst lr;
	_ =	strace $0xD0000000  }
0x3: {  	_ = 	snop  }
0x4: {  	_ = 	snop  }
0x5: {  	_ = 	snop  }
0x6: {  	_ = 	snop  }
0x7: {  	_ = 	snop  }
__scs_overlays_trampoline_lowered:
0x8: {  	[smem:$0x3FA4] =	sst s0  }
0x9: {  	[smem:$0x3FA5] =	sst s1  }
0xa: {  	[smem:$0x3FA6] =	sst s2  }
0xb: {  	[smem:$0x3FA7] =	sst s3  }
0xc: {  	[smem:$0x3FA8] =	sst s4  }
0xd: {  	[smem:$0x3FA9] =	sst s5  }
0xe: {  	[smem:$0x3FAA] =	sst s6  }
0xf: {  	[smem:$0x3FAB] =	sst s7  }
0x10: {  	[smem:$0x3FAC] =	sst s8  }
0x11: {  	[smem:$0x3FAD] =	sst s9;
	s0 =	simm.s32 @!p0 $0x0  }
0x12: {  	s1 =	sld [smem:$0x3F93];
	s0 =	simm.s32 @p0 $0x1  }
0x13: {  	[smem:$0x3FAE] =	sst s0;
	s0 =	simm.s32 @!p1 $0x0  }
0x14: {  	s2 =	sld [smem:$0x3F92];
	s0 =	simm.s32 @p1 $0x1  }
0x15: {  	[smem:$0x3FAF] =	sst s0;
	s0 =	simm.s32 @!p2 $0x0  }
0x16: {  	s3 =	sld [smem:$0x3FDB];
	s0 =	simm.s32 @p2 $0x1  }
0x17: {  	s4 =	simm.s32 $0x1BF5;
	[smem:$0x3FB1] =	sst s0  }
0x18: {  	s0 =	sld [smem:$0x3F94];
	_ =	swait.ge [sflag:s4], $0x0  }
0x19: {  	s7 =	sld [smem:$0x3F95]  }
0x1a: {  	s8 =	sadd.s32 $0xFFFFE003, lr  }
0x1b: {  	s9 =	sadd.s32 $0xFFFFFEF7, lr;
	s5 =	simm.s32 $0xFFFFFFFF;
	p2 =	slt.u32 s8, $0xFFFFF086  }
0x1c: {  	p1 =	slt.u32 s9, $0xF7A;
	s5 =	simm.s32 @!p2 $0x0  }
0x1d: {  	s5 =	simm.s32 @p1 $0x1;
	p0 =	seq.s32 s7, s2  }
0x1e: {  	s7 =	smul.u32 @!p0 $0xF7A, s2;
	p2 =	seq.s32 @!p0 s5, $0x0  }
0x1f: {  	s9 =	smul.u32 $0xF7A, s1;
	s8 =	simm.s32 @!p0 $0x1BF5;
	p2 =	por !p2, p0  }
0x20: {  	[sflag:s8] =	ssyncset.s32 @!p0 $0xFFFFF086;
	s6 =	sadd.s32 @!p0 s3, s7;
	s7 =	simm.s32 @!p0 $0x108  }
0x21: {  	s3 =	sadd.s32 s3, s9;
	s6 =	sadd.s32 @!p0 $0x88, s6;
	s7 =	simm.s32 @p2 $0x1082  }
0x22: {  	[simem:s7], [sflag:s8] =	dma.local @!p0 [hbm:s6], $0xF7A  }
0x23: {  	s9 =	sor.u32 $0xD0000000, s2;
	s6 =	simm.s32 $0x108;
	_ =	swait.ge @!p0 [sflag:s8], $0x0  }
0x24: {  	s3 =	sadd.s32 $0x88, s3;
	s6 =	simm.s32 @!p1 $0x1082;
	[sflag:s4] =	ssyncset.s32 $0xFFFFF086  }
0x25: {  	[simem:s6], [sflag:s4] =	dma.local [hbm:s3], $0xF7A  }
0x26: {  	[smem:$0x3F95] =	sst s1;
	(tag) =	ssettag s2;
	_ =	strace s9  }
0x27: {  	s1 =	sld [smem:$0x3FA5]  }
0x28: {  	s2 =	sld [smem:$0x3FA6]  }
0x29: {  	s4 =	sld [smem:$0x3FA8]  }
0x2a: {  	p0 =	seq.s32 s5, $0x0;
	s5 =	sld [smem:$0x3FA9]  }
0x2b: {  	s6 =	sld [smem:$0x3FAA]  }
0x2c: {  	s7 =	sld [smem:$0x3FAB]  }
0x2d: {  	s3 =	simm.s32 $0x108;
	s8 =	sld [smem:$0x3FAC]  }
0x2e: {  	s3 =	simm.s32 @!p0 $0x1082;
	s9 =	sld [smem:$0x3FAD]  }
0x2f: {  	lr =	sadd.s32 s0, s3;
	s0 =	sld [smem:$0x3FA4]  }
0x30: {  	s3 =	sld [smem:$0x3FA7]  }
0x31: {  	[smem:$0x3FB0] =	sst s10  }
0x32: {  	s10 =	sld [smem:$0x3FAE];
	_ =	sdelay $0x3  }
0x33: {  	p0 =	seq.s32 s10, $0x1;
	s10 =	sld [smem:$0x3FB0];
	_ =	sdelay $0x3  }
0x34: {  	[smem:$0x3FB0] =	sst s10  }
0x35: {  	s10 =	sld [smem:$0x3FAF];
	_ =	sdelay $0x3  }
0x36: {  	p1 =	seq.s32 s10, $0x1;
	s10 =	sld [smem:$0x3FB0];
	_ =	sdelay $0x3  }
0x37: {  	[smem:$0x3FB0] =	sst s10  }
0x38: {  	s10 =	sld [smem:$0x3FB1]  }
0x39: {  	_ = 	snop;
	(pc) =	sbr.ind lr, $3  }
0x3a: {  	_ = 	snop  }
0x3b: {  	_ = 	snop  }
0x3c: {  	p2 =	seq.s32 s10, $0x1;
	s10 =	sld [smem:$0x3FB0]  }
0x3d: {  	_ =	shalt  }
0x3e: {  	_ =	shalt  }
0x3f: {  	_ =	shalt  }
0x40: {  	_ =	shalt  }
0x41: {  	_ =	shalt  }
0x42: {  	_ =	shalt  }
0x43: {  	_ =	shalt  }
0x44: {  	_ =	shalt  }
0x45: {  	_ =	shalt  }
0x46: {  	_ =	shalt  }
0x47: {  	_ =	shalt  }
0x48: {  	_ =	shalt  }
0x49: {  	_ =	shalt  }
0x4a: {  	_ =	shalt  }
0x4b: {  	_ =	shalt  }
0x4c: {  	_ =	shalt  }
0x4d: {  	_ =	shalt  }
0x4e: {  	_ =	shalt  }
0x4f: {  	_ =	shalt  }
0x50: {  	_ =	shalt  }
0x51: {  	_ =	shalt  }
0x52: {  	_ =	shalt  }
0x53: {  	_ =	shalt  }
0x54: {  	_ =	shalt  }
0x55: {  	_ =	shalt  }
0x56: {  	_ =	shalt  }
0x57: {  	_ =	shalt  }
0x58: {  	_ =	shalt  }
0x59: {  	_ =	shalt  }
0x5a: {  	_ =	shalt  }
0x5b: {  	_ =	shalt  }
0x5c: {  	_ =	shalt  }
0x5d: {  	_ =	shalt  }
0x5e: {  	_ =	shalt  }
0x5f: {  	_ =	shalt  }
0x60: {  	_ =	shalt  }
0x61: {  	_ =	shalt  }
0x62: {  	_ =	shalt  }
0x63: {  	_ =	shalt  }
0x64: {  	_ =	shalt  }
0x65: {  	_ =	shalt  }
0x66: {  	_ =	shalt  }
0x67: {  	_ =	shalt  }
0x68: {  	_ =	shalt  }
0x69: {  	_ =	shalt  }
0x6a: {  	_ =	shalt  }
0x6b: {  	_ =	shalt  }
0x6c: {  	_ =	shalt  }
0x6d: {  	_ =	shalt  }
0x6e: {  	_ =	shalt  }
0x6f: {  	_ =	shalt  }
0x70: {  	_ =	shalt  }
0x71: {  	_ =	shalt  }
0x72: {  	_ =	shalt  }
0x73: {  	_ =	shalt  }
0x74: {  	_ =	shalt  }
0x75: {  	_ =	shalt  }
0x76: {  	_ =	shalt  }
0x77: {  	_ =	shalt  }
0x78: {  	_ =	shalt  }
0x79: {  	_ =	shalt  }
0x7a: {  	_ =	shalt  }
0x7b: {  	_ =	shalt  }
0x7c: {  	_ =	shalt  }
0x7d: {  	_ =	shalt  }
0x7e: {  	_ =	shalt  }
0x7f: {  	_ =	shalt  }
0x80: {  	_ =	shalt  }
0x81: {  	_ =	shalt  }
0x82: {  	_ =	shalt  }
0x83: {  	_ =	shalt  }
0x84: {  	_ =	shalt  }
0x85: {  	_ =	shalt  }
0x86: {  	_ =	shalt  }
0x87: {  	_ =	shalt  }
.Lfunc_end0:
.L_simem_size_0:
called_computation_lowered:
.L_overlay_start_0:
0x88: {  	s2 =	sld [smem:$0x3FD9]  }
0x89: {  	s3 =	sld [smem:$0x3FFE];
	_ =	sdelay $0x1  }
0x8a: {  	s1 =	srdreg.scid  }
0x8b: {  	s0 =	sand.u32 $0x1, s1  }
0x8c: {  	s14 =	sshll.u32 s0, $0xA;
	s2 =	sadd.s32 s3, s2  }
0x8d: {  	s2 =	sadd.s32 s2, s14  }
0x8e: {  	[smem:$0x3FBC] =	sst s2  }
0x8f: {  	_ = 	snop  }
0x90: {  	s2 =	sld [smem:$0x3FD0];
	_ =	sdelay $0x2  }
0x91: {  	s15 =	simm.s32 $0xA;
	s4 =	simm.s32 $0x10  }
0x92: {  	[smem:s4], [sflag:s15] =	dma.local [hbm:s2], $0x1  }
0x93: {  	_ =	swait.eq [sflag:s15], $0x1  }
0x94: {  	[sflag:s15] =	ssyncset.done $0x0  }
0x95: {  	s16 =	sld [smem:$0x10];
	[sflag:s15] =	ssyncadd.s32 $0xFFFFFFFF  }
0x96: {  	s17 =	sld [smem:$0x11];
	(tm) =	ssettm $0x1  }
0x97: {  	s18 =	sld [smem:$0x3FFB];
	_ =	sdelay $0x3  }
0x98: {  	_ =	strace s18  }
0x99: {  	s4 =	sld [smem:$0x3FFC];
	_ =	sdelay $0x3  }
0x9a: {  	_ =	strace s4  }
0x9b: {  	s4 =	sld [smem:$0x3FFD];
	_ =	sdelay $0x3  }
0x9c: {  	_ =	strace s4  }
0x9d: {  	_ =	strace $0x8FFFFFFF  }
0x9e: {  	s19 =	sld [smem:$0x3FDB];
	_ =	sdelay $0x1  }
0x9f: {  	s5 =	simm.s32 $_scs_section_size  }
0xa0: {  	s6 =	simm.s32 $_size__tile_overlayer_lowered;
	s7 =	simm.s32 $_tile_overlayer_lowered  }
0xa1: {  	s22 =	simm.s32 $0x1BFF;
	s21 =	sshll.u32 s7, $0x1;
	s4 =	sadd.s32 s5, s19  }
0xa2: {  	s8 =	simm.s32 $0x0;
	s20 =	sshll.u32 s6, $0x1;
	s6 =	sadd.s32 s21, s4  }
0xa3: {  	[timem:s8], [sflag:s22] =	dma.local [hbm:s6], s20  }
0xa4: {  	_ =	swait.ge [sflag:s22], s20  }
0xa5: {  	s5 =	ssub.s32 $0x0, s20;
	[sflag:s22] =	ssyncset.done $0x0  }
0xa6: {  	[sflag:s22] =	ssyncadd.s32 s5;
	_ =	sdelay $0x1  }
0xa7: {  	s23 =	simm.s32 $0x1B8B  }
0xa8: {  	_ =	swait.ge [sflag:s23], $0x1  }
0xa9: {  	[sflag:s23] =	ssyncset.done $0x0  }
0xaa: {  	s25 =	simm.s32 $0x1B8E;
	s24 =	sld [smem:$0x3FFE];
	[sflag:s23] =	ssyncadd.s32 $0xFFFFFFFF  }
0xab: {  	s26 =	simm.s32 $execute0_lowered;
	[smem:$0x3FD2] =	sst s25  }
0xac: {  	s6 =	sshll.u32 s26, $0x1;
	_ =	strace $0x80000046;
	[dreg:$0x1] =	wrdreg $0xFFFFFFFF  }
0xad: {  	s28 =	simm.s32 $_size_execute0_lowered;
	s4 =	sadd.s32 s4, s6;
	[dreg:$0x0] =	wrdreg $0x0  }
0xae: {  	s6 =	sshll.u32 s28, $0x1;
	[dreg:$0x2] =	wrdreg s4  }
0xaf: {  	[dreg:$0x3] =	wrdreg s6  }
0xb0: {  	[dreg:$0x4] =	wrdreg $0xC0  }
0xb1: {  	_ =	task [dreg:s8], $0x5FFFF  }
0xb2: {  	[dreg:$0x1] =	wrdreg $0xFFFFFFFF  }
0xb3: {  	[dreg:$0x0] =	wrdreg $0x60  }
0xb4: {  	[dreg:$0x2] =	wrdreg s24  }
0xb5: {  	[dreg:$0x3] =	wrdreg s16  }
0xb6: {  	[dreg:$0x4] =	wrdreg s17  }
0xb7: {  	[dreg:$0x5] =	wrdreg $0x9  }
0xb8: {  	_ =	task.clear_ibuf [dreg:s8], $0x6FFFF;
	_ =	strace $0x90000046  }
0xb9: {  	s29 =	simm.s32 $0x9;
	_ =	strace $0x80000048  }
0xba: {  	_ =	swait.ge [sflag:s29], $0x1  }
0xbb: {  	[sflag:s29] =	ssyncadd.s32 $0xFFFFFFFF  }
0xbc: {  	_ =	strace $0x90000048  }
0xbd: {  	_ =	sfence  }
0xbe: {  	s30 =	sld [smem:$0x0];
	_ =	sdelay $0x2  }
0xbf: {  	s31 =	sshll.u32 s1, $0xD;
	s1 =	sshrl.u32 s1, $0x2  }
0xc0: {  	s3 =	sand.u32 $0x4000, s31;
	s1 =	sadd.s32 s1, s30  }
0xc1: {  	s0 =	sor.u32 s3, s0;
	s1 =	sshll.u32 s1, $0x11  }
0xc2: {  	s0 =	sor.u32 s1, s0  }
0xc3: {  	s0 =	sadd.s32 $0x8F2B, s0  }
0xc4: {  	[sflag:s0] =	ssyncadd.remote.s32 $0x1  }
0xc5: {  	_ =	sfence.sel $0xFFFF  }
0xc6: {  	[dreg:$0x0] =	wrdreg $0xFFFFFFFF;
	(pc) =	sbr.abs _section_cstart, $3  }
0xc7: {  	[dreg:$0x1] =	wrdreg $0xFFFFFFFF  }
0xc8: {  	_ =	task.clear_ibuf [dreg:s8], $0x2FFFF;
	_ =	strace $0x9FFFFFFF  }
0xc9: {  	(tm) =	ssettm $0x7FFFFFFF  }
tec
execute0_lowered:
.L_overlay_start_1:
0x0: {  	(tag) =	ssettag $0x1  }
0x1: {  	s7 =	rddreg [dreg:$0x0];
	v0 =	vlaneseq.u32  }
0x2: {  	s0 =	rddreg [dreg:$0x1];
	s2 =	simm.s32 $0x0;
	v3 =	vmul.u32 $0x80, v0  }
0x3: {  	[smem:$0x7FF] =	sst s2;
	v4 =	vmul.u32 $0xE, v0  }
0x4: {  	s1 =	rddreg [dreg:$0x2];
	_ =	strace $0x80000047;
	[tilespmem:$0x1FC10] =	vst v3  }
0x5: {  	v5 =	vor.u32 $0x30, v3;
	[tilespmem:$0x1FFF0] =	vst v4  }
0x6: {  	v6 =	vor.u32 $0x1, v4;
	[tilespmem:$0x1FC20] =	vst v5  }
0x7: {  	v7 =	vor.u32 $0x70, v3;
	[tilespmem:$0x1FC30] =	vst v6  }
0x8: {  	v8 =	vor.u32 $0x31, v3;
	[tilespmem:$0x1FC40] =	vst v7  }
0x9: {  	v9 =	vor.u32 $0x71, v3;
	[tilespmem:$0x1FC50] =	vst v8  }
0xa: {  	v10 =	vor.u32 $0x32, v3;
	[tilespmem:$0x1FC60] =	vst v9  }
0xb: {  	v11 =	vor.u32 $0x72, v3;
	[tilespmem:$0x1FC70] =	vst v10  }
0xc: {  	v12 =	vadd.s32 $0xE0, v4;
	[tilespmem:$0x1FC80] =	vst v11  }
0xd: {  	v13 =	vor.u32 $0x830, v3;
	[tilespmem:$0x1FC90] =	vst v12  }
0xe: {  	v14 =	vadd.s32 $0xE1, v4;
	[tilespmem:$0x1FCA0] =	vst v13  }
0xf: {  	v15 =	vor.u32 $0x870, v3;
	[tilespmem:$0x1FCB0] =	vst v14  }
0x10: {  	v16 =	vor.u32 $0x831, v3;
	[tilespmem:$0x1FCC0] =	vst v15  }
0x11: {  	v17 =	vor.u32 $0x871, v3;
	[tilespmem:$0x1FCD0] =	vst v16  }
0x12: {  	v18 =	vor.u32 $0x832, v3;
	[tilespmem:$0x1FCE0] =	vst v17  }
0x13: {  	v19 =	vor.u32 $0x872, v3;
	[tilespmem:$0x1FCF0] =	vst v18  }
0x14: {  	v20 =	vadd.s32 $0x1C0, v4;
	[tilespmem:$0x1FD00] =	vst v19  }
0x15: {  	v21 =	vor.u32 $0x1030, v3;
	[tilespmem:$0x1FD10] =	vst v20  }
0x16: {  	v22 =	vadd.s32 $0x1C1, v4;
	[tilespmem:$0x1FD20] =	vst v21  }
0x17: {  	v23 =	vor.u32 $0x1070, v3;
	[tilespmem:$0x1FD30] =	vst v22  }
0x18: {  	v24 =	vor.u32 $0x1031, v3;
	[tilespmem:$0x1FD40] =	vst v23  }
0x19: {  	v25 =	vor.u32 $0x1071, v3;
	[tilespmem:$0x1FD50] =	vst v24  }
0x1a: {  	v26 =	vor.u32 $0x1032, v3;
	[tilespmem:$0x1FD60] =	vst v25  }
0x1b: {  	v27 =	vor.u32 $0x1072, v3;
	[tilespmem:$0x1FD70] =	vst v26  }
0x1c: {  	v28 =	vadd.s32 $0x2A0, v4;
	[tilespmem:$0x1FD80] =	vst v27  }
0x1d: {  	v29 =	vor.u32 $0x1830, v3;
	[tilespmem:$0x1FD90] =	vst v28  }
0x1e: {  	v30 =	vadd.s32 $0x2A1, v4;
	[tilespmem:$0x1FDA0] =	vst v29  }
0x1f: {  	v31 =	vor.u32 $0x1870, v3;
	[tilespmem:$0x1FDB0] =	vst v30  }
0x20: {  	v32 =	vor.u32 $0x1831, v3;
	[tilespmem:$0x1FDC0] =	vst v31  }
0x21: {  	v33 =	vor.u32 $0x1871, v3;
	[tilespmem:$0x1FDD0] =	vst v32  }
0x22: {  	v34 =	vor.u32 $0x1832, v3;
	[tilespmem:$0x1FDE0] =	vst v33  }
0x23: {  	v35 =	vor.u32 $0x1872, v3;
	[tilespmem:$0x1FDF0] =	vst v34  }
0x24: {  	v36 =	vadd.s32 $0x380, v4;
	[tilespmem:$0x1FE00] =	vst v35  }
0x25: {  	v37 =	vor.u32 $0x2030, v3;
	[tilespmem:$0x1FE10] =	vst v36  }
0x26: {  	v38 =	vadd.s32 $0x381, v4;
	[tilespmem:$0x1FE20] =	vst v37  }
0x27: {  	v39 =	vor.u32 $0x2070, v3;
	[tilespmem:$0x1FE30] =	vst v38  }
0x28: {  	s3 =	stileid.u32;
	v40 =	vor.u32 $0x2031, v3;
	[tilespmem:$0x1FE40] =	vst v39  }
0x29: {  	s8 =	smul.u32 $0x15E0, s3;
	v41 =	vor.u32 $0x2071, v3;
	[tilespmem:$0x1FE50] =	vst v40  }
0x2a: {  	s6 =	smul.u32 $0x320, s3;
	v42 =	vor.u32 $0x2032, v3;
	[tilespmem:$0x1FE60] =	vst v41  }
0x2b: {  	s9 =	smul.u32 $0x13240, s3;
	v43 =	vor.u32 $0x2072, v3;
	[tilespmem:$0x1FE70] =	vst v42  }
0x2c: {  	s11 =	smul.u32 $0xAF000, s3;
	v44 =	vadd.s32 $0x460, v4;
	[tilespmem:$0x1FE80] =	vst v43  }
0x2d: {  	s12 =	srdreg.scid;
	s28 =	simm.s32 $0x200;
	s13 =	smul.u32 $0x19000, s3;
	v45 =	vor.u32 $0x2830, v3;
	[tilespmem:$0x1FE90] =	vst v44  }
0x2e: {  	s29 =	simm.s32 $0x10280;
	s12 =	sand.u32 $0x1, s12;
	s17 =	smul.u32 $0x15E, s3;
	v48 =	vor.u32 $0x2831, v3;
	[tilespmem:$0x1FEA0] =	vst v45  }
0x2f: {  	s30 =	simm.s32 $0x1;
	s31 =	simm.s32 $0x2;
	s15 =	smul.u32 $0x9920, s12;
	v49 =	vor.u32 $0x2871, v3;
	[tilespmem:$0x1FEB0] =	vst v48  }
0x30: {  	s4 =	sadd.s32 $0xE6000, s7;
	s5 =	sadd.s32 $0x9AA00, s7;
	s25 =	smul.u32 $0xAF, s12;
	v50 =	vor.u32 $0x2832, v3;
	[tilespmem:$0x1FEC0] =	vst v49  }
0x31: {  	s3 =	simm.s32 $0x3;
	[dreg:$0x5] =	wrdreg s4;
	s20 =	smul.u32 $0xAF0, s12;
	v51 =	vor.u32 $0x2872, v3;
	[tilespmem:$0x1FED0] =	vst v50  }
0x32: {  	s4 =	sadd.s32 $0xBDC00, s7;
	s14 =	ssub.s32 $0x2, s12;
	s23 =	smul.u32 $0xC800, s12;
	v52 =	vadd.s32 $0x540, v4;
	[tilespmem:$0x1FEE0] =	vst v51  }
0x33: {  	s8 =	sadd.s32 s8, s7;
	s10 =	sadd.s32 s6, s7;
	s9 =	sadd.s32 s9, s7;
	v53 =	vor.u32 $0x3030, v3;
	[tilespmem:$0x1FEF0] =	vst v52  }
0x34: {  	s11 =	sadd.s32 s11, s7;
	s7 =	sadd.s32 s13, s7;
	s16 =	sshrl.u32 s14, $0x1;
	v54 =	vadd.s32 $0x541, v4;
	[tilespmem:$0x1FF00] =	vst v53  }
0x35: {  	s1 =	sadd.s32 s13, s1;
	s0 =	sadd.s32 s6, s0;
	v55 =	vor.u32 $0x3070, v3;
	s6 =	simm.s32 $0x0;
	[tilespmem:$0x1FF10] =	vst v54  }
0x36: {  	v56 =	vor.u32 $0x3031, v3;
	s14 =	ssub.s32 s14, s16;
	s9 =	sadd.s32 s15, s9;
	s18 =	sadd.s32 s25, s17;
	[tilespmem:$0x1FF20] =	vst v55  }
0x37: {  	v57 =	vor.u32 $0x3071, v3;
	s16 =	smul.u32 $0x57800, s12;
	s1 =	sadd.s32 s23, s1;
	[tilespmem:$0x1FF30] =	vst v56;
	[dreg:$0x8] =	wrdreg s18  }
0x38: {  	v58 =	vor.u32 $0x3032, v3;
	s8 =	sadd.s32 s20, s8;
	[tilespmem:$0x1FF40] =	vst v57;
	s26 =	smax.u32 s14, $0x1;
	[dreg:$0xd] =	wrdreg s1  }
0x39: {  	v59 =	vor.u32 $0x3072, v3;
	s12 =	smul.u32 $0x190, s12;
	[tilespmem:$0x1FF50] =	vst v58;
	s14 =	sadd.s32 $0x17600, s9;
	[dreg:$0x6] =	wrdreg s26  }
0x3a: {  	v60 =	vadd.s32 $0x620, v4;
	s7 =	sadd.s32 s23, s7;
	[tilespmem:$0x1FF60] =	vst v59;
	s19 =	sadd.s32 $0x43200, s9;
	[dreg:$0x7] =	wrdreg s14  }
0x3b: {  	v61 =	vor.u32 $0x3830, v3;
	s17 =	simm.s32 $0x16580;
	[tilespmem:$0x1FF70] =	vst v60;
	s21 =	sadd.s32 $0x6EE00, s9;
	[dreg:$0x9] =	wrdreg s19  }
0x3c: {  	v62 =	vadd.s32 $0x621, v4;
	s20 =	simm.s32 $0x80;
	[tilespmem:$0x1FF80] =	vst v61;
	s24 =	sadd.s32 $0x1800, s8;
	[dreg:$0xa] =	wrdreg s21  }
0x3d: {  	v0 =	vor.u32 $0x3870, v3;
	s23 =	simm.s32 $0x100;
	[tilespmem:$0x1FF90] =	vst v62;
	s25 =	sadd.s32 $0xCA1200, s7;
	[dreg:$0xb] =	wrdreg s24  }
0x3e: {  	v1 =	vor.u32 $0x3831, v3;
	[tilespmem:$0x1FFA0] =	vst v0;
	s18 =	simm.s32 $0x18880;
	s22 =	sadd.s32 s16, s11;
	[dreg:$0xc] =	wrdreg s25  }
0x3f: {  	v2 =	vor.u32 $0x3871, v3;
	[tilespmem:$0x1FFB0] =	vst v1;
	s26 =	sadd.s32 s12, s10;
	s15 =	sadd.s32 s12, s0;
	s16 =	simm.s32 $0x14280  }
0x40: {  	v46 =	vadd.s32 $0x461, v4;
	[tilespmem:$0x1FFC0] =	vst v2;
	s21 =	simm.s32 $0x280;
	s24 =	simm.s32 $0x8280;
	s25 =	simm.s32 $0x180  }
0x41: {  	v47 =	vor.u32 $0x2870, v3;
	[tilespmem:$0x1FFD0] =	vst v46;
	s0 =	simm.s32 $0x4;
	s9 =	sadd.s32 $0x1B1200, s22;
	s14 =	sadd.s32 $0xBAA00, s26  }
0x42: {  	[tilespmem:$0x1FFE0] =	vst v47;
	s22 =	simm.s32 $0x4280;
	s26 =	simm.s32 $0xC280;
	[dreg:$0x4] =	wrdreg s9  }
.LBB2_1:
0x43: {  	[dreg:$0xe] =	wrdreg s6  }
0x44: {  	s11 =	rddreg [dreg:$0xb]  }
0x45: {  	s10 =	rddreg [dreg:$0xa]  }
0x46: {  	s9 =	rddreg [dreg:$0x9]  }
0x47: {  	s8 =	rddreg [dreg:$0x8]  }
0x48: {  	s7 =	rddreg [dreg:$0x7]  }
0x49: {  	s6 =	simm.s32 $0x0;
	s19 =	rddreg [dreg:$0x5]  }
.LBB2_2:
0x4a: {  	s1 =	smulhi.u32 $0x51EB851F, s8;
	_ =	sdelay $0x1  }
0x4b: {  	s1 =	sshrl.u32 s1, $0x8  }
0x4c: {  	s12 =	smul.u32 $0xFFFD4400, s1  }
0x4d: {  	[tilespmem:s2], [sflag:$0x3] =	stream.linear.gather [hbm4b:s11+s2], $0x280, $0x38;
	[tilespmem:$0x1AB80] =	vst v63  }
0x4e: {  	s13 =	sadd.s32 s12, s7  }
0x4f: {  	[tilespmem:s16], [sflag:$0x3] =	stream.linear.gather [hbm4b:s13+s2], $0x2300, $0x38;
	[tilespmem:$0x1AB80] =	vst v63  }
0x50: {  	s13 =	sadd.s32 s12, s9  }
0x51: {  	[tilespmem:s17], [sflag:$0x3] =	stream.linear.gather [hbm4b:s13+s2], $0x2300, $0x38;
	[tilespmem:$0x1AB80] =	vst v63  }
0x52: {  	s12 =	sadd.s32 s12, s10  }
0x53: {  	[tilespmem:s18], [sflag:$0x3] =	stream.linear.gather [hbm4b:s12+s2], $0x2300, $0x38;
	[tilespmem:$0x1AB80] =	vst v63  }
0x54: {  	_ =	swait.ge [sflag:s3], $0x280  }
0x55: {  	[sflag:s3] =	ssyncset.done $0x0  }
0x56: {  	[sflag:s3] =	ssyncadd.s32 $0xFFFFFD80  }
0x57: {  	_ =	swait.ge [sflag:s3], $0x2300  }
0x58: {  	[sflag:s3] =	ssyncset.done $0x0  }
0x59: {  	[sflag:s3] =	ssyncadd.s32 $0xFFFFDD00  }
0x5a: {  	_ =	swait.ge [sflag:s3], $0x2300  }
0x5b: {  	[sflag:s3] =	ssyncset.done $0x0  }
0x5c: {  	[sflag:s3] =	ssyncadd.s32 $0xFFFFDD00  }
0x5d: {  	_ =	swait.ge [sflag:s3], $0x2300  }
0x5e: {  	[sflag:s3] =	ssyncset.done $0x0  }
0x5f: {  	[sflag:s3] =	ssyncadd.s32 $0xFFFFDD00  }
0x60: {  	[tilespmem:s21], [sflag:$0x1] =	stream.indirect.gather [hbm4b:s19+s20], $0x80, s2, s20, $0xb8;
	[tilespmem:$0x1AB80] =	vst v63  }
0x61: {  	_ = 	snop  }
0x62: {  	[tilespmem:s22], [sflag:$0x1] =	stream.indirect.gather [hbm4b:s19+s20], $0x80, s20, s20, $0xb8;
	[tilespmem:$0x1AB80] =	vst v63  }
0x63: {  	_ = 	snop  }
0x64: {  	v0 =	vld [tilespmem:$0x1FFF0];
	[tilespmem:s24], [sflag:$0x1] =	stream.indirect.gather [hbm4b:s19+s20], $0x80, s23, s20, $0xb8  }
0x65: {  	_ = 	snop  }
0x66: {  	[tilespmem:s26], [sflag:$0x1] =	stream.indirect.gather [hbm4b:s19+s20], $0x80, s25, s20, $0xb8;
	[tilespmem:$0x1AB80] =	vst v63  }
0x67: {  	s12 =	sshll.u32 s1, $0x1  }
0x68: {  	[tilespmem:s29], [sflag:$0x1] =	stream.indirect.gather [hbm4b:s19+s20], $0x80, s28, s20, $0xb8;
	[tilespmem:$0x1AB80] =	vst v63  }
0x69: {  	v0 =	vadd.s32 s12, v0;
	_ =	swait.ge [sflag:s30], $0x4000  }
0x6a: {  	v53 =	vld [tilespmem:$0x1FC30]  }
0x6b: {  	v11 =	vld [tilespmem:$0x1FC20]  }
0x6c: {  	[sflag:s30] =	ssyncset.done $0x0  }
0x6d: {  	[sflag:s30] =	ssyncadd.s32 $0xFFFFC000  }
0x6e: {  	v63 =	vld.idx.msk [tilespmem:v0+s16+$0x0], $0xffff  }
0x6f: {  	v2 =	vadd.s32 s12, v53;
	_ =	sdelay $0x1  }
0x70: {  	v10 =	vld [tilespmem:$0x1FC40];
	_ =	sdelay $0x1  }
0x71: {  	[tilespmem:v11+s21+$0x0] =	vst.idx.msk $0xffff, v63  }
0x72: {  	v63 =	vld.idx.msk [tilespmem:v2+s16+$0x0], $0xffff;
	_ =	sdelay $0x2  }
0x73: {  	v9 =	vld [tilespmem:$0x1FC50];
	_ =	sdelay $0x1  }
0x74: {  	[tilespmem:v10+s21+$0x0] =	vst.idx.msk $0xffff, v63  }
0x75: {  	v63 =	vld.idx.msk [tilespmem:v0+s17+$0x0], $0xffff;
	_ =	sdelay $0x2  }
0x76: {  	v44 =	vld [tilespmem:$0x1FC60];
	_ =	sdelay $0x1  }
0x77: {  	[tilespmem:v9+s21+$0x0] =	vst.idx.msk $0xffff, v63  }
0x78: {  	v63 =	vld.idx.msk [tilespmem:v2+s17+$0x0], $0xffff;
	_ =	sdelay $0x2  }
0x79: {  	v31 =	vld [tilespmem:$0x1FC70];
	_ =	sdelay $0x1  }
0x7a: {  	[tilespmem:v44+s21+$0x0] =	vst.idx.msk $0xffff, v63  }
0x7b: {  	v0 =	vld.idx.msk [tilespmem:v0+s18+$0x0], $0xffff;
	_ =	sdelay $0x1  }
0x7c: {  	v24 =	vld [tilespmem:$0x1FC90]  }
0x7d: {  	v19 =	vld [tilespmem:$0x1FC80]  }
0x7e: {  	v1 =	vld [tilespmem:$0x1FCB0]  }
0x7f: {  	[tilespmem:v31+s21+$0x0] =	vst.idx.msk $0xffff, v0  }
0x80: {  	v0 =	vld.idx.msk [tilespmem:v2+s18+$0x0], $0xffff  }
0x81: {  	v2 =	vadd.s32 s12, v24;
	_ =	sdelay $0x1  }
0x82: {  	v23 =	vadd.s32 s12, v1;
	v1 =	vld [tilespmem:$0x1FCA0];
	_ =	sdelay $0x1  }
0x83: {  	[tilespmem:v19+s21+$0x0] =	vst.idx.msk $0xffff, v0  }
0x84: {  	v0 =	vld.idx.msk [tilespmem:v2+s16+$0x0], $0xffff;
	_ =	sdelay $0x2  }
0x85: {  	v49 =	vld [tilespmem:$0x1FCC0];
	_ =	sdelay $0x1  }
0x86: {  	[tilespmem:v1+s21+$0x0] =	vst.idx.msk $0xffff, v0  }
0x87: {  	v0 =	vld.idx.msk [tilespmem:v23+s16+$0x0], $0xffff;
	_ =	sdelay $0x2  }
0x88: {  	v26 =	vld [tilespmem:$0x1FCD0];
	_ =	sdelay $0x1  }
0x89: {  	[tilespmem:v49+s21+$0x0] =	vst.idx.msk $0xffff, v0  }
0x8a: {  	v0 =	vld.idx.msk [tilespmem:v2+s17+$0x0], $0xffff;
	_ =	sdelay $0x2  }
0x8b: {  	v37 =	vld [tilespmem:$0x1FCE0];
	_ =	sdelay $0x1  }
0x8c: {  	[tilespmem:v26+s21+$0x0] =	vst.idx.msk $0xffff, v0  }
0x8d: {  	v0 =	vld.idx.msk [tilespmem:v23+s17+$0x0], $0xffff;
	_ =	sdelay $0x2  }
0x8e: {  	v38 =	vld [tilespmem:$0x1FCF0];
	_ =	sdelay $0x1  }
0x8f: {  	[tilespmem:v37+s21+$0x0] =	vst.idx.msk $0xffff, v0  }
0x90: {  	v0 =	vld.idx.msk [tilespmem:v2+s18+$0x0], $0xffff;
	_ =	sdelay $0x1  }
0x91: {  	v29 =	vld [tilespmem:$0x1FD10]  }
0x92: {  	v48 =	vld [tilespmem:$0x1FD00];
	_ =	sdelay $0x1  }
0x93: {  	[tilespmem:v38+s21+$0x0] =	vst.idx.msk $0xffff, v0  }
0x94: {  	v0 =	vld.idx.msk [tilespmem:v23+s18+$0x0], $0xffff  }
0x95: {  	v2 =	vadd.s32 s12, v29  }
0x96: {  	v55 =	vld [tilespmem:$0x1FD30]  }
0x97: {  	v39 =	vld [tilespmem:$0x1FD20];
	_ =	sdelay $0x1  }
0x98: {  	[tilespmem:v48+s21+$0x0] =	vst.idx.msk $0xffff, v0  }
0x99: {  	v0 =	vld.idx.msk [tilespmem:v2+s16+$0x0], $0xffff  }
0x9a: {  	v27 =	vadd.s32 s12, v55;
	_ =	sdelay $0x1  }
0x9b: {  	v50 =	vld [tilespmem:$0x1FD40];
	_ =	sdelay $0x1  }
0x9c: {  	[tilespmem:v39+s21+$0x0] =	vst.idx.msk $0xffff, v0  }
0x9d: {  	v0 =	vld.idx.msk [tilespmem:v27+s16+$0x0], $0xffff;
	_ =	sdelay $0x2  }
0x9e: {  	v30 =	vld [tilespmem:$0x1FD50];
	_ =	sdelay $0x1  }
0x9f: {  	[tilespmem:v50+s21+$0x0] =	vst.idx.msk $0xffff, v0  }
0xa0: {  	v0 =	vld.idx.msk [tilespmem:v2+s17+$0x0], $0xffff;
	_ =	sdelay $0x2  }
0xa1: {  	v4 =	vld [tilespmem:$0x1FD60];
	_ =	sdelay $0x1  }
0xa2: {  	[tilespmem:v30+s21+$0x0] =	vst.idx.msk $0xffff, v0  }
0xa3: {  	v0 =	vld.idx.msk [tilespmem:v27+s17+$0x0], $0xffff;
	_ =	sdelay $0x2  }
0xa4: {  	v33 =	vld [tilespmem:$0x1FD70];
	_ =	sdelay $0x1  }
0xa5: {  	[tilespmem:v4+s21+$0x0] =	vst.idx.msk $0xffff, v0  }
0xa6: {  	v0 =	vld.idx.msk [tilespmem:v2+s18+$0x0], $0xffff;
	_ =	sdelay $0x1  }
0xa7: {  	v36 =	vld [tilespmem:$0x1FD90]  }
0xa8: {  	v23 =	vld [tilespmem:$0x1FD80];
	_ =	sdelay $0x1  }
0xa9: {  	[tilespmem:v33+s21+$0x0] =	vst.idx.msk $0xffff, v0  }
0xaa: {  	v0 =	vld.idx.msk [tilespmem:v27+s18+$0x0], $0xffff  }
0xab: {  	v2 =	vadd.s32 s12, v36  }
0xac: {  	v43 =	vld [tilespmem:$0x1FDB0]  }
0xad: {  	v51 =	vld [tilespmem:$0x1FDA0];
	_ =	sdelay $0x1  }
0xae: {  	[tilespmem:v23+s21+$0x0] =	vst.idx.msk $0xffff, v0  }
0xaf: {  	v0 =	vld.idx.msk [tilespmem:v2+s16+$0x0], $0xffff  }
0xb0: {  	v28 =	vadd.s32 s12, v43;
	_ =	sdelay $0x1  }
0xb1: {  	v52 =	vld [tilespmem:$0x1FDC0];
	_ =	sdelay $0x1  }
0xb2: {  	[tilespmem:v51+s21+$0x0] =	vst.idx.msk $0xffff, v0  }
0xb3: {  	v0 =	vld.idx.msk [tilespmem:v28+s16+$0x0], $0xffff;
	_ =	sdelay $0x2  }
0xb4: {  	v35 =	vld [tilespmem:$0x1FDD0];
	_ =	sdelay $0x1  }
0xb5: {  	[tilespmem:v52+s21+$0x0] =	vst.idx.msk $0xffff, v0  }
0xb6: {  	v0 =	vld.idx.msk [tilespmem:v2+s17+$0x0], $0xffff;
	_ =	sdelay $0x2  }
0xb7: {  	v32 =	vld [tilespmem:$0x1FDE0];
	_ =	sdelay $0x1  }
0xb8: {  	[tilespmem:v35+s21+$0x0] =	vst.idx.msk $0xffff, v0  }
0xb9: {  	v0 =	vld.idx.msk [tilespmem:v28+s17+$0x0], $0xffff;
	_ =	sdelay $0x2  }
0xba: {  	v57 =	vld [tilespmem:$0x1FDF0];
	_ =	sdelay $0x1  }
0xbb: {  	[tilespmem:v32+s21+$0x0] =	vst.idx.msk $0xffff, v0  }
0xbc: {  	v0 =	vld.idx.msk [tilespmem:v2+s18+$0x0], $0xffff;
	_ =	sdelay $0x4  }
0xbd: {  	v58 =	vld [tilespmem:$0x1FE10];
	[tilespmem:v57+s21+$0x0] =	vst.idx.msk $0xffff, v0  }
0xbe: {  	v0 =	vld.idx.msk [tilespmem:v28+s18+$0x0], $0xffff  }
0xbf: {  	v28 =	vld [tilespmem:$0x1FE00];
	_ =	sdelay $0x3  }
0xc0: {  	v2 =	vadd.s32 s12, v58  }
0xc1: {  	v46 =	vld [tilespmem:$0x1FE30]  }
0xc2: {  	v22 =	vld [tilespmem:$0x1FE20];
	_ =	sdelay $0x1  }
0xc3: {  	[tilespmem:v28+s21+$0x0] =	vst.idx.msk $0xffff, v0  }
0xc4: {  	v0 =	vld.idx.msk [tilespmem:v2+s16+$0x0], $0xffff  }
0xc5: {  	v34 =	vadd.s32 s12, v46;
	_ =	sdelay $0x1  }
0xc6: {  	v56 =	vld [tilespmem:$0x1FE40];
	_ =	sdelay $0x1  }
0xc7: {  	[tilespmem:v22+s21+$0x0] =	vst.idx.msk $0xffff, v0  }
0xc8: {  	v0 =	vld.idx.msk [tilespmem:v34+s16+$0x0], $0xffff;
	_ =	sdelay $0x2  }
0xc9: {  	v45 =	vld [tilespmem:$0x1FE50];
	_ =	sdelay $0x1  }
0xca: {  	[tilespmem:v56+s21+$0x0] =	vst.idx.msk $0xffff, v0  }
0xcb: {  	v0 =	vld.idx.msk [tilespmem:v2+s17+$0x0], $0xffff;
	_ =	sdelay $0x2  }
0xcc: {  	v41 =	vld [tilespmem:$0x1FE60];
	_ =	sdelay $0x1  }
0xcd: {  	[tilespmem:v45+s21+$0x0] =	vst.idx.msk $0xffff, v0  }
0xce: {  	v0 =	vld.idx.msk [tilespmem:v34+s17+$0x0], $0xffff;
	_ =	sdelay $0x2  }
0xcf: {  	v47 =	vld [tilespmem:$0x1FE70];
	_ =	sdelay $0x1  }
0xd0: {  	[tilespmem:v41+s21+$0x0] =	vst.idx.msk $0xffff, v0  }
0xd1: {  	v0 =	vld.idx.msk [tilespmem:v2+s18+$0x0], $0xffff;
	_ =	sdelay $0x1  }
0xd2: {  	v5 =	vld [tilespmem:$0x1FE90]  }
0xd3: {  	v40 =	vld [tilespmem:$0x1FE80];
	_ =	sdelay $0x1  }
0xd4: {  	[tilespmem:v47+s21+$0x0] =	vst.idx.msk $0xffff, v0  }
0xd5: {  	v0 =	vld.idx.msk [tilespmem:v34+s18+$0x0], $0xffff  }
0xd6: {  	v2 =	vadd.s32 s12, v5  }
0xd7: {  	v59 =	vld [tilespmem:$0x1FFD0]  }
0xd8: {  	v42 =	vld [tilespmem:$0x1FEA0];
	_ =	sdelay $0x1  }
0xd9: {  	[tilespmem:v40+s21+$0x0] =	vst.idx.msk $0xffff, v0  }
0xda: {  	v0 =	vld.idx.msk [tilespmem:v2+s16+$0x0], $0xffff  }
0xdb: {  	v54 =	vadd.s32 s12, v59;
	_ =	sdelay $0x1  }
0xdc: {  	v6 =	vld [tilespmem:$0x1FFE0];
	_ =	sdelay $0x1  }
0xdd: {  	[tilespmem:v42+s21+$0x0] =	vst.idx.msk $0xffff, v0  }
0xde: {  	v0 =	vld.idx.msk [tilespmem:v54+s16+$0x0], $0xffff;
	_ =	sdelay $0x4  }
0xdf: {  	[tilespmem:v6+s21+$0x0] =	vst.idx.msk $0xffff, v0  }
0xe0: {  	v0 =	vld.idx.msk [tilespmem:v2+s17+$0x0], $0xffff  }
0xe1: {  	v20 =	vld [tilespmem:$0x1FEB0];
	_ =	sdelay $0x5  }
0xe2: {  	v16 =	vld [tilespmem:$0x1FEC0];
	_ =	sdelay $0x1  }
0xe3: {  	[tilespmem:v20+s21+$0x0] =	vst.idx.msk $0xffff, v0  }
0xe4: {  	v0 =	vld.idx.msk [tilespmem:v54+s17+$0x0], $0xffff;
	_ =	sdelay $0x2  }
0xe5: {  	v13 =	vld [tilespmem:$0x1FED0];
	_ =	sdelay $0x1  }
0xe6: {  	[tilespmem:v16+s21+$0x0] =	vst.idx.msk $0xffff, v0  }
0xe7: {  	v0 =	vld.idx.msk [tilespmem:v2+s18+$0x0], $0xffff;
	_ =	sdelay $0x1  }
0xe8: {  	v34 =	vld [tilespmem:$0x1FEF0]  }
0xe9: {  	v18 =	vld [tilespmem:$0x1FEE0];
	_ =	sdelay $0x1  }
0xea: {  	[tilespmem:v13+s21+$0x0] =	vst.idx.msk $0xffff, v0  }
0xeb: {  	v0 =	vld.idx.msk [tilespmem:v54+s18+$0x0], $0xffff  }
0xec: {  	v2 =	vadd.s32 s12, v34  }
0xed: {  	v54 =	vld [tilespmem:$0x1FF10]  }
0xee: {  	v27 =	vld [tilespmem:$0x1FF00];
	_ =	sdelay $0x1  }
0xef: {  	[tilespmem:v18+s21+$0x0] =	vst.idx.msk $0xffff, v0  }
0xf0: {  	v0 =	vld.idx.msk [tilespmem:v2+s16+$0x0], $0xffff  }
0xf1: {  	v8 =	vadd.s32 s12, v54;
	_ =	sdelay $0x1  }
0xf2: {  	v61 =	vld [tilespmem:$0x1FF20];
	_ =	sdelay $0x1  }
0xf3: {  	[tilespmem:v27+s21+$0x0] =	vst.idx.msk $0xffff, v0  }
0xf4: {  	v0 =	vld.idx.msk [tilespmem:v8+s16+$0x0], $0xffff;
	_ =	sdelay $0x2  }
0xf5: {  	v17 =	vld [tilespmem:$0x1FF30];
	_ =	sdelay $0x1  }
0xf6: {  	[tilespmem:v61+s21+$0x0] =	vst.idx.msk $0xffff, v0  }
0xf7: {  	v0 =	vld.idx.msk [tilespmem:v2+s17+$0x0], $0xffff;
	_ =	sdelay $0x2  }
0xf8: {  	v62 =	vld [tilespmem:$0x1FF40];
	_ =	sdelay $0x1  }
0xf9: {  	[tilespmem:v17+s21+$0x0] =	vst.idx.msk $0xffff, v0  }
0xfa: {  	v0 =	vld.idx.msk [tilespmem:v8+s17+$0x0], $0xffff;
	_ =	sdelay $0x2  }
0xfb: {  	v60 =	vld [tilespmem:$0x1FF50];
	_ =	sdelay $0x1  }
0xfc: {  	[tilespmem:v62+s21+$0x0] =	vst.idx.msk $0xffff, v0  }
0xfd: {  	v0 =	vld.idx.msk [tilespmem:v2+s18+$0x0], $0xffff;
	_ =	sdelay $0x4  }
0xfe: {  	[tilespmem:v60+s21+$0x0] =	vst.idx.msk $0xffff, v0  }
0xff: {  	v0 =	vld.idx.msk [tilespmem:v8+s18+$0x0], $0xffff  }
0x100: {  	v8 =	vld [tilespmem:$0x1FF70]  }
0x101: {  	v1 =	vld [tilespmem:$0x1FF60];
	_ =	sdelay $0x3  }
0x102: {  	v2 =	vadd.s32 s12, v8  }
0x103: {  	v21 =	vld [tilespmem:$0x1FF90]  }
0x104: {  	v15 =	vld [tilespmem:$0x1FF80];
	_ =	sdelay $0x1  }
0x105: {  	[tilespmem:v1+s21+$0x0] =	vst.idx.msk $0xffff, v0  }
0x106: {  	v0 =	vld.idx.msk [tilespmem:v2+s16+$0x0], $0xffff  }
0x107: {  	v1 =	vadd.s32 s12, v21;
	_ =	sdelay $0x1  }
0x108: {  	v12 =	vld [tilespmem:$0x1FFA0];
	_ =	sdelay $0x1  }
0x109: {  	[tilespmem:v15+s21+$0x0] =	vst.idx.msk $0xffff, v0  }
0x10a: {  	v0 =	vld.idx.msk [tilespmem:v1+s16+$0x0], $0xffff;
	_ =	sdelay $0x2  }
0x10b: {  	v14 =	vld [tilespmem:$0x1FFB0];
	_ =	sdelay $0x1  }
0x10c: {  	[tilespmem:v12+s21+$0x0] =	vst.idx.msk $0xffff, v0  }
0x10d: {  	v0 =	vld.idx.msk [tilespmem:v2+s17+$0x0], $0xffff;
	_ =	sdelay $0x2  }
0x10e: {  	v63 =	vld [tilespmem:$0x1FFC0];
	_ =	sdelay $0x1  }
0x10f: {  	[tilespmem:v14+s21+$0x0] =	vst.idx.msk $0xffff, v0  }
0x110: {  	v0 =	vld.idx.msk [tilespmem:v1+s17+$0x0], $0xffff;
	_ =	sdelay $0x4  }
0x111: {  	[tilespmem:v63+s21+$0x0] =	vst.idx.msk $0xffff, v0  }
0x112: {  	v0 =	vld.idx.msk [tilespmem:v2+s18+$0x0], $0xffff;
	v2 =	vor.u32 $0x3832, v3;
	_ =	sdelay $0x4  }
0x113: {  	[tilespmem:v2+s21+$0x0] =	vst.idx.msk $0xffff, v0;
	v0 =	vld [tilespmem:$0x1FFF0]  }
0x114: {  	v7 =	vor.u32 $0x3872, v3;
	v1 =	vld.idx.msk [tilespmem:v1+s18+$0x0], $0xffff;
	_ =	sdelay $0x3  }
0x115: {  	s1 =	sadd.s32 $0x700, s12;
	s3 =	rddreg [dreg:$0x4];
	[tilespmem:$0x1FC00] =	vst v2  }
0x116: {  	s13 =	sadd.s32 s6, s3;
	[tilespmem:v7+s21+$0x0] =	vst.idx.msk $0xffff, v1;
	v1 =	vadd.s32 s1, v0  }
0x117: {  	[hbm4b:s13+s2] =	stream.linear.scatter [tilespmem:s21], [sflag:$0x2], $0x4000, $0x38;
	[tilespmem:$0x1AB80] =	vst v63  }
0x118: {  	_ =	swait.ge [sflag:s30], $0x4000  }
0x119: {  	[sflag:s30] =	ssyncset.done $0x0  }
0x11a: {  	[sflag:s30] =	ssyncadd.s32 $0xFFFFC000  }
0x11b: {  	v2 =	vld.idx.msk [tilespmem:v1+s16+$0x0], $0xffff  }
0x11c: {  	v3 =	vadd.s32 s1, v53;
	_ =	sdelay $0x3  }
0x11d: {  	[tilespmem:v11+s22+$0x0] =	vst.idx.msk $0xffff, v2  }
0x11e: {  	v2 =	vld.idx.msk [tilespmem:v3+s16+$0x0], $0xffff;
	_ =	sdelay $0x4  }
0x11f: {  	[tilespmem:v10+s22+$0x0] =	vst.idx.msk $0xffff, v2  }
0x120: {  	v2 =	vld.idx.msk [tilespmem:v1+s17+$0x0], $0xffff;
	_ =	sdelay $0x4  }
0x121: {  	[tilespmem:v9+s22+$0x0] =	vst.idx.msk $0xffff, v2  }
0x122: {  	v2 =	vld.idx.msk [tilespmem:v3+s17+$0x0], $0xffff;
	_ =	sdelay $0x4  }
0x123: {  	[tilespmem:v44+s22+$0x0] =	vst.idx.msk $0xffff, v2  }
0x124: {  	v1 =	vld.idx.msk [tilespmem:v1+s18+$0x0], $0xffff;
	_ =	sdelay $0x4  }
0x125: {  	[tilespmem:v31+s22+$0x0] =	vst.idx.msk $0xffff, v1  }
0x126: {  	v1 =	vld.idx.msk [tilespmem:v3+s18+$0x0], $0xffff;
	_ =	sdelay $0x2  }
0x127: {  	v2 =	vadd.s32 s1, v24  }
0x128: {  	v44 =	vmov v24;
	v24 =	vld [tilespmem:$0x1FCB0]  }
0x129: {  	[tilespmem:v19+s22+$0x0] =	vst.idx.msk $0xffff, v1;
	v19 =	vld [tilespmem:$0x1FCA0];
	_ =	sdelay $0x2  }
0x12a: {  	v1 =	vld.idx.msk [tilespmem:v2+s16+$0x0], $0xffff  }
0x12b: {  	v3 =	vadd.s32 s1, v24;
	_ =	sdelay $0x3  }
0x12c: {  	[tilespmem:v19+s22+$0x0] =	vst.idx.msk $0xffff, v1  }
0x12d: {  	v1 =	vld.idx.msk [tilespmem:v3+s16+$0x0], $0xffff;
	_ =	sdelay $0x4  }
0x12e: {  	[tilespmem:v49+s22+$0x0] =	vst.idx.msk $0xffff, v1  }
0x12f: {  	v1 =	vld.idx.msk [tilespmem:v2+s17+$0x0], $0xffff;
	_ =	sdelay $0x4  }
0x130: {  	[tilespmem:v26+s22+$0x0] =	vst.idx.msk $0xffff, v1  }
0x131: {  	v1 =	vld.idx.msk [tilespmem:v3+s17+$0x0], $0xffff;
	_ =	sdelay $0x4  }
0x132: {  	[tilespmem:v37+s22+$0x0] =	vst.idx.msk $0xffff, v1  }
0x133: {  	v1 =	vld.idx.msk [tilespmem:v2+s18+$0x0], $0xffff;
	_ =	sdelay $0x4  }
0x134: {  	[tilespmem:v38+s22+$0x0] =	vst.idx.msk $0xffff, v1  }
0x135: {  	v1 =	vld.idx.msk [tilespmem:v3+s18+$0x0], $0xffff  }
0x136: {  	v2 =	vadd.s32 s1, v29;
	_ =	sdelay $0x3  }
0x137: {  	[tilespmem:v48+s22+$0x0] =	vst.idx.msk $0xffff, v1  }
0x138: {  	v1 =	vld.idx.msk [tilespmem:v2+s16+$0x0], $0xffff  }
0x139: {  	v3 =	vadd.s32 s1, v55;
	_ =	sdelay $0x3  }
0x13a: {  	[tilespmem:v39+s22+$0x0] =	vst.idx.msk $0xffff, v1  }
0x13b: {  	v1 =	vld.idx.msk [tilespmem:v3+s16+$0x0], $0xffff;
	_ =	sdelay $0x4  }
0x13c: {  	[tilespmem:v50+s22+$0x0] =	vst.idx.msk $0xffff, v1  }
0x13d: {  	v1 =	vld.idx.msk [tilespmem:v2+s17+$0x0], $0xffff;
	_ =	sdelay $0x4  }
0x13e: {  	[tilespmem:v30+s22+$0x0] =	vst.idx.msk $0xffff, v1  }
0x13f: {  	v1 =	vld.idx.msk [tilespmem:v3+s17+$0x0], $0xffff;
	_ =	sdelay $0x4  }
0x140: {  	[tilespmem:v4+s22+$0x0] =	vst.idx.msk $0xffff, v1  }
0x141: {  	v1 =	vld.idx.msk [tilespmem:v2+s18+$0x0], $0xffff;
	_ =	sdelay $0x4  }
0x142: {  	[tilespmem:v33+s22+$0x0] =	vst.idx.msk $0xffff, v1  }
0x143: {  	v1 =	vld.idx.msk [tilespmem:v3+s18+$0x0], $0xffff  }
0x144: {  	v2 =	vadd.s32 s1, v36;
	_ =	sdelay $0x3  }
0x145: {  	[tilespmem:v23+s22+$0x0] =	vst.idx.msk $0xffff, v1  }
0x146: {  	v1 =	vld.idx.msk [tilespmem:v2+s16+$0x0], $0xffff  }
0x147: {  	v3 =	vadd.s32 s1, v43;
	_ =	sdelay $0x3  }
0x148: {  	[tilespmem:v51+s22+$0x0] =	vst.idx.msk $0xffff, v1  }
0x149: {  	v1 =	vld.idx.msk [tilespmem:v3+s16+$0x0], $0xffff;
	_ =	sdelay $0x4  }
0x14a: {  	[tilespmem:v52+s22+$0x0] =	vst.idx.msk $0xffff, v1  }
0x14b: {  	v1 =	vld.idx.msk [tilespmem:v2+s17+$0x0], $0xffff;
	_ =	sdelay $0x4  }
0x14c: {  	[tilespmem:v35+s22+$0x0] =	vst.idx.msk $0xffff, v1  }
0x14d: {  	v1 =	vld.idx.msk [tilespmem:v3+s17+$0x0], $0xffff;
	_ =	sdelay $0x4  }
0x14e: {  	[tilespmem:v32+s22+$0x0] =	vst.idx.msk $0xffff, v1  }
0x14f: {  	v1 =	vld.idx.msk [tilespmem:v2+s18+$0x0], $0xffff;
	_ =	sdelay $0x4  }
0x150: {  	[tilespmem:v57+s22+$0x0] =	vst.idx.msk $0xffff, v1  }
0x151: {  	v1 =	vld.idx.msk [tilespmem:v3+s18+$0x0], $0xffff  }
0x152: {  	v2 =	vadd.s32 s1, v58;
	_ =	sdelay $0x3  }
0x153: {  	[tilespmem:v28+s22+$0x0] =	vst.idx.msk $0xffff, v1  }
0x154: {  	v1 =	vld.idx.msk [tilespmem:v2+s16+$0x0], $0xffff  }
0x155: {  	v3 =	vadd.s32 s1, v46;
	_ =	sdelay $0x3  }
0x156: {  	[tilespmem:v22+s22+$0x0] =	vst.idx.msk $0xffff, v1  }
0x157: {  	v1 =	vld.idx.msk [tilespmem:v3+s16+$0x0], $0xffff;
	_ =	sdelay $0x4  }
0x158: {  	[tilespmem:v56+s22+$0x0] =	vst.idx.msk $0xffff, v1  }
0x159: {  	v1 =	vld.idx.msk [tilespmem:v2+s17+$0x0], $0xffff;
	_ =	sdelay $0x4  }
0x15a: {  	[tilespmem:v45+s22+$0x0] =	vst.idx.msk $0xffff, v1  }
0x15b: {  	v1 =	vld.idx.msk [tilespmem:v3+s17+$0x0], $0xffff;
	_ =	sdelay $0x4  }
0x15c: {  	[tilespmem:v41+s22+$0x0] =	vst.idx.msk $0xffff, v1  }
0x15d: {  	v1 =	vld.idx.msk [tilespmem:v2+s18+$0x0], $0xffff;
	_ =	sdelay $0x4  }
0x15e: {  	[tilespmem:v47+s22+$0x0] =	vst.idx.msk $0xffff, v1  }
0x15f: {  	v1 =	vld.idx.msk [tilespmem:v3+s18+$0x0], $0xffff  }
0x160: {  	v2 =	vadd.s32 s1, v5;
	_ =	sdelay $0x3  }
0x161: {  	[tilespmem:v40+s22+$0x0] =	vst.idx.msk $0xffff, v1  }
0x162: {  	v1 =	vld.idx.msk [tilespmem:v2+s16+$0x0], $0xffff  }
0x163: {  	v3 =	vadd.s32 s1, v59;
	_ =	sdelay $0x3  }
0x164: {  	[tilespmem:v42+s22+$0x0] =	vst.idx.msk $0xffff, v1  }
0x165: {  	v1 =	vld.idx.msk [tilespmem:v3+s16+$0x0], $0xffff;
	_ =	sdelay $0x4  }
0x166: {  	[tilespmem:v6+s22+$0x0] =	vst.idx.msk $0xffff, v1  }
0x167: {  	v1 =	vld.idx.msk [tilespmem:v2+s17+$0x0], $0xffff;
	_ =	sdelay $0x4  }
0x168: {  	[tilespmem:v20+s22+$0x0] =	vst.idx.msk $0xffff, v1  }
0x169: {  	v1 =	vld.idx.msk [tilespmem:v3+s17+$0x0], $0xffff;
	_ =	sdelay $0x4  }
0x16a: {  	[tilespmem:v16+s22+$0x0] =	vst.idx.msk $0xffff, v1  }
0x16b: {  	v1 =	vld.idx.msk [tilespmem:v2+s18+$0x0], $0xffff;
	_ =	sdelay $0x4  }
0x16c: {  	[tilespmem:v13+s22+$0x0] =	vst.idx.msk $0xffff, v1  }
0x16d: {  	v1 =	vld.idx.msk [tilespmem:v3+s18+$0x0], $0xffff  }
0x16e: {  	v2 =	vadd.s32 s1, v34;
	_ =	sdelay $0x3  }
0x16f: {  	[tilespmem:v18+s22+$0x0] =	vst.idx.msk $0xffff, v1  }
0x170: {  	v1 =	vld.idx.msk [tilespmem:v2+s16+$0x0], $0xffff  }
0x171: {  	v3 =	vadd.s32 s1, v54;
	_ =	sdelay $0x3  }
0x172: {  	[tilespmem:v27+s22+$0x0] =	vst.idx.msk $0xffff, v1  }
0x173: {  	v1 =	vld.idx.msk [tilespmem:v3+s16+$0x0], $0xffff;
	_ =	sdelay $0x4  }
0x174: {  	[tilespmem:v61+s22+$0x0] =	vst.idx.msk $0xffff, v1  }
0x175: {  	v1 =	vld.idx.msk [tilespmem:v2+s17+$0x0], $0xffff;
	_ =	sdelay $0x4  }
0x176: {  	[tilespmem:v17+s22+$0x0] =	vst.idx.msk $0xffff, v1  }
0x177: {  	v1 =	vld.idx.msk [tilespmem:v3+s17+$0x0], $0xffff;
	_ =	sdelay $0x4  }
0x178: {  	[tilespmem:v62+s22+$0x0] =	vst.idx.msk $0xffff, v1  }
0x179: {  	v1 =	vld.idx.msk [tilespmem:v2+s18+$0x0], $0xffff;
	_ =	sdelay $0x2  }
0x17a: {  	v6 =	vld [tilespmem:$0x1FF60];
	_ =	sdelay $0x1  }
0x17b: {  	[tilespmem:v60+s22+$0x0] =	vst.idx.msk $0xffff, v1  }
0x17c: {  	v1 =	vld.idx.msk [tilespmem:v3+s18+$0x0], $0xffff  }
0x17d: {  	v2 =	vadd.s32 s1, v8;
	_ =	sdelay $0x3  }
0x17e: {  	[tilespmem:v6+s22+$0x0] =	vst.idx.msk $0xffff, v1  }
0x17f: {  	v1 =	vld.idx.msk [tilespmem:v2+s16+$0x0], $0xffff  }
0x180: {  	v3 =	vadd.s32 s1, v21;
	_ =	sdelay $0x3  }
0x181: {  	[tilespmem:v15+s22+$0x0] =	vst.idx.msk $0xffff, v1  }
0x182: {  	v1 =	vld.idx.msk [tilespmem:v3+s16+$0x0], $0xffff;
	_ =	sdelay $0x4  }
0x183: {  	[tilespmem:v12+s22+$0x0] =	vst.idx.msk $0xffff, v1  }
0x184: {  	v1 =	vld.idx.msk [tilespmem:v2+s17+$0x0], $0xffff;
	_ =	sdelay $0x4  }
0x185: {  	[tilespmem:v14+s22+$0x0] =	vst.idx.msk $0xffff, v1  }
0x186: {  	v1 =	vld.idx.msk [tilespmem:v3+s17+$0x0], $0xffff;
	_ =	sdelay $0x2  }
0x187: {  	v21 =	vld [tilespmem:$0x1FC00];
	_ =	sdelay $0x1  }
0x188: {  	[tilespmem:v63+s22+$0x0] =	vst.idx.msk $0xffff, v1  }
0x189: {  	v1 =	vld.idx.msk [tilespmem:v2+s18+$0x0], $0xffff;
	_ =	sdelay $0x4  }
0x18a: {  	v0 =	vld [tilespmem:$0x1FFF0];
	[tilespmem:v21+s22+$0x0] =	vst.idx.msk $0xffff, v1  }
0x18b: {  	v1 =	vld.idx.msk [tilespmem:v3+s18+$0x0], $0xffff;
	_ =	sdelay $0x3  }
0x18c: {  	s1 =	sadd.s32 $0xE00, s12  }
0x18d: {  	s3 =	sadd.s32 $0x800, s13;
	[tilespmem:v7+s22+$0x0] =	vst.idx.msk $0xffff, v1;
	v1 =	vadd.s32 s1, v0  }
0x18e: {  	[hbm4b:s3+s2] =	stream.linear.scatter [tilespmem:s22], [sflag:$0x2], $0x4000, $0x38;
	[tilespmem:$0x1AB80] =	vst v63  }
0x18f: {  	_ =	swait.ge [sflag:s30], $0x4000  }
0x190: {  	[sflag:s30] =	ssyncset.done $0x0  }
0x191: {  	[sflag:s30] =	ssyncadd.s32 $0xFFFFC000  }
0x192: {  	v2 =	vld.idx.msk [tilespmem:v1+s16+$0x0], $0xffff  }
0x193: {  	v3 =	vadd.s32 s1, v53;
	_ =	sdelay $0x3  }
0x194: {  	[tilespmem:v11+s24+$0x0] =	vst.idx.msk $0xffff, v2  }
0x195: {  	v2 =	vld.idx.msk [tilespmem:v3+s16+$0x0], $0xffff;
	_ =	sdelay $0x4  }
0x196: {  	[tilespmem:v10+s24+$0x0] =	vst.idx.msk $0xffff, v2  }
0x197: {  	v2 =	vld.idx.msk [tilespmem:v1+s17+$0x0], $0xffff;
	_ =	sdelay $0x2  }
0x198: {  	v20 =	vld [tilespmem:$0x1FC60];
	_ =	sdelay $0x1  }
0x199: {  	[tilespmem:v9+s24+$0x0] =	vst.idx.msk $0xffff, v2  }
0x19a: {  	v2 =	vld.idx.msk [tilespmem:v3+s17+$0x0], $0xffff;
	_ =	sdelay $0x4  }
0x19b: {  	[tilespmem:v20+s24+$0x0] =	vst.idx.msk $0xffff, v2  }
0x19c: {  	v1 =	vld.idx.msk [tilespmem:v1+s18+$0x0], $0xffff;
	_ =	sdelay $0x2  }
0x19d: {  	v13 =	vld [tilespmem:$0x1FC80];
	_ =	sdelay $0x1  }
0x19e: {  	[tilespmem:v31+s24+$0x0] =	vst.idx.msk $0xffff, v1  }
0x19f: {  	v1 =	vld.idx.msk [tilespmem:v3+s18+$0x0], $0xffff  }
0x1a0: {  	v2 =	vadd.s32 s1, v44;
	_ =	sdelay $0x3  }
0x1a1: {  	[tilespmem:v13+s24+$0x0] =	vst.idx.msk $0xffff, v1  }
0x1a2: {  	v1 =	vld.idx.msk [tilespmem:v2+s16+$0x0], $0xffff  }
0x1a3: {  	v3 =	vadd.s32 s1, v24;
	_ =	sdelay $0x3  }
0x1a4: {  	[tilespmem:v19+s24+$0x0] =	vst.idx.msk $0xffff, v1  }
0x1a5: {  	v1 =	vld.idx.msk [tilespmem:v3+s16+$0x0], $0xffff;
	_ =	sdelay $0x4  }
0x1a6: {  	[tilespmem:v49+s24+$0x0] =	vst.idx.msk $0xffff, v1  }
0x1a7: {  	v1 =	vld.idx.msk [tilespmem:v2+s17+$0x0], $0xffff;
	_ =	sdelay $0x4  }
0x1a8: {  	[tilespmem:v26+s24+$0x0] =	vst.idx.msk $0xffff, v1  }
0x1a9: {  	v1 =	vld.idx.msk [tilespmem:v3+s17+$0x0], $0xffff;
	_ =	sdelay $0x4  }
0x1aa: {  	[tilespmem:v37+s24+$0x0] =	vst.idx.msk $0xffff, v1  }
0x1ab: {  	v1 =	vld.idx.msk [tilespmem:v2+s18+$0x0], $0xffff;
	_ =	sdelay $0x1  }
0x1ac: {  	v29 =	vmov v28;
	v28 =	vld [tilespmem:$0x1FD10];
	_ =	sdelay $0x2  }
0x1ad: {  	[tilespmem:v38+s24+$0x0] =	vst.idx.msk $0xffff, v1  }
0x1ae: {  	v1 =	vld.idx.msk [tilespmem:v3+s18+$0x0], $0xffff  }
0x1af: {  	v2 =	vadd.s32 s1, v28;
	_ =	sdelay $0x1  }
0x1b0: {  	v15 =	vld [tilespmem:$0x1FD20];
	_ =	sdelay $0x1  }
0x1b1: {  	[tilespmem:v48+s24+$0x0] =	vst.idx.msk $0xffff, v1  }
0x1b2: {  	v1 =	vld.idx.msk [tilespmem:v2+s16+$0x0], $0xffff  }
0x1b3: {  	v3 =	vadd.s32 s1, v55;
	_ =	sdelay $0x3  }
0x1b4: {  	[tilespmem:v15+s24+$0x0] =	vst.idx.msk $0xffff, v1  }
0x1b5: {  	v1 =	vld.idx.msk [tilespmem:v3+s16+$0x0], $0xffff;
	_ =	sdelay $0x4  }
0x1b6: {  	[tilespmem:v50+s24+$0x0] =	vst.idx.msk $0xffff, v1  }
0x1b7: {  	v1 =	vld.idx.msk [tilespmem:v2+s17+$0x0], $0xffff;
	_ =	sdelay $0x4  }
0x1b8: {  	[tilespmem:v30+s24+$0x0] =	vst.idx.msk $0xffff, v1  }
0x1b9: {  	v1 =	vld.idx.msk [tilespmem:v3+s17+$0x0], $0xffff;
	_ =	sdelay $0x4  }
0x1ba: {  	[tilespmem:v4+s24+$0x0] =	vst.idx.msk $0xffff, v1  }
0x1bb: {  	v25 =	vmov v33;
	v1 =	vld.idx.msk [tilespmem:v2+s18+$0x0], $0xffff;
	_ =	sdelay $0x1  }
0x1bc: {  	v36 =	vmov v35;
	v35 =	vmov v38;
	v38 =	vld [tilespmem:$0x1FD90];
	_ =	sdelay $0x2  }
0x1bd: {  	[tilespmem:v25+s24+$0x0] =	vst.idx.msk $0xffff, v1  }
0x1be: {  	v39 =	vmov v23;
	v1 =	vld.idx.msk [tilespmem:v3+s18+$0x0], $0xffff  }
0x1bf: {  	v2 =	vadd.s32 s1, v38  }
0x1c0: {  	v23 =	vmov v22;
	v22 =	vmov v44;
	v44 =	vld [tilespmem:$0x1FDB0];
	_ =	sdelay $0x2  }
0x1c1: {  	[tilespmem:v39+s24+$0x0] =	vst.idx.msk $0xffff, v1  }
0x1c2: {  	v1 =	vld.idx.msk [tilespmem:v2+s16+$0x0], $0xffff  }
0x1c3: {  	v3 =	vadd.s32 s1, v44;
	_ =	sdelay $0x3  }
0x1c4: {  	[tilespmem:v51+s24+$0x0] =	vst.idx.msk $0xffff, v1  }
0x1c5: {  	v1 =	vld.idx.msk [tilespmem:v3+s16+$0x0], $0xffff;
	_ =	sdelay $0x4  }
0x1c6: {  	[tilespmem:v52+s24+$0x0] =	vst.idx.msk $0xffff, v1  }
0x1c7: {  	v1 =	vld.idx.msk [tilespmem:v2+s17+$0x0], $0xffff;
	_ =	sdelay $0x4  }
0x1c8: {  	[tilespmem:v36+s24+$0x0] =	vst.idx.msk $0xffff, v1  }
0x1c9: {  	v33 =	vmov v32;
	v1 =	vld.idx.msk [tilespmem:v3+s17+$0x0], $0xffff;
	_ =	sdelay $0x4  }
0x1ca: {  	[tilespmem:v33+s24+$0x0] =	vst.idx.msk $0xffff, v1  }
0x1cb: {  	v1 =	vld.idx.msk [tilespmem:v2+s18+$0x0], $0xffff;
	_ =	sdelay $0x4  }
0x1cc: {  	[tilespmem:v57+s24+$0x0] =	vst.idx.msk $0xffff, v1  }
0x1cd: {  	v1 =	vld.idx.msk [tilespmem:v3+s18+$0x0], $0xffff  }
0x1ce: {  	v2 =	vadd.s32 s1, v58;
	_ =	sdelay $0x3  }
0x1cf: {  	[tilespmem:v29+s24+$0x0] =	vst.idx.msk $0xffff, v1  }
0x1d0: {  	v1 =	vld.idx.msk [tilespmem:v2+s16+$0x0], $0xffff  }
0x1d1: {  	v3 =	vadd.s32 s1, v46;
	_ =	sdelay $0x3  }
0x1d2: {  	[tilespmem:v23+s24+$0x0] =	vst.idx.msk $0xffff, v1  }
0x1d3: {  	v1 =	vld.idx.msk [tilespmem:v3+s16+$0x0], $0xffff;
	_ =	sdelay $0x2  }
0x1d4: {  	v46 =	vld [tilespmem:$0x1FE50];
	_ =	sdelay $0x1  }
0x1d5: {  	[tilespmem:v56+s24+$0x0] =	vst.idx.msk $0xffff, v1  }
0x1d6: {  	v1 =	vld.idx.msk [tilespmem:v2+s17+$0x0], $0xffff;
	_ =	sdelay $0x4  }
0x1d7: {  	[tilespmem:v46+s24+$0x0] =	vst.idx.msk $0xffff, v1  }
0x1d8: {  	v1 =	vld.idx.msk [tilespmem:v3+s17+$0x0], $0xffff;
	_ =	sdelay $0x4  }
0x1d9: {  	[tilespmem:v41+s24+$0x0] =	vst.idx.msk $0xffff, v1  }
0x1da: {  	v1 =	vld.idx.msk [tilespmem:v2+s18+$0x0], $0xffff;
	_ =	sdelay $0x3  }
0x1db: {  	v27 =	vmov v19;
	v19 =	vld [tilespmem:$0x1FE90]  }
0x1dc: {  	[tilespmem:v47+s24+$0x0] =	vst.idx.msk $0xffff, v1  }
0x1dd: {  	v1 =	vld.idx.msk [tilespmem:v3+s18+$0x0], $0xffff;
	_ =	sdelay $0x2  }
0x1de: {  	v2 =	vadd.s32 s1, v19;
	_ =	sdelay $0x1  }
0x1df: {  	v34 =	vmov v40;
	[tilespmem:v40+s24+$0x0] =	vst.idx.msk $0xffff, v1;
	v40 =	vld [tilespmem:$0x1FEA0];
	_ =	sdelay $0x2  }
0x1e0: {  	v5 =	vmov v59;
	v1 =	vld.idx.msk [tilespmem:v2+s16+$0x0], $0xffff  }
0x1e1: {  	v3 =	vadd.s32 s1, v5;
	_ =	sdelay $0x1  }
0x1e2: {  	v42 =	vmov v48;
	v48 =	vld [tilespmem:$0x1FFE0];
	_ =	sdelay $0x1  }
0x1e3: {  	[tilespmem:v40+s24+$0x0] =	vst.idx.msk $0xffff, v1  }
0x1e4: {  	v1 =	vld.idx.msk [tilespmem:v3+s16+$0x0], $0xffff;
	_ =	sdelay $0x2  }
0x1e5: {  	v32 =	vmov v51;
	v51 =	vld [tilespmem:$0x1FEB0];
	_ =	sdelay $0x1  }
0x1e6: {  	[tilespmem:v48+s24+$0x0] =	vst.idx.msk $0xffff, v1  }
0x1e7: {  	v1 =	vld.idx.msk [tilespmem:v2+s17+$0x0], $0xffff;
	_ =	sdelay $0x2  }
0x1e8: {  	v18 =	vmov v31;
	v31 =	vmov v52;
	v52 =	vld [tilespmem:$0x1FEC0];
	_ =	sdelay $0x1  }
0x1e9: {  	[tilespmem:v51+s24+$0x0] =	vst.idx.msk $0xffff, v1  }
0x1ea: {  	v1 =	vld.idx.msk [tilespmem:v3+s17+$0x0], $0xffff;
	_ =	sdelay $0x2  }
0x1eb: {  	v54 =	vld [tilespmem:$0x1FED0];
	_ =	sdelay $0x1  }
0x1ec: {  	[tilespmem:v52+s24+$0x0] =	vst.idx.msk $0xffff, v1  }
0x1ed: {  	v1 =	vld.idx.msk [tilespmem:v2+s18+$0x0], $0xffff;
	_ =	sdelay $0x1  }
0x1ee: {  	v16 =	vmov v53;
	v53 =	vld [tilespmem:$0x1FEF0]  }
0x1ef: {  	v59 =	vmov v17;
	v17 =	vmov v37;
	v37 =	vmov v55;
	v55 =	vld [tilespmem:$0x1FEE0];
	_ =	sdelay $0x1  }
0x1f0: {  	[tilespmem:v54+s24+$0x0] =	vst.idx.msk $0xffff, v1  }
0x1f1: {  	v1 =	vld.idx.msk [tilespmem:v3+s18+$0x0], $0xffff  }
0x1f2: {  	v2 =	vadd.s32 s1, v53  }
0x1f3: {  	v45 =	vmov v4;
	v4 =	vld [tilespmem:$0x1FF10]  }
0x1f4: {  	v43 =	vmov v39;
	v39 =	vmov v56;
	v56 =	vld [tilespmem:$0x1FF00];
	_ =	sdelay $0x1  }
0x1f5: {  	[tilespmem:v55+s24+$0x0] =	vst.idx.msk $0xffff, v1  }
0x1f6: {  	v1 =	vld.idx.msk [tilespmem:v2+s16+$0x0], $0xffff  }
0x1f7: {  	v3 =	vadd.s32 s1, v4;
	_ =	sdelay $0x3  }
0x1f8: {  	[tilespmem:v56+s24+$0x0] =	vst.idx.msk $0xffff, v1  }
0x1f9: {  	v1 =	vld.idx.msk [tilespmem:v3+s16+$0x0], $0xffff;
	_ =	sdelay $0x4  }
0x1fa: {  	[tilespmem:v61+s24+$0x0] =	vst.idx.msk $0xffff, v1  }
0x1fb: {  	v1 =	vld.idx.msk [tilespmem:v2+s17+$0x0], $0xffff;
	_ =	sdelay $0x4  }
0x1fc: {  	v58 =	vmov v59;
	[tilespmem:v59+s24+$0x0] =	vst.idx.msk $0xffff, v1;
	v59 =	vld [tilespmem:$0x1FF40];
	_ =	sdelay $0x2  }
0x1fd: {  	v1 =	vld.idx.msk [tilespmem:v3+s17+$0x0], $0xffff;
	_ =	sdelay $0x4  }
0x1fe: {  	[tilespmem:v59+s24+$0x0] =	vst.idx.msk $0xffff, v1  }
0x1ff: {  	v1 =	vld.idx.msk [tilespmem:v2+s18+$0x0], $0xffff;
	_ =	sdelay $0x3  }
0x200: {  	v12 =	vmov v57;
	v57 =	vmov v61;
	v61 =	vld [tilespmem:$0x1FF70]  }
0x201: {  	[tilespmem:v60+s24+$0x0] =	vst.idx.msk $0xffff, v1  }
0x202: {  	v1 =	vld.idx.msk [tilespmem:v3+s18+$0x0], $0xffff;
	_ =	sdelay $0x2  }
0x203: {  	v2 =	vadd.s32 s1, v61  }
0x204: {  	v0 =	vld [tilespmem:$0x1FF90]  }
0x205: {  	v8 =	vmov v7;
	v7 =	vmov v6;
	[tilespmem:v6+s24+$0x0] =	vst.idx.msk $0xffff, v1;
	v6 =	vld [tilespmem:$0x1FF80];
	_ =	sdelay $0x2  }
0x206: {  	v1 =	vld.idx.msk [tilespmem:v2+s16+$0x0], $0xffff  }
0x207: {  	v3 =	vadd.s32 s1, v0;
	_ =	sdelay $0x1  }
0x208: {  	v62 =	vmov v11;
	v11 =	vmov v49;
	v49 =	vld [tilespmem:$0x1FFA0];
	_ =	sdelay $0x1  }
0x209: {  	[tilespmem:v6+s24+$0x0] =	vst.idx.msk $0xffff, v1  }
0x20a: {  	v1 =	vld.idx.msk [tilespmem:v3+s16+$0x0], $0xffff;
	_ =	sdelay $0x2  }
0x20b: {  	v50 =	vld [tilespmem:$0x1FFB0];
	_ =	sdelay $0x1  }
0x20c: {  	[tilespmem:v49+s24+$0x0] =	vst.idx.msk $0xffff, v1  }
0x20d: {  	v1 =	vld.idx.msk [tilespmem:v2+s17+$0x0], $0xffff;
	_ =	sdelay $0x4  }
0x20e: {  	[tilespmem:v50+s24+$0x0] =	vst.idx.msk $0xffff, v1  }
0x20f: {  	v1 =	vld.idx.msk [tilespmem:v3+s17+$0x0], $0xffff;
	_ =	sdelay $0x4  }
0x210: {  	[tilespmem:v63+s24+$0x0] =	vst.idx.msk $0xffff, v1  }
0x211: {  	v1 =	vld.idx.msk [tilespmem:v2+s18+$0x0], $0xffff;
	_ =	sdelay $0x4  }
0x212: {  	[tilespmem:v21+s24+$0x0] =	vst.idx.msk $0xffff, v1  }
0x213: {  	v1 =	vld.idx.msk [tilespmem:v3+s18+$0x0], $0xffff;
	_ =	sdelay $0x4  }
0x214: {  	[tilespmem:v8+s24+$0x0] =	vst.idx.msk $0xffff, v1;
	v1 =	vld [tilespmem:$0x1FFF0];
	_ =	sdelay $0x3  }
0x215: {  	s1 =	sadd.s32 $0x1500, s12  }
0x216: {  	s3 =	sadd.s32 $0x1000, s13;
	v1 =	vadd.s32 s1, v1  }
0x217: {  	[hbm4b:s3+s2] =	stream.linear.scatter [tilespmem:s24], [sflag:$0x2], $0x4000, $0x38;
	[tilespmem:$0x1AB80] =	vst v63  }
0x218: {  	_ =	swait.ge [sflag:s30], $0x4000  }
0x219: {  	[sflag:s30] =	ssyncset.done $0x0  }
0x21a: {  	[sflag:s30] =	ssyncadd.s32 $0xFFFFC000  }
0x21b: {  	v2 =	vld.idx.msk [tilespmem:v1+s16+$0x0], $0xffff  }
0x21c: {  	v3 =	vadd.s32 s1, v16;
	_ =	sdelay $0x3  }
0x21d: {  	[tilespmem:v62+s26+$0x0] =	vst.idx.msk $0xffff, v2  }
0x21e: {  	v14 =	vmov v10;
	v2 =	vld.idx.msk [tilespmem:v3+s16+$0x0], $0xffff;
	_ =	sdelay $0x4  }
0x21f: {  	[tilespmem:v14+s26+$0x0] =	vst.idx.msk $0xffff, v2  }
0x220: {  	v10 =	vmov v9;
	v2 =	vld.idx.msk [tilespmem:v1+s17+$0x0], $0xffff;
	_ =	sdelay $0x4  }
0x221: {  	[tilespmem:v10+s26+$0x0] =	vst.idx.msk $0xffff, v2  }
0x222: {  	v2 =	vld.idx.msk [tilespmem:v3+s17+$0x0], $0xffff;
	_ =	sdelay $0x4  }
0x223: {  	[tilespmem:v20+s26+$0x0] =	vst.idx.msk $0xffff, v2  }
0x224: {  	v1 =	vld.idx.msk [tilespmem:v1+s18+$0x0], $0xffff;
	_ =	sdelay $0x4  }
0x225: {  	[tilespmem:v18+s26+$0x0] =	vst.idx.msk $0xffff, v1  }
0x226: {  	v1 =	vld.idx.msk [tilespmem:v3+s18+$0x0], $0xffff  }
0x227: {  	v2 =	vadd.s32 s1, v22;
	_ =	sdelay $0x3  }
0x228: {  	[tilespmem:v13+s26+$0x0] =	vst.idx.msk $0xffff, v1  }
0x229: {  	v1 =	vld.idx.msk [tilespmem:v2+s16+$0x0], $0xffff  }
0x22a: {  	v3 =	vadd.s32 s1, v24;
	_ =	sdelay $0x3  }
0x22b: {  	[tilespmem:v27+s26+$0x0] =	vst.idx.msk $0xffff, v1  }
0x22c: {  	v1 =	vld.idx.msk [tilespmem:v3+s16+$0x0], $0xffff;
	_ =	sdelay $0x4  }
0x22d: {  	[tilespmem:v11+s26+$0x0] =	vst.idx.msk $0xffff, v1  }
0x22e: {  	v1 =	vld.idx.msk [tilespmem:v2+s17+$0x0], $0xffff;
	_ =	sdelay $0x4  }
0x22f: {  	[tilespmem:v26+s26+$0x0] =	vst.idx.msk $0xffff, v1  }
0x230: {  	v1 =	vld.idx.msk [tilespmem:v3+s17+$0x0], $0xffff;
	_ =	sdelay $0x4  }
0x231: {  	[tilespmem:v17+s26+$0x0] =	vst.idx.msk $0xffff, v1  }
0x232: {  	v1 =	vld.idx.msk [tilespmem:v2+s18+$0x0], $0xffff;
	_ =	sdelay $0x4  }
0x233: {  	[tilespmem:v35+s26+$0x0] =	vst.idx.msk $0xffff, v1  }
0x234: {  	v1 =	vld.idx.msk [tilespmem:v3+s18+$0x0], $0xffff  }
0x235: {  	v2 =	vadd.s32 s1, v28;
	_ =	sdelay $0x3  }
0x236: {  	[tilespmem:v42+s26+$0x0] =	vst.idx.msk $0xffff, v1  }
0x237: {  	v1 =	vld.idx.msk [tilespmem:v2+s16+$0x0], $0xffff  }
0x238: {  	v3 =	vadd.s32 s1, v37;
	_ =	sdelay $0x1  }
0x239: {  	v9 =	vmov v5;
	v5 =	vmov v63;
	v63 =	vmov v21;
	v21 =	vld [tilespmem:$0x1FD40];
	_ =	sdelay $0x1  }
0x23a: {  	[tilespmem:v15+s26+$0x0] =	vst.idx.msk $0xffff, v1  }
0x23b: {  	v1 =	vld.idx.msk [tilespmem:v3+s16+$0x0], $0xffff;
	_ =	sdelay $0x4  }
0x23c: {  	[tilespmem:v21+s26+$0x0] =	vst.idx.msk $0xffff, v1  }
0x23d: {  	v1 =	vld.idx.msk [tilespmem:v2+s17+$0x0], $0xffff;
	_ =	sdelay $0x4  }
0x23e: {  	[tilespmem:v30+s26+$0x0] =	vst.idx.msk $0xffff, v1  }
0x23f: {  	v1 =	vld.idx.msk [tilespmem:v3+s17+$0x0], $0xffff;
	_ =	sdelay $0x4  }
0x240: {  	[tilespmem:v45+s26+$0x0] =	vst.idx.msk $0xffff, v1  }
0x241: {  	v1 =	vld.idx.msk [tilespmem:v2+s18+$0x0], $0xffff;
	_ =	sdelay $0x4  }
0x242: {  	[tilespmem:v25+s26+$0x0] =	vst.idx.msk $0xffff, v1  }
0x243: {  	v1 =	vld.idx.msk [tilespmem:v3+s18+$0x0], $0xffff  }
0x244: {  	v2 =	vadd.s32 s1, v38;
	_ =	sdelay $0x3  }
0x245: {  	[tilespmem:v43+s26+$0x0] =	vst.idx.msk $0xffff, v1  }
0x246: {  	v1 =	vld.idx.msk [tilespmem:v2+s16+$0x0], $0xffff  }
0x247: {  	v3 =	vadd.s32 s1, v44;
	_ =	sdelay $0x3  }
0x248: {  	[tilespmem:v32+s26+$0x0] =	vst.idx.msk $0xffff, v1  }
0x249: {  	v1 =	vld.idx.msk [tilespmem:v3+s16+$0x0], $0xffff;
	_ =	sdelay $0x4  }
0x24a: {  	[tilespmem:v31+s26+$0x0] =	vst.idx.msk $0xffff, v1  }
0x24b: {  	v1 =	vld.idx.msk [tilespmem:v2+s17+$0x0], $0xffff;
	_ =	sdelay $0x4  }
0x24c: {  	[tilespmem:v36+s26+$0x0] =	vst.idx.msk $0xffff, v1  }
0x24d: {  	v1 =	vld.idx.msk [tilespmem:v3+s17+$0x0], $0xffff;
	_ =	sdelay $0x4  }
0x24e: {  	[tilespmem:v33+s26+$0x0] =	vst.idx.msk $0xffff, v1  }
0x24f: {  	v1 =	vld.idx.msk [tilespmem:v2+s18+$0x0], $0xffff;
	_ =	sdelay $0x1  }
0x250: {  	v17 =	vmov v43;
	v43 =	vmov v44;
	v44 =	vld [tilespmem:$0x1FE10];
	_ =	sdelay $0x2  }
0x251: {  	[tilespmem:v12+s26+$0x0] =	vst.idx.msk $0xffff, v1  }
0x252: {  	v1 =	vld.idx.msk [tilespmem:v3+s18+$0x0], $0xffff  }
0x253: {  	v2 =	vadd.s32 s1, v44  }
0x254: {  	v23 =	vmov v45;
	v45 =	vld [tilespmem:$0x1FE30]  }
0x255: {  	v16 =	vld [tilespmem:$0x1FE20];
	_ =	sdelay $0x1  }
0x256: {  	[tilespmem:v29+s26+$0x0] =	vst.idx.msk $0xffff, v1  }
0x257: {  	v1 =	vld.idx.msk [tilespmem:v2+s16+$0x0], $0xffff  }
0x258: {  	v3 =	vadd.s32 s1, v45;
	_ =	sdelay $0x3  }
0x259: {  	[tilespmem:v16+s26+$0x0] =	vst.idx.msk $0xffff, v1  }
0x25a: {  	v1 =	vld.idx.msk [tilespmem:v3+s16+$0x0], $0xffff;
	_ =	sdelay $0x4  }
0x25b: {  	[tilespmem:v39+s26+$0x0] =	vst.idx.msk $0xffff, v1  }
0x25c: {  	v1 =	vld.idx.msk [tilespmem:v2+s17+$0x0], $0xffff;
	_ =	sdelay $0x4  }
0x25d: {  	[tilespmem:v46+s26+$0x0] =	vst.idx.msk $0xffff, v1  }
0x25e: {  	v1 =	vld.idx.msk [tilespmem:v3+s17+$0x0], $0xffff;
	_ =	sdelay $0x4  }
0x25f: {  	[tilespmem:v41+s26+$0x0] =	vst.idx.msk $0xffff, v1  }
0x260: {  	v1 =	vld.idx.msk [tilespmem:v2+s18+$0x0], $0xffff;
	_ =	sdelay $0x4  }
0x261: {  	[tilespmem:v47+s26+$0x0] =	vst.idx.msk $0xffff, v1  }
0x262: {  	v1 =	vld.idx.msk [tilespmem:v3+s18+$0x0], $0xffff  }
0x263: {  	v2 =	vadd.s32 s1, v19;
	_ =	sdelay $0x3  }
0x264: {  	[tilespmem:v34+s26+$0x0] =	vst.idx.msk $0xffff, v1  }
0x265: {  	v1 =	vld.idx.msk [tilespmem:v2+s16+$0x0], $0xffff  }
0x266: {  	v3 =	vadd.s32 s1, v9;
	_ =	sdelay $0x3  }
0x267: {  	[tilespmem:v40+s26+$0x0] =	vst.idx.msk $0xffff, v1  }
0x268: {  	v1 =	vld.idx.msk [tilespmem:v3+s16+$0x0], $0xffff;
	_ =	sdelay $0x4  }
0x269: {  	[tilespmem:v48+s26+$0x0] =	vst.idx.msk $0xffff, v1  }
0x26a: {  	v1 =	vld.idx.msk [tilespmem:v2+s17+$0x0], $0xffff;
	_ =	sdelay $0x4  }
0x26b: {  	[tilespmem:v51+s26+$0x0] =	vst.idx.msk $0xffff, v1  }
0x26c: {  	v1 =	vld.idx.msk [tilespmem:v3+s17+$0x0], $0xffff;
	_ =	sdelay $0x4  }
0x26d: {  	[tilespmem:v52+s26+$0x0] =	vst.idx.msk $0xffff, v1  }
0x26e: {  	v1 =	vld.idx.msk [tilespmem:v2+s18+$0x0], $0xffff;
	_ =	sdelay $0x4  }
0x26f: {  	[tilespmem:v54+s26+$0x0] =	vst.idx.msk $0xffff, v1  }
0x270: {  	v1 =	vld.idx.msk [tilespmem:v3+s18+$0x0], $0xffff  }
0x271: {  	v2 =	vadd.s32 s1, v53;
	_ =	sdelay $0x3  }
0x272: {  	[tilespmem:v55+s26+$0x0] =	vst.idx.msk $0xffff, v1  }
0x273: {  	v1 =	vld.idx.msk [tilespmem:v2+s16+$0x0], $0xffff  }
0x274: {  	v3 =	vadd.s32 s1, v4;
	_ =	sdelay $0x3  }
0x275: {  	[tilespmem:v56+s26+$0x0] =	vst.idx.msk $0xffff, v1  }
0x276: {  	v1 =	vld.idx.msk [tilespmem:v3+s16+$0x0], $0xffff;
	_ =	sdelay $0x4  }
0x277: {  	[tilespmem:v57+s26+$0x0] =	vst.idx.msk $0xffff, v1  }
0x278: {  	v1 =	vld.idx.msk [tilespmem:v2+s17+$0x0], $0xffff;
	_ =	sdelay $0x4  }
0x279: {  	[tilespmem:v58+s26+$0x0] =	vst.idx.msk $0xffff, v1  }
0x27a: {  	v1 =	vld.idx.msk [tilespmem:v3+s17+$0x0], $0xffff;
	_ =	sdelay $0x4  }
0x27b: {  	[tilespmem:v59+s26+$0x0] =	vst.idx.msk $0xffff, v1  }
0x27c: {  	v1 =	vld.idx.msk [tilespmem:v2+s18+$0x0], $0xffff;
	_ =	sdelay $0x4  }
0x27d: {  	[tilespmem:v60+s26+$0x0] =	vst.idx.msk $0xffff, v1  }
0x27e: {  	v1 =	vld.idx.msk [tilespmem:v3+s18+$0x0], $0xffff  }
0x27f: {  	v2 =	vadd.s32 s1, v61;
	_ =	sdelay $0x3  }
0x280: {  	[tilespmem:v7+s26+$0x0] =	vst.idx.msk $0xffff, v1  }
0x281: {  	v1 =	vld.idx.msk [tilespmem:v2+s16+$0x0], $0xffff  }
0x282: {  	v3 =	vadd.s32 s1, v0;
	_ =	sdelay $0x3  }
0x283: {  	[tilespmem:v6+s26+$0x0] =	vst.idx.msk $0xffff, v1  }
0x284: {  	v1 =	vld.idx.msk [tilespmem:v3+s16+$0x0], $0xffff;
	_ =	sdelay $0x4  }
0x285: {  	[tilespmem:v49+s26+$0x0] =	vst.idx.msk $0xffff, v1  }
0x286: {  	v1 =	vld.idx.msk [tilespmem:v2+s17+$0x0], $0xffff;
	_ =	sdelay $0x4  }
0x287: {  	[tilespmem:v50+s26+$0x0] =	vst.idx.msk $0xffff, v1  }
0x288: {  	v1 =	vld.idx.msk [tilespmem:v3+s17+$0x0], $0xffff;
	_ =	sdelay $0x4  }
0x289: {  	[tilespmem:v5+s26+$0x0] =	vst.idx.msk $0xffff, v1  }
0x28a: {  	v1 =	vld.idx.msk [tilespmem:v2+s18+$0x0], $0xffff;
	_ =	sdelay $0x4  }
0x28b: {  	[tilespmem:v63+s26+$0x0] =	vst.idx.msk $0xffff, v1  }
0x28c: {  	v1 =	vld.idx.msk [tilespmem:v3+s18+$0x0], $0xffff;
	_ =	sdelay $0x1  }
0x28d: {  	v38 =	vmov v0;
	v0 =	vld [tilespmem:$0x1FFF0];
	_ =	sdelay $0x2  }
0x28e: {  	s1 =	sadd.s32 $0x1C00, s12;
	s12 =	sadd.s32 $0x1800, s13;
	[tilespmem:v8+s26+$0x0] =	vst.idx.msk $0xffff, v1  }
0x28f: {  	[hbm4b:s12+s2] =	stream.linear.scatter [tilespmem:s26], [sflag:$0x2], $0x4000, $0x38;
	[tilespmem:$0x1AB80] =	vst v63  }
0x290: {  	v1 =	vadd.s32 s1, v0;
	_ =	swait.ge [sflag:s30], $0x4000  }
0x291: {  	v0 =	vld [tilespmem:$0x1FC30];
	_ =	sdelay $0x1  }
0x292: {  	[sflag:s30] =	ssyncset.done $0x0  }
0x293: {  	[sflag:s30] =	ssyncadd.s32 $0xFFFFC000  }
0x294: {  	v2 =	vld.idx.msk [tilespmem:v1+s16+$0x0], $0xffff  }
0x295: {  	v3 =	vadd.s32 s1, v0;
	_ =	sdelay $0x3  }
0x296: {  	[tilespmem:v62+s29+$0x0] =	vst.idx.msk $0xffff, v2  }
0x297: {  	v2 =	vld.idx.msk [tilespmem:v3+s16+$0x0], $0xffff;
	_ =	sdelay $0x2  }
0x298: {  	v0 =	vld [tilespmem:$0x1FC50];
	_ =	sdelay $0x1  }
0x299: {  	[tilespmem:v14+s29+$0x0] =	vst.idx.msk $0xffff, v2  }
0x29a: {  	v2 =	vld.idx.msk [tilespmem:v1+s17+$0x0], $0xffff;
	_ =	sdelay $0x4  }
0x29b: {  	[tilespmem:v0+s29+$0x0] =	vst.idx.msk $0xffff, v2  }
0x29c: {  	v2 =	vld.idx.msk [tilespmem:v3+s17+$0x0], $0xffff;
	_ =	sdelay $0x4  }
0x29d: {  	[tilespmem:v20+s29+$0x0] =	vst.idx.msk $0xffff, v2  }
0x29e: {  	v1 =	vld.idx.msk [tilespmem:v1+s18+$0x0], $0xffff;
	_ =	sdelay $0x4  }
0x29f: {  	[tilespmem:v18+s29+$0x0] =	vst.idx.msk $0xffff, v1  }
0x2a0: {  	v1 =	vld.idx.msk [tilespmem:v3+s18+$0x0], $0xffff  }
0x2a1: {  	v2 =	vadd.s32 s1, v22;
	_ =	sdelay $0x3  }
0x2a2: {  	[tilespmem:v13+s29+$0x0] =	vst.idx.msk $0xffff, v1  }
0x2a3: {  	v1 =	vld.idx.msk [tilespmem:v2+s16+$0x0], $0xffff  }
0x2a4: {  	v3 =	vadd.s32 s1, v24;
	_ =	sdelay $0x3  }
0x2a5: {  	[tilespmem:v27+s29+$0x0] =	vst.idx.msk $0xffff, v1  }
0x2a6: {  	v1 =	vld.idx.msk [tilespmem:v3+s16+$0x0], $0xffff;
	_ =	sdelay $0x2  }
0x2a7: {  	v0 =	vld [tilespmem:$0x1FCD0];
	_ =	sdelay $0x1  }
0x2a8: {  	[tilespmem:v11+s29+$0x0] =	vst.idx.msk $0xffff, v1  }
0x2a9: {  	v1 =	vld.idx.msk [tilespmem:v2+s17+$0x0], $0xffff;
	_ =	sdelay $0x4  }
0x2aa: {  	[tilespmem:v0+s29+$0x0] =	vst.idx.msk $0xffff, v1;
	v0 =	vld [tilespmem:$0x1FCE0];
	_ =	sdelay $0x2  }
0x2ab: {  	v1 =	vld.idx.msk [tilespmem:v3+s17+$0x0], $0xffff;
	_ =	sdelay $0x4  }
0x2ac: {  	[tilespmem:v0+s29+$0x0] =	vst.idx.msk $0xffff, v1  }
0x2ad: {  	v26 =	vmov v35;
	v1 =	vld.idx.msk [tilespmem:v2+s18+$0x0], $0xffff;
	_ =	sdelay $0x4  }
0x2ae: {  	[tilespmem:v26+s29+$0x0] =	vst.idx.msk $0xffff, v1  }
0x2af: {  	v1 =	vld.idx.msk [tilespmem:v3+s18+$0x0], $0xffff  }
0x2b0: {  	v2 =	vadd.s32 s1, v28;
	_ =	sdelay $0x3  }
0x2b1: {  	[tilespmem:v42+s29+$0x0] =	vst.idx.msk $0xffff, v1  }
0x2b2: {  	v35 =	vmov v37;
	v1 =	vld.idx.msk [tilespmem:v2+s16+$0x0], $0xffff  }
0x2b3: {  	v3 =	vadd.s32 s1, v35;
	_ =	sdelay $0x3  }
0x2b4: {  	[tilespmem:v15+s29+$0x0] =	vst.idx.msk $0xffff, v1  }
0x2b5: {  	v1 =	vld.idx.msk [tilespmem:v3+s16+$0x0], $0xffff;
	_ =	sdelay $0x4  }
0x2b6: {  	[tilespmem:v21+s29+$0x0] =	vst.idx.msk $0xffff, v1  }
0x2b7: {  	v1 =	vld.idx.msk [tilespmem:v2+s17+$0x0], $0xffff;
	_ =	sdelay $0x4  }
0x2b8: {  	[tilespmem:v30+s29+$0x0] =	vst.idx.msk $0xffff, v1  }
0x2b9: {  	v1 =	vld.idx.msk [tilespmem:v3+s17+$0x0], $0xffff;
	_ =	sdelay $0x4  }
0x2ba: {  	[tilespmem:v23+s29+$0x0] =	vst.idx.msk $0xffff, v1  }
0x2bb: {  	v37 =	vmov v25;
	v1 =	vld.idx.msk [tilespmem:v2+s18+$0x0], $0xffff;
	_ =	sdelay $0x1  }
0x2bc: {  	v0 =	vld [tilespmem:$0x1FD90];
	_ =	sdelay $0x2  }
0x2bd: {  	[tilespmem:v37+s29+$0x0] =	vst.idx.msk $0xffff, v1  }
0x2be: {  	v1 =	vld.idx.msk [tilespmem:v3+s18+$0x0], $0xffff  }
0x2bf: {  	v2 =	vadd.s32 s1, v0;
	_ =	sdelay $0x3  }
0x2c0: {  	[tilespmem:v17+s29+$0x0] =	vst.idx.msk $0xffff, v1  }
0x2c1: {  	v25 =	vmov v32;
	v1 =	vld.idx.msk [tilespmem:v2+s16+$0x0], $0xffff  }
0x2c2: {  	v3 =	vadd.s32 s1, v43;
	_ =	sdelay $0x3  }
0x2c3: {  	[tilespmem:v25+s29+$0x0] =	vst.idx.msk $0xffff, v1  }
0x2c4: {  	v1 =	vld.idx.msk [tilespmem:v3+s16+$0x0], $0xffff;
	_ =	sdelay $0x4  }
0x2c5: {  	[tilespmem:v31+s29+$0x0] =	vst.idx.msk $0xffff, v1  }
0x2c6: {  	v1 =	vld.idx.msk [tilespmem:v2+s17+$0x0], $0xffff;
	_ =	sdelay $0x4  }
0x2c7: {  	[tilespmem:v36+s29+$0x0] =	vst.idx.msk $0xffff, v1  }
0x2c8: {  	v1 =	vld.idx.msk [tilespmem:v3+s17+$0x0], $0xffff;
	_ =	sdelay $0x4  }
0x2c9: {  	[tilespmem:v33+s29+$0x0] =	vst.idx.msk $0xffff, v1  }
0x2ca: {  	v1 =	vld.idx.msk [tilespmem:v2+s18+$0x0], $0xffff;
	_ =	sdelay $0x4  }
0x2cb: {  	[tilespmem:v12+s29+$0x0] =	vst.idx.msk $0xffff, v1  }
0x2cc: {  	v1 =	vld.idx.msk [tilespmem:v3+s18+$0x0], $0xffff  }
0x2cd: {  	v2 =	vadd.s32 s1, v44;
	_ =	sdelay $0x3  }
0x2ce: {  	[tilespmem:v29+s29+$0x0] =	vst.idx.msk $0xffff, v1  }
0x2cf: {  	v1 =	vld.idx.msk [tilespmem:v2+s16+$0x0], $0xffff  }
0x2d0: {  	v3 =	vadd.s32 s1, v45;
	_ =	sdelay $0x3  }
0x2d1: {  	[tilespmem:v16+s29+$0x0] =	vst.idx.msk $0xffff, v1  }
0x2d2: {  	v1 =	vld.idx.msk [tilespmem:v3+s16+$0x0], $0xffff;
	_ =	sdelay $0x4  }
0x2d3: {  	[tilespmem:v39+s29+$0x0] =	vst.idx.msk $0xffff, v1  }
0x2d4: {  	v32 =	vmov v46;
	v1 =	vld.idx.msk [tilespmem:v2+s17+$0x0], $0xffff;
	_ =	sdelay $0x4  }
0x2d5: {  	[tilespmem:v32+s29+$0x0] =	vst.idx.msk $0xffff, v1  }
0x2d6: {  	v1 =	vld.idx.msk [tilespmem:v3+s17+$0x0], $0xffff;
	_ =	sdelay $0x4  }
0x2d7: {  	[tilespmem:v41+s29+$0x0] =	vst.idx.msk $0xffff, v1  }
0x2d8: {  	v1 =	vld.idx.msk [tilespmem:v2+s18+$0x0], $0xffff;
	_ =	sdelay $0x4  }
0x2d9: {  	[tilespmem:v47+s29+$0x0] =	vst.idx.msk $0xffff, v1  }
0x2da: {  	v46 =	vmov v19;
	v1 =	vld.idx.msk [tilespmem:v3+s18+$0x0], $0xffff  }
0x2db: {  	v2 =	vadd.s32 s1, v46;
	_ =	sdelay $0x3  }
0x2dc: {  	[tilespmem:v34+s29+$0x0] =	vst.idx.msk $0xffff, v1  }
0x2dd: {  	v1 =	vld.idx.msk [tilespmem:v2+s16+$0x0], $0xffff  }
0x2de: {  	v3 =	vadd.s32 s1, v9;
	_ =	sdelay $0x3  }
0x2df: {  	[tilespmem:v40+s29+$0x0] =	vst.idx.msk $0xffff, v1  }
0x2e0: {  	v1 =	vld.idx.msk [tilespmem:v3+s16+$0x0], $0xffff;
	_ =	sdelay $0x4  }
0x2e1: {  	[tilespmem:v48+s29+$0x0] =	vst.idx.msk $0xffff, v1  }
0x2e2: {  	v1 =	vld.idx.msk [tilespmem:v2+s17+$0x0], $0xffff;
	_ =	sdelay $0x4  }
0x2e3: {  	[tilespmem:v51+s29+$0x0] =	vst.idx.msk $0xffff, v1  }
0x2e4: {  	v1 =	vld.idx.msk [tilespmem:v3+s17+$0x0], $0xffff;
	_ =	sdelay $0x4  }
0x2e5: {  	[tilespmem:v52+s29+$0x0] =	vst.idx.msk $0xffff, v1  }
0x2e6: {  	v1 =	vld.idx.msk [tilespmem:v2+s18+$0x0], $0xffff;
	_ =	sdelay $0x4  }
0x2e7: {  	[tilespmem:v54+s29+$0x0] =	vst.idx.msk $0xffff, v1  }
0x2e8: {  	v1 =	vld.idx.msk [tilespmem:v3+s18+$0x0], $0xffff  }
0x2e9: {  	v2 =	vadd.s32 s1, v53;
	_ =	sdelay $0x3  }
0x2ea: {  	[tilespmem:v55+s29+$0x0] =	vst.idx.msk $0xffff, v1  }
0x2eb: {  	v1 =	vld.idx.msk [tilespmem:v2+s16+$0x0], $0xffff  }
0x2ec: {  	v3 =	vadd.s32 s1, v4;
	_ =	sdelay $0x3  }
0x2ed: {  	[tilespmem:v56+s29+$0x0] =	vst.idx.msk $0xffff, v1  }
0x2ee: {  	v1 =	vld.idx.msk [tilespmem:v3+s16+$0x0], $0xffff;
	_ =	sdelay $0x4  }
0x2ef: {  	[tilespmem:v57+s29+$0x0] =	vst.idx.msk $0xffff, v1  }
0x2f0: {  	v1 =	vld.idx.msk [tilespmem:v2+s17+$0x0], $0xffff;
	_ =	sdelay $0x4  }
0x2f1: {  	[tilespmem:v58+s29+$0x0] =	vst.idx.msk $0xffff, v1  }
0x2f2: {  	v1 =	vld.idx.msk [tilespmem:v3+s17+$0x0], $0xffff;
	_ =	sdelay $0x4  }
0x2f3: {  	[tilespmem:v59+s29+$0x0] =	vst.idx.msk $0xffff, v1  }
0x2f4: {  	v19 =	vmov v60;
	v1 =	vld.idx.msk [tilespmem:v2+s18+$0x0], $0xffff;
	_ =	sdelay $0x4  }
0x2f5: {  	[tilespmem:v19+s29+$0x0] =	vst.idx.msk $0xffff, v1  }
0x2f6: {  	v10 =	vmov v61;
	v1 =	vld.idx.msk [tilespmem:v3+s18+$0x0], $0xffff  }
0x2f7: {  	v2 =	vadd.s32 s1, v10;
	_ =	sdelay $0x3  }
0x2f8: {  	[tilespmem:v7+s29+$0x0] =	vst.idx.msk $0xffff, v1  }
0x2f9: {  	v1 =	vld.idx.msk [tilespmem:v2+s16+$0x0], $0xffff  }
0x2fa: {  	v3 =	vadd.s32 s1, v38;
	_ =	sdelay $0x3  }
0x2fb: {  	[tilespmem:v6+s29+$0x0] =	vst.idx.msk $0xffff, v1  }
0x2fc: {  	v1 =	vld.idx.msk [tilespmem:v3+s16+$0x0], $0xffff;
	_ =	sdelay $0x4  }
0x2fd: {  	[tilespmem:v49+s29+$0x0] =	vst.idx.msk $0xffff, v1  }
0x2fe: {  	v1 =	vld.idx.msk [tilespmem:v2+s17+$0x0], $0xffff;
	_ =	sdelay $0x4  }
0x2ff: {  	[tilespmem:v50+s29+$0x0] =	vst.idx.msk $0xffff, v1  }
0x300: {  	v1 =	vld.idx.msk [tilespmem:v3+s17+$0x0], $0xffff;
	_ =	sdelay $0x4  }
0x301: {  	[tilespmem:v5+s29+$0x0] =	vst.idx.msk $0xffff, v1  }
0x302: {  	v1 =	vld.idx.msk [tilespmem:v2+s18+$0x0], $0xffff;
	_ =	sdelay $0x4  }
0x303: {  	[tilespmem:v63+s29+$0x0] =	vst.idx.msk $0xffff, v1  }
0x304: {  	v1 =	vld.idx.msk [tilespmem:v3+s18+$0x0], $0xffff;
	_ =	sdelay $0x4  }
0x305: {  	s13 =	sadd.s32 $0x2000, s13;
	[tilespmem:v8+s29+$0x0] =	vst.idx.msk $0xffff, v1  }
0x306: {  	[hbm4b:s13+s2] =	stream.linear.scatter [tilespmem:s29], [sflag:$0x2], $0x4000, $0x38;
	[tilespmem:$0x1AB80] =	vst v63  }
0x307: {  	v3 =	vld [tilespmem:$0x1FC10];
	_ =	swait.ge [sflag:s31], $0x4000  }
0x308: {  	[sflag:s31] =	ssyncset.done $0x0  }
0x309: {  	[sflag:s31] =	ssyncadd.s32 $0xFFFFC000  }
0x30a: {  	_ =	swait.ge [sflag:s31], $0x4000  }
0x30b: {  	[sflag:s31] =	ssyncset.done $0x0  }
0x30c: {  	[sflag:s31] =	ssyncadd.s32 $0xFFFFC000  }
0x30d: {  	_ =	swait.ge [sflag:s31], $0x4000  }
0x30e: {  	[sflag:s31] =	ssyncset.done $0x0  }
0x30f: {  	[sflag:s31] =	ssyncadd.s32 $0xFFFFC000  }
0x310: {  	p0 =	seq.s32 s6, $0x55000;
	_ =	swait.ge [sflag:s31], $0x4000  }
.Ltmp0:
0x311: {  	[sflag:s31] =	ssyncset.done $0x0;
	(pc) =	sbr.rel @!p0 .LBB2_2-.Ltmp0, $4  }
0x312: {  	s8 =	sadd.s32 $0x5, s8;
	[sflag:s31] =	ssyncadd.s32 $0xFFFFC000  }
0x313: {  	s11 =	sadd.s32 $0x50, s11;
	s7 =	sadd.s32 $0x460, s7;
	_ =	swait.ge [sflag:s31], $0x4000  }
0x314: {  	s9 =	sadd.s32 $0x460, s9;
	s10 =	sadd.s32 $0x460, s10;
	[sflag:s31] =	ssyncset.done $0x0  }
0x315: {  	s6 =	sadd.s32 $0x2800, s6;
	s3 =	simm.s32 $0x3;
	[sflag:s31] =	ssyncadd.s32 $0xFFFFC000  }
0x316: {  	s1 =	sadd.s32 $0x0, s15  }
0x317: {  	[tilespmem:s2], [sflag:$0x4] =	stream.linear.gather [hbm4b:s1+s2], $0x280, $0x38;
	[tilespmem:$0x1AB80] =	vst v63  }
0x318: {  	_ =	swait.ge [sflag:s0], $0x280  }
0x319: {  	[sflag:s0] =	ssyncset.done $0x0  }
0x31a: {  	[sflag:s0] =	ssyncadd.s32 $0xFFFFFD80  }
0x31b: {  	[tilespmem:s21], [sflag:$0x1] =	stream.indirect.gather [hbm4b:s4+s20], $0x80, s2, s20, $0xb8;
	[tilespmem:$0x1AB80] =	vst v63  }
0x31c: {  	_ = 	snop  }
0x31d: {  	[tilespmem:s22], [sflag:$0x1] =	stream.indirect.gather [hbm4b:s4+s20], $0x80, s20, s20, $0xb8;
	[tilespmem:$0x1AB80] =	vst v63  }
0x31e: {  	_ = 	snop  }
0x31f: {  	[tilespmem:s24], [sflag:$0x1] =	stream.indirect.gather [hbm4b:s4+s20], $0x80, s23, s20, $0xb8;
	[tilespmem:$0x1AB80] =	vst v63  }
0x320: {  	_ = 	snop  }
0x321: {  	[tilespmem:s26], [sflag:$0x1] =	stream.indirect.gather [hbm4b:s4+s20], $0x80, s25, s20, $0xb8;
	[tilespmem:$0x1AB80] =	vst v63  }
0x322: {  	_ = 	snop  }
0x323: {  	[tilespmem:s29], [sflag:$0x1] =	stream.indirect.gather [hbm4b:s4+s20], $0x80, s28, s20, $0xb8;
	[tilespmem:$0x1AB80] =	vst v63  }
0x324: {  	_ =	swait.ge [sflag:s30], $0x4000  }
0x325: {  	[sflag:s30] =	ssyncset.done $0x0  }
0x326: {  	[sflag:s30] =	ssyncadd.s32 $0xFFFFC000  }
0x327: {  	_ =	swait.ge [sflag:s30], $0x4000  }
0x328: {  	[sflag:s30] =	ssyncset.done $0x0  }
0x329: {  	[sflag:s30] =	ssyncadd.s32 $0xFFFFC000  }
0x32a: {  	_ =	swait.ge [sflag:s30], $0x4000  }
0x32b: {  	[sflag:s30] =	ssyncset.done $0x0  }
0x32c: {  	[sflag:s30] =	ssyncadd.s32 $0xFFFFC000  }
0x32d: {  	_ =	swait.ge [sflag:s30], $0x4000  }
0x32e: {  	[sflag:s30] =	ssyncset.done $0x0  }
0x32f: {  	[sflag:s30] =	ssyncadd.s32 $0xFFFFC000  }
0x330: {  	_ =	swait.ge [sflag:s30], $0x4000  }
0x331: {  	[sflag:s30] =	ssyncset.done $0x0  }
0x332: {  	s3 =	rddreg [dreg:$0xd];
	[sflag:s30] =	ssyncadd.s32 $0xFFFFC000  }
0x333: {  	[hbm4b:s3+s2] =	stream.linear.scatter [tilespmem:s21], [sflag:$0x4], $0x14000, $0x38;
	[tilespmem:$0x1AB80] =	vst v63  }
0x334: {  	_ =	swait.ge [sflag:s0], $0x14000  }
0x335: {  	[sflag:s0] =	ssyncset.done $0x0  }
0x336: {  	s13 =	sadd.s32 $0x0, s14;
	[sflag:s0] =	ssyncadd.s32 $0xFFFEC000  }
0x337: {  	[tilespmem:s2], [sflag:$0x4] =	stream.linear.gather [hbm4b:s13+s2], $0x280, $0x38;
	[tilespmem:$0x1AB80] =	vst v63  }
0x338: {  	_ =	swait.ge [sflag:s0], $0x280  }
0x339: {  	[sflag:s0] =	ssyncset.done $0x0  }
0x33a: {  	[sflag:s0] =	ssyncadd.s32 $0xFFFFFD80  }
0x33b: {  	[tilespmem:s21], [sflag:$0x1] =	stream.indirect.gather [hbm4b:s5+s20], $0x80, s2, s20, $0xb8;
	[tilespmem:$0x1AB80] =	vst v63  }
0x33c: {  	_ = 	snop  }
0x33d: {  	[tilespmem:s22], [sflag:$0x1] =	stream.indirect.gather [hbm4b:s5+s20], $0x80, s20, s20, $0xb8;
	[tilespmem:$0x1AB80] =	vst v63  }
0x33e: {  	_ = 	snop  }
0x33f: {  	[tilespmem:s24], [sflag:$0x1] =	stream.indirect.gather [hbm4b:s5+s20], $0x80, s23, s20, $0xb8;
	[tilespmem:$0x1AB80] =	vst v63  }
0x340: {  	_ = 	snop  }
0x341: {  	[tilespmem:s26], [sflag:$0x1] =	stream.indirect.gather [hbm4b:s5+s20], $0x80, s25, s20, $0xb8;
	[tilespmem:$0x1AB80] =	vst v63  }
0x342: {  	_ = 	snop  }
0x343: {  	[tilespmem:s29], [sflag:$0x1] =	stream.indirect.gather [hbm4b:s5+s20], $0x80, s28, s20, $0xb8;
	[tilespmem:$0x1AB80] =	vst v63  }
0x344: {  	_ =	swait.ge [sflag:s30], $0x4000  }
0x345: {  	[sflag:s30] =	ssyncset.done $0x0  }
0x346: {  	[sflag:s30] =	ssyncadd.s32 $0xFFFFC000  }
0x347: {  	_ =	swait.ge [sflag:s30], $0x4000  }
0x348: {  	[sflag:s30] =	ssyncset.done $0x0  }
0x349: {  	[sflag:s30] =	ssyncadd.s32 $0xFFFFC000  }
0x34a: {  	_ =	swait.ge [sflag:s30], $0x4000  }
0x34b: {  	[sflag:s30] =	ssyncset.done $0x0  }
0x34c: {  	[sflag:s30] =	ssyncadd.s32 $0xFFFFC000  }
0x34d: {  	_ =	swait.ge [sflag:s30], $0x4000  }
0x34e: {  	[sflag:s30] =	ssyncset.done $0x0  }
0x34f: {  	[sflag:s30] =	ssyncadd.s32 $0xFFFFC000  }
0x350: {  	_ =	swait.ge [sflag:s30], $0x4000  }
0x351: {  	[sflag:s30] =	ssyncset.done $0x0  }
0x352: {  	s19 =	rddreg [dreg:$0xc];
	[sflag:s30] =	ssyncadd.s32 $0xFFFFC000  }
0x353: {  	[hbm4b:s19+s2] =	stream.linear.scatter [tilespmem:s21], [sflag:$0x4], $0x14000, $0x38;
	[tilespmem:$0x1AB80] =	vst v63  }
0x354: {  	s7 =	simm.s32 $0x50;
	s10 =	simm.s32 $0xA0;
	_ =	swait.ge [sflag:s0], $0x14000  }
0x355: {  	s8 =	sadd.s32 $0x2800, s3;
	s6 =	sadd.s32 $0x2800, s19;
	[sflag:s0] =	ssyncset.done $0x0  }
.LBB2_4:
0x356: {  	s3 =	sadd.s32 s7, s15  }
0x357: {  	[sflag:s0] =	ssyncadd.s32 $0xFFFEC000;
	s1 =	smov.u32 s10;
	s9 =	sadd.s32 $0x50, s10  }
0x358: {  	[tilespmem:s2], [sflag:$0x4] =	stream.linear.gather [hbm4b:s3+s2], $0x280, $0x38;
	[tilespmem:$0x1AB80] =	vst v63  }
0x359: {  	p0 =	sne.s32 s10, $0x140;
	_ =	swait.ge [sflag:s0], $0x280  }
0x35a: {  	[sflag:s0] =	ssyncset.done $0x0  }
0x35b: {  	[sflag:s0] =	ssyncadd.s32 $0xFFFFFD80  }
0x35c: {  	[tilespmem:s21], [sflag:$0x1] =	stream.indirect.gather [hbm4b:s4+s20], $0x80, s2, s20, $0xb8;
	[tilespmem:$0x1AB80] =	vst v63  }
0x35d: {  	_ = 	snop  }
0x35e: {  	[tilespmem:s22], [sflag:$0x1] =	stream.indirect.gather [hbm4b:s4+s20], $0x80, s20, s20, $0xb8;
	[tilespmem:$0x1AB80] =	vst v63  }
0x35f: {  	_ = 	snop  }
0x360: {  	[tilespmem:s24], [sflag:$0x1] =	stream.indirect.gather [hbm4b:s4+s20], $0x80, s23, s20, $0xb8;
	[tilespmem:$0x1AB80] =	vst v63  }
0x361: {  	_ = 	snop  }
0x362: {  	[tilespmem:s26], [sflag:$0x1] =	stream.indirect.gather [hbm4b:s4+s20], $0x80, s25, s20, $0xb8;
	[tilespmem:$0x1AB80] =	vst v63  }
0x363: {  	_ = 	snop  }
0x364: {  	[tilespmem:s29], [sflag:$0x1] =	stream.indirect.gather [hbm4b:s4+s20], $0x80, s28, s20, $0xb8;
	[tilespmem:$0x1AB80] =	vst v63  }
0x365: {  	_ =	swait.ge [sflag:s30], $0x4000  }
0x366: {  	[sflag:s30] =	ssyncset.done $0x0  }
0x367: {  	[sflag:s30] =	ssyncadd.s32 $0xFFFFC000  }
0x368: {  	_ =	swait.ge [sflag:s30], $0x4000  }
0x369: {  	[sflag:s30] =	ssyncset.done $0x0  }
0x36a: {  	[sflag:s30] =	ssyncadd.s32 $0xFFFFC000  }
0x36b: {  	_ =	swait.ge [sflag:s30], $0x4000  }
0x36c: {  	[sflag:s30] =	ssyncset.done $0x0  }
0x36d: {  	[sflag:s30] =	ssyncadd.s32 $0xFFFFC000  }
0x36e: {  	_ =	swait.ge [sflag:s30], $0x4000  }
0x36f: {  	[sflag:s30] =	ssyncset.done $0x0  }
0x370: {  	[sflag:s30] =	ssyncadd.s32 $0xFFFFC000  }
0x371: {  	_ =	swait.ge [sflag:s30], $0x4000  }
0x372: {  	[sflag:s30] =	ssyncset.done $0x0  }
0x373: {  	[sflag:s30] =	ssyncadd.s32 $0xFFFFC000  }
0x374: {  	[hbm4b:s8+s2] =	stream.linear.scatter [tilespmem:s21], [sflag:$0x4], $0x14000, $0x38;
	[tilespmem:$0x1AB80] =	vst v63  }
0x375: {  	_ =	swait.ge [sflag:s0], $0x14000  }
0x376: {  	[sflag:s0] =	ssyncset.done $0x0  }
0x377: {  	s3 =	sadd.s32 s7, s14;
	s7 =	smov.u32 s1;
	[sflag:s0] =	ssyncadd.s32 $0xFFFEC000  }
0x378: {  	[tilespmem:s2], [sflag:$0x4] =	stream.linear.gather [hbm4b:s3+s2], $0x280, $0x38;
	[tilespmem:$0x1AB80] =	vst v63  }
0x379: {  	_ =	swait.ge [sflag:s0], $0x280  }
0x37a: {  	[sflag:s0] =	ssyncset.done $0x0  }
0x37b: {  	[sflag:s0] =	ssyncadd.s32 $0xFFFFFD80  }
0x37c: {  	[tilespmem:s21], [sflag:$0x1] =	stream.indirect.gather [hbm4b:s5+s20], $0x80, s2, s20, $0xb8;
	[tilespmem:$0x1AB80] =	vst v63  }
0x37d: {  	_ = 	snop  }
0x37e: {  	[tilespmem:s22], [sflag:$0x1] =	stream.indirect.gather [hbm4b:s5+s20], $0x80, s20, s20, $0xb8;
	[tilespmem:$0x1AB80] =	vst v63  }
0x37f: {  	_ = 	snop  }
0x380: {  	[tilespmem:s24], [sflag:$0x1] =	stream.indirect.gather [hbm4b:s5+s20], $0x80, s23, s20, $0xb8;
	[tilespmem:$0x1AB80] =	vst v63  }
0x381: {  	_ = 	snop  }
0x382: {  	[tilespmem:s26], [sflag:$0x1] =	stream.indirect.gather [hbm4b:s5+s20], $0x80, s25, s20, $0xb8;
	[tilespmem:$0x1AB80] =	vst v63  }
0x383: {  	_ = 	snop  }
0x384: {  	[tilespmem:s29], [sflag:$0x1] =	stream.indirect.gather [hbm4b:s5+s20], $0x80, s28, s20, $0xb8;
	[tilespmem:$0x1AB80] =	vst v63  }
0x385: {  	_ =	swait.ge [sflag:s30], $0x4000  }
0x386: {  	[sflag:s30] =	ssyncset.done $0x0  }
0x387: {  	[sflag:s30] =	ssyncadd.s32 $0xFFFFC000  }
0x388: {  	_ =	swait.ge [sflag:s30], $0x4000  }
0x389: {  	[sflag:s30] =	ssyncset.done $0x0  }
0x38a: {  	[sflag:s30] =	ssyncadd.s32 $0xFFFFC000  }
0x38b: {  	_ =	swait.ge [sflag:s30], $0x4000  }
0x38c: {  	[sflag:s30] =	ssyncset.done $0x0  }
0x38d: {  	[sflag:s30] =	ssyncadd.s32 $0xFFFFC000  }
0x38e: {  	_ =	swait.ge [sflag:s30], $0x4000  }
0x38f: {  	[sflag:s30] =	ssyncset.done $0x0  }
0x390: {  	[sflag:s30] =	ssyncadd.s32 $0xFFFFC000  }
0x391: {  	_ =	swait.ge [sflag:s30], $0x4000  }
.Ltmp1:
0x392: {  	[sflag:s30] =	ssyncset.done $0x0;
	(pc) =	sbr.rel @p0 .LBB2_4-.Ltmp1, $4  }
0x393: {  	[sflag:s30] =	ssyncadd.s32 $0xFFFFC000  }
0x394: {  	[hbm4b:s6+s2] =	stream.linear.scatter [tilespmem:s21], [sflag:$0x4], $0x14000, $0x38;
	[tilespmem:$0x1AB80] =	vst v63  }
0x395: {  	s10 =	smov.u32 s9;
	_ =	swait.ge [sflag:s0], $0x14000  }
0x396: {  	s8 =	sadd.s32 $0x2800, s8;
	s6 =	sadd.s32 $0x2800, s6;
	[sflag:s0] =	ssyncset.done $0x0  }
0x397: {  	s1 =	sadd.s32 s7, s15;
	[sflag:s0] =	ssyncadd.s32 $0xFFFEC000  }
0x398: {  	[tilespmem:s2], [sflag:$0x4] =	stream.linear.gather [hbm4b:s1+s2], $0x280, $0x38;
	[tilespmem:$0x1AB80] =	vst v63  }
0x399: {  	_ =	swait.ge [sflag:s0], $0x280  }
0x39a: {  	[sflag:s0] =	ssyncset.done $0x0  }
0x39b: {  	[sflag:s0] =	ssyncadd.s32 $0xFFFFFD80  }
0x39c: {  	[tilespmem:s21], [sflag:$0x1] =	stream.indirect.gather [hbm4b:s4+s20], $0x80, s2, s20, $0xb8;
	[tilespmem:$0x1AB80] =	vst v63  }
0x39d: {  	_ = 	snop  }
0x39e: {  	[tilespmem:s22], [sflag:$0x1] =	stream.indirect.gather [hbm4b:s4+s20], $0x80, s20, s20, $0xb8;
	[tilespmem:$0x1AB80] =	vst v63  }
0x39f: {  	_ = 	snop  }
0x3a0: {  	[tilespmem:s24], [sflag:$0x1] =	stream.indirect.gather [hbm4b:s4+s20], $0x80, s23, s20, $0xb8;
	[tilespmem:$0x1AB80] =	vst v63  }
0x3a1: {  	_ = 	snop  }
0x3a2: {  	[tilespmem:s26], [sflag:$0x1] =	stream.indirect.gather [hbm4b:s4+s20], $0x80, s25, s20, $0xb8;
	[tilespmem:$0x1AB80] =	vst v63  }
0x3a3: {  	_ = 	snop  }
0x3a4: {  	[tilespmem:s29], [sflag:$0x1] =	stream.indirect.gather [hbm4b:s4+s20], $0x80, s28, s20, $0xb8;
	[tilespmem:$0x1AB80] =	vst v63  }
0x3a5: {  	_ =	swait.ge [sflag:s30], $0x4000  }
0x3a6: {  	[sflag:s30] =	ssyncset.done $0x0  }
0x3a7: {  	[sflag:s30] =	ssyncadd.s32 $0xFFFFC000  }
0x3a8: {  	_ =	swait.ge [sflag:s30], $0x4000  }
0x3a9: {  	[sflag:s30] =	ssyncset.done $0x0  }
0x3aa: {  	[sflag:s30] =	ssyncadd.s32 $0xFFFFC000  }
0x3ab: {  	_ =	swait.ge [sflag:s30], $0x4000  }
0x3ac: {  	[sflag:s30] =	ssyncset.done $0x0  }
0x3ad: {  	[sflag:s30] =	ssyncadd.s32 $0xFFFFC000  }
0x3ae: {  	_ =	swait.ge [sflag:s30], $0x4000  }
0x3af: {  	[sflag:s30] =	ssyncset.done $0x0  }
0x3b0: {  	[sflag:s30] =	ssyncadd.s32 $0xFFFFC000  }
0x3b1: {  	_ =	swait.ge [sflag:s30], $0x4000  }
0x3b2: {  	[sflag:s30] =	ssyncset.done $0x0  }
0x3b3: {  	[sflag:s30] =	ssyncadd.s32 $0xFFFFC000  }
0x3b4: {  	[hbm4b:s8+s2] =	stream.linear.scatter [tilespmem:s21], [sflag:$0x4], $0x14000, $0x38;
	[tilespmem:$0x1AB80] =	vst v63  }
0x3b5: {  	_ =	swait.ge [sflag:s0], $0x14000  }
0x3b6: {  	[sflag:s0] =	ssyncset.done $0x0  }
0x3b7: {  	s12 =	sadd.s32 s7, s14;
	[sflag:s0] =	ssyncadd.s32 $0xFFFEC000  }
0x3b8: {  	[tilespmem:s2], [sflag:$0x4] =	stream.linear.gather [hbm4b:s12+s2], $0x280, $0x38;
	[tilespmem:$0x1AB80] =	vst v63  }
0x3b9: {  	_ =	swait.ge [sflag:s0], $0x280  }
0x3ba: {  	[sflag:s0] =	ssyncset.done $0x0  }
0x3bb: {  	[sflag:s0] =	ssyncadd.s32 $0xFFFFFD80  }
0x3bc: {  	[tilespmem:s21], [sflag:$0x1] =	stream.indirect.gather [hbm4b:s5+s20], $0x80, s2, s20, $0xb8;
	[tilespmem:$0x1AB80] =	vst v63  }
0x3bd: {  	_ = 	snop  }
0x3be: {  	[tilespmem:s22], [sflag:$0x1] =	stream.indirect.gather [hbm4b:s5+s20], $0x80, s20, s20, $0xb8;
	[tilespmem:$0x1AB80] =	vst v63  }
0x3bf: {  	_ = 	snop  }
0x3c0: {  	[tilespmem:s24], [sflag:$0x1] =	stream.indirect.gather [hbm4b:s5+s20], $0x80, s23, s20, $0xb8;
	[tilespmem:$0x1AB80] =	vst v63  }
0x3c1: {  	_ = 	snop  }
0x3c2: {  	[tilespmem:s26], [sflag:$0x1] =	stream.indirect.gather [hbm4b:s5+s20], $0x80, s25, s20, $0xb8;
	[tilespmem:$0x1AB80] =	vst v63  }
0x3c3: {  	_ = 	snop  }
0x3c4: {  	[tilespmem:s29], [sflag:$0x1] =	stream.indirect.gather [hbm4b:s5+s20], $0x80, s28, s20, $0xb8;
	[tilespmem:$0x1AB80] =	vst v63  }
0x3c5: {  	_ =	swait.ge [sflag:s30], $0x4000  }
0x3c6: {  	[sflag:s30] =	ssyncset.done $0x0  }
0x3c7: {  	[sflag:s30] =	ssyncadd.s32 $0xFFFFC000  }
0x3c8: {  	_ =	swait.ge [sflag:s30], $0x4000  }
0x3c9: {  	[sflag:s30] =	ssyncset.done $0x0  }
0x3ca: {  	[sflag:s30] =	ssyncadd.s32 $0xFFFFC000  }
0x3cb: {  	_ =	swait.ge [sflag:s30], $0x4000  }
0x3cc: {  	[sflag:s30] =	ssyncset.done $0x0  }
0x3cd: {  	[sflag:s30] =	ssyncadd.s32 $0xFFFFC000  }
0x3ce: {  	_ =	swait.ge [sflag:s30], $0x4000  }
0x3cf: {  	[sflag:s30] =	ssyncset.done $0x0  }
0x3d0: {  	[sflag:s30] =	ssyncadd.s32 $0xFFFFC000  }
0x3d1: {  	_ =	swait.ge [sflag:s30], $0x4000  }
0x3d2: {  	[sflag:s30] =	ssyncset.done $0x0  }
0x3d3: {  	[sflag:s30] =	ssyncadd.s32 $0xFFFFC000  }
0x3d4: {  	[hbm4b:s6+s2] =	stream.linear.scatter [tilespmem:s21], [sflag:$0x4], $0x14000, $0x38;
	[tilespmem:$0x1AB80] =	vst v63  }
0x3d5: {  	_ =	swait.ge [sflag:s0], $0x14000  }
0x3d6: {  	s13 =	rddreg [dreg:$0xe]  }
0x3d7: {  	s19 =	rddreg [dreg:$0x6];
	s6 =	sadd.s32 $0x1, s13  }
0x3d8: {  	p0 =	sne.s32 s6, s19  }
.Ltmp2:
0x3d9: {  	_ = 	snop;
	(pc) =	sbr.rel @p0 .LBB2_1-.Ltmp2, $3  }
0x3da: {  	_ =	sdelay $0x1  }
0x3db: {  	[sflag:s0] =	ssyncset.done $0x0  }
0x3dc: {  	s3 =	simm.s32 $0x3;
	[sflag:s0] =	ssyncadd.s32 $0xFFFEC000  }
0x3dd: {  	_ =	sfence.sel $0x180000  }
0x3de: {  	[bflag:$0x0] =	sbarrier.arrive $0xFFFF  }
0x3df: {  	_ =	strace $0x90000047  }
0x3e0: {  	s0 =	stileid.u32;
	[bflag:$0x2] =	sbarrier.arrive $0xFFFF  }
0x3e1: {  	p0 =	sne.s32 s0, $0x0;
	s0 =	rddreg [dreg:$0x3]  }
0x3e2: {  	s0 =	sadd.s32 @!p0 $0x100000, s0  }
0x3e3: {  	[sflag:s0] =	ssyncadd.tile.s32 @!p0 $0x1;
	_ =	shalt  }
.Lfunc_end2:
_tile_overlayer_lowered:
.L_overlay_start_2:
0x3e4: {  	(tag) =	ssettag $0x2  }
0x3e5: {  	s0 =	rddreg [dreg:$0x0];
	s2 =	stileid.u32  }
0x3e6: {  	s1 =	rddreg [dreg:$0x1];
	p0 =	sne.s32 s2, $0x0  }
0x3e7: {  	s3 =	rddreg [dreg:$0x2];
	[bflag:$0x3] =	sbarrier.arrive $0xFFFF;
	s2 =	simm.s32 @!p0 $0x1C04  }
0x3e8: {  	[timem:s3], [sflag:s2] =	dma.local @!p0 [hbm:s0], s1  }
0x3e9: {  	s0 =	simm.s32 @!p0 $0x4  }
0x3ea: {  	_ =	swait.ge @!p0 [sflag:s0], s1  }
0x3eb: {  	s1 =	ssub.s32 @!p0 $0x0, s1;
	[sflag:s0] =	ssyncset.done @!p0 $0x0  }
0x3ec: {  	[sflag:s0] =	ssyncadd.s32 @!p0 s1  }
0x3ed: {  	[bflag:$0x3] =	sbarrier.arrive $0xFFFF  }
0x3ee: {  	_ =	shalt  }

</sc_bundles>
